<compile_context>
chip_gen: v7x
topology: tpu7x:2x2x1
jax: 0.10.2.dev20260603
libtpu: 0.0.44.dev20260713+nightly
codegen_flags: <defaults>
</compile_context>

<pallas_src>
import functools

import jax
import jax.numpy as jnp
from jax import lax
from jax.experimental import pallas as pl
from jax.experimental.pallas import tpu as pltpu
from jax.experimental.pallas import tpu_sc as plsc

EPS = 1e-7
ARTANH_LIM = 1.0 - 1e-7

N, D = 10000, 128
E = 320000
NC, NS = 2, 16
NW = NC * NS
EW = E // NW
CHUNK = 80
NCHUNK = EW // CHUNK
NP = 10240
ROWS_PER_SUB = NP // NS


def _tc1_body(x_ref, w1_ref, b1_ref, out_ref):
    xb = x_ref[...]
    nrm = jnp.maximum(jnp.sqrt(jnp.sum(xb * xb, axis=1, keepdims=True)), EPS)
    z = jnp.minimum(nrm, ARTANH_LIM)
    scale = 0.5 * jnp.log((1.0 + z) / (1.0 - z)) / nrm
    t = xb * scale
    out_ref[...] = lax.dot_general(
        t, w1_ref[...], (((1,), (1,)), ((), ())),
        preferred_element_type=jnp.float32) + b1_ref[...]


def _tc2_body(acc_ref, deg_ref, w2_ref, b2_ref, out_ref):
    s = acc_ref[0, :N] + acc_ref[1, :N]
    deg = deg_ref[0, :N] + deg_ref[1, :N]
    agg = s / jnp.maximum(deg, 1.0)
    h = lax.dot_general(
        agg, w2_ref[...], (((1,), (1,)), ((), ())),
        preferred_element_type=jnp.float32) + b2_ref[...]
    nrm = jnp.maximum(jnp.sqrt(jnp.sum(h * h, axis=1, keepdims=True)), EPS)
    out_ref[...] = jnp.maximum(h * (jnp.tanh(nrm) / nrm), 0.0)


def _segment_sum_sc_body(t1, src, dst, acc_out, deg_out,
                         acc_sp, srcb, dstb, srcb2, dstb2, idxb,
                         rows, rows2, onesb, sem, sem2, sem3, sem4):
    c = lax.axis_index("c")
    s = lax.axis_index("s")
    w = s * NC + c

    zf = jnp.zeros((16,), jnp.float32)
    of = jnp.ones((16,), jnp.float32)
    lane = lax.broadcasted_iota(jnp.int32, (16,), 0)
    row0 = s * ROWS_PER_SUB

    def _fill_rows(val):
        def _body(k, _):
            rows[k // 8, pl.ds((k % 8) * 16, 16)] = val
            return 0
        lax.fori_loop(0, CHUNK * (D // 16), _body, 0)

    def _fill_idx():
        def _set(r):
            base = row0 + r * CHUNK
            for k in range(CHUNK // 16):
                idxb[0, pl.ds(k * 16, 16)] = base + k * 16 + lane
        return _set

    _set_idx = _fill_idx()

    def _zero_acc():
        _fill_rows(zf)
        for r in range(ROWS_PER_SUB // CHUNK):
            _set_idx(r)
            pltpu.sync_copy(rows, acc_sp.at[idxb.at[0]])

    def _writeback(out_hbm):
        for r in range(ROWS_PER_SUB // CHUNK):
            _set_idx(r)
            pltpu.async_copy(acc_sp.at[idxb.at[0]], rows, sem).wait()
            pltpu.sync_copy(
                rows, out_hbm.at[c, pl.ds(row0 + r * CHUNK, CHUNK)])

    _zero_acc()
    plsc.subcore_barrier()

    def _pair_body(i, _):
        b0 = w * EW + i * (2 * CHUNK)
        b1 = b0 + CHUNK
        pltpu.sync_copy(src.at[pl.ds(b0, CHUNK)], srcb.at[0])
        pltpu.sync_copy(dst.at[pl.ds(b0, CHUNK)], dstb.at[0])
        pltpu.sync_copy(src.at[pl.ds(b1, CHUNK)], srcb2.at[0])
        pltpu.sync_copy(dst.at[pl.ds(b1, CHUNK)], dstb2.at[0])
        ga = pltpu.async_copy(t1.at[srcb.at[0]], rows, sem)
        gb = pltpu.async_copy(t1.at[srcb2.at[0]], rows2, sem2)
        ga.wait()
        sa = pltpu.async_copy(rows, acc_sp.at[dstb.at[0]], sem3, add=True)
        gb.wait()
        sb = pltpu.async_copy(rows2, acc_sp.at[dstb2.at[0]], sem4, add=True)
        sa.wait()
        sb.wait()
        return 0
    lax.fori_loop(0, NCHUNK // 2, _pair_body, 0)
    tb = w * EW + (NCHUNK - 1) * CHUNK
    pltpu.sync_copy(src.at[pl.ds(tb, CHUNK)], srcb.at[0])
    pltpu.sync_copy(dst.at[pl.ds(tb, CHUNK)], dstb.at[0])
    pltpu.async_copy(t1.at[srcb.at[0]], rows, sem).wait()
    pltpu.sync_copy(rows, acc_sp.at[dstb.at[0]], add=True)
    plsc.subcore_barrier()
    _writeback(acc_out)
    plsc.subcore_barrier()

    _zero_acc()

    def _fill_ones(k, _):
        onesb[k // 8, pl.ds((k % 8) * 16, 16)] = of
        return 0
    lax.fori_loop(0, CHUNK * (D // 16), _fill_ones, 0)
    plsc.subcore_barrier()

    def _deg_pair(i, _):
        b0 = w * EW + i * (2 * CHUNK)
        b1 = b0 + CHUNK
        pltpu.sync_copy(dst.at[pl.ds(b0, CHUNK)], dstb.at[0])
        pltpu.sync_copy(dst.at[pl.ds(b1, CHUNK)], dstb2.at[0])
        sa = pltpu.async_copy(onesb, acc_sp.at[dstb.at[0]], sem3, add=True)
        sb = pltpu.async_copy(onesb, acc_sp.at[dstb2.at[0]], sem4, add=True)
        sa.wait()
        sb.wait()
        return 0
    lax.fori_loop(0, NCHUNK // 2, _deg_pair, 0)
    pltpu.sync_copy(dst.at[pl.ds(tb, CHUNK)], dstb.at[0])
    pltpu.sync_copy(onesb, acc_sp.at[dstb.at[0]], add=True)
    plsc.subcore_barrier()
    _writeback(deg_out)



@functools.cache
def _build_sc_kernel():
    return pl.kernel(
        _segment_sum_sc_body,
        mesh=plsc.VectorSubcoreMesh(core_axis_name="c", subcore_axis_name="s"),
        out_type=[
            jax.ShapeDtypeStruct((NC, NP, D), jnp.float32),
            jax.ShapeDtypeStruct((NC, NP, D), jnp.float32),
        ],
        scratch_types=[
            pltpu.VMEM_SHARED((NP, D), jnp.float32),
            pltpu.VMEM((1, CHUNK), jnp.int32),
            pltpu.VMEM((1, CHUNK), jnp.int32),
            pltpu.VMEM((1, CHUNK), jnp.int32),
            pltpu.VMEM((1, CHUNK), jnp.int32),
            pltpu.VMEM((1, CHUNK), jnp.int32),
            pltpu.VMEM((CHUNK, D), jnp.float32),
            pltpu.VMEM((CHUNK, D), jnp.float32),
            pltpu.VMEM((CHUNK, D), jnp.float32),
            pltpu.SemaphoreType.DMA,
            pltpu.SemaphoreType.DMA,
            pltpu.SemaphoreType.DMA,
            pltpu.SemaphoreType.DMA,
        ],
    )


def kernel(x, edge_index, W1, b1, W2, b2):
    src = edge_index[0]
    dst = edge_index[1]
    t1 = pl.pallas_call(
        _tc1_body,
        out_shape=jax.ShapeDtypeStruct((N, D), jnp.float32),
    )(x, W1, b1.reshape(1, -1))
    acc, deg = _build_sc_kernel()(t1, src, dst)
    out = pl.pallas_call(
        _tc2_body,
        out_shape=jax.ShapeDtypeStruct((N, D), jnp.float32),
    )(acc, deg, W2, b2.reshape(1, -1))
    return out

# --- scband reference (transcript-rebuilt; emitter-appended) ---
"""Pipeline reference for scband-base-hgnn-65438121721891 (READ-ONLY COPY).

The authoritative reference and input builder live on the scoring server;
editing this copy changes nothing except your own understanding.
"""

import jax, jax.numpy as jnp
import numpy as np

C = 1.0
EPS = 1e-7

def _artanh(z):
    z = jnp.clip(z, -1.0 + 1e-7, 1.0 - 1e-7)
    return 0.5 * jnp.log((1.0 + z) / (1.0 - z))

def expmap0(v, c=C):
    sqrt_c = jnp.sqrt(c)
    norm = jnp.clip(jnp.linalg.norm(v, axis=-1, keepdims=True), EPS, None)
    return jnp.tanh(sqrt_c * norm) * v / (sqrt_c * norm)

def logmap0(x, c=C):
    sqrt_c = jnp.sqrt(c)
    norm = jnp.clip(jnp.linalg.norm(x, axis=-1, keepdims=True), EPS, None)
    return _artanh(sqrt_c * norm) * x / (sqrt_c * norm)

def hyp_linear(x, W, b):
    # HyperbolicLinear: Mobius matvec + bias via tangent space at origin
    h = logmap0(x) @ W.T + b
    return expmap0(h)

def message_passing(x, src, dst, n):
    # tangent-space mean aggregation over incoming edges (concrete _message_passing)
    t = logmap0(x)
    msgs = jnp.take(t, src, axis=0)                      # gather: [E, d]
    agg = jax.ops.segment_sum(msgs, dst, num_segments=n) # scatter-add: [N, d]
    deg = jax.ops.segment_sum(jnp.ones_like(dst, dtype=t.dtype), dst, num_segments=n)
    agg = agg / jnp.clip(deg, 1.0, None)[:, None]
    return expmap0(agg)

def setup_inputs(seed: int = 0) -> dict:
    key = jax.random.key(seed)
    k1, k2, k3, k4, k5, k6 = jax.random.split(key, 6)
    N, D, H, O, E = 10000, 128, 128, 128, 320000
    x = expmap0(0.1 * jax.random.normal(k1, (N, D), dtype=jnp.float32))
    edge_index = jax.random.randint(k2, (2, E), 0, N, dtype=jnp.int32)
    W1 = jax.random.normal(k3, (H, D), dtype=jnp.float32) * (1.0 / np.sqrt(D))
    b1 = jnp.zeros((H,), dtype=jnp.float32)
    W2 = jax.random.normal(k4, (O, H), dtype=jnp.float32) * (1.0 / np.sqrt(H))
    b2 = jnp.zeros((O,), dtype=jnp.float32)
    return {"x": x, "edge_index": edge_index, "W1": W1, "b1": b1, "W2": W2, "b2": b2}

def reference(x, edge_index, W1, b1, W2, b2):
    n = x.shape[0]
    src = edge_index[0]
    dst = edge_index[1]
    # layers[0]
    h = hyp_linear(x, W1, b1)
    # loop i=1..num_layers-1 (num_layers=2, dropout=0.0 so skipped)
    h = message_passing(h, src, dst, n)
    h = hyp_linear(h, W2, b2)
    h = jax.nn.relu(h)  # act applied directly as in original forward
    return h

if __name__ == "__main__":
    import jax
    _d = setup_inputs()
    print(jax.jit(kernel)(*tuple(_d.values())))

</pallas_src>

<mosaic_0001>
#map = affine_map<(d0, d1) -> (0, 0)>
#map1 = affine_map<(d0, d1) -> (0)>
#map2 = affine_map<(d0, d1) -> (0, 0, 0)>
module attributes {stable_mosaic.version = 14 : i64} {
  func.func @_segment_sum_sc_body(%arg0: i32, %arg1: i32, %arg2: memref<10000x128xf32, #tpu.memory_space<hbm>>, %arg3: memref<320000xi32, #tpu.memory_space<hbm>>, %arg4: memref<320000xi32, #tpu.memory_space<hbm>>, %arg5: memref<2x10240x128xf32, #tpu.memory_space<hbm>>, %arg6: memref<2x10240x128xf32, #tpu.memory_space<hbm>>, %arg7: memref<10240x128xf32, #tpu.memory_space<vmem_shared>>, %arg8: memref<1x80xi32, #tpu.memory_space<vmem>>, %arg9: memref<1x80xi32, #tpu.memory_space<vmem>>, %arg10: memref<1x80xi32, #tpu.memory_space<vmem>>, %arg11: memref<1x80xi32, #tpu.memory_space<vmem>>, %arg12: memref<1x80xi32, #tpu.memory_space<vmem>>, %arg13: memref<80x128xf32, #tpu.memory_space<vmem>>, %arg14: memref<80x128xf32, #tpu.memory_space<vmem>>, %arg15: memref<80x128xf32, #tpu.memory_space<vmem>>, %arg16: memref<!tpu.dma_semaphore, #tpu.memory_space<semaphore_mem>>, %arg17: memref<!tpu.dma_semaphore, #tpu.memory_space<semaphore_mem>>, %arg18: memref<!tpu.dma_semaphore, #tpu.memory_space<semaphore_mem>>, %arg19: memref<!tpu.dma_semaphore, #tpu.memory_space<semaphore_mem>>) attributes {dimension_semantics = [#tpu.dimension_semantics<core_parallel>, #tpu.dimension_semantics<subcore_parallel>], iteration_bounds = array<i64: 2, 16>, scalar_prefetch = 0 : i64, scratch_operands = 13 : i64, tpu.core_type = #tpu.core_type<sc_vector_subcore>, window_params = [{transform_indices = #map}, {transform_indices = #map1}, {transform_indices = #map1}, {transform_indices = #map2}, {transform_indices = #map2}]} {
    %mul3A = arith.constant 2 : i32
    %mul3A_0 = arith.muli %arg1, %mul3A : i32
    %add3A = arith.addi %mul3A_0, %arg0 : i32
    %broadcast_in_dim3A = arith.constant 0.000000e+00 : f32
    %broadcast_in_dim3A_1 = vector.broadcast %broadcast_in_dim3A : f32 to vector<16xf32>
    %broadcast_in_dim3A_2 = arith.constant 1.000000e+00 : f32
    %broadcast_in_dim3A_3 = vector.broadcast %broadcast_in_dim3A_2 : f32 to vector<16xf32>
    %iota3A = tpu.iota {dimensions = array<i32: 0>} : vector<16xi32>
    %mul3A_4 = arith.constant 640 : i32
    %mul3A_5 = arith.muli %arg1, %mul3A_4 : i32
    %scan3A = arith.constant 0 : i32
    %scan3A_6 = arith.constant 0 : i32
    %scan3A_7 = arith.constant 640 : i32
    %scan3A_8 = arith.addi %scan3A_6, %scan3A_7 : i32
    %scan3A_9 = arith.constant 1 : i32
    %scan3A_10 = scf.for %scan3A_1999 = %scan3A_6 to %scan3A_8 step %scan3A_9 iter_args(%scan3A_2000 = %scan3A) -> (i32)  : i32 {
      %jit3A = arith.constant 8 : i32
      %div3A = arith.divsi %scan3A_1999, %jit3A : i32
      %sign3A = arith.constant 0 : i32
      %sign3A_2001 = arith.cmpi sgt, %scan3A_1999, %sign3A : i32
      %sign3A_2002 = arith.extui %sign3A_2001 : i1 to i32
      %sign3A_2003 = arith.constant 0 : i32
      %sign3A_2004 = arith.cmpi slt, %scan3A_1999, %sign3A_2003 : i32
      %sign3A_2005 = arith.extui %sign3A_2004 : i1 to i32
      %sign3A_2006 = arith.subi %sign3A_2002, %sign3A_2005 : i32
      %sign3A_2007 = arith.constant 0 : i32
      %sign3A_2008 = arith.cmpi sgt, %jit3A, %sign3A_2007 : i32
      %sign3A_2009 = arith.extui %sign3A_2008 : i1 to i32
      %sign3A_2010 = arith.constant 0 : i32
      %sign3A_2011 = arith.cmpi slt, %jit3A, %sign3A_2010 : i32
      %sign3A_2012 = arith.extui %sign3A_2011 : i1 to i32
      %sign3A_2013 = arith.subi %sign3A_2009, %sign3A_2012 : i32
      %ne3A = arith.cmpi ne, %sign3A_2006, %sign3A_2013 : i32
      %rem3A = arith.remsi %scan3A_1999, %jit3A : i32
      %ne3A_2014 = arith.constant 0 : i32
      %ne3A_2015 = arith.cmpi ne, %rem3A, %ne3A_2014 : i32
      %and3A = arith.andi %ne3A, %ne3A_2015 : i1
      %sub3A = arith.constant 1 : i32
      %sub3A_2016 = arith.subi %div3A, %sub3A : i32
      %select_n3A = arith.select %and3A, %sub3A_2016, %div3A : i32
      %jit3A_2017 = arith.constant 8 : i32
      %eq3A = arith.constant 0 : i32
      %eq3A_2018 = arith.cmpi eq, %jit3A_2017, %eq3A : i32
      %jit3A_2019 = arith.constant 1 : i32
      %select_n3A_2020 = arith.select %eq3A_2018, %jit3A_2019, %jit3A_2017 : i32
      %rem3A_2021 = arith.remsi %scan3A_1999, %select_n3A_2020 : i32
      %ne3A_2022 = arith.constant 0 : i32
      %ne3A_2023 = arith.cmpi ne, %rem3A_2021, %ne3A_2022 : i32
      %lt3A = arith.constant 0 : i32
      %lt3A_2024 = arith.cmpi slt, %rem3A_2021, %lt3A : i32
      %lt3A_2025 = arith.constant 0 : i32
      %lt3A_2026 = arith.cmpi slt, %select_n3A_2020, %lt3A_2025 : i32
      %ne3A_2027 = arith.xori %lt3A_2024, %lt3A_2026 : i1
      %and3A_2028 = arith.andi %ne3A_2027, %ne3A_2023 : i1
      %add3A_2029 = arith.addi %rem3A_2021, %select_n3A_2020 : i32
      %select_n3A_2030 = arith.select %and3A_2028, %add3A_2029, %rem3A_2021 : i32
      %mul3A_2031 = arith.constant 16 : i32
      %mul3A_2032 = arith.muli %select_n3A_2030, %mul3A_2031 : i32
      %swap3A_2033 = arith.index_cast %select_n3A : i32 to index
      %swap3A_2034 = arith.index_cast %mul3A_2032 : i32 to index
      %swap3A_2035 = tpu.vector_load %arg13[%swap3A_2033, %swap3A_2034] {strides = array<i32>} : memref<80x128xf32, #tpu.memory_space<vmem>>, vector<1x16xf32>,
      %swap3A_2036 = vector.shape_cast %swap3A_2035 : vector<1x16xf32> to vector<16xf32>
      %swap3A_2037 = vector.shape_cast %broadcast_in_dim3A_1 : vector<16xf32> to vector<1x16xf32>
      tpu.vector_store %arg13[%swap3A_2033, %swap3A_2034], %swap3A_2037 {strides = array<i32>} : memref<80x128xf32, #tpu.memory_space<vmem>>, vector<1x16xf32>,
      %scan3A_2038 = arith.constant 0 : i32
      scf.yield %scan3A_2038 : i32
    }
    %scan3A_11 = arith.constant 640 : i32
    %add3A_12 = arith.constant 0 : i32
    %add3A_13 = arith.addi %mul3A_5, %add3A_12 : i32
    %add3A_14 = arith.constant 0 : i32
    %add3A_15 = arith.addi %add3A_13, %add3A_14 : i32
    %add3A_16 = vector.broadcast %add3A_15 : i32 to vector<16xi32>
    %add3A_17 = arith.addi %add3A_16, %iota3A : vector<16xi32>
    %swap3A = arith.constant 0 : i32
    %swap3A_18 = arith.index_cast %swap3A : i32 to index
    %swap3A_19 = arith.constant 0 : index
    %swap3A_20 = tpu.vector_load %arg12[%swap3A_18, %swap3A_19] {strides = array<i32>} : memref<1x80xi32, #tpu.memory_space<vmem>>, vector<1x16xi32>,
    %swap3A_21 = vector.shape_cast %swap3A_20 : vector<1x16xi32> to vector<16xi32>
    %swap3A_22 = vector.shape_cast %add3A_17 : vector<16xi32> to vector<1x16xi32>
    tpu.vector_store %arg12[%swap3A_18, %swap3A_19], %swap3A_22 {strides = array<i32>} : memref<1x80xi32, #tpu.memory_space<vmem>>, vector<1x16xi32>,
    %add3A_23 = arith.constant 16 : i32
    %add3A_24 = arith.addi %add3A_13, %add3A_23 : i32
    %add3A_25 = vector.broadcast %add3A_24 : i32 to vector<16xi32>
    %add3A_26 = arith.addi %add3A_25, %iota3A : vector<16xi32>
    %swap3A_27 = arith.constant 0 : i32
    %swap3A_28 = arith.index_cast %swap3A_27 : i32 to index
    %swap3A_29 = arith.constant 16 : index
    %swap3A_30 = tpu.vector_load %arg12[%swap3A_28, %swap3A_29] {strides = array<i32>} : memref<1x80xi32, #tpu.memory_space<vmem>>, vector<1x16xi32>,
    %swap3A_31 = vector.shape_cast %swap3A_30 : vector<1x16xi32> to vector<16xi32>
    %swap3A_32 = vector.shape_cast %add3A_26 : vector<16xi32> to vector<1x16xi32>
    tpu.vector_store %arg12[%swap3A_28, %swap3A_29], %swap3A_32 {strides = array<i32>} : memref<1x80xi32, #tpu.memory_space<vmem>>, vector<1x16xi32>,
    %add3A_33 = arith.constant 32 : i32
    %add3A_34 = arith.addi %add3A_13, %add3A_33 : i32
    %add3A_35 = vector.broadcast %add3A_34 : i32 to vector<16xi32>
    %add3A_36 = arith.addi %add3A_35, %iota3A : vector<16xi32>
    %swap3A_37 = arith.constant 0 : i32
    %swap3A_38 = arith.index_cast %swap3A_37 : i32 to index
    %swap3A_39 = arith.constant 32 : index
    %swap3A_40 = tpu.vector_load %arg12[%swap3A_38, %swap3A_39] {strides = array<i32>} : memref<1x80xi32, #tpu.memory_space<vmem>>, vector<1x16xi32>,
    %swap3A_41 = vector.shape_cast %swap3A_40 : vector<1x16xi32> to vector<16xi32>
    %swap3A_42 = vector.shape_cast %add3A_36 : vector<16xi32> to vector<1x16xi32>
    tpu.vector_store %arg12[%swap3A_38, %swap3A_39], %swap3A_42 {strides = array<i32>} : memref<1x80xi32, #tpu.memory_space<vmem>>, vector<1x16xi32>,
    %add3A_43 = arith.constant 48 : i32
    %add3A_44 = arith.addi %add3A_13, %add3A_43 : i32
    %add3A_45 = vector.broadcast %add3A_44 : i32 to vector<16xi32>
    %add3A_46 = arith.addi %add3A_45, %iota3A : vector<16xi32>
    %swap3A_47 = arith.constant 0 : i32
    %swap3A_48 = arith.index_cast %swap3A_47 : i32 to index
    %swap3A_49 = arith.constant 48 : index
    %swap3A_50 = tpu.vector_load %arg12[%swap3A_48, %swap3A_49] {strides = array<i32>} : memref<1x80xi32, #tpu.memory_space<vmem>>, vector<1x16xi32>,
    %swap3A_51 = vector.shape_cast %swap3A_50 : vector<1x16xi32> to vector<16xi32>
    %swap3A_52 = vector.shape_cast %add3A_46 : vector<16xi32> to vector<1x16xi32>
    tpu.vector_store %arg12[%swap3A_48, %swap3A_49], %swap3A_52 {strides = array<i32>} : memref<1x80xi32, #tpu.memory_space<vmem>>, vector<1x16xi32>,
    %add3A_53 = arith.constant 64 : i32
    %add3A_54 = arith.addi %add3A_13, %add3A_53 : i32
    %add3A_55 = vector.broadcast %add3A_54 : i32 to vector<16xi32>
    %add3A_56 = arith.addi %add3A_55, %iota3A : vector<16xi32>
    %swap3A_57 = arith.constant 0 : i32
    %swap3A_58 = arith.index_cast %swap3A_57 : i32 to index
    %swap3A_59 = arith.constant 64 : index
    %swap3A_60 = tpu.vector_load %arg12[%swap3A_58, %swap3A_59] {strides = array<i32>} : memref<1x80xi32, #tpu.memory_space<vmem>>, vector<1x16xi32>,
    %swap3A_61 = vector.shape_cast %swap3A_60 : vector<1x16xi32> to vector<16xi32>
    %swap3A_62 = vector.shape_cast %add3A_56 : vector<16xi32> to vector<1x16xi32>
    tpu.vector_store %arg12[%swap3A_58, %swap3A_59], %swap3A_62 {strides = array<i32>} : memref<1x80xi32, #tpu.memory_space<vmem>>, vector<1x16xi32>,
    %run_scoped3A = arith.constant 0 : i32
    "tpu.region"() ({
      %run_scoped3A_1999 = tpu.sem_alloc : memref<!tpu.dma_semaphore, #tpu.memory_space<semaphore_mem>>
      %dma_start3A_2000 = arith.constant 0 : i32
      %dma_start3A_2001 = tpu.memref_slice %arg12[%run_scoped3A, %dma_start3A_2000] : memref<1x80xi32, #tpu.memory_space<vmem>> -> memref<1x80xi32, #tpu.memory_space<vmem>>
      %dma_start3A_2002 = tpu.memref_squeeze %dma_start3A_2001 : memref<1x80xi32, #tpu.memory_space<vmem>> -> memref<80xi32, #tpu.memory_space<vmem>>
      %dma_start3A_2003 = arith.constant 0 : i32
      %dma_start3A_2004 = arith.constant 0 : i32
      %dma_start3A_2005 = tpu.memref_slice %arg7[%dma_start3A_2003, %dma_start3A_2004] : memref<10240x128xf32, #tpu.memory_space<vmem_shared>> -> memref<10240x128xf32, #tpu.memory_space<vmem_shared>>
      tpu.enqueue_indirect_dma source(%arg13 : memref<80x128xf32, #tpu.memory_space<vmem>>) target(%dma_start3A_2005 : memref<10240x128xf32, #tpu.memory_space<vmem_shared>>) offsets(%dma_start3A_2002 : memref<80xi32, #tpu.memory_space<vmem>>) semaphore(%run_scoped3A_1999 : memref<!tpu.dma_semaphore, #tpu.memory_space<semaphore_mem>>)
      %dma_wait3A_2006 = arith.constant 0 : i32
      %dma_wait3A_2007 = tpu.memref_slice %arg12[%run_scoped3A, %dma_wait3A_2006] : memref<1x80xi32, #tpu.memory_space<vmem>> -> memref<1x80xi32, #tpu.memory_space<vmem>>
      %dma_wait3A_2008 = tpu.memref_squeeze %dma_wait3A_2007 : memref<1x80xi32, #tpu.memory_space<vmem>> -> memref<80xi32, #tpu.memory_space<vmem>>
      %dma_wait3A_2009 = arith.constant 0 : i32
      %dma_wait3A_2010 = arith.constant 0 : i32
      %dma_wait3A_2011 = tpu.memref_slice %arg7[%dma_wait3A_2009, %dma_wait3A_2010] : memref<10240x128xf32, #tpu.memory_space<vmem_shared>> -> memref<10240x128xf32, #tpu.memory_space<vmem_shared>>
      tpu.wait_indirect_dma semaphore(%run_scoped3A_1999 : memref<!tpu.dma_semaphore, #tpu.memory_space<semaphore_mem>>) src(%arg13 : memref<80x128xf32, #tpu.memory_space<vmem>>) dst(%dma_wait3A_2011 : memref<10240x128xf32, #tpu.memory_space<vmem_shared>>)
      tpu.yield
    }) : () -> ()
    %add3A_63 = arith.constant 80 : i32
    %add3A_64 = arith.addi %mul3A_5, %add3A_63 : i32
    %add3A_65 = arith.constant 0 : i32
    %add3A_66 = arith.addi %add3A_64, %add3A_65 : i32
    %add3A_67 = vector.broadcast %add3A_66 : i32 to vector<16xi32>
    %add3A_68 = arith.addi %add3A_67, %iota3A : vector<16xi32>
    %swap3A_69 = arith.constant 0 : i32
    %swap3A_70 = arith.index_cast %swap3A_69 : i32 to index
    %swap3A_71 = arith.constant 0 : index
    %swap3A_72 = tpu.vector_load %arg12[%swap3A_70, %swap3A_71] {strides = array<i32>} : memref<1x80xi32, #tpu.memory_space<vmem>>, vector<1x16xi32>,
    %swap3A_73 = vector.shape_cast %swap3A_72 : vector<1x16xi32> to vector<16xi32>
    %swap3A_74 = vector.shape_cast %add3A_68 : vector<16xi32> to vector<1x16xi32>
    tpu.vector_store %arg12[%swap3A_70, %swap3A_71], %swap3A_74 {strides = array<i32>} : memref<1x80xi32, #tpu.memory_space<vmem>>, vector<1x16xi32>,
    %add3A_75 = arith.constant 16 : i32
    %add3A_76 = arith.addi %add3A_64, %add3A_75 : i32
    %add3A_77 = vector.broadcast %add3A_76 : i32 to vector<16xi32>
    %add3A_78 = arith.addi %add3A_77, %iota3A : vector<16xi32>
    %swap3A_79 = arith.constant 0 : i32
    %swap3A_80 = arith.index_cast %swap3A_79 : i32 to index
    %swap3A_81 = arith.constant 16 : index
    %swap3A_82 = tpu.vector_load %arg12[%swap3A_80, %swap3A_81] {strides = array<i32>} : memref<1x80xi32, #tpu.memory_space<vmem>>, vector<1x16xi32>,
    %swap3A_83 = vector.shape_cast %swap3A_82 : vector<1x16xi32> to vector<16xi32>
    %swap3A_84 = vector.shape_cast %add3A_78 : vector<16xi32> to vector<1x16xi32>
    tpu.vector_store %arg12[%swap3A_80, %swap3A_81], %swap3A_84 {strides = array<i32>} : memref<1x80xi32, #tpu.memory_space<vmem>>, vector<1x16xi32>,
    %add3A_85 = arith.constant 32 : i32
    %add3A_86 = arith.addi %add3A_64, %add3A_85 : i32
    %add3A_87 = vector.broadcast %add3A_86 : i32 to vector<16xi32>
    %add3A_88 = arith.addi %add3A_87, %iota3A : vector<16xi32>
    %swap3A_89 = arith.constant 0 : i32
    %swap3A_90 = arith.index_cast %swap3A_89 : i32 to index
    %swap3A_91 = arith.constant 32 : index
    %swap3A_92 = tpu.vector_load %arg12[%swap3A_90, %swap3A_91] {strides = array<i32>} : memref<1x80xi32, #tpu.memory_space<vmem>>, vector<1x16xi32>,
    %swap3A_93 = vector.shape_cast %swap3A_92 : vector<1x16xi32> to vector<16xi32>
    %swap3A_94 = vector.shape_cast %add3A_88 : vector<16xi32> to vector<1x16xi32>
    tpu.vector_store %arg12[%swap3A_90, %swap3A_91], %swap3A_94 {strides = array<i32>} : memref<1x80xi32, #tpu.memory_space<vmem>>, vector<1x16xi32>,
    %add3A_95 = arith.constant 48 : i32
    %add3A_96 = arith.addi %add3A_64, %add3A_95 : i32
    %add3A_97 = vector.broadcast %add3A_96 : i32 to vector<16xi32>
    %add3A_98 = arith.addi %add3A_97, %iota3A : vector<16xi32>
    %swap3A_99 = arith.constant 0 : i32
    %swap3A_100 = arith.index_cast %swap3A_99 : i32 to index
    %swap3A_101 = arith.constant 48 : index
    %swap3A_102 = tpu.vector_load %arg12[%swap3A_100, %swap3A_101] {strides = array<i32>} : memref<1x80xi32, #tpu.memory_space<vmem>>, vector<1x16xi32>,
    %swap3A_103 = vector.shape_cast %swap3A_102 : vector<1x16xi32> to vector<16xi32>
    %swap3A_104 = vector.shape_cast %add3A_98 : vector<16xi32> to vector<1x16xi32>
    tpu.vector_store %arg12[%swap3A_100, %swap3A_101], %swap3A_104 {strides = array<i32>} : memref<1x80xi32, #tpu.memory_space<vmem>>, vector<1x16xi32>,
    %add3A_105 = arith.constant 64 : i32
    %add3A_106 = arith.addi %add3A_64, %add3A_105 : i32
    %add3A_107 = vector.broadcast %add3A_106 : i32 to vector<16xi32>
    %add3A_108 = arith.addi %add3A_107, %iota3A : vector<16xi32>
    %swap3A_109 = arith.constant 0 : i32
    %swap3A_110 = arith.index_cast %swap3A_109 : i32 to index
    %swap3A_111 = arith.constant 64 : index
    %swap3A_112 = tpu.vector_load %arg12[%swap3A_110, %swap3A_111] {strides = array<i32>} : memref<1x80xi32, #tpu.memory_space<vmem>>, vector<1x16xi32>,
    %swap3A_113 = vector.shape_cast %swap3A_112 : vector<1x16xi32> to vector<16xi32>
    %swap3A_114 = vector.shape_cast %add3A_108 : vector<16xi32> to vector<1x16xi32>
    tpu.vector_store %arg12[%swap3A_110, %swap3A_111], %swap3A_114 {strides = array<i32>} : memref<1x80xi32, #tpu.memory_space<vmem>>, vector<1x16xi32>,
    %run_scoped3A_115 = arith.constant 0 : i32
    "tpu.region"() ({
      %run_scoped3A_1999 = tpu.sem_alloc : memref<!tpu.dma_semaphore, #tpu.memory_space<semaphore_mem>>
      %dma_start3A_2000 = arith.constant 0 : i32
      %dma_start3A_2001 = tpu.memref_slice %arg12[%run_scoped3A_115, %dma_start3A_2000] : memref<1x80xi32, #tpu.memory_space<vmem>> -> memref<1x80xi32, #tpu.memory_space<vmem>>
      %dma_start3A_2002 = tpu.memref_squeeze %dma_start3A_2001 : memref<1x80xi32, #tpu.memory_space<vmem>> -> memref<80xi32, #tpu.memory_space<vmem>>
      %dma_start3A_2003 = arith.constant 0 : i32
      %dma_start3A_2004 = arith.constant 0 : i32
      %dma_start3A_2005 = tpu.memref_slice %arg7[%dma_start3A_2003, %dma_start3A_2004] : memref<10240x128xf32, #tpu.memory_space<vmem_shared>> -> memref<10240x128xf32, #tpu.memory_space<vmem_shared>>
      tpu.enqueue_indirect_dma source(%arg13 : memref<80x128xf32, #tpu.memory_space<vmem>>) target(%dma_start3A_2005 : memref<10240x128xf32, #tpu.memory_space<vmem_shared>>) offsets(%dma_start3A_2002 : memref<80xi32, #tpu.memory_space<vmem>>) semaphore(%run_scoped3A_1999 : memref<!tpu.dma_semaphore, #tpu.memory_space<semaphore_mem>>)
      %dma_wait3A_2006 = arith.constant 0 : i32
      %dma_wait3A_2007 = tpu.memref_slice %arg12[%run_scoped3A_115, %dma_wait3A_2006] : memref<1x80xi32, #tpu.memory_space<vmem>> -> memref<1x80xi32, #tpu.memory_space<vmem>>
      %dma_wait3A_2008 = tpu.memref_squeeze %dma_wait3A_2007 : memref<1x80xi32, #tpu.memory_space<vmem>> -> memref<80xi32, #tpu.memory_space<vmem>>
      %dma_wait3A_2009 = arith.constant 0 : i32
      %dma_wait3A_2010 = arith.constant 0 : i32
      %dma_wait3A_2011 = tpu.memref_slice %arg7[%dma_wait3A_2009, %dma_wait3A_2010] : memref<10240x128xf32, #tpu.memory_space<vmem_shared>> -> memref<10240x128xf32, #tpu.memory_space<vmem_shared>>
      tpu.wait_indirect_dma semaphore(%run_scoped3A_1999 : memref<!tpu.dma_semaphore, #tpu.memory_space<semaphore_mem>>) src(%arg13 : memref<80x128xf32, #tpu.memory_space<vmem>>) dst(%dma_wait3A_2011 : memref<10240x128xf32, #tpu.memory_space<vmem_shared>>)
      tpu.yield
    }) : () -> ()
    %add3A_116 = arith.constant 160 : i32
    %add3A_117 = arith.addi %mul3A_5, %add3A_116 : i32
    %add3A_118 = arith.constant 0 : i32
    %add3A_119 = arith.addi %add3A_117, %add3A_118 : i32
    %add3A_120 = vector.broadcast %add3A_119 : i32 to vector<16xi32>
    %add3A_121 = arith.addi %add3A_120, %iota3A : vector<16xi32>
    %swap3A_122 = arith.constant 0 : i32
    %swap3A_123 = arith.index_cast %swap3A_122 : i32 to index
    %swap3A_124 = arith.constant 0 : index
    %swap3A_125 = tpu.vector_load %arg12[%swap3A_123, %swap3A_124] {strides = array<i32>} : memref<1x80xi32, #tpu.memory_space<vmem>>, vector<1x16xi32>,
    %swap3A_126 = vector.shape_cast %swap3A_125 : vector<1x16xi32> to vector<16xi32>
    %swap3A_127 = vector.shape_cast %add3A_121 : vector<16xi32> to vector<1x16xi32>
    tpu.vector_store %arg12[%swap3A_123, %swap3A_124], %swap3A_127 {strides = array<i32>} : memref<1x80xi32, #tpu.memory_space<vmem>>, vector<1x16xi32>,
    %add3A_128 = arith.constant 16 : i32
    %add3A_129 = arith.addi %add3A_117, %add3A_128 : i32
    %add3A_130 = vector.broadcast %add3A_129 : i32 to vector<16xi32>
    %add3A_131 = arith.addi %add3A_130, %iota3A : vector<16xi32>
    %swap3A_132 = arith.constant 0 : i32
    %swap3A_133 = arith.index_cast %swap3A_132 : i32 to index
    %swap3A_134 = arith.constant 16 : index
    %swap3A_135 = tpu.vector_load %arg12[%swap3A_133, %swap3A_134] {strides = array<i32>} : memref<1x80xi32, #tpu.memory_space<vmem>>, vector<1x16xi32>,
    %swap3A_136 = vector.shape_cast %swap3A_135 : vector<1x16xi32> to vector<16xi32>
    %swap3A_137 = vector.shape_cast %add3A_131 : vector<16xi32> to vector<1x16xi32>
    tpu.vector_store %arg12[%swap3A_133, %swap3A_134], %swap3A_137 {strides = array<i32>} : memref<1x80xi32, #tpu.memory_space<vmem>>, vector<1x16xi32>,
    %add3A_138 = arith.constant 32 : i32
    %add3A_139 = arith.addi %add3A_117, %add3A_138 : i32
    %add3A_140 = vector.broadcast %add3A_139 : i32 to vector<16xi32>
    %add3A_141 = arith.addi %add3A_140, %iota3A : vector<16xi32>
    %swap3A_142 = arith.constant 0 : i32
    %swap3A_143 = arith.index_cast %swap3A_142 : i32 to index
    %swap3A_144 = arith.constant 32 : index
    %swap3A_145 = tpu.vector_load %arg12[%swap3A_143, %swap3A_144] {strides = array<i32>} : memref<1x80xi32, #tpu.memory_space<vmem>>, vector<1x16xi32>,
    %swap3A_146 = vector.shape_cast %swap3A_145 : vector<1x16xi32> to vector<16xi32>
    %swap3A_147 = vector.shape_cast %add3A_141 : vector<16xi32> to vector<1x16xi32>
    tpu.vector_store %arg12[%swap3A_143, %swap3A_144], %swap3A_147 {strides = array<i32>} : memref<1x80xi32, #tpu.memory_space<vmem>>, vector<1x16xi32>,
    %add3A_148 = arith.constant 48 : i32
    %add3A_149 = arith.addi %add3A_117, %add3A_148 : i32
    %add3A_150 = vector.broadcast %add3A_149 : i32 to vector<16xi32>
    %add3A_151 = arith.addi %add3A_150, %iota3A : vector<16xi32>
    %swap3A_152 = arith.constant 0 : i32
    %swap3A_153 = arith.index_cast %swap3A_152 : i32 to index
    %swap3A_154 = arith.constant 48 : index
    %swap3A_155 = tpu.vector_load %arg12[%swap3A_153, %swap3A_154] {strides = array<i32>} : memref<1x80xi32, #tpu.memory_space<vmem>>, vector<1x16xi32>,
    %swap3A_156 = vector.shape_cast %swap3A_155 : vector<1x16xi32> to vector<16xi32>
    %swap3A_157 = vector.shape_cast %add3A_151 : vector<16xi32> to vector<1x16xi32>
    tpu.vector_store %arg12[%swap3A_153, %swap3A_154], %swap3A_157 {strides = array<i32>} : memref<1x80xi32, #tpu.memory_space<vmem>>, vector<1x16xi32>,
    %add3A_158 = arith.constant 64 : i32
    %add3A_159 = arith.addi %add3A_117, %add3A_158 : i32
    %add3A_160 = vector.broadcast %add3A_159 : i32 to vector<16xi32>
    %add3A_161 = arith.addi %add3A_160, %iota3A : vector<16xi32>
    %swap3A_162 = arith.constant 0 : i32
    %swap3A_163 = arith.index_cast %swap3A_162 : i32 to index
    %swap3A_164 = arith.constant 64 : index
    %swap3A_165 = tpu.vector_load %arg12[%swap3A_163, %swap3A_164] {strides = array<i32>} : memref<1x80xi32, #tpu.memory_space<vmem>>, vector<1x16xi32>,
    %swap3A_166 = vector.shape_cast %swap3A_165 : vector<1x16xi32> to vector<16xi32>
    %swap3A_167 = vector.shape_cast %add3A_161 : vector<16xi32> to vector<1x16xi32>
    tpu.vector_store %arg12[%swap3A_163, %swap3A_164], %swap3A_167 {strides = array<i32>} : memref<1x80xi32, #tpu.memory_space<vmem>>, vector<1x16xi32>,
    %run_scoped3A_168 = arith.constant 0 : i32
    "tpu.region"() ({
      %run_scoped3A_1999 = tpu.sem_alloc : memref<!tpu.dma_semaphore, #tpu.memory_space<semaphore_mem>>
      %dma_start3A_2000 = arith.constant 0 : i32
      %dma_start3A_2001 = tpu.memref_slice %arg12[%run_scoped3A_168, %dma_start3A_2000] : memref<1x80xi32, #tpu.memory_space<vmem>> -> memref<1x80xi32, #tpu.memory_space<vmem>>
      %dma_start3A_2002 = tpu.memref_squeeze %dma_start3A_2001 : memref<1x80xi32, #tpu.memory_space<vmem>> -> memref<80xi32, #tpu.memory_space<vmem>>
      %dma_start3A_2003 = arith.constant 0 : i32
      %dma_start3A_2004 = arith.constant 0 : i32
      %dma_start3A_2005 = tpu.memref_slice %arg7[%dma_start3A_2003, %dma_start3A_2004] : memref<10240x128xf32, #tpu.memory_space<vmem_shared>> -> memref<10240x128xf32, #tpu.memory_space<vmem_shared>>
      tpu.enqueue_indirect_dma source(%arg13 : memref<80x128xf32, #tpu.memory_space<vmem>>) target(%dma_start3A_2005 : memref<10240x128xf32, #tpu.memory_space<vmem_shared>>) offsets(%dma_start3A_2002 : memref<80xi32, #tpu.memory_space<vmem>>) semaphore(%run_scoped3A_1999 : memref<!tpu.dma_semaphore, #tpu.memory_space<semaphore_mem>>)
      %dma_wait3A_2006 = arith.constant 0 : i32
      %dma_wait3A_2007 = tpu.memref_slice %arg12[%run_scoped3A_168, %dma_wait3A_2006] : memref<1x80xi32, #tpu.memory_space<vmem>> -> memref<1x80xi32, #tpu.memory_space<vmem>>
      %dma_wait3A_2008 = tpu.memref_squeeze %dma_wait3A_2007 : memref<1x80xi32, #tpu.memory_space<vmem>> -> memref<80xi32, #tpu.memory_space<vmem>>
      %dma_wait3A_2009 = arith.constant 0 : i32
      %dma_wait3A_2010 = arith.constant 0 : i32
      %dma_wait3A_2011 = tpu.memref_slice %arg7[%dma_wait3A_2009, %dma_wait3A_2010] : memref<10240x128xf32, #tpu.memory_space<vmem_shared>> -> memref<10240x128xf32, #tpu.memory_space<vmem_shared>>
      tpu.wait_indirect_dma semaphore(%run_scoped3A_1999 : memref<!tpu.dma_semaphore, #tpu.memory_space<semaphore_mem>>) src(%arg13 : memref<80x128xf32, #tpu.memory_space<vmem>>) dst(%dma_wait3A_2011 : memref<10240x128xf32, #tpu.memory_space<vmem_shared>>)
      tpu.yield
    }) : () -> ()
    %add3A_169 = arith.constant 240 : i32
    %add3A_170 = arith.addi %mul3A_5, %add3A_169 : i32
    %add3A_171 = arith.constant 0 : i32
    %add3A_172 = arith.addi %add3A_170, %add3A_171 : i32
    %add3A_173 = vector.broadcast %add3A_172 : i32 to vector<16xi32>
    %add3A_174 = arith.addi %add3A_173, %iota3A : vector<16xi32>
    %swap3A_175 = arith.constant 0 : i32
    %swap3A_176 = arith.index_cast %swap3A_175 : i32 to index
    %swap3A_177 = arith.constant 0 : index
    %swap3A_178 = tpu.vector_load %arg12[%swap3A_176, %swap3A_177] {strides = array<i32>} : memref<1x80xi32, #tpu.memory_space<vmem>>, vector<1x16xi32>,
    %swap3A_179 = vector.shape_cast %swap3A_178 : vector<1x16xi32> to vector<16xi32>
    %swap3A_180 = vector.shape_cast %add3A_174 : vector<16xi32> to vector<1x16xi32>
    tpu.vector_store %arg12[%swap3A_176, %swap3A_177], %swap3A_180 {strides = array<i32>} : memref<1x80xi32, #tpu.memory_space<vmem>>, vector<1x16xi32>,
    %add3A_181 = arith.constant 16 : i32
    %add3A_182 = arith.addi %add3A_170, %add3A_181 : i32
    %add3A_183 = vector.broadcast %add3A_182 : i32 to vector<16xi32>
    %add3A_184 = arith.addi %add3A_183, %iota3A : vector<16xi32>
    %swap3A_185 = arith.constant 0 : i32
    %swap3A_186 = arith.index_cast %swap3A_185 : i32 to index
    %swap3A_187 = arith.constant 16 : index
    %swap3A_188 = tpu.vector_load %arg12[%swap3A_186, %swap3A_187] {strides = array<i32>} : memref<1x80xi32, #tpu.memory_space<vmem>>, vector<1x16xi32>,
    %swap3A_189 = vector.shape_cast %swap3A_188 : vector<1x16xi32> to vector<16xi32>
    %swap3A_190 = vector.shape_cast %add3A_184 : vector<16xi32> to vector<1x16xi32>
    tpu.vector_store %arg12[%swap3A_186, %swap3A_187], %swap3A_190 {strides = array<i32>} : memref<1x80xi32, #tpu.memory_space<vmem>>, vector<1x16xi32>,
    %add3A_191 = arith.constant 32 : i32
    %add3A_192 = arith.addi %add3A_170, %add3A_191 : i32
    %add3A_193 = vector.broadcast %add3A_192 : i32 to vector<16xi32>
    %add3A_194 = arith.addi %add3A_193, %iota3A : vector<16xi32>
    %swap3A_195 = arith.constant 0 : i32
    %swap3A_196 = arith.index_cast %swap3A_195 : i32 to index
    %swap3A_197 = arith.constant 32 : index
    %swap3A_198 = tpu.vector_load %arg12[%swap3A_196, %swap3A_197] {strides = array<i32>} : memref<1x80xi32, #tpu.memory_space<vmem>>, vector<1x16xi32>,
    %swap3A_199 = vector.shape_cast %swap3A_198 : vector<1x16xi32> to vector<16xi32>
    %swap3A_200 = vector.shape_cast %add3A_194 : vector<16xi32> to vector<1x16xi32>
    tpu.vector_store %arg12[%swap3A_196, %swap3A_197], %swap3A_200 {strides = array<i32>} : memref<1x80xi32, #tpu.memory_space<vmem>>, vector<1x16xi32>,
    %add3A_201 = arith.constant 48 : i32
    %add3A_202 = arith.addi %add3A_170, %add3A_201 : i32
    %add3A_203 = vector.broadcast %add3A_202 : i32 to vector<16xi32>
    %add3A_204 = arith.addi %add3A_203, %iota3A : vector<16xi32>
    %swap3A_205 = arith.constant 0 : i32
    %swap3A_206 = arith.index_cast %swap3A_205 : i32 to index
    %swap3A_207 = arith.constant 48 : index
    %swap3A_208 = tpu.vector_load %arg12[%swap3A_206, %swap3A_207] {strides = array<i32>} : memref<1x80xi32, #tpu.memory_space<vmem>>, vector<1x16xi32>,
    %swap3A_209 = vector.shape_cast %swap3A_208 : vector<1x16xi32> to vector<16xi32>
    %swap3A_210 = vector.shape_cast %add3A_204 : vector<16xi32> to vector<1x16xi32>
    tpu.vector_store %arg12[%swap3A_206, %swap3A_207], %swap3A_210 {strides = array<i32>} : memref<1x80xi32, #tpu.memory_space<vmem>>, vector<1x16xi32>,
    %add3A_211 = arith.constant 64 : i32
    %add3A_212 = arith.addi %add3A_170, %add3A_211 : i32
    %add3A_213 = vector.broadcast %add3A_212 : i32 to vector<16xi32>
    %add3A_214 = arith.addi %add3A_213, %iota3A : vector<16xi32>
    %swap3A_215 = arith.constant 0 : i32
    %swap3A_216 = arith.index_cast %swap3A_215 : i32 to index
    %swap3A_217 = arith.constant 64 : index
    %swap3A_218 = tpu.vector_load %arg12[%swap3A_216, %swap3A_217] {strides = array<i32>} : memref<1x80xi32, #tpu.memory_space<vmem>>, vector<1x16xi32>,
    %swap3A_219 = vector.shape_cast %swap3A_218 : vector<1x16xi32> to vector<16xi32>
    %swap3A_220 = vector.shape_cast %add3A_214 : vector<16xi32> to vector<1x16xi32>
    tpu.vector_store %arg12[%swap3A_216, %swap3A_217], %swap3A_220 {strides = array<i32>} : memref<1x80xi32, #tpu.memory_space<vmem>>, vector<1x16xi32>,
    %run_scoped3A_221 = arith.constant 0 : i32
    "tpu.region"() ({
      %run_scoped3A_1999 = tpu.sem_alloc : memref<!tpu.dma_semaphore, #tpu.memory_space<semaphore_mem>>
      %dma_start3A_2000 = arith.constant 0 : i32
      %dma_start3A_2001 = tpu.memref_slice %arg12[%run_scoped3A_221, %dma_start3A_2000] : memref<1x80xi32, #tpu.memory_space<vmem>> -> memref<1x80xi32, #tpu.memory_space<vmem>>
      %dma_start3A_2002 = tpu.memref_squeeze %dma_start3A_2001 : memref<1x80xi32, #tpu.memory_space<vmem>> -> memref<80xi32, #tpu.memory_space<vmem>>
      %dma_start3A_2003 = arith.constant 0 : i32
      %dma_start3A_2004 = arith.constant 0 : i32
      %dma_start3A_2005 = tpu.memref_slice %arg7[%dma_start3A_2003, %dma_start3A_2004] : memref<10240x128xf32, #tpu.memory_space<vmem_shared>> -> memref<10240x128xf32, #tpu.memory_space<vmem_shared>>
      tpu.enqueue_indirect_dma source(%arg13 : memref<80x128xf32, #tpu.memory_space<vmem>>) target(%dma_start3A_2005 : memref<10240x128xf32, #tpu.memory_space<vmem_shared>>) offsets(%dma_start3A_2002 : memref<80xi32, #tpu.memory_space<vmem>>) semaphore(%run_scoped3A_1999 : memref<!tpu.dma_semaphore, #tpu.memory_space<semaphore_mem>>)
      %dma_wait3A_2006 = arith.constant 0 : i32
      %dma_wait3A_2007 = tpu.memref_slice %arg12[%run_scoped3A_221, %dma_wait3A_2006] : memref<1x80xi32, #tpu.memory_space<vmem>> -> memref<1x80xi32, #tpu.memory_space<vmem>>
      %dma_wait3A_2008 = tpu.memref_squeeze %dma_wait3A_2007 : memref<1x80xi32, #tpu.memory_space<vmem>> -> memref<80xi32, #tpu.memory_space<vmem>>
      %dma_wait3A_2009 = arith.constant 0 : i32
      %dma_wait3A_2010 = arith.constant 0 : i32
      %dma_wait3A_2011 = tpu.memref_slice %arg7[%dma_wait3A_2009, %dma_wait3A_2010] : memref<10240x128xf32, #tpu.memory_space<vmem_shared>> -> memref<10240x128xf32, #tpu.memory_space<vmem_shared>>
      tpu.wait_indirect_dma semaphore(%run_scoped3A_1999 : memref<!tpu.dma_semaphore, #tpu.memory_space<semaphore_mem>>) src(%arg13 : memref<80x128xf32, #tpu.memory_space<vmem>>) dst(%dma_wait3A_2011 : memref<10240x128xf32, #tpu.memory_space<vmem_shared>>)
      tpu.yield
    }) : () -> ()
    %add3A_222 = arith.constant 320 : i32
    %add3A_223 = arith.addi %mul3A_5, %add3A_222 : i32
    %add3A_224 = arith.constant 0 : i32
    %add3A_225 = arith.addi %add3A_223, %add3A_224 : i32
    %add3A_226 = vector.broadcast %add3A_225 : i32 to vector<16xi32>
    %add3A_227 = arith.addi %add3A_226, %iota3A : vector<16xi32>
    %swap3A_228 = arith.constant 0 : i32
    %swap3A_229 = arith.index_cast %swap3A_228 : i32 to index
    %swap3A_230 = arith.constant 0 : index
    %swap3A_231 = tpu.vector_load %arg12[%swap3A_229, %swap3A_230] {strides = array<i32>} : memref<1x80xi32, #tpu.memory_space<vmem>>, vector<1x16xi32>,
    %swap3A_232 = vector.shape_cast %swap3A_231 : vector<1x16xi32> to vector<16xi32>
    %swap3A_233 = vector.shape_cast %add3A_227 : vector<16xi32> to vector<1x16xi32>
    tpu.vector_store %arg12[%swap3A_229, %swap3A_230], %swap3A_233 {strides = array<i32>} : memref<1x80xi32, #tpu.memory_space<vmem>>, vector<1x16xi32>,
    %add3A_234 = arith.constant 16 : i32
    %add3A_235 = arith.addi %add3A_223, %add3A_234 : i32
    %add3A_236 = vector.broadcast %add3A_235 : i32 to vector<16xi32>
    %add3A_237 = arith.addi %add3A_236, %iota3A : vector<16xi32>
    %swap3A_238 = arith.constant 0 : i32
    %swap3A_239 = arith.index_cast %swap3A_238 : i32 to index
    %swap3A_240 = arith.constant 16 : index
    %swap3A_241 = tpu.vector_load %arg12[%swap3A_239, %swap3A_240] {strides = array<i32>} : memref<1x80xi32, #tpu.memory_space<vmem>>, vector<1x16xi32>,
    %swap3A_242 = vector.shape_cast %swap3A_241 : vector<1x16xi32> to vector<16xi32>
    %swap3A_243 = vector.shape_cast %add3A_237 : vector<16xi32> to vector<1x16xi32>
    tpu.vector_store %arg12[%swap3A_239, %swap3A_240], %swap3A_243 {strides = array<i32>} : memref<1x80xi32, #tpu.memory_space<vmem>>, vector<1x16xi32>,
    %add3A_244 = arith.constant 32 : i32
    %add3A_245 = arith.addi %add3A_223, %add3A_244 : i32
    %add3A_246 = vector.broadcast %add3A_245 : i32 to vector<16xi32>
    %add3A_247 = arith.addi %add3A_246, %iota3A : vector<16xi32>
    %swap3A_248 = arith.constant 0 : i32
    %swap3A_249 = arith.index_cast %swap3A_248 : i32 to index
    %swap3A_250 = arith.constant 32 : index
    %swap3A_251 = tpu.vector_load %arg12[%swap3A_249, %swap3A_250] {strides = array<i32>} : memref<1x80xi32, #tpu.memory_space<vmem>>, vector<1x16xi32>,
    %swap3A_252 = vector.shape_cast %swap3A_251 : vector<1x16xi32> to vector<16xi32>
    %swap3A_253 = vector.shape_cast %add3A_247 : vector<16xi32> to vector<1x16xi32>
    tpu.vector_store %arg12[%swap3A_249, %swap3A_250], %swap3A_253 {strides = array<i32>} : memref<1x80xi32, #tpu.memory_space<vmem>>, vector<1x16xi32>,
    %add3A_254 = arith.constant 48 : i32
    %add3A_255 = arith.addi %add3A_223, %add3A_254 : i32
    %add3A_256 = vector.broadcast %add3A_255 : i32 to vector<16xi32>
    %add3A_257 = arith.addi %add3A_256, %iota3A : vector<16xi32>
    %swap3A_258 = arith.constant 0 : i32
    %swap3A_259 = arith.index_cast %swap3A_258 : i32 to index
    %swap3A_260 = arith.constant 48 : index
    %swap3A_261 = tpu.vector_load %arg12[%swap3A_259, %swap3A_260] {strides = array<i32>} : memref<1x80xi32, #tpu.memory_space<vmem>>, vector<1x16xi32>,
    %swap3A_262 = vector.shape_cast %swap3A_261 : vector<1x16xi32> to vector<16xi32>
    %swap3A_263 = vector.shape_cast %add3A_257 : vector<16xi32> to vector<1x16xi32>
    tpu.vector_store %arg12[%swap3A_259, %swap3A_260], %swap3A_263 {strides = array<i32>} : memref<1x80xi32, #tpu.memory_space<vmem>>, vector<1x16xi32>,
    %add3A_264 = arith.constant 64 : i32
    %add3A_265 = arith.addi %add3A_223, %add3A_264 : i32
    %add3A_266 = vector.broadcast %add3A_265 : i32 to vector<16xi32>
    %add3A_267 = arith.addi %add3A_266, %iota3A : vector<16xi32>
    %swap3A_268 = arith.constant 0 : i32
    %swap3A_269 = arith.index_cast %swap3A_268 : i32 to index
    %swap3A_270 = arith.constant 64 : index
    %swap3A_271 = tpu.vector_load %arg12[%swap3A_269, %swap3A_270] {strides = array<i32>} : memref<1x80xi32, #tpu.memory_space<vmem>>, vector<1x16xi32>,
    %swap3A_272 = vector.shape_cast %swap3A_271 : vector<1x16xi32> to vector<16xi32>
    %swap3A_273 = vector.shape_cast %add3A_267 : vector<16xi32> to vector<1x16xi32>
    tpu.vector_store %arg12[%swap3A_269, %swap3A_270], %swap3A_273 {strides = array<i32>} : memref<1x80xi32, #tpu.memory_space<vmem>>, vector<1x16xi32>,
    %run_scoped3A_274 = arith.constant 0 : i32
    "tpu.region"() ({
      %run_scoped3A_1999 = tpu.sem_alloc : memref<!tpu.dma_semaphore, #tpu.memory_space<semaphore_mem>>
      %dma_start3A_2000 = arith.constant 0 : i32
      %dma_start3A_2001 = tpu.memref_slice %arg12[%run_scoped3A_274, %dma_start3A_2000] : memref<1x80xi32, #tpu.memory_space<vmem>> -> memref<1x80xi32, #tpu.memory_space<vmem>>
      %dma_start3A_2002 = tpu.memref_squeeze %dma_start3A_2001 : memref<1x80xi32, #tpu.memory_space<vmem>> -> memref<80xi32, #tpu.memory_space<vmem>>
      %dma_start3A_2003 = arith.constant 0 : i32
      %dma_start3A_2004 = arith.constant 0 : i32
      %dma_start3A_2005 = tpu.memref_slice %arg7[%dma_start3A_2003, %dma_start3A_2004] : memref<10240x128xf32, #tpu.memory_space<vmem_shared>> -> memref<10240x128xf32, #tpu.memory_space<vmem_shared>>
      tpu.enqueue_indirect_dma source(%arg13 : memref<80x128xf32, #tpu.memory_space<vmem>>) target(%dma_start3A_2005 : memref<10240x128xf32, #tpu.memory_space<vmem_shared>>) offsets(%dma_start3A_2002 : memref<80xi32, #tpu.memory_space<vmem>>) semaphore(%run_scoped3A_1999 : memref<!tpu.dma_semaphore, #tpu.memory_space<semaphore_mem>>)
      %dma_wait3A_2006 = arith.constant 0 : i32
      %dma_wait3A_2007 = tpu.memref_slice %arg12[%run_scoped3A_274, %dma_wait3A_2006] : memref<1x80xi32, #tpu.memory_space<vmem>> -> memref<1x80xi32, #tpu.memory_space<vmem>>
      %dma_wait3A_2008 = tpu.memref_squeeze %dma_wait3A_2007 : memref<1x80xi32, #tpu.memory_space<vmem>> -> memref<80xi32, #tpu.memory_space<vmem>>
      %dma_wait3A_2009 = arith.constant 0 : i32
      %dma_wait3A_2010 = arith.constant 0 : i32
      %dma_wait3A_2011 = tpu.memref_slice %arg7[%dma_wait3A_2009, %dma_wait3A_2010] : memref<10240x128xf32, #tpu.memory_space<vmem_shared>> -> memref<10240x128xf32, #tpu.memory_space<vmem_shared>>
      tpu.wait_indirect_dma semaphore(%run_scoped3A_1999 : memref<!tpu.dma_semaphore, #tpu.memory_space<semaphore_mem>>) src(%arg13 : memref<80x128xf32, #tpu.memory_space<vmem>>) dst(%dma_wait3A_2011 : memref<10240x128xf32, #tpu.memory_space<vmem_shared>>)
      tpu.yield
    }) : () -> ()
    %add3A_275 = arith.constant 400 : i32
    %add3A_276 = arith.addi %mul3A_5, %add3A_275 : i32
    %add3A_277 = arith.constant 0 : i32
    %add3A_278 = arith.addi %add3A_276, %add3A_277 : i32
    %add3A_279 = vector.broadcast %add3A_278 : i32 to vector<16xi32>
    %add3A_280 = arith.addi %add3A_279, %iota3A : vector<16xi32>
    %swap3A_281 = arith.constant 0 : i32
    %swap3A_282 = arith.index_cast %swap3A_281 : i32 to index
    %swap3A_283 = arith.constant 0 : index
    %swap3A_284 = tpu.vector_load %arg12[%swap3A_282, %swap3A_283] {strides = array<i32>} : memref<1x80xi32, #tpu.memory_space<vmem>>, vector<1x16xi32>,
    %swap3A_285 = vector.shape_cast %swap3A_284 : vector<1x16xi32> to vector<16xi32>
    %swap3A_286 = vector.shape_cast %add3A_280 : vector<16xi32> to vector<1x16xi32>
    tpu.vector_store %arg12[%swap3A_282, %swap3A_283], %swap3A_286 {strides = array<i32>} : memref<1x80xi32, #tpu.memory_space<vmem>>, vector<1x16xi32>,
    %add3A_287 = arith.constant 16 : i32
    %add3A_288 = arith.addi %add3A_276, %add3A_287 : i32
    %add3A_289 = vector.broadcast %add3A_288 : i32 to vector<16xi32>
    %add3A_290 = arith.addi %add3A_289, %iota3A : vector<16xi32>
    %swap3A_291 = arith.constant 0 : i32
    %swap3A_292 = arith.index_cast %swap3A_291 : i32 to index
    %swap3A_293 = arith.constant 16 : index
    %swap3A_294 = tpu.vector_load %arg12[%swap3A_292, %swap3A_293] {strides = array<i32>} : memref<1x80xi32, #tpu.memory_space<vmem>>, vector<1x16xi32>,
    %swap3A_295 = vector.shape_cast %swap3A_294 : vector<1x16xi32> to vector<16xi32>
    %swap3A_296 = vector.shape_cast %add3A_290 : vector<16xi32> to vector<1x16xi32>
    tpu.vector_store %arg12[%swap3A_292, %swap3A_293], %swap3A_296 {strides = array<i32>} : memref<1x80xi32, #tpu.memory_space<vmem>>, vector<1x16xi32>,
    %add3A_297 = arith.constant 32 : i32
    %add3A_298 = arith.addi %add3A_276, %add3A_297 : i32
    %add3A_299 = vector.broadcast %add3A_298 : i32 to vector<16xi32>
    %add3A_300 = arith.addi %add3A_299, %iota3A : vector<16xi32>
    %swap3A_301 = arith.constant 0 : i32
    %swap3A_302 = arith.index_cast %swap3A_301 : i32 to index
    %swap3A_303 = arith.constant 32 : index
    %swap3A_304 = tpu.vector_load %arg12[%swap3A_302, %swap3A_303] {strides = array<i32>} : memref<1x80xi32, #tpu.memory_space<vmem>>, vector<1x16xi32>,
    %swap3A_305 = vector.shape_cast %swap3A_304 : vector<1x16xi32> to vector<16xi32>
    %swap3A_306 = vector.shape_cast %add3A_300 : vector<16xi32> to vector<1x16xi32>
    tpu.vector_store %arg12[%swap3A_302, %swap3A_303], %swap3A_306 {strides = array<i32>} : memref<1x80xi32, #tpu.memory_space<vmem>>, vector<1x16xi32>,
    %add3A_307 = arith.constant 48 : i32
    %add3A_308 = arith.addi %add3A_276, %add3A_307 : i32
    %add3A_309 = vector.broadcast %add3A_308 : i32 to vector<16xi32>
    %add3A_310 = arith.addi %add3A_309, %iota3A : vector<16xi32>
    %swap3A_311 = arith.constant 0 : i32
    %swap3A_312 = arith.index_cast %swap3A_311 : i32 to index
    %swap3A_313 = arith.constant 48 : index
    %swap3A_314 = tpu.vector_load %arg12[%swap3A_312, %swap3A_313] {strides = array<i32>} : memref<1x80xi32, #tpu.memory_space<vmem>>, vector<1x16xi32>,
    %swap3A_315 = vector.shape_cast %swap3A_314 : vector<1x16xi32> to vector<16xi32>
    %swap3A_316 = vector.shape_cast %add3A_310 : vector<16xi32> to vector<1x16xi32>
    tpu.vector_store %arg12[%swap3A_312, %swap3A_313], %swap3A_316 {strides = array<i32>} : memref<1x80xi32, #tpu.memory_space<vmem>>, vector<1x16xi32>,
    %add3A_317 = arith.constant 64 : i32
    %add3A_318 = arith.addi %add3A_276, %add3A_317 : i32
    %add3A_319 = vector.broadcast %add3A_318 : i32 to vector<16xi32>
    %add3A_320 = arith.addi %add3A_319, %iota3A : vector<16xi32>
    %swap3A_321 = arith.constant 0 : i32
    %swap3A_322 = arith.index_cast %swap3A_321 : i32 to index
    %swap3A_323 = arith.constant 64 : index
    %swap3A_324 = tpu.vector_load %arg12[%swap3A_322, %swap3A_323] {strides = array<i32>} : memref<1x80xi32, #tpu.memory_space<vmem>>, vector<1x16xi32>,
    %swap3A_325 = vector.shape_cast %swap3A_324 : vector<1x16xi32> to vector<16xi32>
    %swap3A_326 = vector.shape_cast %add3A_320 : vector<16xi32> to vector<1x16xi32>
    tpu.vector_store %arg12[%swap3A_322, %swap3A_323], %swap3A_326 {strides = array<i32>} : memref<1x80xi32, #tpu.memory_space<vmem>>, vector<1x16xi32>,
    %run_scoped3A_327 = arith.constant 0 : i32
    "tpu.region"() ({
      %run_scoped3A_1999 = tpu.sem_alloc : memref<!tpu.dma_semaphore, #tpu.memory_space<semaphore_mem>>
      %dma_start3A_2000 = arith.constant 0 : i32
      %dma_start3A_2001 = tpu.memref_slice %arg12[%run_scoped3A_327, %dma_start3A_2000] : memref<1x80xi32, #tpu.memory_space<vmem>> -> memref<1x80xi32, #tpu.memory_space<vmem>>
      %dma_start3A_2002 = tpu.memref_squeeze %dma_start3A_2001 : memref<1x80xi32, #tpu.memory_space<vmem>> -> memref<80xi32, #tpu.memory_space<vmem>>
      %dma_start3A_2003 = arith.constant 0 : i32
      %dma_start3A_2004 = arith.constant 0 : i32
      %dma_start3A_2005 = tpu.memref_slice %arg7[%dma_start3A_2003, %dma_start3A_2004] : memref<10240x128xf32, #tpu.memory_space<vmem_shared>> -> memref<10240x128xf32, #tpu.memory_space<vmem_shared>>
      tpu.enqueue_indirect_dma source(%arg13 : memref<80x128xf32, #tpu.memory_space<vmem>>) target(%dma_start3A_2005 : memref<10240x128xf32, #tpu.memory_space<vmem_shared>>) offsets(%dma_start3A_2002 : memref<80xi32, #tpu.memory_space<vmem>>) semaphore(%run_scoped3A_1999 : memref<!tpu.dma_semaphore, #tpu.memory_space<semaphore_mem>>)
      %dma_wait3A_2006 = arith.constant 0 : i32
      %dma_wait3A_2007 = tpu.memref_slice %arg12[%run_scoped3A_327, %dma_wait3A_2006] : memref<1x80xi32, #tpu.memory_space<vmem>> -> memref<1x80xi32, #tpu.memory_space<vmem>>
      %dma_wait3A_2008 = tpu.memref_squeeze %dma_wait3A_2007 : memref<1x80xi32, #tpu.memory_space<vmem>> -> memref<80xi32, #tpu.memory_space<vmem>>
      %dma_wait3A_2009 = arith.constant 0 : i32
      %dma_wait3A_2010 = arith.constant 0 : i32
      %dma_wait3A_2011 = tpu.memref_slice %arg7[%dma_wait3A_2009, %dma_wait3A_2010] : memref<10240x128xf32, #tpu.memory_space<vmem_shared>> -> memref<10240x128xf32, #tpu.memory_space<vmem_shared>>
      tpu.wait_indirect_dma semaphore(%run_scoped3A_1999 : memref<!tpu.dma_semaphore, #tpu.memory_space<semaphore_mem>>) src(%arg13 : memref<80x128xf32, #tpu.memory_space<vmem>>) dst(%dma_wait3A_2011 : memref<10240x128xf32, #tpu.memory_space<vmem_shared>>)
      tpu.yield
    }) : () -> ()
    %add3A_328 = arith.constant 480 : i32
    %add3A_329 = arith.addi %mul3A_5, %add3A_328 : i32
    %add3A_330 = arith.constant 0 : i32
    %add3A_331 = arith.addi %add3A_329, %add3A_330 : i32
    %add3A_332 = vector.broadcast %add3A_331 : i32 to vector<16xi32>
    %add3A_333 = arith.addi %add3A_332, %iota3A : vector<16xi32>
    %swap3A_334 = arith.constant 0 : i32
    %swap3A_335 = arith.index_cast %swap3A_334 : i32 to index
    %swap3A_336 = arith.constant 0 : index
    %swap3A_337 = tpu.vector_load %arg12[%swap3A_335, %swap3A_336] {strides = array<i32>} : memref<1x80xi32, #tpu.memory_space<vmem>>, vector<1x16xi32>,
    %swap3A_338 = vector.shape_cast %swap3A_337 : vector<1x16xi32> to vector<16xi32>
    %swap3A_339 = vector.shape_cast %add3A_333 : vector<16xi32> to vector<1x16xi32>
    tpu.vector_store %arg12[%swap3A_335, %swap3A_336], %swap3A_339 {strides = array<i32>} : memref<1x80xi32, #tpu.memory_space<vmem>>, vector<1x16xi32>,
    %add3A_340 = arith.constant 16 : i32
    %add3A_341 = arith.addi %add3A_329, %add3A_340 : i32
    %add3A_342 = vector.broadcast %add3A_341 : i32 to vector<16xi32>
    %add3A_343 = arith.addi %add3A_342, %iota3A : vector<16xi32>
    %swap3A_344 = arith.constant 0 : i32
    %swap3A_345 = arith.index_cast %swap3A_344 : i32 to index
    %swap3A_346 = arith.constant 16 : index
    %swap3A_347 = tpu.vector_load %arg12[%swap3A_345, %swap3A_346] {strides = array<i32>} : memref<1x80xi32, #tpu.memory_space<vmem>>, vector<1x16xi32>,
    %swap3A_348 = vector.shape_cast %swap3A_347 : vector<1x16xi32> to vector<16xi32>
    %swap3A_349 = vector.shape_cast %add3A_343 : vector<16xi32> to vector<1x16xi32>
    tpu.vector_store %arg12[%swap3A_345, %swap3A_346], %swap3A_349 {strides = array<i32>} : memref<1x80xi32, #tpu.memory_space<vmem>>, vector<1x16xi32>,
    %add3A_350 = arith.constant 32 : i32
    %add3A_351 = arith.addi %add3A_329, %add3A_350 : i32
    %add3A_352 = vector.broadcast %add3A_351 : i32 to vector<16xi32>
    %add3A_353 = arith.addi %add3A_352, %iota3A : vector<16xi32>
    %swap3A_354 = arith.constant 0 : i32
    %swap3A_355 = arith.index_cast %swap3A_354 : i32 to index
    %swap3A_356 = arith.constant 32 : index
    %swap3A_357 = tpu.vector_load %arg12[%swap3A_355, %swap3A_356] {strides = array<i32>} : memref<1x80xi32, #tpu.memory_space<vmem>>, vector<1x16xi32>,
    %swap3A_358 = vector.shape_cast %swap3A_357 : vector<1x16xi32> to vector<16xi32>
    %swap3A_359 = vector.shape_cast %add3A_353 : vector<16xi32> to vector<1x16xi32>
    tpu.vector_store %arg12[%swap3A_355, %swap3A_356], %swap3A_359 {strides = array<i32>} : memref<1x80xi32, #tpu.memory_space<vmem>>, vector<1x16xi32>,
    %add3A_360 = arith.constant 48 : i32
    %add3A_361 = arith.addi %add3A_329, %add3A_360 : i32
    %add3A_362 = vector.broadcast %add3A_361 : i32 to vector<16xi32>
    %add3A_363 = arith.addi %add3A_362, %iota3A : vector<16xi32>
    %swap3A_364 = arith.constant 0 : i32
    %swap3A_365 = arith.index_cast %swap3A_364 : i32 to index
    %swap3A_366 = arith.constant 48 : index
    %swap3A_367 = tpu.vector_load %arg12[%swap3A_365, %swap3A_366] {strides = array<i32>} : memref<1x80xi32, #tpu.memory_space<vmem>>, vector<1x16xi32>,
    %swap3A_368 = vector.shape_cast %swap3A_367 : vector<1x16xi32> to vector<16xi32>
    %swap3A_369 = vector.shape_cast %add3A_363 : vector<16xi32> to vector<1x16xi32>
    tpu.vector_store %arg12[%swap3A_365, %swap3A_366], %swap3A_369 {strides = array<i32>} : memref<1x80xi32, #tpu.memory_space<vmem>>, vector<1x16xi32>,
    %add3A_370 = arith.constant 64 : i32
    %add3A_371 = arith.addi %add3A_329, %add3A_370 : i32
    %add3A_372 = vector.broadcast %add3A_371 : i32 to vector<16xi32>
    %add3A_373 = arith.addi %add3A_372, %iota3A : vector<16xi32>
    %swap3A_374 = arith.constant 0 : i32
    %swap3A_375 = arith.index_cast %swap3A_374 : i32 to index
    %swap3A_376 = arith.constant 64 : index
    %swap3A_377 = tpu.vector_load %arg12[%swap3A_375, %swap3A_376] {strides = array<i32>} : memref<1x80xi32, #tpu.memory_space<vmem>>, vector<1x16xi32>,
    %swap3A_378 = vector.shape_cast %swap3A_377 : vector<1x16xi32> to vector<16xi32>
    %swap3A_379 = vector.shape_cast %add3A_373 : vector<16xi32> to vector<1x16xi32>
    tpu.vector_store %arg12[%swap3A_375, %swap3A_376], %swap3A_379 {strides = array<i32>} : memref<1x80xi32, #tpu.memory_space<vmem>>, vector<1x16xi32>,
    %run_scoped3A_380 = arith.constant 0 : i32
    "tpu.region"() ({
      %run_scoped3A_1999 = tpu.sem_alloc : memref<!tpu.dma_semaphore, #tpu.memory_space<semaphore_mem>>
      %dma_start3A_2000 = arith.constant 0 : i32
      %dma_start3A_2001 = tpu.memref_slice %arg12[%run_scoped3A_380, %dma_start3A_2000] : memref<1x80xi32, #tpu.memory_space<vmem>> -> memref<1x80xi32, #tpu.memory_space<vmem>>
      %dma_start3A_2002 = tpu.memref_squeeze %dma_start3A_2001 : memref<1x80xi32, #tpu.memory_space<vmem>> -> memref<80xi32, #tpu.memory_space<vmem>>
      %dma_start3A_2003 = arith.constant 0 : i32
      %dma_start3A_2004 = arith.constant 0 : i32
      %dma_start3A_2005 = tpu.memref_slice %arg7[%dma_start3A_2003, %dma_start3A_2004] : memref<10240x128xf32, #tpu.memory_space<vmem_shared>> -> memref<10240x128xf32, #tpu.memory_space<vmem_shared>>
      tpu.enqueue_indirect_dma source(%arg13 : memref<80x128xf32, #tpu.memory_space<vmem>>) target(%dma_start3A_2005 : memref<10240x128xf32, #tpu.memory_space<vmem_shared>>) offsets(%dma_start3A_2002 : memref<80xi32, #tpu.memory_space<vmem>>) semaphore(%run_scoped3A_1999 : memref<!tpu.dma_semaphore, #tpu.memory_space<semaphore_mem>>)
      %dma_wait3A_2006 = arith.constant 0 : i32
      %dma_wait3A_2007 = tpu.memref_slice %arg12[%run_scoped3A_380, %dma_wait3A_2006] : memref<1x80xi32, #tpu.memory_space<vmem>> -> memref<1x80xi32, #tpu.memory_space<vmem>>
      %dma_wait3A_2008 = tpu.memref_squeeze %dma_wait3A_2007 : memref<1x80xi32, #tpu.memory_space<vmem>> -> memref<80xi32, #tpu.memory_space<vmem>>
      %dma_wait3A_2009 = arith.constant 0 : i32
      %dma_wait3A_2010 = arith.constant 0 : i32
      %dma_wait3A_2011 = tpu.memref_slice %arg7[%dma_wait3A_2009, %dma_wait3A_2010] : memref<10240x128xf32, #tpu.memory_space<vmem_shared>> -> memref<10240x128xf32, #tpu.memory_space<vmem_shared>>
      tpu.wait_indirect_dma semaphore(%run_scoped3A_1999 : memref<!tpu.dma_semaphore, #tpu.memory_space<semaphore_mem>>) src(%arg13 : memref<80x128xf32, #tpu.memory_space<vmem>>) dst(%dma_wait3A_2011 : memref<10240x128xf32, #tpu.memory_space<vmem_shared>>)
      tpu.yield
    }) : () -> ()
    %add3A_381 = arith.constant 560 : i32
    %add3A_382 = arith.addi %mul3A_5, %add3A_381 : i32
    %add3A_383 = arith.constant 0 : i32
    %add3A_384 = arith.addi %add3A_382, %add3A_383 : i32
    %add3A_385 = vector.broadcast %add3A_384 : i32 to vector<16xi32>
    %add3A_386 = arith.addi %add3A_385, %iota3A : vector<16xi32>
    %swap3A_387 = arith.constant 0 : i32
    %swap3A_388 = arith.index_cast %swap3A_387 : i32 to index
    %swap3A_389 = arith.constant 0 : index
    %swap3A_390 = tpu.vector_load %arg12[%swap3A_388, %swap3A_389] {strides = array<i32>} : memref<1x80xi32, #tpu.memory_space<vmem>>, vector<1x16xi32>,
    %swap3A_391 = vector.shape_cast %swap3A_390 : vector<1x16xi32> to vector<16xi32>
    %swap3A_392 = vector.shape_cast %add3A_386 : vector<16xi32> to vector<1x16xi32>
    tpu.vector_store %arg12[%swap3A_388, %swap3A_389], %swap3A_392 {strides = array<i32>} : memref<1x80xi32, #tpu.memory_space<vmem>>, vector<1x16xi32>,
    %add3A_393 = arith.constant 16 : i32
    %add3A_394 = arith.addi %add3A_382, %add3A_393 : i32
    %add3A_395 = vector.broadcast %add3A_394 : i32 to vector<16xi32>
    %add3A_396 = arith.addi %add3A_395, %iota3A : vector<16xi32>
    %swap3A_397 = arith.constant 0 : i32
    %swap3A_398 = arith.index_cast %swap3A_397 : i32 to index
    %swap3A_399 = arith.constant 16 : index
    %swap3A_400 = tpu.vector_load %arg12[%swap3A_398, %swap3A_399] {strides = array<i32>} : memref<1x80xi32, #tpu.memory_space<vmem>>, vector<1x16xi32>,
    %swap3A_401 = vector.shape_cast %swap3A_400 : vector<1x16xi32> to vector<16xi32>
    %swap3A_402 = vector.shape_cast %add3A_396 : vector<16xi32> to vector<1x16xi32>
    tpu.vector_store %arg12[%swap3A_398, %swap3A_399], %swap3A_402 {strides = array<i32>} : memref<1x80xi32, #tpu.memory_space<vmem>>, vector<1x16xi32>,
    %add3A_403 = arith.constant 32 : i32
    %add3A_404 = arith.addi %add3A_382, %add3A_403 : i32
    %add3A_405 = vector.broadcast %add3A_404 : i32 to vector<16xi32>
    %add3A_406 = arith.addi %add3A_405, %iota3A : vector<16xi32>
    %swap3A_407 = arith.constant 0 : i32
    %swap3A_408 = arith.index_cast %swap3A_407 : i32 to index
    %swap3A_409 = arith.constant 32 : index
    %swap3A_410 = tpu.vector_load %arg12[%swap3A_408, %swap3A_409] {strides = array<i32>} : memref<1x80xi32, #tpu.memory_space<vmem>>, vector<1x16xi32>,
    %swap3A_411 = vector.shape_cast %swap3A_410 : vector<1x16xi32> to vector<16xi32>
    %swap3A_412 = vector.shape_cast %add3A_406 : vector<16xi32> to vector<1x16xi32>
    tpu.vector_store %arg12[%swap3A_408, %swap3A_409], %swap3A_412 {strides = array<i32>} : memref<1x80xi32, #tpu.memory_space<vmem>>, vector<1x16xi32>,
    %add3A_413 = arith.constant 48 : i32
    %add3A_414 = arith.addi %add3A_382, %add3A_413 : i32
    %add3A_415 = vector.broadcast %add3A_414 : i32 to vector<16xi32>
    %add3A_416 = arith.addi %add3A_415, %iota3A : vector<16xi32>
    %swap3A_417 = arith.constant 0 : i32
    %swap3A_418 = arith.index_cast %swap3A_417 : i32 to index
    %swap3A_419 = arith.constant 48 : index
    %swap3A_420 = tpu.vector_load %arg12[%swap3A_418, %swap3A_419] {strides = array<i32>} : memref<1x80xi32, #tpu.memory_space<vmem>>, vector<1x16xi32>,
    %swap3A_421 = vector.shape_cast %swap3A_420 : vector<1x16xi32> to vector<16xi32>
    %swap3A_422 = vector.shape_cast %add3A_416 : vector<16xi32> to vector<1x16xi32>
    tpu.vector_store %arg12[%swap3A_418, %swap3A_419], %swap3A_422 {strides = array<i32>} : memref<1x80xi32, #tpu.memory_space<vmem>>, vector<1x16xi32>,
    %add3A_423 = arith.constant 64 : i32
    %add3A_424 = arith.addi %add3A_382, %add3A_423 : i32
    %add3A_425 = vector.broadcast %add3A_424 : i32 to vector<16xi32>
    %add3A_426 = arith.addi %add3A_425, %iota3A : vector<16xi32>
    %swap3A_427 = arith.constant 0 : i32
    %swap3A_428 = arith.index_cast %swap3A_427 : i32 to index
    %swap3A_429 = arith.constant 64 : index
    %swap3A_430 = tpu.vector_load %arg12[%swap3A_428, %swap3A_429] {strides = array<i32>} : memref<1x80xi32, #tpu.memory_space<vmem>>, vector<1x16xi32>,
    %swap3A_431 = vector.shape_cast %swap3A_430 : vector<1x16xi32> to vector<16xi32>
    %swap3A_432 = vector.shape_cast %add3A_426 : vector<16xi32> to vector<1x16xi32>
    tpu.vector_store %arg12[%swap3A_428, %swap3A_429], %swap3A_432 {strides = array<i32>} : memref<1x80xi32, #tpu.memory_space<vmem>>, vector<1x16xi32>,
    %run_scoped3A_433 = arith.constant 0 : i32
    "tpu.region"() ({
      %run_scoped3A_1999 = tpu.sem_alloc : memref<!tpu.dma_semaphore, #tpu.memory_space<semaphore_mem>>
      %dma_start3A_2000 = arith.constant 0 : i32
      %dma_start3A_2001 = tpu.memref_slice %arg12[%run_scoped3A_433, %dma_start3A_2000] : memref<1x80xi32, #tpu.memory_space<vmem>> -> memref<1x80xi32, #tpu.memory_space<vmem>>
      %dma_start3A_2002 = tpu.memref_squeeze %dma_start3A_2001 : memref<1x80xi32, #tpu.memory_space<vmem>> -> memref<80xi32, #tpu.memory_space<vmem>>
      %dma_start3A_2003 = arith.constant 0 : i32
      %dma_start3A_2004 = arith.constant 0 : i32
      %dma_start3A_2005 = tpu.memref_slice %arg7[%dma_start3A_2003, %dma_start3A_2004] : memref<10240x128xf32, #tpu.memory_space<vmem_shared>> -> memref<10240x128xf32, #tpu.memory_space<vmem_shared>>
      tpu.enqueue_indirect_dma source(%arg13 : memref<80x128xf32, #tpu.memory_space<vmem>>) target(%dma_start3A_2005 : memref<10240x128xf32, #tpu.memory_space<vmem_shared>>) offsets(%dma_start3A_2002 : memref<80xi32, #tpu.memory_space<vmem>>) semaphore(%run_scoped3A_1999 : memref<!tpu.dma_semaphore, #tpu.memory_space<semaphore_mem>>)
      %dma_wait3A_2006 = arith.constant 0 : i32
      %dma_wait3A_2007 = tpu.memref_slice %arg12[%run_scoped3A_433, %dma_wait3A_2006] : memref<1x80xi32, #tpu.memory_space<vmem>> -> memref<1x80xi32, #tpu.memory_space<vmem>>
      %dma_wait3A_2008 = tpu.memref_squeeze %dma_wait3A_2007 : memref<1x80xi32, #tpu.memory_space<vmem>> -> memref<80xi32, #tpu.memory_space<vmem>>
      %dma_wait3A_2009 = arith.constant 0 : i32
      %dma_wait3A_2010 = arith.constant 0 : i32
      %dma_wait3A_2011 = tpu.memref_slice %arg7[%dma_wait3A_2009, %dma_wait3A_2010] : memref<10240x128xf32, #tpu.memory_space<vmem_shared>> -> memref<10240x128xf32, #tpu.memory_space<vmem_shared>>
      tpu.wait_indirect_dma semaphore(%run_scoped3A_1999 : memref<!tpu.dma_semaphore, #tpu.memory_space<semaphore_mem>>) src(%arg13 : memref<80x128xf32, #tpu.memory_space<vmem>>) dst(%dma_wait3A_2011 : memref<10240x128xf32, #tpu.memory_space<vmem_shared>>)
      tpu.yield
    }) : () -> ()
    %barrier3A = arith.constant 0 : index
    tpu.barrier barrier_id(%barrier3A)
    %scan3A_434 = arith.constant 0 : i32
    %scan3A_435 = arith.constant 0 : i32
    %scan3A_436 = arith.constant 62 : i32
    %scan3A_437 = arith.addi %scan3A_435, %scan3A_436 : i32
    %scan3A_438 = arith.constant 1 : i32
    %scan3A_439 = scf.for %scan3A_1999 = %scan3A_435 to %scan3A_437 step %scan3A_438 iter_args(%scan3A_2000 = %scan3A_434) -> (i32)  : i32 {
      %mul3A_2001 = arith.constant 10000 : i32
      %mul3A_2002 = arith.muli %add3A, %mul3A_2001 : i32
      %mul3A_2003 = arith.constant 160 : i32
      %mul3A_2004 = arith.muli %scan3A_1999, %mul3A_2003 : i32
      %add3A_2005 = arith.addi %mul3A_2002, %mul3A_2004 : i32
      %add3A_2006 = arith.constant 80 : i32
      %add3A_2007 = arith.addi %add3A_2005, %add3A_2006 : i32
      %run_scoped3A_2008 = arith.constant 0 : i32
      "tpu.region"() ({
        %run_scoped3A_2069 = tpu.sem_alloc : memref<!tpu.dma_semaphore, #tpu.memory_space<semaphore_mem>>
        %dma_start3A_2070 = arith.constant 0 : i32
        %dma_start3A_2071 = tpu.memref_slice %arg8[%run_scoped3A_2008, %dma_start3A_2070] : memref<1x80xi32, #tpu.memory_space<vmem>> -> memref<1x80xi32, #tpu.memory_space<vmem>>
        %dma_start3A_2072 = tpu.memref_squeeze %dma_start3A_2071 : memref<1x80xi32, #tpu.memory_space<vmem>> -> memref<80xi32, #tpu.memory_space<vmem>>
        %dma_start3A_2073 = tpu.memref_slice %arg3[%add3A_2005] : memref<320000xi32, #tpu.memory_space<hbm>> -> memref<80xi32, #tpu.memory_space<hbm>>
        %dma_start3A_2074 = arith.constant 0 : i32
        %dma_start3A_2075 = tpu.memref_slice %arg8[%run_scoped3A_2008, %dma_start3A_2074] : memref<1x80xi32, #tpu.memory_space<vmem>> -> memref<1x80xi32, #tpu.memory_space<vmem>>
        %dma_start3A_2076 = tpu.memref_squeeze %dma_start3A_2075 : memref<1x80xi32, #tpu.memory_space<vmem>> -> memref<80xi32, #tpu.memory_space<vmem>>
        %dma_start3A_2077 = tpu.memref_slice %arg3[%add3A_2005] : memref<320000xi32, #tpu.memory_space<hbm>> -> memref<80xi32, #tpu.memory_space<hbm>>
        tpu.enqueue_dma source(%dma_start3A_2077 : memref<80xi32, #tpu.memory_space<hbm>>) target(%dma_start3A_2076 : memref<80xi32, #tpu.memory_space<vmem>>) target_semaphore(%run_scoped3A_2069 : memref<!tpu.dma_semaphore, #tpu.memory_space<semaphore_mem>>)
        %dma_wait3A_2078 = arith.constant 0 : i32
        %dma_wait3A_2079 = tpu.memref_slice %arg8[%run_scoped3A_2008, %dma_wait3A_2078] : memref<1x80xi32, #tpu.memory_space<vmem>> -> memref<1x80xi32, #tpu.memory_space<vmem>>
        %dma_wait3A_2080 = tpu.memref_squeeze %dma_wait3A_2079 : memref<1x80xi32, #tpu.memory_space<vmem>> -> memref<80xi32, #tpu.memory_space<vmem>>
        %dma_wait3A_2081 = tpu.memref_slice %arg3[%add3A_2005] : memref<320000xi32, #tpu.memory_space<hbm>> -> memref<80xi32, #tpu.memory_space<hbm>>
        %dma_wait3A_2082 = arith.constant 0 : i32
        %dma_wait3A_2083 = tpu.memref_slice %arg8[%run_scoped3A_2008, %dma_wait3A_2082] : memref<1x80xi32, #tpu.memory_space<vmem>> -> memref<1x80xi32, #tpu.memory_space<vmem>>
        %dma_wait3A_2084 = tpu.memref_squeeze %dma_wait3A_2083 : memref<1x80xi32, #tpu.memory_space<vmem>> -> memref<80xi32, #tpu.memory_space<vmem>>
        %dma_wait3A_2085 = tpu.memref_slice %arg3[%add3A_2005] : memref<320000xi32, #tpu.memory_space<hbm>> -> memref<80xi32, #tpu.memory_space<hbm>>
        tpu.wait_dma2 semaphore(%run_scoped3A_2069 : memref<!tpu.dma_semaphore, #tpu.memory_space<semaphore_mem>>) src(%dma_wait3A_2085 : memref<80xi32, #tpu.memory_space<hbm>>) dst(%dma_wait3A_2084 : memref<80xi32, #tpu.memory_space<vmem>>)
        tpu.yield
      }) : () -> ()
      %run_scoped3A_2009 = arith.constant 0 : i32
      "tpu.region"() ({
        %run_scoped3A_2069 = tpu.sem_alloc : memref<!tpu.dma_semaphore, #tpu.memory_space<semaphore_mem>>
        %dma_start3A_2070 = arith.constant 0 : i32
        %dma_start3A_2071 = tpu.memref_slice %arg9[%run_scoped3A_2009, %dma_start3A_2070] : memref<1x80xi32, #tpu.memory_space<vmem>> -> memref<1x80xi32, #tpu.memory_space<vmem>>
        %dma_start3A_2072 = tpu.memref_squeeze %dma_start3A_2071 : memref<1x80xi32, #tpu.memory_space<vmem>> -> memref<80xi32, #tpu.memory_space<vmem>>
        %dma_start3A_2073 = tpu.memref_slice %arg4[%add3A_2005] : memref<320000xi32, #tpu.memory_space<hbm>> -> memref<80xi32, #tpu.memory_space<hbm>>
        %dma_start3A_2074 = arith.constant 0 : i32
        %dma_start3A_2075 = tpu.memref_slice %arg9[%run_scoped3A_2009, %dma_start3A_2074] : memref<1x80xi32, #tpu.memory_space<vmem>> -> memref<1x80xi32, #tpu.memory_space<vmem>>
        %dma_start3A_2076 = tpu.memref_squeeze %dma_start3A_2075 : memref<1x80xi32, #tpu.memory_space<vmem>> -> memref<80xi32, #tpu.memory_space<vmem>>
        %dma_start3A_2077 = tpu.memref_slice %arg4[%add3A_2005] : memref<320000xi32, #tpu.memory_space<hbm>> -> memref<80xi32, #tpu.memory_space<hbm>>
        tpu.enqueue_dma source(%dma_start3A_2077 : memref<80xi32, #tpu.memory_space<hbm>>) target(%dma_start3A_2076 : memref<80xi32, #tpu.memory_space<vmem>>) target_semaphore(%run_scoped3A_2069 : memref<!tpu.dma_semaphore, #tpu.memory_space<semaphore_mem>>)
        %dma_wait3A_2078 = arith.constant 0 : i32
        %dma_wait3A_2079 = tpu.memref_slice %arg9[%run_scoped3A_2009, %dma_wait3A_2078] : memref<1x80xi32, #tpu.memory_space<vmem>> -> memref<1x80xi32, #tpu.memory_space<vmem>>
        %dma_wait3A_2080 = tpu.memref_squeeze %dma_wait3A_2079 : memref<1x80xi32, #tpu.memory_space<vmem>> -> memref<80xi32, #tpu.memory_space<vmem>>
        %dma_wait3A_2081 = tpu.memref_slice %arg4[%add3A_2005] : memref<320000xi32, #tpu.memory_space<hbm>> -> memref<80xi32, #tpu.memory_space<hbm>>
        %dma_wait3A_2082 = arith.constant 0 : i32
        %dma_wait3A_2083 = tpu.memref_slice %arg9[%run_scoped3A_2009, %dma_wait3A_2082] : memref<1x80xi32, #tpu.memory_space<vmem>> -> memref<1x80xi32, #tpu.memory_space<vmem>>
        %dma_wait3A_2084 = tpu.memref_squeeze %dma_wait3A_2083 : memref<1x80xi32, #tpu.memory_space<vmem>> -> memref<80xi32, #tpu.memory_space<vmem>>
        %dma_wait3A_2085 = tpu.memref_slice %arg4[%add3A_2005] : memref<320000xi32, #tpu.memory_space<hbm>> -> memref<80xi32, #tpu.memory_space<hbm>>
        tpu.wait_dma2 semaphore(%run_scoped3A_2069 : memref<!tpu.dma_semaphore, #tpu.memory_space<semaphore_mem>>) src(%dma_wait3A_2085 : memref<80xi32, #tpu.memory_space<hbm>>) dst(%dma_wait3A_2084 : memref<80xi32, #tpu.memory_space<vmem>>)
        tpu.yield
      }) : () -> ()
      %run_scoped3A_2010 = arith.constant 0 : i32
      "tpu.region"() ({
        %run_scoped3A_2069 = tpu.sem_alloc : memref<!tpu.dma_semaphore, #tpu.memory_space<semaphore_mem>>
        %dma_start3A_2070 = arith.constant 0 : i32
        %dma_start3A_2071 = tpu.memref_slice %arg10[%run_scoped3A_2010, %dma_start3A_2070] : memref<1x80xi32, #tpu.memory_space<vmem>> -> memref<1x80xi32, #tpu.memory_space<vmem>>
        %dma_start3A_2072 = tpu.memref_squeeze %dma_start3A_2071 : memref<1x80xi32, #tpu.memory_space<vmem>> -> memref<80xi32, #tpu.memory_space<vmem>>
        %dma_start3A_2073 = tpu.memref_slice %arg3[%add3A_2007] : memref<320000xi32, #tpu.memory_space<hbm>> -> memref<80xi32, #tpu.memory_space<hbm>>
        %dma_start3A_2074 = arith.constant 0 : i32
        %dma_start3A_2075 = tpu.memref_slice %arg10[%run_scoped3A_2010, %dma_start3A_2074] : memref<1x80xi32, #tpu.memory_space<vmem>> -> memref<1x80xi32, #tpu.memory_space<vmem>>
        %dma_start3A_2076 = tpu.memref_squeeze %dma_start3A_2075 : memref<1x80xi32, #tpu.memory_space<vmem>> -> memref<80xi32, #tpu.memory_space<vmem>>
        %dma_start3A_2077 = tpu.memref_slice %arg3[%add3A_2007] : memref<320000xi32, #tpu.memory_space<hbm>> -> memref<80xi32, #tpu.memory_space<hbm>>
        tpu.enqueue_dma source(%dma_start3A_2077 : memref<80xi32, #tpu.memory_space<hbm>>) target(%dma_start3A_2076 : memref<80xi32, #tpu.memory_space<vmem>>) target_semaphore(%run_scoped3A_2069 : memref<!tpu.dma_semaphore, #tpu.memory_space<semaphore_mem>>)
        %dma_wait3A_2078 = arith.constant 0 : i32
        %dma_wait3A_2079 = tpu.memref_slice %arg10[%run_scoped3A_2010, %dma_wait3A_2078] : memref<1x80xi32, #tpu.memory_space<vmem>> -> memref<1x80xi32, #tpu.memory_space<vmem>>
        %dma_wait3A_2080 = tpu.memref_squeeze %dma_wait3A_2079 : memref<1x80xi32, #tpu.memory_space<vmem>> -> memref<80xi32, #tpu.memory_space<vmem>>
        %dma_wait3A_2081 = tpu.memref_slice %arg3[%add3A_2007] : memref<320000xi32, #tpu.memory_space<hbm>> -> memref<80xi32, #tpu.memory_space<hbm>>
        %dma_wait3A_2082 = arith.constant 0 : i32
        %dma_wait3A_2083 = tpu.memref_slice %arg10[%run_scoped3A_2010, %dma_wait3A_2082] : memref<1x80xi32, #tpu.memory_space<vmem>> -> memref<1x80xi32, #tpu.memory_space<vmem>>
        %dma_wait3A_2084 = tpu.memref_squeeze %dma_wait3A_2083 : memref<1x80xi32, #tpu.memory_space<vmem>> -> memref<80xi32, #tpu.memory_space<vmem>>
        %dma_wait3A_2085 = tpu.memref_slice %arg3[%add3A_2007] : memref<320000xi32, #tpu.memory_space<hbm>> -> memref<80xi32, #tpu.memory_space<hbm>>
        tpu.wait_dma2 semaphore(%run_scoped3A_2069 : memref<!tpu.dma_semaphore, #tpu.memory_space<semaphore_mem>>) src(%dma_wait3A_2085 : memref<80xi32, #tpu.memory_space<hbm>>) dst(%dma_wait3A_2084 : memref<80xi32, #tpu.memory_space<vmem>>)
        tpu.yield
      }) : () -> ()
      %run_scoped3A_2011 = arith.constant 0 : i32
      "tpu.region"() ({
        %run_scoped3A_2069 = tpu.sem_alloc : memref<!tpu.dma_semaphore, #tpu.memory_space<semaphore_mem>>
        %dma_start3A_2070 = arith.constant 0 : i32
        %dma_start3A_2071 = tpu.memref_slice %arg11[%run_scoped3A_2011, %dma_start3A_2070] : memref<1x80xi32, #tpu.memory_space<vmem>> -> memref<1x80xi32, #tpu.memory_space<vmem>>
        %dma_start3A_2072 = tpu.memref_squeeze %dma_start3A_2071 : memref<1x80xi32, #tpu.memory_space<vmem>> -> memref<80xi32, #tpu.memory_space<vmem>>
        %dma_start3A_2073 = tpu.memref_slice %arg4[%add3A_2007] : memref<320000xi32, #tpu.memory_space<hbm>> -> memref<80xi32, #tpu.memory_space<hbm>>
        %dma_start3A_2074 = arith.constant 0 : i32
        %dma_start3A_2075 = tpu.memref_slice %arg11[%run_scoped3A_2011, %dma_start3A_2074] : memref<1x80xi32, #tpu.memory_space<vmem>> -> memref<1x80xi32, #tpu.memory_space<vmem>>
        %dma_start3A_2076 = tpu.memref_squeeze %dma_start3A_2075 : memref<1x80xi32, #tpu.memory_space<vmem>> -> memref<80xi32, #tpu.memory_space<vmem>>
        %dma_start3A_2077 = tpu.memref_slice %arg4[%add3A_2007] : memref<320000xi32, #tpu.memory_space<hbm>> -> memref<80xi32, #tpu.memory_space<hbm>>
        tpu.enqueue_dma source(%dma_start3A_2077 : memref<80xi32, #tpu.memory_space<hbm>>) target(%dma_start3A_2076 : memref<80xi32, #tpu.memory_space<vmem>>) target_semaphore(%run_scoped3A_2069 : memref<!tpu.dma_semaphore, #tpu.memory_space<semaphore_mem>>)
        %dma_wait3A_2078 = arith.constant 0 : i32
        %dma_wait3A_2079 = tpu.memref_slice %arg11[%run_scoped3A_2011, %dma_wait3A_2078] : memref<1x80xi32, #tpu.memory_space<vmem>> -> memref<1x80xi32, #tpu.memory_space<vmem>>
        %dma_wait3A_2080 = tpu.memref_squeeze %dma_wait3A_2079 : memref<1x80xi32, #tpu.memory_space<vmem>> -> memref<80xi32, #tpu.memory_space<vmem>>
        %dma_wait3A_2081 = tpu.memref_slice %arg4[%add3A_2007] : memref<320000xi32, #tpu.memory_space<hbm>> -> memref<80xi32, #tpu.memory_space<hbm>>
        %dma_wait3A_2082 = arith.constant 0 : i32
        %dma_wait3A_2083 = tpu.memref_slice %arg11[%run_scoped3A_2011, %dma_wait3A_2082] : memref<1x80xi32, #tpu.memory_space<vmem>> -> memref<1x80xi32, #tpu.memory_space<vmem>>
        %dma_wait3A_2084 = tpu.memref_squeeze %dma_wait3A_2083 : memref<1x80xi32, #tpu.memory_space<vmem>> -> memref<80xi32, #tpu.memory_space<vmem>>
        %dma_wait3A_2085 = tpu.memref_slice %arg4[%add3A_2007] : memref<320000xi32, #tpu.memory_space<hbm>> -> memref<80xi32, #tpu.memory_space<hbm>>
        tpu.wait_dma2 semaphore(%run_scoped3A_2069 : memref<!tpu.dma_semaphore, #tpu.memory_space<semaphore_mem>>) src(%dma_wait3A_2085 : memref<80xi32, #tpu.memory_space<hbm>>) dst(%dma_wait3A_2084 : memref<80xi32, #tpu.memory_space<vmem>>)
        tpu.yield
      }) : () -> ()
      %dma_start3A_2012 = arith.constant 0 : i32
      %dma_start3A_2013 = arith.constant 0 : i32
      %dma_start3A_2014 = tpu.memref_slice %arg8[%dma_start3A_2012, %dma_start3A_2013] : memref<1x80xi32, #tpu.memory_space<vmem>> -> memref<1x80xi32, #tpu.memory_space<vmem>>
      %dma_start3A_2015 = tpu.memref_squeeze %dma_start3A_2014 : memref<1x80xi32, #tpu.memory_space<vmem>> -> memref<80xi32, #tpu.memory_space<vmem>>
      %dma_start3A_2016 = arith.constant 0 : i32
      %dma_start3A_2017 = arith.constant 0 : i32
      %dma_start3A_2018 = tpu.memref_slice %arg2[%dma_start3A_2016, %dma_start3A_2017] : memref<10000x128xf32, #tpu.memory_space<hbm>> -> memref<10000x128xf32, #tpu.memory_space<hbm>>
      tpu.enqueue_indirect_dma source(%dma_start3A_2018 : memref<10000x128xf32, #tpu.memory_space<hbm>>) target(%arg13 : memref<80x128xf32, #tpu.memory_space<vmem>>) offsets(%dma_start3A_2015 : memref<80xi32, #tpu.memory_space<vmem>>) semaphore(%arg16 : memref<!tpu.dma_semaphore, #tpu.memory_space<semaphore_mem>>)
      %dma_start3A_2019 = arith.constant 0 : i32
      %dma_start3A_2020 = arith.constant 0 : i32
      %dma_start3A_2021 = tpu.memref_slice %arg10[%dma_start3A_2019, %dma_start3A_2020] : memref<1x80xi32, #tpu.memory_space<vmem>> -> memref<1x80xi32, #tpu.memory_space<vmem>>
      %dma_start3A_2022 = tpu.memref_squeeze %dma_start3A_2021 : memref<1x80xi32, #tpu.memory_space<vmem>> -> memref<80xi32, #tpu.memory_space<vmem>>
      %dma_start3A_2023 = arith.constant 0 : i32
      %dma_start3A_2024 = arith.constant 0 : i32
      %dma_start3A_2025 = tpu.memref_slice %arg2[%dma_start3A_2023, %dma_start3A_2024] : memref<10000x128xf32, #tpu.memory_space<hbm>> -> memref<10000x128xf32, #tpu.memory_space<hbm>>
      tpu.enqueue_indirect_dma source(%dma_start3A_2025 : memref<10000x128xf32, #tpu.memory_space<hbm>>) target(%arg14 : memref<80x128xf32, #tpu.memory_space<vmem>>) offsets(%dma_start3A_2022 : memref<80xi32, #tpu.memory_space<vmem>>) semaphore(%arg17 : memref<!tpu.dma_semaphore, #tpu.memory_space<semaphore_mem>>)
      %dma_wait3A_2026 = arith.constant 0 : i32
      %dma_wait3A_2027 = arith.constant 0 : i32
      %dma_wait3A_2028 = tpu.memref_slice %arg8[%dma_wait3A_2026, %dma_wait3A_2027] : memref<1x80xi32, #tpu.memory_space<vmem>> -> memref<1x80xi32, #tpu.memory_space<vmem>>
      %dma_wait3A_2029 = tpu.memref_squeeze %dma_wait3A_2028 : memref<1x80xi32, #tpu.memory_space<vmem>> -> memref<80xi32, #tpu.memory_space<vmem>>
      %dma_wait3A_2030 = arith.constant 0 : i32
      %dma_wait3A_2031 = arith.constant 0 : i32
      %dma_wait3A_2032 = tpu.memref_slice %arg2[%dma_wait3A_2030, %dma_wait3A_2031] : memref<10000x128xf32, #tpu.memory_space<hbm>> -> memref<10000x128xf32, #tpu.memory_space<hbm>>
      tpu.wait_indirect_dma semaphore(%arg16 : memref<!tpu.dma_semaphore, #tpu.memory_space<semaphore_mem>>) src(%dma_wait3A_2032 : memref<10000x128xf32, #tpu.memory_space<hbm>>) dst(%arg13 : memref<80x128xf32, #tpu.memory_space<vmem>>)
      %dma_start3A_2033 = arith.constant 0 : i32
      %dma_start3A_2034 = arith.constant 0 : i32
      %dma_start3A_2035 = tpu.memref_slice %arg9[%dma_start3A_2033, %dma_start3A_2034] : memref<1x80xi32, #tpu.memory_space<vmem>> -> memref<1x80xi32, #tpu.memory_space<vmem>>
      %dma_start3A_2036 = tpu.memref_squeeze %dma_start3A_2035 : memref<1x80xi32, #tpu.memory_space<vmem>> -> memref<80xi32, #tpu.memory_space<vmem>>
      %dma_start3A_2037 = arith.constant 0 : i32
      %dma_start3A_2038 = arith.constant 0 : i32
      %dma_start3A_2039 = tpu.memref_slice %arg7[%dma_start3A_2037, %dma_start3A_2038] : memref<10240x128xf32, #tpu.memory_space<vmem_shared>> -> memref<10240x128xf32, #tpu.memory_space<vmem_shared>>
      tpu.enqueue_indirect_dma source(%arg13 : memref<80x128xf32, #tpu.memory_space<vmem>>) target(%dma_start3A_2039 : memref<10240x128xf32, #tpu.memory_space<vmem_shared>>) offsets(%dma_start3A_2036 : memref<80xi32, #tpu.memory_space<vmem>>) semaphore(%arg18 : memref<!tpu.dma_semaphore, #tpu.memory_space<semaphore_mem>>) {add = true}
      %dma_wait3A_2040 = arith.constant 0 : i32
      %dma_wait3A_2041 = arith.constant 0 : i32
      %dma_wait3A_2042 = tpu.memref_slice %arg10[%dma_wait3A_2040, %dma_wait3A_2041] : memref<1x80xi32, #tpu.memory_space<vmem>> -> memref<1x80xi32, #tpu.memory_space<vmem>>
      %dma_wait3A_2043 = tpu.memref_squeeze %dma_wait3A_2042 : memref<1x80xi32, #tpu.memory_space<vmem>> -> memref<80xi32, #tpu.memory_space<vmem>>
      %dma_wait3A_2044 = arith.constant 0 : i32
      %dma_wait3A_2045 = arith.constant 0 : i32
      %dma_wait3A_2046 = tpu.memref_slice %arg2[%dma_wait3A_2044, %dma_wait3A_2045] : memref<10000x128xf32, #tpu.memory_space<hbm>> -> memref<10000x128xf32, #tpu.memory_space<hbm>>
      tpu.wait_indirect_dma semaphore(%arg17 : memref<!tpu.dma_semaphore, #tpu.memory_space<semaphore_mem>>) src(%dma_wait3A_2046 : memref<10000x128xf32, #tpu.memory_space<hbm>>) dst(%arg14 : memref<80x128xf32, #tpu.memory_space<vmem>>)
      %dma_start3A_2047 = arith.constant 0 : i32
      %dma_start3A_2048 = arith.constant 0 : i32
      %dma_start3A_2049 = tpu.memref_slice %arg11[%dma_start3A_2047, %dma_start3A_2048] : memref<1x80xi32, #tpu.memory_space<vmem>> -> memref<1x80xi32, #tpu.memory_space<vmem>>
      %dma_start3A_2050 = tpu.memref_squeeze %dma_start3A_2049 : memref<1x80xi32, #tpu.memory_space<vmem>> -> memref<80xi32, #tpu.memory_space<vmem>>
      %dma_start3A_2051 = arith.constant 0 : i32
      %dma_start3A_2052 = arith.constant 0 : i32
      %dma_start3A_2053 = tpu.memref_slice %arg7[%dma_start3A_2051, %dma_start3A_2052] : memref<10240x128xf32, #tpu.memory_space<vmem_shared>> -> memref<10240x128xf32, #tpu.memory_space<vmem_shared>>
      tpu.enqueue_indirect_dma source(%arg14 : memref<80x128xf32, #tpu.memory_space<vmem>>) target(%dma_start3A_2053 : memref<10240x128xf32, #tpu.memory_space<vmem_shared>>) offsets(%dma_start3A_2050 : memref<80xi32, #tpu.memory_space<vmem>>) semaphore(%arg19 : memref<!tpu.dma_semaphore, #tpu.memory_space<semaphore_mem>>) {add = true}
      %dma_wait3A_2054 = arith.constant 0 : i32
      %dma_wait3A_2055 = arith.constant 0 : i32
      %dma_wait3A_2056 = tpu.memref_slice %arg9[%dma_wait3A_2054, %dma_wait3A_2055] : memref<1x80xi32, #tpu.memory_space<vmem>> -> memref<1x80xi32, #tpu.memory_space<vmem>>
      %dma_wait3A_2057 = tpu.memref_squeeze %dma_wait3A_2056 : memref<1x80xi32, #tpu.memory_space<vmem>> -> memref<80xi32, #tpu.memory_space<vmem>>
      %dma_wait3A_2058 = arith.constant 0 : i32
      %dma_wait3A_2059 = arith.constant 0 : i32
      %dma_wait3A_2060 = tpu.memref_slice %arg7[%dma_wait3A_2058, %dma_wait3A_2059] : memref<10240x128xf32, #tpu.memory_space<vmem_shared>> -> memref<10240x128xf32, #tpu.memory_space<vmem_shared>>
      tpu.wait_indirect_dma semaphore(%arg18 : memref<!tpu.dma_semaphore, #tpu.memory_space<semaphore_mem>>) src(%arg13 : memref<80x128xf32, #tpu.memory_space<vmem>>) dst(%dma_wait3A_2060 : memref<10240x128xf32, #tpu.memory_space<vmem_shared>>)
      %dma_wait3A_2061 = arith.constant 0 : i32
      %dma_wait3A_2062 = arith.constant 0 : i32
      %dma_wait3A_2063 = tpu.memref_slice %arg11[%dma_wait3A_2061, %dma_wait3A_2062] : memref<1x80xi32, #tpu.memory_space<vmem>> -> memref<1x80xi32, #tpu.memory_space<vmem>>
      %dma_wait3A_2064 = tpu.memref_squeeze %dma_wait3A_2063 : memref<1x80xi32, #tpu.memory_space<vmem>> -> memref<80xi32, #tpu.memory_space<vmem>>
      %dma_wait3A_2065 = arith.constant 0 : i32
      %dma_wait3A_2066 = arith.constant 0 : i32
      %dma_wait3A_2067 = tpu.memref_slice %arg7[%dma_wait3A_2065, %dma_wait3A_2066] : memref<10240x128xf32, #tpu.memory_space<vmem_shared>> -> memref<10240x128xf32, #tpu.memory_space<vmem_shared>>
      tpu.wait_indirect_dma semaphore(%arg19 : memref<!tpu.dma_semaphore, #tpu.memory_space<semaphore_mem>>) src(%arg14 : memref<80x128xf32, #tpu.memory_space<vmem>>) dst(%dma_wait3A_2067 : memref<10240x128xf32, #tpu.memory_space<vmem_shared>>)
      %scan3A_2068 = arith.constant 0 : i32
      scf.yield %scan3A_2068 : i32
    }
    %scan3A_440 = arith.constant 62 : i32
    %mul3A_441 = arith.constant 10000 : i32
    %mul3A_442 = arith.muli %add3A, %mul3A_441 : i32
    %add3A_443 = arith.constant 9920 : i32
    %add3A_444 = arith.addi %mul3A_442, %add3A_443 : i32
    %run_scoped3A_445 = arith.constant 0 : i32
    "tpu.region"() ({
      %run_scoped3A_1999 = tpu.sem_alloc : memref<!tpu.dma_semaphore, #tpu.memory_space<semaphore_mem>>
      %dma_start3A_2000 = arith.constant 0 : i32
      %dma_start3A_2001 = tpu.memref_slice %arg8[%run_scoped3A_445, %dma_start3A_2000] : memref<1x80xi32, #tpu.memory_space<vmem>> -> memref<1x80xi32, #tpu.memory_space<vmem>>
      %dma_start3A_2002 = tpu.memref_squeeze %dma_start3A_2001 : memref<1x80xi32, #tpu.memory_space<vmem>> -> memref<80xi32, #tpu.memory_space<vmem>>
      %dma_start3A_2003 = tpu.memref_slice %arg3[%add3A_444] : memref<320000xi32, #tpu.memory_space<hbm>> -> memref<80xi32, #tpu.memory_space<hbm>>
      %dma_start3A_2004 = arith.constant 0 : i32
      %dma_start3A_2005 = tpu.memref_slice %arg8[%run_scoped3A_445, %dma_start3A_2004] : memref<1x80xi32, #tpu.memory_space<vmem>> -> memref<1x80xi32, #tpu.memory_space<vmem>>
      %dma_start3A_2006 = tpu.memref_squeeze %dma_start3A_2005 : memref<1x80xi32, #tpu.memory_space<vmem>> -> memref<80xi32, #tpu.memory_space<vmem>>
      %dma_start3A_2007 = tpu.memref_slice %arg3[%add3A_444] : memref<320000xi32, #tpu.memory_space<hbm>> -> memref<80xi32, #tpu.memory_space<hbm>>
      tpu.enqueue_dma source(%dma_start3A_2007 : memref<80xi32, #tpu.memory_space<hbm>>) target(%dma_start3A_2006 : memref<80xi32, #tpu.memory_space<vmem>>) target_semaphore(%run_scoped3A_1999 : memref<!tpu.dma_semaphore, #tpu.memory_space<semaphore_mem>>)
      %dma_wait3A_2008 = arith.constant 0 : i32
      %dma_wait3A_2009 = tpu.memref_slice %arg8[%run_scoped3A_445, %dma_wait3A_2008] : memref<1x80xi32, #tpu.memory_space<vmem>> -> memref<1x80xi32, #tpu.memory_space<vmem>>
      %dma_wait3A_2010 = tpu.memref_squeeze %dma_wait3A_2009 : memref<1x80xi32, #tpu.memory_space<vmem>> -> memref<80xi32, #tpu.memory_space<vmem>>
      %dma_wait3A_2011 = tpu.memref_slice %arg3[%add3A_444] : memref<320000xi32, #tpu.memory_space<hbm>> -> memref<80xi32, #tpu.memory_space<hbm>>
      %dma_wait3A_2012 = arith.constant 0 : i32
      %dma_wait3A_2013 = tpu.memref_slice %arg8[%run_scoped3A_445, %dma_wait3A_2012] : memref<1x80xi32, #tpu.memory_space<vmem>> -> memref<1x80xi32, #tpu.memory_space<vmem>>
      %dma_wait3A_2014 = tpu.memref_squeeze %dma_wait3A_2013 : memref<1x80xi32, #tpu.memory_space<vmem>> -> memref<80xi32, #tpu.memory_space<vmem>>
      %dma_wait3A_2015 = tpu.memref_slice %arg3[%add3A_444] : memref<320000xi32, #tpu.memory_space<hbm>> -> memref<80xi32, #tpu.memory_space<hbm>>
      tpu.wait_dma2 semaphore(%run_scoped3A_1999 : memref<!tpu.dma_semaphore, #tpu.memory_space<semaphore_mem>>) src(%dma_wait3A_2015 : memref<80xi32, #tpu.memory_space<hbm>>) dst(%dma_wait3A_2014 : memref<80xi32, #tpu.memory_space<vmem>>)
      tpu.yield
    }) : () -> ()
    %run_scoped3A_446 = arith.constant 0 : i32
    "tpu.region"() ({
      %run_scoped3A_1999 = tpu.sem_alloc : memref<!tpu.dma_semaphore, #tpu.memory_space<semaphore_mem>>
      %dma_start3A_2000 = arith.constant 0 : i32
      %dma_start3A_2001 = tpu.memref_slice %arg9[%run_scoped3A_446, %dma_start3A_2000] : memref<1x80xi32, #tpu.memory_space<vmem>> -> memref<1x80xi32, #tpu.memory_space<vmem>>
      %dma_start3A_2002 = tpu.memref_squeeze %dma_start3A_2001 : memref<1x80xi32, #tpu.memory_space<vmem>> -> memref<80xi32, #tpu.memory_space<vmem>>
      %dma_start3A_2003 = tpu.memref_slice %arg4[%add3A_444] : memref<320000xi32, #tpu.memory_space<hbm>> -> memref<80xi32, #tpu.memory_space<hbm>>
      %dma_start3A_2004 = arith.constant 0 : i32
      %dma_start3A_2005 = tpu.memref_slice %arg9[%run_scoped3A_446, %dma_start3A_2004] : memref<1x80xi32, #tpu.memory_space<vmem>> -> memref<1x80xi32, #tpu.memory_space<vmem>>
      %dma_start3A_2006 = tpu.memref_squeeze %dma_start3A_2005 : memref<1x80xi32, #tpu.memory_space<vmem>> -> memref<80xi32, #tpu.memory_space<vmem>>
      %dma_start3A_2007 = tpu.memref_slice %arg4[%add3A_444] : memref<320000xi32, #tpu.memory_space<hbm>> -> memref<80xi32, #tpu.memory_space<hbm>>
      tpu.enqueue_dma source(%dma_start3A_2007 : memref<80xi32, #tpu.memory_space<hbm>>) target(%dma_start3A_2006 : memref<80xi32, #tpu.memory_space<vmem>>) target_semaphore(%run_scoped3A_1999 : memref<!tpu.dma_semaphore, #tpu.memory_space<semaphore_mem>>)
      %dma_wait3A_2008 = arith.constant 0 : i32
      %dma_wait3A_2009 = tpu.memref_slice %arg9[%run_scoped3A_446, %dma_wait3A_2008] : memref<1x80xi32, #tpu.memory_space<vmem>> -> memref<1x80xi32, #tpu.memory_space<vmem>>
      %dma_wait3A_2010 = tpu.memref_squeeze %dma_wait3A_2009 : memref<1x80xi32, #tpu.memory_space<vmem>> -> memref<80xi32, #tpu.memory_space<vmem>>
      %dma_wait3A_2011 = tpu.memref_slice %arg4[%add3A_444] : memref<320000xi32, #tpu.memory_space<hbm>> -> memref<80xi32, #tpu.memory_space<hbm>>
      %dma_wait3A_2012 = arith.constant 0 : i32
      %dma_wait3A_2013 = tpu.memref_slice %arg9[%run_scoped3A_446, %dma_wait3A_2012] : memref<1x80xi32, #tpu.memory_space<vmem>> -> memref<1x80xi32, #tpu.memory_space<vmem>>
      %dma_wait3A_2014 = tpu.memref_squeeze %dma_wait3A_2013 : memref<1x80xi32, #tpu.memory_space<vmem>> -> memref<80xi32, #tpu.memory_space<vmem>>
      %dma_wait3A_2015 = tpu.memref_slice %arg4[%add3A_444] : memref<320000xi32, #tpu.memory_space<hbm>> -> memref<80xi32, #tpu.memory_space<hbm>>
      tpu.wait_dma2 semaphore(%run_scoped3A_1999 : memref<!tpu.dma_semaphore, #tpu.memory_space<semaphore_mem>>) src(%dma_wait3A_2015 : memref<80xi32, #tpu.memory_space<hbm>>) dst(%dma_wait3A_2014 : memref<80xi32, #tpu.memory_space<vmem>>)
      tpu.yield
    }) : () -> ()
    %dma_start3A = arith.constant 0 : i32
    %dma_start3A_447 = arith.constant 0 : i32
    %dma_start3A_448 = tpu.memref_slice %arg8[%dma_start3A, %dma_start3A_447] : memref<1x80xi32, #tpu.memory_space<vmem>> -> memref<1x80xi32, #tpu.memory_space<vmem>>
    %dma_start3A_449 = tpu.memref_squeeze %dma_start3A_448 : memref<1x80xi32, #tpu.memory_space<vmem>> -> memref<80xi32, #tpu.memory_space<vmem>>
    %dma_start3A_450 = arith.constant 0 : i32
    %dma_start3A_451 = arith.constant 0 : i32
    %dma_start3A_452 = tpu.memref_slice %arg2[%dma_start3A_450, %dma_start3A_451] : memref<10000x128xf32, #tpu.memory_space<hbm>> -> memref<10000x128xf32, #tpu.memory_space<hbm>>
    tpu.enqueue_indirect_dma source(%dma_start3A_452 : memref<10000x128xf32, #tpu.memory_space<hbm>>) target(%arg13 : memref<80x128xf32, #tpu.memory_space<vmem>>) offsets(%dma_start3A_449 : memref<80xi32, #tpu.memory_space<vmem>>) semaphore(%arg16 : memref<!tpu.dma_semaphore, #tpu.memory_space<semaphore_mem>>)
    %dma_wait3A = arith.constant 0 : i32
    %dma_wait3A_453 = arith.constant 0 : i32
    %dma_wait3A_454 = tpu.memref_slice %arg8[%dma_wait3A, %dma_wait3A_453] : memref<1x80xi32, #tpu.memory_space<vmem>> -> memref<1x80xi32, #tpu.memory_space<vmem>>
    %dma_wait3A_455 = tpu.memref_squeeze %dma_wait3A_454 : memref<1x80xi32, #tpu.memory_space<vmem>> -> memref<80xi32, #tpu.memory_space<vmem>>
    %dma_wait3A_456 = arith.constant 0 : i32
    %dma_wait3A_457 = arith.constant 0 : i32
    %dma_wait3A_458 = tpu.memref_slice %arg2[%dma_wait3A_456, %dma_wait3A_457] : memref<10000x128xf32, #tpu.memory_space<hbm>> -> memref<10000x128xf32, #tpu.memory_space<hbm>>
    tpu.wait_indirect_dma semaphore(%arg16 : memref<!tpu.dma_semaphore, #tpu.memory_space<semaphore_mem>>) src(%dma_wait3A_458 : memref<10000x128xf32, #tpu.memory_space<hbm>>) dst(%arg13 : memref<80x128xf32, #tpu.memory_space<vmem>>)
    %run_scoped3A_459 = arith.constant 0 : i32
    "tpu.region"() ({
      %run_scoped3A_1999 = tpu.sem_alloc : memref<!tpu.dma_semaphore, #tpu.memory_space<semaphore_mem>>
      %dma_start3A_2000 = arith.constant 0 : i32
      %dma_start3A_2001 = tpu.memref_slice %arg9[%run_scoped3A_459, %dma_start3A_2000] : memref<1x80xi32, #tpu.memory_space<vmem>> -> memref<1x80xi32, #tpu.memory_space<vmem>>
      %dma_start3A_2002 = tpu.memref_squeeze %dma_start3A_2001 : memref<1x80xi32, #tpu.memory_space<vmem>> -> memref<80xi32, #tpu.memory_space<vmem>>
      %dma_start3A_2003 = arith.constant 0 : i32
      %dma_start3A_2004 = arith.constant 0 : i32
      %dma_start3A_2005 = tpu.memref_slice %arg7[%dma_start3A_2003, %dma_start3A_2004] : memref<10240x128xf32, #tpu.memory_space<vmem_shared>> -> memref<10240x128xf32, #tpu.memory_space<vmem_shared>>
      tpu.enqueue_indirect_dma source(%arg13 : memref<80x128xf32, #tpu.memory_space<vmem>>) target(%dma_start3A_2005 : memref<10240x128xf32, #tpu.memory_space<vmem_shared>>) offsets(%dma_start3A_2002 : memref<80xi32, #tpu.memory_space<vmem>>) semaphore(%run_scoped3A_1999 : memref<!tpu.dma_semaphore, #tpu.memory_space<semaphore_mem>>) {add = true}
      %dma_wait3A_2006 = arith.constant 0 : i32
      %dma_wait3A_2007 = tpu.memref_slice %arg9[%run_scoped3A_459, %dma_wait3A_2006] : memref<1x80xi32, #tpu.memory_space<vmem>> -> memref<1x80xi32, #tpu.memory_space<vmem>>
      %dma_wait3A_2008 = tpu.memref_squeeze %dma_wait3A_2007 : memref<1x80xi32, #tpu.memory_space<vmem>> -> memref<80xi32, #tpu.memory_space<vmem>>
      %dma_wait3A_2009 = arith.constant 0 : i32
      %dma_wait3A_2010 = arith.constant 0 : i32
      %dma_wait3A_2011 = tpu.memref_slice %arg7[%dma_wait3A_2009, %dma_wait3A_2010] : memref<10240x128xf32, #tpu.memory_space<vmem_shared>> -> memref<10240x128xf32, #tpu.memory_space<vmem_shared>>
      tpu.wait_indirect_dma semaphore(%run_scoped3A_1999 : memref<!tpu.dma_semaphore, #tpu.memory_space<semaphore_mem>>) src(%arg13 : memref<80x128xf32, #tpu.memory_space<vmem>>) dst(%dma_wait3A_2011 : memref<10240x128xf32, #tpu.memory_space<vmem_shared>>)
      tpu.yield
    }) : () -> ()
    %barrier3A_460 = arith.constant 0 : index
    tpu.barrier barrier_id(%barrier3A_460)
    %add3A_461 = arith.constant 0 : i32
    %add3A_462 = arith.addi %mul3A_5, %add3A_461 : i32
    %add3A_463 = arith.constant 0 : i32
    %add3A_464 = arith.addi %add3A_462, %add3A_463 : i32
    %add3A_465 = vector.broadcast %add3A_464 : i32 to vector<16xi32>
    %add3A_466 = arith.addi %add3A_465, %iota3A : vector<16xi32>
    %swap3A_467 = arith.constant 0 : i32
    %swap3A_468 = arith.index_cast %swap3A_467 : i32 to index
    %swap3A_469 = arith.constant 0 : index
    %swap3A_470 = tpu.vector_load %arg12[%swap3A_468, %swap3A_469] {strides = array<i32>} : memref<1x80xi32, #tpu.memory_space<vmem>>, vector<1x16xi32>,
    %swap3A_471 = vector.shape_cast %swap3A_470 : vector<1x16xi32> to vector<16xi32>
    %swap3A_472 = vector.shape_cast %add3A_466 : vector<16xi32> to vector<1x16xi32>
    tpu.vector_store %arg12[%swap3A_468, %swap3A_469], %swap3A_472 {strides = array<i32>} : memref<1x80xi32, #tpu.memory_space<vmem>>, vector<1x16xi32>,
    %add3A_473 = arith.constant 16 : i32
    %add3A_474 = arith.addi %add3A_462, %add3A_473 : i32
    %add3A_475 = vector.broadcast %add3A_474 : i32 to vector<16xi32>
    %add3A_476 = arith.addi %add3A_475, %iota3A : vector<16xi32>
    %swap3A_477 = arith.constant 0 : i32
    %swap3A_478 = arith.index_cast %swap3A_477 : i32 to index
    %swap3A_479 = arith.constant 16 : index
    %swap3A_480 = tpu.vector_load %arg12[%swap3A_478, %swap3A_479] {strides = array<i32>} : memref<1x80xi32, #tpu.memory_space<vmem>>, vector<1x16xi32>,
    %swap3A_481 = vector.shape_cast %swap3A_480 : vector<1x16xi32> to vector<16xi32>
    %swap3A_482 = vector.shape_cast %add3A_476 : vector<16xi32> to vector<1x16xi32>
    tpu.vector_store %arg12[%swap3A_478, %swap3A_479], %swap3A_482 {strides = array<i32>} : memref<1x80xi32, #tpu.memory_space<vmem>>, vector<1x16xi32>,
    %add3A_483 = arith.constant 32 : i32
    %add3A_484 = arith.addi %add3A_462, %add3A_483 : i32
    %add3A_485 = vector.broadcast %add3A_484 : i32 to vector<16xi32>
    %add3A_486 = arith.addi %add3A_485, %iota3A : vector<16xi32>
    %swap3A_487 = arith.constant 0 : i32
    %swap3A_488 = arith.index_cast %swap3A_487 : i32 to index
    %swap3A_489 = arith.constant 32 : index
    %swap3A_490 = tpu.vector_load %arg12[%swap3A_488, %swap3A_489] {strides = array<i32>} : memref<1x80xi32, #tpu.memory_space<vmem>>, vector<1x16xi32>,
    %swap3A_491 = vector.shape_cast %swap3A_490 : vector<1x16xi32> to vector<16xi32>
    %swap3A_492 = vector.shape_cast %add3A_486 : vector<16xi32> to vector<1x16xi32>
    tpu.vector_store %arg12[%swap3A_488, %swap3A_489], %swap3A_492 {strides = array<i32>} : memref<1x80xi32, #tpu.memory_space<vmem>>, vector<1x16xi32>,
    %add3A_493 = arith.constant 48 : i32
    %add3A_494 = arith.addi %add3A_462, %add3A_493 : i32
    %add3A_495 = vector.broadcast %add3A_494 : i32 to vector<16xi32>
    %add3A_496 = arith.addi %add3A_495, %iota3A : vector<16xi32>
    %swap3A_497 = arith.constant 0 : i32
    %swap3A_498 = arith.index_cast %swap3A_497 : i32 to index
    %swap3A_499 = arith.constant 48 : index
    %swap3A_500 = tpu.vector_load %arg12[%swap3A_498, %swap3A_499] {strides = array<i32>} : memref<1x80xi32, #tpu.memory_space<vmem>>, vector<1x16xi32>,
    %swap3A_501 = vector.shape_cast %swap3A_500 : vector<1x16xi32> to vector<16xi32>
    %swap3A_502 = vector.shape_cast %add3A_496 : vector<16xi32> to vector<1x16xi32>
    tpu.vector_store %arg12[%swap3A_498, %swap3A_499], %swap3A_502 {strides = array<i32>} : memref<1x80xi32, #tpu.memory_space<vmem>>, vector<1x16xi32>,
    %add3A_503 = arith.constant 64 : i32
    %add3A_504 = arith.addi %add3A_462, %add3A_503 : i32
    %add3A_505 = vector.broadcast %add3A_504 : i32 to vector<16xi32>
    %add3A_506 = arith.addi %add3A_505, %iota3A : vector<16xi32>
    %swap3A_507 = arith.constant 0 : i32
    %swap3A_508 = arith.index_cast %swap3A_507 : i32 to index
    %swap3A_509 = arith.constant 64 : index
    %swap3A_510 = tpu.vector_load %arg12[%swap3A_508, %swap3A_509] {strides = array<i32>} : memref<1x80xi32, #tpu.memory_space<vmem>>, vector<1x16xi32>,
    %swap3A_511 = vector.shape_cast %swap3A_510 : vector<1x16xi32> to vector<16xi32>
    %swap3A_512 = vector.shape_cast %add3A_506 : vector<16xi32> to vector<1x16xi32>
    tpu.vector_store %arg12[%swap3A_508, %swap3A_509], %swap3A_512 {strides = array<i32>} : memref<1x80xi32, #tpu.memory_space<vmem>>, vector<1x16xi32>,
    %dma_start3A_513 = arith.constant 0 : i32
    %dma_start3A_514 = arith.constant 0 : i32
    %dma_start3A_515 = tpu.memref_slice %arg12[%dma_start3A_513, %dma_start3A_514] : memref<1x80xi32, #tpu.memory_space<vmem>> -> memref<1x80xi32, #tpu.memory_space<vmem>>
    %dma_start3A_516 = tpu.memref_squeeze %dma_start3A_515 : memref<1x80xi32, #tpu.memory_space<vmem>> -> memref<80xi32, #tpu.memory_space<vmem>>
    %dma_start3A_517 = arith.constant 0 : i32
    %dma_start3A_518 = arith.constant 0 : i32
    %dma_start3A_519 = tpu.memref_slice %arg7[%dma_start3A_517, %dma_start3A_518] : memref<10240x128xf32, #tpu.memory_space<vmem_shared>> -> memref<10240x128xf32, #tpu.memory_space<vmem_shared>>
    tpu.enqueue_indirect_dma source(%dma_start3A_519 : memref<10240x128xf32, #tpu.memory_space<vmem_shared>>) target(%arg13 : memref<80x128xf32, #tpu.memory_space<vmem>>) offsets(%dma_start3A_516 : memref<80xi32, #tpu.memory_space<vmem>>) semaphore(%arg16 : memref<!tpu.dma_semaphore, #tpu.memory_space<semaphore_mem>>)
    %dma_wait3A_520 = arith.constant 0 : i32
    %dma_wait3A_521 = arith.constant 0 : i32
    %dma_wait3A_522 = tpu.memref_slice %arg12[%dma_wait3A_520, %dma_wait3A_521] : memref<1x80xi32, #tpu.memory_space<vmem>> -> memref<1x80xi32, #tpu.memory_space<vmem>>
    %dma_wait3A_523 = tpu.memref_squeeze %dma_wait3A_522 : memref<1x80xi32, #tpu.memory_space<vmem>> -> memref<80xi32, #tpu.memory_space<vmem>>
    %dma_wait3A_524 = arith.constant 0 : i32
    %dma_wait3A_525 = arith.constant 0 : i32
    %dma_wait3A_526 = tpu.memref_slice %arg7[%dma_wait3A_524, %dma_wait3A_525] : memref<10240x128xf32, #tpu.memory_space<vmem_shared>> -> memref<10240x128xf32, #tpu.memory_space<vmem_shared>>
    tpu.wait_indirect_dma semaphore(%arg16 : memref<!tpu.dma_semaphore, #tpu.memory_space<semaphore_mem>>) src(%dma_wait3A_526 : memref<10240x128xf32, #tpu.memory_space<vmem_shared>>) dst(%arg13 : memref<80x128xf32, #tpu.memory_space<vmem>>)
    %add3A_527 = arith.constant 0 : i32
    %add3A_528 = arith.addi %mul3A_5, %add3A_527 : i32
    "tpu.region"() ({
      %run_scoped3A_1999 = tpu.sem_alloc : memref<!tpu.dma_semaphore, #tpu.memory_space<semaphore_mem>>
      %dma_start3A_2000 = arith.constant 0 : i32
      %dma_start3A_2001 = tpu.memref_slice %arg5[%arg0, %add3A_528, %dma_start3A_2000] : memref<2x10240x128xf32, #tpu.memory_space<hbm>> -> memref<1x80x128xf32, #tpu.memory_space<hbm>>
      %dma_start3A_2002 = tpu.memref_squeeze %dma_start3A_2001 : memref<1x80x128xf32, #tpu.memory_space<hbm>> -> memref<80x128xf32, #tpu.memory_space<hbm>>
      %dma_start3A_2003 = arith.constant 0 : i32
      %dma_start3A_2004 = tpu.memref_slice %arg5[%arg0, %add3A_528, %dma_start3A_2003] : memref<2x10240x128xf32, #tpu.memory_space<hbm>> -> memref<1x80x128xf32, #tpu.memory_space<hbm>>
      %dma_start3A_2005 = tpu.memref_squeeze %dma_start3A_2004 : memref<1x80x128xf32, #tpu.memory_space<hbm>> -> memref<80x128xf32, #tpu.memory_space<hbm>>
      tpu.enqueue_dma source(%arg13 : memref<80x128xf32, #tpu.memory_space<vmem>>) target(%dma_start3A_2005 : memref<80x128xf32, #tpu.memory_space<hbm>>) target_semaphore(%run_scoped3A_1999 : memref<!tpu.dma_semaphore, #tpu.memory_space<semaphore_mem>>)
      %dma_wait3A_2006 = arith.constant 0 : i32
      %dma_wait3A_2007 = tpu.memref_slice %arg5[%arg0, %add3A_528, %dma_wait3A_2006] : memref<2x10240x128xf32, #tpu.memory_space<hbm>> -> memref<1x80x128xf32, #tpu.memory_space<hbm>>
      %dma_wait3A_2008 = tpu.memref_squeeze %dma_wait3A_2007 : memref<1x80x128xf32, #tpu.memory_space<hbm>> -> memref<80x128xf32, #tpu.memory_space<hbm>>
      %dma_wait3A_2009 = arith.constant 0 : i32
      %dma_wait3A_2010 = tpu.memref_slice %arg5[%arg0, %add3A_528, %dma_wait3A_2009] : memref<2x10240x128xf32, #tpu.memory_space<hbm>> -> memref<1x80x128xf32, #tpu.memory_space<hbm>>
      %dma_wait3A_2011 = tpu.memref_squeeze %dma_wait3A_2010 : memref<1x80x128xf32, #tpu.memory_space<hbm>> -> memref<80x128xf32, #tpu.memory_space<hbm>>
      tpu.wait_dma2 semaphore(%run_scoped3A_1999 : memref<!tpu.dma_semaphore, #tpu.memory_space<semaphore_mem>>) src(%arg13 : memref<80x128xf32, #tpu.memory_space<vmem>>) dst(%dma_wait3A_2011 : memref<80x128xf32, #tpu.memory_space<hbm>>)
      tpu.yield
    }) : () -> ()
    %add3A_529 = arith.constant 80 : i32
    %add3A_530 = arith.addi %mul3A_5, %add3A_529 : i32
    %add3A_531 = arith.constant 0 : i32
    %add3A_532 = arith.addi %add3A_530, %add3A_531 : i32
    %add3A_533 = vector.broadcast %add3A_532 : i32 to vector<16xi32>
    %add3A_534 = arith.addi %add3A_533, %iota3A : vector<16xi32>
    %swap3A_535 = arith.constant 0 : i32
    %swap3A_536 = arith.index_cast %swap3A_535 : i32 to index
    %swap3A_537 = arith.constant 0 : index
    %swap3A_538 = tpu.vector_load %arg12[%swap3A_536, %swap3A_537] {strides = array<i32>} : memref<1x80xi32, #tpu.memory_space<vmem>>, vector<1x16xi32>,
    %swap3A_539 = vector.shape_cast %swap3A_538 : vector<1x16xi32> to vector<16xi32>
    %swap3A_540 = vector.shape_cast %add3A_534 : vector<16xi32> to vector<1x16xi32>
    tpu.vector_store %arg12[%swap3A_536, %swap3A_537], %swap3A_540 {strides = array<i32>} : memref<1x80xi32, #tpu.memory_space<vmem>>, vector<1x16xi32>,
    %add3A_541 = arith.constant 16 : i32
    %add3A_542 = arith.addi %add3A_530, %add3A_541 : i32
    %add3A_543 = vector.broadcast %add3A_542 : i32 to vector<16xi32>
    %add3A_544 = arith.addi %add3A_543, %iota3A : vector<16xi32>
    %swap3A_545 = arith.constant 0 : i32
    %swap3A_546 = arith.index_cast %swap3A_545 : i32 to index
    %swap3A_547 = arith.constant 16 : index
    %swap3A_548 = tpu.vector_load %arg12[%swap3A_546, %swap3A_547] {strides = array<i32>} : memref<1x80xi32, #tpu.memory_space<vmem>>, vector<1x16xi32>,
    %swap3A_549 = vector.shape_cast %swap3A_548 : vector<1x16xi32> to vector<16xi32>
    %swap3A_550 = vector.shape_cast %add3A_544 : vector<16xi32> to vector<1x16xi32>
    tpu.vector_store %arg12[%swap3A_546, %swap3A_547], %swap3A_550 {strides = array<i32>} : memref<1x80xi32, #tpu.memory_space<vmem>>, vector<1x16xi32>,
    %add3A_551 = arith.constant 32 : i32
    %add3A_552 = arith.addi %add3A_530, %add3A_551 : i32
    %add3A_553 = vector.broadcast %add3A_552 : i32 to vector<16xi32>
    %add3A_554 = arith.addi %add3A_553, %iota3A : vector<16xi32>
    %swap3A_555 = arith.constant 0 : i32
    %swap3A_556 = arith.index_cast %swap3A_555 : i32 to index
    %swap3A_557 = arith.constant 32 : index
    %swap3A_558 = tpu.vector_load %arg12[%swap3A_556, %swap3A_557] {strides = array<i32>} : memref<1x80xi32, #tpu.memory_space<vmem>>, vector<1x16xi32>,
    %swap3A_559 = vector.shape_cast %swap3A_558 : vector<1x16xi32> to vector<16xi32>
    %swap3A_560 = vector.shape_cast %add3A_554 : vector<16xi32> to vector<1x16xi32>
    tpu.vector_store %arg12[%swap3A_556, %swap3A_557], %swap3A_560 {strides = array<i32>} : memref<1x80xi32, #tpu.memory_space<vmem>>, vector<1x16xi32>,
    %add3A_561 = arith.constant 48 : i32
    %add3A_562 = arith.addi %add3A_530, %add3A_561 : i32
    %add3A_563 = vector.broadcast %add3A_562 : i32 to vector<16xi32>
    %add3A_564 = arith.addi %add3A_563, %iota3A : vector<16xi32>
    %swap3A_565 = arith.constant 0 : i32
    %swap3A_566 = arith.index_cast %swap3A_565 : i32 to index
    %swap3A_567 = arith.constant 48 : index
    %swap3A_568 = tpu.vector_load %arg12[%swap3A_566, %swap3A_567] {strides = array<i32>} : memref<1x80xi32, #tpu.memory_space<vmem>>, vector<1x16xi32>,
    %swap3A_569 = vector.shape_cast %swap3A_568 : vector<1x16xi32> to vector<16xi32>
    %swap3A_570 = vector.shape_cast %add3A_564 : vector<16xi32> to vector<1x16xi32>
    tpu.vector_store %arg12[%swap3A_566, %swap3A_567], %swap3A_570 {strides = array<i32>} : memref<1x80xi32, #tpu.memory_space<vmem>>, vector<1x16xi32>,
    %add3A_571 = arith.constant 64 : i32
    %add3A_572 = arith.addi %add3A_530, %add3A_571 : i32
    %add3A_573 = vector.broadcast %add3A_572 : i32 to vector<16xi32>
    %add3A_574 = arith.addi %add3A_573, %iota3A : vector<16xi32>
    %swap3A_575 = arith.constant 0 : i32
    %swap3A_576 = arith.index_cast %swap3A_575 : i32 to index
    %swap3A_577 = arith.constant 64 : index
    %swap3A_578 = tpu.vector_load %arg12[%swap3A_576, %swap3A_577] {strides = array<i32>} : memref<1x80xi32, #tpu.memory_space<vmem>>, vector<1x16xi32>,
    %swap3A_579 = vector.shape_cast %swap3A_578 : vector<1x16xi32> to vector<16xi32>
    %swap3A_580 = vector.shape_cast %add3A_574 : vector<16xi32> to vector<1x16xi32>
    tpu.vector_store %arg12[%swap3A_576, %swap3A_577], %swap3A_580 {strides = array<i32>} : memref<1x80xi32, #tpu.memory_space<vmem>>, vector<1x16xi32>,
    %dma_start3A_581 = arith.constant 0 : i32
    %dma_start3A_582 = arith.constant 0 : i32
    %dma_start3A_583 = tpu.memref_slice %arg12[%dma_start3A_581, %dma_start3A_582] : memref<1x80xi32, #tpu.memory_space<vmem>> -> memref<1x80xi32, #tpu.memory_space<vmem>>
    %dma_start3A_584 = tpu.memref_squeeze %dma_start3A_583 : memref<1x80xi32, #tpu.memory_space<vmem>> -> memref<80xi32, #tpu.memory_space<vmem>>
    %dma_start3A_585 = arith.constant 0 : i32
    %dma_start3A_586 = arith.constant 0 : i32
    %dma_start3A_587 = tpu.memref_slice %arg7[%dma_start3A_585, %dma_start3A_586] : memref<10240x128xf32, #tpu.memory_space<vmem_shared>> -> memref<10240x128xf32, #tpu.memory_space<vmem_shared>>
    tpu.enqueue_indirect_dma source(%dma_start3A_587 : memref<10240x128xf32, #tpu.memory_space<vmem_shared>>) target(%arg13 : memref<80x128xf32, #tpu.memory_space<vmem>>) offsets(%dma_start3A_584 : memref<80xi32, #tpu.memory_space<vmem>>) semaphore(%arg16 : memref<!tpu.dma_semaphore, #tpu.memory_space<semaphore_mem>>)
    %dma_wait3A_588 = arith.constant 0 : i32
    %dma_wait3A_589 = arith.constant 0 : i32
    %dma_wait3A_590 = tpu.memref_slice %arg12[%dma_wait3A_588, %dma_wait3A_589] : memref<1x80xi32, #tpu.memory_space<vmem>> -> memref<1x80xi32, #tpu.memory_space<vmem>>
    %dma_wait3A_591 = tpu.memref_squeeze %dma_wait3A_590 : memref<1x80xi32, #tpu.memory_space<vmem>> -> memref<80xi32, #tpu.memory_space<vmem>>
    %dma_wait3A_592 = arith.constant 0 : i32
    %dma_wait3A_593 = arith.constant 0 : i32
    %dma_wait3A_594 = tpu.memref_slice %arg7[%dma_wait3A_592, %dma_wait3A_593] : memref<10240x128xf32, #tpu.memory_space<vmem_shared>> -> memref<10240x128xf32, #tpu.memory_space<vmem_shared>>
    tpu.wait_indirect_dma semaphore(%arg16 : memref<!tpu.dma_semaphore, #tpu.memory_space<semaphore_mem>>) src(%dma_wait3A_594 : memref<10240x128xf32, #tpu.memory_space<vmem_shared>>) dst(%arg13 : memref<80x128xf32, #tpu.memory_space<vmem>>)
    %add3A_595 = arith.constant 80 : i32
    %add3A_596 = arith.addi %mul3A_5, %add3A_595 : i32
    "tpu.region"() ({
      %run_scoped3A_1999 = tpu.sem_alloc : memref<!tpu.dma_semaphore, #tpu.memory_space<semaphore_mem>>
      %dma_start3A_2000 = arith.constant 0 : i32
      %dma_start3A_2001 = tpu.memref_slice %arg5[%arg0, %add3A_596, %dma_start3A_2000] : memref<2x10240x128xf32, #tpu.memory_space<hbm>> -> memref<1x80x128xf32, #tpu.memory_space<hbm>>
      %dma_start3A_2002 = tpu.memref_squeeze %dma_start3A_2001 : memref<1x80x128xf32, #tpu.memory_space<hbm>> -> memref<80x128xf32, #tpu.memory_space<hbm>>
      %dma_start3A_2003 = arith.constant 0 : i32
      %dma_start3A_2004 = tpu.memref_slice %arg5[%arg0, %add3A_596, %dma_start3A_2003] : memref<2x10240x128xf32, #tpu.memory_space<hbm>> -> memref<1x80x128xf32, #tpu.memory_space<hbm>>
      %dma_start3A_2005 = tpu.memref_squeeze %dma_start3A_2004 : memref<1x80x128xf32, #tpu.memory_space<hbm>> -> memref<80x128xf32, #tpu.memory_space<hbm>>
      tpu.enqueue_dma source(%arg13 : memref<80x128xf32, #tpu.memory_space<vmem>>) target(%dma_start3A_2005 : memref<80x128xf32, #tpu.memory_space<hbm>>) target_semaphore(%run_scoped3A_1999 : memref<!tpu.dma_semaphore, #tpu.memory_space<semaphore_mem>>)
      %dma_wait3A_2006 = arith.constant 0 : i32
      %dma_wait3A_2007 = tpu.memref_slice %arg5[%arg0, %add3A_596, %dma_wait3A_2006] : memref<2x10240x128xf32, #tpu.memory_space<hbm>> -> memref<1x80x128xf32, #tpu.memory_space<hbm>>
      %dma_wait3A_2008 = tpu.memref_squeeze %dma_wait3A_2007 : memref<1x80x128xf32, #tpu.memory_space<hbm>> -> memref<80x128xf32, #tpu.memory_space<hbm>>
      %dma_wait3A_2009 = arith.constant 0 : i32
      %dma_wait3A_2010 = tpu.memref_slice %arg5[%arg0, %add3A_596, %dma_wait3A_2009] : memref<2x10240x128xf32, #tpu.memory_space<hbm>> -> memref<1x80x128xf32, #tpu.memory_space<hbm>>
      %dma_wait3A_2011 = tpu.memref_squeeze %dma_wait3A_2010 : memref<1x80x128xf32, #tpu.memory_space<hbm>> -> memref<80x128xf32, #tpu.memory_space<hbm>>
      tpu.wait_dma2 semaphore(%run_scoped3A_1999 : memref<!tpu.dma_semaphore, #tpu.memory_space<semaphore_mem>>) src(%arg13 : memref<80x128xf32, #tpu.memory_space<vmem>>) dst(%dma_wait3A_2011 : memref<80x128xf32, #tpu.memory_space<hbm>>)
      tpu.yield
    }) : () -> ()
    %add3A_597 = arith.constant 160 : i32
    %add3A_598 = arith.addi %mul3A_5, %add3A_597 : i32
    %add3A_599 = arith.constant 0 : i32
    %add3A_600 = arith.addi %add3A_598, %add3A_599 : i32
    %add3A_601 = vector.broadcast %add3A_600 : i32 to vector<16xi32>
    %add3A_602 = arith.addi %add3A_601, %iota3A : vector<16xi32>
    %swap3A_603 = arith.constant 0 : i32
    %swap3A_604 = arith.index_cast %swap3A_603 : i32 to index
    %swap3A_605 = arith.constant 0 : index
    %swap3A_606 = tpu.vector_load %arg12[%swap3A_604, %swap3A_605] {strides = array<i32>} : memref<1x80xi32, #tpu.memory_space<vmem>>, vector<1x16xi32>,
    %swap3A_607 = vector.shape_cast %swap3A_606 : vector<1x16xi32> to vector<16xi32>
    %swap3A_608 = vector.shape_cast %add3A_602 : vector<16xi32> to vector<1x16xi32>
    tpu.vector_store %arg12[%swap3A_604, %swap3A_605], %swap3A_608 {strides = array<i32>} : memref<1x80xi32, #tpu.memory_space<vmem>>, vector<1x16xi32>,
    %add3A_609 = arith.constant 16 : i32
    %add3A_610 = arith.addi %add3A_598, %add3A_609 : i32
    %add3A_611 = vector.broadcast %add3A_610 : i32 to vector<16xi32>
    %add3A_612 = arith.addi %add3A_611, %iota3A : vector<16xi32>
    %swap3A_613 = arith.constant 0 : i32
    %swap3A_614 = arith.index_cast %swap3A_613 : i32 to index
    %swap3A_615 = arith.constant 16 : index
    %swap3A_616 = tpu.vector_load %arg12[%swap3A_614, %swap3A_615] {strides = array<i32>} : memref<1x80xi32, #tpu.memory_space<vmem>>, vector<1x16xi32>,
    %swap3A_617 = vector.shape_cast %swap3A_616 : vector<1x16xi32> to vector<16xi32>
    %swap3A_618 = vector.shape_cast %add3A_612 : vector<16xi32> to vector<1x16xi32>
    tpu.vector_store %arg12[%swap3A_614, %swap3A_615], %swap3A_618 {strides = array<i32>} : memref<1x80xi32, #tpu.memory_space<vmem>>, vector<1x16xi32>,
    %add3A_619 = arith.constant 32 : i32
    %add3A_620 = arith.addi %add3A_598, %add3A_619 : i32
    %add3A_621 = vector.broadcast %add3A_620 : i32 to vector<16xi32>
    %add3A_622 = arith.addi %add3A_621, %iota3A : vector<16xi32>
    %swap3A_623 = arith.constant 0 : i32
    %swap3A_624 = arith.index_cast %swap3A_623 : i32 to index
    %swap3A_625 = arith.constant 32 : index
    %swap3A_626 = tpu.vector_load %arg12[%swap3A_624, %swap3A_625] {strides = array<i32>} : memref<1x80xi32, #tpu.memory_space<vmem>>, vector<1x16xi32>,
    %swap3A_627 = vector.shape_cast %swap3A_626 : vector<1x16xi32> to vector<16xi32>
    %swap3A_628 = vector.shape_cast %add3A_622 : vector<16xi32> to vector<1x16xi32>
    tpu.vector_store %arg12[%swap3A_624, %swap3A_625], %swap3A_628 {strides = array<i32>} : memref<1x80xi32, #tpu.memory_space<vmem>>, vector<1x16xi32>,
    %add3A_629 = arith.constant 48 : i32
    %add3A_630 = arith.addi %add3A_598, %add3A_629 : i32
    %add3A_631 = vector.broadcast %add3A_630 : i32 to vector<16xi32>
    %add3A_632 = arith.addi %add3A_631, %iota3A : vector<16xi32>
    %swap3A_633 = arith.constant 0 : i32
    %swap3A_634 = arith.index_cast %swap3A_633 : i32 to index
    %swap3A_635 = arith.constant 48 : index
    %swap3A_636 = tpu.vector_load %arg12[%swap3A_634, %swap3A_635] {strides = array<i32>} : memref<1x80xi32, #tpu.memory_space<vmem>>, vector<1x16xi32>,
    %swap3A_637 = vector.shape_cast %swap3A_636 : vector<1x16xi32> to vector<16xi32>
    %swap3A_638 = vector.shape_cast %add3A_632 : vector<16xi32> to vector<1x16xi32>
    tpu.vector_store %arg12[%swap3A_634, %swap3A_635], %swap3A_638 {strides = array<i32>} : memref<1x80xi32, #tpu.memory_space<vmem>>, vector<1x16xi32>,
    %add3A_639 = arith.constant 64 : i32
    %add3A_640 = arith.addi %add3A_598, %add3A_639 : i32
    %add3A_641 = vector.broadcast %add3A_640 : i32 to vector<16xi32>
    %add3A_642 = arith.addi %add3A_641, %iota3A : vector<16xi32>
    %swap3A_643 = arith.constant 0 : i32
    %swap3A_644 = arith.index_cast %swap3A_643 : i32 to index
    %swap3A_645 = arith.constant 64 : index
    %swap3A_646 = tpu.vector_load %arg12[%swap3A_644, %swap3A_645] {strides = array<i32>} : memref<1x80xi32, #tpu.memory_space<vmem>>, vector<1x16xi32>,
    %swap3A_647 = vector.shape_cast %swap3A_646 : vector<1x16xi32> to vector<16xi32>
    %swap3A_648 = vector.shape_cast %add3A_642 : vector<16xi32> to vector<1x16xi32>
    tpu.vector_store %arg12[%swap3A_644, %swap3A_645], %swap3A_648 {strides = array<i32>} : memref<1x80xi32, #tpu.memory_space<vmem>>, vector<1x16xi32>,
    %dma_start3A_649 = arith.constant 0 : i32
    %dma_start3A_650 = arith.constant 0 : i32
    %dma_start3A_651 = tpu.memref_slice %arg12[%dma_start3A_649, %dma_start3A_650] : memref<1x80xi32, #tpu.memory_space<vmem>> -> memref<1x80xi32, #tpu.memory_space<vmem>>
    %dma_start3A_652 = tpu.memref_squeeze %dma_start3A_651 : memref<1x80xi32, #tpu.memory_space<vmem>> -> memref<80xi32, #tpu.memory_space<vmem>>
    %dma_start3A_653 = arith.constant 0 : i32
    %dma_start3A_654 = arith.constant 0 : i32
    %dma_start3A_655 = tpu.memref_slice %arg7[%dma_start3A_653, %dma_start3A_654] : memref<10240x128xf32, #tpu.memory_space<vmem_shared>> -> memref<10240x128xf32, #tpu.memory_space<vmem_shared>>
    tpu.enqueue_indirect_dma source(%dma_start3A_655 : memref<10240x128xf32, #tpu.memory_space<vmem_shared>>) target(%arg13 : memref<80x128xf32, #tpu.memory_space<vmem>>) offsets(%dma_start3A_652 : memref<80xi32, #tpu.memory_space<vmem>>) semaphore(%arg16 : memref<!tpu.dma_semaphore, #tpu.memory_space<semaphore_mem>>)
    %dma_wait3A_656 = arith.constant 0 : i32
    %dma_wait3A_657 = arith.constant 0 : i32
    %dma_wait3A_658 = tpu.memref_slice %arg12[%dma_wait3A_656, %dma_wait3A_657] : memref<1x80xi32, #tpu.memory_space<vmem>> -> memref<1x80xi32, #tpu.memory_space<vmem>>
    %dma_wait3A_659 = tpu.memref_squeeze %dma_wait3A_658 : memref<1x80xi32, #tpu.memory_space<vmem>> -> memref<80xi32, #tpu.memory_space<vmem>>
    %dma_wait3A_660 = arith.constant 0 : i32
    %dma_wait3A_661 = arith.constant 0 : i32
    %dma_wait3A_662 = tpu.memref_slice %arg7[%dma_wait3A_660, %dma_wait3A_661] : memref<10240x128xf32, #tpu.memory_space<vmem_shared>> -> memref<10240x128xf32, #tpu.memory_space<vmem_shared>>
    tpu.wait_indirect_dma semaphore(%arg16 : memref<!tpu.dma_semaphore, #tpu.memory_space<semaphore_mem>>) src(%dma_wait3A_662 : memref<10240x128xf32, #tpu.memory_space<vmem_shared>>) dst(%arg13 : memref<80x128xf32, #tpu.memory_space<vmem>>)
    %add3A_663 = arith.constant 160 : i32
    %add3A_664 = arith.addi %mul3A_5, %add3A_663 : i32
    "tpu.region"() ({
      %run_scoped3A_1999 = tpu.sem_alloc : memref<!tpu.dma_semaphore, #tpu.memory_space<semaphore_mem>>
      %dma_start3A_2000 = arith.constant 0 : i32
      %dma_start3A_2001 = tpu.memref_slice %arg5[%arg0, %add3A_664, %dma_start3A_2000] : memref<2x10240x128xf32, #tpu.memory_space<hbm>> -> memref<1x80x128xf32, #tpu.memory_space<hbm>>
      %dma_start3A_2002 = tpu.memref_squeeze %dma_start3A_2001 : memref<1x80x128xf32, #tpu.memory_space<hbm>> -> memref<80x128xf32, #tpu.memory_space<hbm>>
      %dma_start3A_2003 = arith.constant 0 : i32
      %dma_start3A_2004 = tpu.memref_slice %arg5[%arg0, %add3A_664, %dma_start3A_2003] : memref<2x10240x128xf32, #tpu.memory_space<hbm>> -> memref<1x80x128xf32, #tpu.memory_space<hbm>>
      %dma_start3A_2005 = tpu.memref_squeeze %dma_start3A_2004 : memref<1x80x128xf32, #tpu.memory_space<hbm>> -> memref<80x128xf32, #tpu.memory_space<hbm>>
      tpu.enqueue_dma source(%arg13 : memref<80x128xf32, #tpu.memory_space<vmem>>) target(%dma_start3A_2005 : memref<80x128xf32, #tpu.memory_space<hbm>>) target_semaphore(%run_scoped3A_1999 : memref<!tpu.dma_semaphore, #tpu.memory_space<semaphore_mem>>)
      %dma_wait3A_2006 = arith.constant 0 : i32
      %dma_wait3A_2007 = tpu.memref_slice %arg5[%arg0, %add3A_664, %dma_wait3A_2006] : memref<2x10240x128xf32, #tpu.memory_space<hbm>> -> memref<1x80x128xf32, #tpu.memory_space<hbm>>
      %dma_wait3A_2008 = tpu.memref_squeeze %dma_wait3A_2007 : memref<1x80x128xf32, #tpu.memory_space<hbm>> -> memref<80x128xf32, #tpu.memory_space<hbm>>
      %dma_wait3A_2009 = arith.constant 0 : i32
      %dma_wait3A_2010 = tpu.memref_slice %arg5[%arg0, %add3A_664, %dma_wait3A_2009] : memref<2x10240x128xf32, #tpu.memory_space<hbm>> -> memref<1x80x128xf32, #tpu.memory_space<hbm>>
      %dma_wait3A_2011 = tpu.memref_squeeze %dma_wait3A_2010 : memref<1x80x128xf32, #tpu.memory_space<hbm>> -> memref<80x128xf32, #tpu.memory_space<hbm>>
      tpu.wait_dma2 semaphore(%run_scoped3A_1999 : memref<!tpu.dma_semaphore, #tpu.memory_space<semaphore_mem>>) src(%arg13 : memref<80x128xf32, #tpu.memory_space<vmem>>) dst(%dma_wait3A_2011 : memref<80x128xf32, #tpu.memory_space<hbm>>)
      tpu.yield
    }) : () -> ()
    %add3A_665 = arith.constant 240 : i32
    %add3A_666 = arith.addi %mul3A_5, %add3A_665 : i32
    %add3A_667 = arith.constant 0 : i32
    %add3A_668 = arith.addi %add3A_666, %add3A_667 : i32
    %add3A_669 = vector.broadcast %add3A_668 : i32 to vector<16xi32>
    %add3A_670 = arith.addi %add3A_669, %iota3A : vector<16xi32>
    %swap3A_671 = arith.constant 0 : i32
    %swap3A_672 = arith.index_cast %swap3A_671 : i32 to index
    %swap3A_673 = arith.constant 0 : index
    %swap3A_674 = tpu.vector_load %arg12[%swap3A_672, %swap3A_673] {strides = array<i32>} : memref<1x80xi32, #tpu.memory_space<vmem>>, vector<1x16xi32>,
    %swap3A_675 = vector.shape_cast %swap3A_674 : vector<1x16xi32> to vector<16xi32>
    %swap3A_676 = vector.shape_cast %add3A_670 : vector<16xi32> to vector<1x16xi32>
    tpu.vector_store %arg12[%swap3A_672, %swap3A_673], %swap3A_676 {strides = array<i32>} : memref<1x80xi32, #tpu.memory_space<vmem>>, vector<1x16xi32>,
    %add3A_677 = arith.constant 16 : i32
    %add3A_678 = arith.addi %add3A_666, %add3A_677 : i32
    %add3A_679 = vector.broadcast %add3A_678 : i32 to vector<16xi32>
    %add3A_680 = arith.addi %add3A_679, %iota3A : vector<16xi32>
    %swap3A_681 = arith.constant 0 : i32
    %swap3A_682 = arith.index_cast %swap3A_681 : i32 to index
    %swap3A_683 = arith.constant 16 : index
    %swap3A_684 = tpu.vector_load %arg12[%swap3A_682, %swap3A_683] {strides = array<i32>} : memref<1x80xi32, #tpu.memory_space<vmem>>, vector<1x16xi32>,
    %swap3A_685 = vector.shape_cast %swap3A_684 : vector<1x16xi32> to vector<16xi32>
    %swap3A_686 = vector.shape_cast %add3A_680 : vector<16xi32> to vector<1x16xi32>
    tpu.vector_store %arg12[%swap3A_682, %swap3A_683], %swap3A_686 {strides = array<i32>} : memref<1x80xi32, #tpu.memory_space<vmem>>, vector<1x16xi32>,
    %add3A_687 = arith.constant 32 : i32
    %add3A_688 = arith.addi %add3A_666, %add3A_687 : i32
    %add3A_689 = vector.broadcast %add3A_688 : i32 to vector<16xi32>
    %add3A_690 = arith.addi %add3A_689, %iota3A : vector<16xi32>
    %swap3A_691 = arith.constant 0 : i32
    %swap3A_692 = arith.index_cast %swap3A_691 : i32 to index
    %swap3A_693 = arith.constant 32 : index
    %swap3A_694 = tpu.vector_load %arg12[%swap3A_692, %swap3A_693] {strides = array<i32>} : memref<1x80xi32, #tpu.memory_space<vmem>>, vector<1x16xi32>,
    %swap3A_695 = vector.shape_cast %swap3A_694 : vector<1x16xi32> to vector<16xi32>
    %swap3A_696 = vector.shape_cast %add3A_690 : vector<16xi32> to vector<1x16xi32>
    tpu.vector_store %arg12[%swap3A_692, %swap3A_693], %swap3A_696 {strides = array<i32>} : memref<1x80xi32, #tpu.memory_space<vmem>>, vector<1x16xi32>,
    %add3A_697 = arith.constant 48 : i32
    %add3A_698 = arith.addi %add3A_666, %add3A_697 : i32
    %add3A_699 = vector.broadcast %add3A_698 : i32 to vector<16xi32>
    %add3A_700 = arith.addi %add3A_699, %iota3A : vector<16xi32>
    %swap3A_701 = arith.constant 0 : i32
    %swap3A_702 = arith.index_cast %swap3A_701 : i32 to index
    %swap3A_703 = arith.constant 48 : index
    %swap3A_704 = tpu.vector_load %arg12[%swap3A_702, %swap3A_703] {strides = array<i32>} : memref<1x80xi32, #tpu.memory_space<vmem>>, vector<1x16xi32>,
    %swap3A_705 = vector.shape_cast %swap3A_704 : vector<1x16xi32> to vector<16xi32>
    %swap3A_706 = vector.shape_cast %add3A_700 : vector<16xi32> to vector<1x16xi32>
    tpu.vector_store %arg12[%swap3A_702, %swap3A_703], %swap3A_706 {strides = array<i32>} : memref<1x80xi32, #tpu.memory_space<vmem>>, vector<1x16xi32>,
    %add3A_707 = arith.constant 64 : i32
    %add3A_708 = arith.addi %add3A_666, %add3A_707 : i32
    %add3A_709 = vector.broadcast %add3A_708 : i32 to vector<16xi32>
    %add3A_710 = arith.addi %add3A_709, %iota3A : vector<16xi32>
    %swap3A_711 = arith.constant 0 : i32
    %swap3A_712 = arith.index_cast %swap3A_711 : i32 to index
    %swap3A_713 = arith.constant 64 : index
    %swap3A_714 = tpu.vector_load %arg12[%swap3A_712, %swap3A_713] {strides = array<i32>} : memref<1x80xi32, #tpu.memory_space<vmem>>, vector<1x16xi32>,
    %swap3A_715 = vector.shape_cast %swap3A_714 : vector<1x16xi32> to vector<16xi32>
    %swap3A_716 = vector.shape_cast %add3A_710 : vector<16xi32> to vector<1x16xi32>
    tpu.vector_store %arg12[%swap3A_712, %swap3A_713], %swap3A_716 {strides = array<i32>} : memref<1x80xi32, #tpu.memory_space<vmem>>, vector<1x16xi32>,
    %dma_start3A_717 = arith.constant 0 : i32
    %dma_start3A_718 = arith.constant 0 : i32
    %dma_start3A_719 = tpu.memref_slice %arg12[%dma_start3A_717, %dma_start3A_718] : memref<1x80xi32, #tpu.memory_space<vmem>> -> memref<1x80xi32, #tpu.memory_space<vmem>>
    %dma_start3A_720 = tpu.memref_squeeze %dma_start3A_719 : memref<1x80xi32, #tpu.memory_space<vmem>> -> memref<80xi32, #tpu.memory_space<vmem>>
    %dma_start3A_721 = arith.constant 0 : i32
    %dma_start3A_722 = arith.constant 0 : i32
    %dma_start3A_723 = tpu.memref_slice %arg7[%dma_start3A_721, %dma_start3A_722] : memref<10240x128xf32, #tpu.memory_space<vmem_shared>> -> memref<10240x128xf32, #tpu.memory_space<vmem_shared>>
    tpu.enqueue_indirect_dma source(%dma_start3A_723 : memref<10240x128xf32, #tpu.memory_space<vmem_shared>>) target(%arg13 : memref<80x128xf32, #tpu.memory_space<vmem>>) offsets(%dma_start3A_720 : memref<80xi32, #tpu.memory_space<vmem>>) semaphore(%arg16 : memref<!tpu.dma_semaphore, #tpu.memory_space<semaphore_mem>>)
    %dma_wait3A_724 = arith.constant 0 : i32
    %dma_wait3A_725 = arith.constant 0 : i32
    %dma_wait3A_726 = tpu.memref_slice %arg12[%dma_wait3A_724, %dma_wait3A_725] : memref<1x80xi32, #tpu.memory_space<vmem>> -> memref<1x80xi32, #tpu.memory_space<vmem>>
    %dma_wait3A_727 = tpu.memref_squeeze %dma_wait3A_726 : memref<1x80xi32, #tpu.memory_space<vmem>> -> memref<80xi32, #tpu.memory_space<vmem>>
    %dma_wait3A_728 = arith.constant 0 : i32
    %dma_wait3A_729 = arith.constant 0 : i32
    %dma_wait3A_730 = tpu.memref_slice %arg7[%dma_wait3A_728, %dma_wait3A_729] : memref<10240x128xf32, #tpu.memory_space<vmem_shared>> -> memref<10240x128xf32, #tpu.memory_space<vmem_shared>>
    tpu.wait_indirect_dma semaphore(%arg16 : memref<!tpu.dma_semaphore, #tpu.memory_space<semaphore_mem>>) src(%dma_wait3A_730 : memref<10240x128xf32, #tpu.memory_space<vmem_shared>>) dst(%arg13 : memref<80x128xf32, #tpu.memory_space<vmem>>)
    %add3A_731 = arith.constant 240 : i32
    %add3A_732 = arith.addi %mul3A_5, %add3A_731 : i32
    "tpu.region"() ({
      %run_scoped3A_1999 = tpu.sem_alloc : memref<!tpu.dma_semaphore, #tpu.memory_space<semaphore_mem>>
      %dma_start3A_2000 = arith.constant 0 : i32
      %dma_start3A_2001 = tpu.memref_slice %arg5[%arg0, %add3A_732, %dma_start3A_2000] : memref<2x10240x128xf32, #tpu.memory_space<hbm>> -> memref<1x80x128xf32, #tpu.memory_space<hbm>>
      %dma_start3A_2002 = tpu.memref_squeeze %dma_start3A_2001 : memref<1x80x128xf32, #tpu.memory_space<hbm>> -> memref<80x128xf32, #tpu.memory_space<hbm>>
      %dma_start3A_2003 = arith.constant 0 : i32
      %dma_start3A_2004 = tpu.memref_slice %arg5[%arg0, %add3A_732, %dma_start3A_2003] : memref<2x10240x128xf32, #tpu.memory_space<hbm>> -> memref<1x80x128xf32, #tpu.memory_space<hbm>>
      %dma_start3A_2005 = tpu.memref_squeeze %dma_start3A_2004 : memref<1x80x128xf32, #tpu.memory_space<hbm>> -> memref<80x128xf32, #tpu.memory_space<hbm>>
      tpu.enqueue_dma source(%arg13 : memref<80x128xf32, #tpu.memory_space<vmem>>) target(%dma_start3A_2005 : memref<80x128xf32, #tpu.memory_space<hbm>>) target_semaphore(%run_scoped3A_1999 : memref<!tpu.dma_semaphore, #tpu.memory_space<semaphore_mem>>)
      %dma_wait3A_2006 = arith.constant 0 : i32
      %dma_wait3A_2007 = tpu.memref_slice %arg5[%arg0, %add3A_732, %dma_wait3A_2006] : memref<2x10240x128xf32, #tpu.memory_space<hbm>> -> memref<1x80x128xf32, #tpu.memory_space<hbm>>
      %dma_wait3A_2008 = tpu.memref_squeeze %dma_wait3A_2007 : memref<1x80x128xf32, #tpu.memory_space<hbm>> -> memref<80x128xf32, #tpu.memory_space<hbm>>
      %dma_wait3A_2009 = arith.constant 0 : i32
      %dma_wait3A_2010 = tpu.memref_slice %arg5[%arg0, %add3A_732, %dma_wait3A_2009] : memref<2x10240x128xf32, #tpu.memory_space<hbm>> -> memref<1x80x128xf32, #tpu.memory_space<hbm>>
      %dma_wait3A_2011 = tpu.memref_squeeze %dma_wait3A_2010 : memref<1x80x128xf32, #tpu.memory_space<hbm>> -> memref<80x128xf32, #tpu.memory_space<hbm>>
      tpu.wait_dma2 semaphore(%run_scoped3A_1999 : memref<!tpu.dma_semaphore, #tpu.memory_space<semaphore_mem>>) src(%arg13 : memref<80x128xf32, #tpu.memory_space<vmem>>) dst(%dma_wait3A_2011 : memref<80x128xf32, #tpu.memory_space<hbm>>)
      tpu.yield
    }) : () -> ()
    %add3A_733 = arith.constant 320 : i32
    %add3A_734 = arith.addi %mul3A_5, %add3A_733 : i32
    %add3A_735 = arith.constant 0 : i32
    %add3A_736 = arith.addi %add3A_734, %add3A_735 : i32
    %add3A_737 = vector.broadcast %add3A_736 : i32 to vector<16xi32>
    %add3A_738 = arith.addi %add3A_737, %iota3A : vector<16xi32>
    %swap3A_739 = arith.constant 0 : i32
    %swap3A_740 = arith.index_cast %swap3A_739 : i32 to index
    %swap3A_741 = arith.constant 0 : index
    %swap3A_742 = tpu.vector_load %arg12[%swap3A_740, %swap3A_741] {strides = array<i32>} : memref<1x80xi32, #tpu.memory_space<vmem>>, vector<1x16xi32>,
    %swap3A_743 = vector.shape_cast %swap3A_742 : vector<1x16xi32> to vector<16xi32>
    %swap3A_744 = vector.shape_cast %add3A_738 : vector<16xi32> to vector<1x16xi32>
    tpu.vector_store %arg12[%swap3A_740, %swap3A_741], %swap3A_744 {strides = array<i32>} : memref<1x80xi32, #tpu.memory_space<vmem>>, vector<1x16xi32>,
    %add3A_745 = arith.constant 16 : i32
    %add3A_746 = arith.addi %add3A_734, %add3A_745 : i32
    %add3A_747 = vector.broadcast %add3A_746 : i32 to vector<16xi32>
    %add3A_748 = arith.addi %add3A_747, %iota3A : vector<16xi32>
    %swap3A_749 = arith.constant 0 : i32
    %swap3A_750 = arith.index_cast %swap3A_749 : i32 to index
    %swap3A_751 = arith.constant 16 : index
    %swap3A_752 = tpu.vector_load %arg12[%swap3A_750, %swap3A_751] {strides = array<i32>} : memref<1x80xi32, #tpu.memory_space<vmem>>, vector<1x16xi32>,
    %swap3A_753 = vector.shape_cast %swap3A_752 : vector<1x16xi32> to vector<16xi32>
    %swap3A_754 = vector.shape_cast %add3A_748 : vector<16xi32> to vector<1x16xi32>
    tpu.vector_store %arg12[%swap3A_750, %swap3A_751], %swap3A_754 {strides = array<i32>} : memref<1x80xi32, #tpu.memory_space<vmem>>, vector<1x16xi32>,
    %add3A_755 = arith.constant 32 : i32
    %add3A_756 = arith.addi %add3A_734, %add3A_755 : i32
    %add3A_757 = vector.broadcast %add3A_756 : i32 to vector<16xi32>
    %add3A_758 = arith.addi %add3A_757, %iota3A : vector<16xi32>
    %swap3A_759 = arith.constant 0 : i32
    %swap3A_760 = arith.index_cast %swap3A_759 : i32 to index
    %swap3A_761 = arith.constant 32 : index
    %swap3A_762 = tpu.vector_load %arg12[%swap3A_760, %swap3A_761] {strides = array<i32>} : memref<1x80xi32, #tpu.memory_space<vmem>>, vector<1x16xi32>,
    %swap3A_763 = vector.shape_cast %swap3A_762 : vector<1x16xi32> to vector<16xi32>
    %swap3A_764 = vector.shape_cast %add3A_758 : vector<16xi32> to vector<1x16xi32>
    tpu.vector_store %arg12[%swap3A_760, %swap3A_761], %swap3A_764 {strides = array<i32>} : memref<1x80xi32, #tpu.memory_space<vmem>>, vector<1x16xi32>,
    %add3A_765 = arith.constant 48 : i32
    %add3A_766 = arith.addi %add3A_734, %add3A_765 : i32
    %add3A_767 = vector.broadcast %add3A_766 : i32 to vector<16xi32>
    %add3A_768 = arith.addi %add3A_767, %iota3A : vector<16xi32>
    %swap3A_769 = arith.constant 0 : i32
    %swap3A_770 = arith.index_cast %swap3A_769 : i32 to index
    %swap3A_771 = arith.constant 48 : index
    %swap3A_772 = tpu.vector_load %arg12[%swap3A_770, %swap3A_771] {strides = array<i32>} : memref<1x80xi32, #tpu.memory_space<vmem>>, vector<1x16xi32>,
    %swap3A_773 = vector.shape_cast %swap3A_772 : vector<1x16xi32> to vector<16xi32>
    %swap3A_774 = vector.shape_cast %add3A_768 : vector<16xi32> to vector<1x16xi32>
    tpu.vector_store %arg12[%swap3A_770, %swap3A_771], %swap3A_774 {strides = array<i32>} : memref<1x80xi32, #tpu.memory_space<vmem>>, vector<1x16xi32>,
    %add3A_775 = arith.constant 64 : i32
    %add3A_776 = arith.addi %add3A_734, %add3A_775 : i32
    %add3A_777 = vector.broadcast %add3A_776 : i32 to vector<16xi32>
    %add3A_778 = arith.addi %add3A_777, %iota3A : vector<16xi32>
    %swap3A_779 = arith.constant 0 : i32
    %swap3A_780 = arith.index_cast %swap3A_779 : i32 to index
    %swap3A_781 = arith.constant 64 : index
    %swap3A_782 = tpu.vector_load %arg12[%swap3A_780, %swap3A_781] {strides = array<i32>} : memref<1x80xi32, #tpu.memory_space<vmem>>, vector<1x16xi32>,
    %swap3A_783 = vector.shape_cast %swap3A_782 : vector<1x16xi32> to vector<16xi32>
    %swap3A_784 = vector.shape_cast %add3A_778 : vector<16xi32> to vector<1x16xi32>
    tpu.vector_store %arg12[%swap3A_780, %swap3A_781], %swap3A_784 {strides = array<i32>} : memref<1x80xi32, #tpu.memory_space<vmem>>, vector<1x16xi32>,
    %dma_start3A_785 = arith.constant 0 : i32
    %dma_start3A_786 = arith.constant 0 : i32
    %dma_start3A_787 = tpu.memref_slice %arg12[%dma_start3A_785, %dma_start3A_786] : memref<1x80xi32, #tpu.memory_space<vmem>> -> memref<1x80xi32, #tpu.memory_space<vmem>>
    %dma_start3A_788 = tpu.memref_squeeze %dma_start3A_787 : memref<1x80xi32, #tpu.memory_space<vmem>> -> memref<80xi32, #tpu.memory_space<vmem>>
    %dma_start3A_789 = arith.constant 0 : i32
    %dma_start3A_790 = arith.constant 0 : i32
    %dma_start3A_791 = tpu.memref_slice %arg7[%dma_start3A_789, %dma_start3A_790] : memref<10240x128xf32, #tpu.memory_space<vmem_shared>> -> memref<10240x128xf32, #tpu.memory_space<vmem_shared>>
    tpu.enqueue_indirect_dma source(%dma_start3A_791 : memref<10240x128xf32, #tpu.memory_space<vmem_shared>>) target(%arg13 : memref<80x128xf32, #tpu.memory_space<vmem>>) offsets(%dma_start3A_788 : memref<80xi32, #tpu.memory_space<vmem>>) semaphore(%arg16 : memref<!tpu.dma_semaphore, #tpu.memory_space<semaphore_mem>>)
    %dma_wait3A_792 = arith.constant 0 : i32
    %dma_wait3A_793 = arith.constant 0 : i32
    %dma_wait3A_794 = tpu.memref_slice %arg12[%dma_wait3A_792, %dma_wait3A_793] : memref<1x80xi32, #tpu.memory_space<vmem>> -> memref<1x80xi32, #tpu.memory_space<vmem>>
    %dma_wait3A_795 = tpu.memref_squeeze %dma_wait3A_794 : memref<1x80xi32, #tpu.memory_space<vmem>> -> memref<80xi32, #tpu.memory_space<vmem>>
    %dma_wait3A_796 = arith.constant 0 : i32
    %dma_wait3A_797 = arith.constant 0 : i32
    %dma_wait3A_798 = tpu.memref_slice %arg7[%dma_wait3A_796, %dma_wait3A_797] : memref<10240x128xf32, #tpu.memory_space<vmem_shared>> -> memref<10240x128xf32, #tpu.memory_space<vmem_shared>>
    tpu.wait_indirect_dma semaphore(%arg16 : memref<!tpu.dma_semaphore, #tpu.memory_space<semaphore_mem>>) src(%dma_wait3A_798 : memref<10240x128xf32, #tpu.memory_space<vmem_shared>>) dst(%arg13 : memref<80x128xf32, #tpu.memory_space<vmem>>)
    %add3A_799 = arith.constant 320 : i32
    %add3A_800 = arith.addi %mul3A_5, %add3A_799 : i32
    "tpu.region"() ({
      %run_scoped3A_1999 = tpu.sem_alloc : memref<!tpu.dma_semaphore, #tpu.memory_space<semaphore_mem>>
      %dma_start3A_2000 = arith.constant 0 : i32
      %dma_start3A_2001 = tpu.memref_slice %arg5[%arg0, %add3A_800, %dma_start3A_2000] : memref<2x10240x128xf32, #tpu.memory_space<hbm>> -> memref<1x80x128xf32, #tpu.memory_space<hbm>>
      %dma_start3A_2002 = tpu.memref_squeeze %dma_start3A_2001 : memref<1x80x128xf32, #tpu.memory_space<hbm>> -> memref<80x128xf32, #tpu.memory_space<hbm>>
      %dma_start3A_2003 = arith.constant 0 : i32
      %dma_start3A_2004 = tpu.memref_slice %arg5[%arg0, %add3A_800, %dma_start3A_2003] : memref<2x10240x128xf32, #tpu.memory_space<hbm>> -> memref<1x80x128xf32, #tpu.memory_space<hbm>>
      %dma_start3A_2005 = tpu.memref_squeeze %dma_start3A_2004 : memref<1x80x128xf32, #tpu.memory_space<hbm>> -> memref<80x128xf32, #tpu.memory_space<hbm>>
      tpu.enqueue_dma source(%arg13 : memref<80x128xf32, #tpu.memory_space<vmem>>) target(%dma_start3A_2005 : memref<80x128xf32, #tpu.memory_space<hbm>>) target_semaphore(%run_scoped3A_1999 : memref<!tpu.dma_semaphore, #tpu.memory_space<semaphore_mem>>)
      %dma_wait3A_2006 = arith.constant 0 : i32
      %dma_wait3A_2007 = tpu.memref_slice %arg5[%arg0, %add3A_800, %dma_wait3A_2006] : memref<2x10240x128xf32, #tpu.memory_space<hbm>> -> memref<1x80x128xf32, #tpu.memory_space<hbm>>
      %dma_wait3A_2008 = tpu.memref_squeeze %dma_wait3A_2007 : memref<1x80x128xf32, #tpu.memory_space<hbm>> -> memref<80x128xf32, #tpu.memory_space<hbm>>
      %dma_wait3A_2009 = arith.constant 0 : i32
      %dma_wait3A_2010 = tpu.memref_slice %arg5[%arg0, %add3A_800, %dma_wait3A_2009] : memref<2x10240x128xf32, #tpu.memory_space<hbm>> -> memref<1x80x128xf32, #tpu.memory_space<hbm>>
      %dma_wait3A_2011 = tpu.memref_squeeze %dma_wait3A_2010 : memref<1x80x128xf32, #tpu.memory_space<hbm>> -> memref<80x128xf32, #tpu.memory_space<hbm>>
      tpu.wait_dma2 semaphore(%run_scoped3A_1999 : memref<!tpu.dma_semaphore, #tpu.memory_space<semaphore_mem>>) src(%arg13 : memref<80x128xf32, #tpu.memory_space<vmem>>) dst(%dma_wait3A_2011 : memref<80x128xf32, #tpu.memory_space<hbm>>)
      tpu.yield
    }) : () -> ()
    %add3A_801 = arith.constant 400 : i32
    %add3A_802 = arith.addi %mul3A_5, %add3A_801 : i32
    %add3A_803 = arith.constant 0 : i32
    %add3A_804 = arith.addi %add3A_802, %add3A_803 : i32
    %add3A_805 = vector.broadcast %add3A_804 : i32 to vector<16xi32>
    %add3A_806 = arith.addi %add3A_805, %iota3A : vector<16xi32>
    %swap3A_807 = arith.constant 0 : i32
    %swap3A_808 = arith.index_cast %swap3A_807 : i32 to index
    %swap3A_809 = arith.constant 0 : index
    %swap3A_810 = tpu.vector_load %arg12[%swap3A_808, %swap3A_809] {strides = array<i32>} : memref<1x80xi32, #tpu.memory_space<vmem>>, vector<1x16xi32>,
    %swap3A_811 = vector.shape_cast %swap3A_810 : vector<1x16xi32> to vector<16xi32>
    %swap3A_812 = vector.shape_cast %add3A_806 : vector<16xi32> to vector<1x16xi32>
    tpu.vector_store %arg12[%swap3A_808, %swap3A_809], %swap3A_812 {strides = array<i32>} : memref<1x80xi32, #tpu.memory_space<vmem>>, vector<1x16xi32>,
    %add3A_813 = arith.constant 16 : i32
    %add3A_814 = arith.addi %add3A_802, %add3A_813 : i32
    %add3A_815 = vector.broadcast %add3A_814 : i32 to vector<16xi32>
    %add3A_816 = arith.addi %add3A_815, %iota3A : vector<16xi32>
    %swap3A_817 = arith.constant 0 : i32
    %swap3A_818 = arith.index_cast %swap3A_817 : i32 to index
    %swap3A_819 = arith.constant 16 : index
    %swap3A_820 = tpu.vector_load %arg12[%swap3A_818, %swap3A_819] {strides = array<i32>} : memref<1x80xi32, #tpu.memory_space<vmem>>, vector<1x16xi32>,
    %swap3A_821 = vector.shape_cast %swap3A_820 : vector<1x16xi32> to vector<16xi32>
    %swap3A_822 = vector.shape_cast %add3A_816 : vector<16xi32> to vector<1x16xi32>
    tpu.vector_store %arg12[%swap3A_818, %swap3A_819], %swap3A_822 {strides = array<i32>} : memref<1x80xi32, #tpu.memory_space<vmem>>, vector<1x16xi32>,
    %add3A_823 = arith.constant 32 : i32
    %add3A_824 = arith.addi %add3A_802, %add3A_823 : i32
    %add3A_825 = vector.broadcast %add3A_824 : i32 to vector<16xi32>
    %add3A_826 = arith.addi %add3A_825, %iota3A : vector<16xi32>
    %swap3A_827 = arith.constant 0 : i32
    %swap3A_828 = arith.index_cast %swap3A_827 : i32 to index
    %swap3A_829 = arith.constant 32 : index
    %swap3A_830 = tpu.vector_load %arg12[%swap3A_828, %swap3A_829] {strides = array<i32>} : memref<1x80xi32, #tpu.memory_space<vmem>>, vector<1x16xi32>,
    %swap3A_831 = vector.shape_cast %swap3A_830 : vector<1x16xi32> to vector<16xi32>
    %swap3A_832 = vector.shape_cast %add3A_826 : vector<16xi32> to vector<1x16xi32>
    tpu.vector_store %arg12[%swap3A_828, %swap3A_829], %swap3A_832 {strides = array<i32>} : memref<1x80xi32, #tpu.memory_space<vmem>>, vector<1x16xi32>,
    %add3A_833 = arith.constant 48 : i32
    %add3A_834 = arith.addi %add3A_802, %add3A_833 : i32
    %add3A_835 = vector.broadcast %add3A_834 : i32 to vector<16xi32>
    %add3A_836 = arith.addi %add3A_835, %iota3A : vector<16xi32>
    %swap3A_837 = arith.constant 0 : i32
    %swap3A_838 = arith.index_cast %swap3A_837 : i32 to index
    %swap3A_839 = arith.constant 48 : index
    %swap3A_840 = tpu.vector_load %arg12[%swap3A_838, %swap3A_839] {strides = array<i32>} : memref<1x80xi32, #tpu.memory_space<vmem>>, vector<1x16xi32>,
    %swap3A_841 = vector.shape_cast %swap3A_840 : vector<1x16xi32> to vector<16xi32>
    %swap3A_842 = vector.shape_cast %add3A_836 : vector<16xi32> to vector<1x16xi32>
    tpu.vector_store %arg12[%swap3A_838, %swap3A_839], %swap3A_842 {strides = array<i32>} : memref<1x80xi32, #tpu.memory_space<vmem>>, vector<1x16xi32>,
    %add3A_843 = arith.constant 64 : i32
    %add3A_844 = arith.addi %add3A_802, %add3A_843 : i32
    %add3A_845 = vector.broadcast %add3A_844 : i32 to vector<16xi32>
    %add3A_846 = arith.addi %add3A_845, %iota3A : vector<16xi32>
    %swap3A_847 = arith.constant 0 : i32
    %swap3A_848 = arith.index_cast %swap3A_847 : i32 to index
    %swap3A_849 = arith.constant 64 : index
    %swap3A_850 = tpu.vector_load %arg12[%swap3A_848, %swap3A_849] {strides = array<i32>} : memref<1x80xi32, #tpu.memory_space<vmem>>, vector<1x16xi32>,
    %swap3A_851 = vector.shape_cast %swap3A_850 : vector<1x16xi32> to vector<16xi32>
    %swap3A_852 = vector.shape_cast %add3A_846 : vector<16xi32> to vector<1x16xi32>
    tpu.vector_store %arg12[%swap3A_848, %swap3A_849], %swap3A_852 {strides = array<i32>} : memref<1x80xi32, #tpu.memory_space<vmem>>, vector<1x16xi32>,
    %dma_start3A_853 = arith.constant 0 : i32
    %dma_start3A_854 = arith.constant 0 : i32
    %dma_start3A_855 = tpu.memref_slice %arg12[%dma_start3A_853, %dma_start3A_854] : memref<1x80xi32, #tpu.memory_space<vmem>> -> memref<1x80xi32, #tpu.memory_space<vmem>>
    %dma_start3A_856 = tpu.memref_squeeze %dma_start3A_855 : memref<1x80xi32, #tpu.memory_space<vmem>> -> memref<80xi32, #tpu.memory_space<vmem>>
    %dma_start3A_857 = arith.constant 0 : i32
    %dma_start3A_858 = arith.constant 0 : i32
    %dma_start3A_859 = tpu.memref_slice %arg7[%dma_start3A_857, %dma_start3A_858] : memref<10240x128xf32, #tpu.memory_space<vmem_shared>> -> memref<10240x128xf32, #tpu.memory_space<vmem_shared>>
    tpu.enqueue_indirect_dma source(%dma_start3A_859 : memref<10240x128xf32, #tpu.memory_space<vmem_shared>>) target(%arg13 : memref<80x128xf32, #tpu.memory_space<vmem>>) offsets(%dma_start3A_856 : memref<80xi32, #tpu.memory_space<vmem>>) semaphore(%arg16 : memref<!tpu.dma_semaphore, #tpu.memory_space<semaphore_mem>>)
    %dma_wait3A_860 = arith.constant 0 : i32
    %dma_wait3A_861 = arith.constant 0 : i32
    %dma_wait3A_862 = tpu.memref_slice %arg12[%dma_wait3A_860, %dma_wait3A_861] : memref<1x80xi32, #tpu.memory_space<vmem>> -> memref<1x80xi32, #tpu.memory_space<vmem>>
    %dma_wait3A_863 = tpu.memref_squeeze %dma_wait3A_862 : memref<1x80xi32, #tpu.memory_space<vmem>> -> memref<80xi32, #tpu.memory_space<vmem>>
    %dma_wait3A_864 = arith.constant 0 : i32
    %dma_wait3A_865 = arith.constant 0 : i32
    %dma_wait3A_866 = tpu.memref_slice %arg7[%dma_wait3A_864, %dma_wait3A_865] : memref<10240x128xf32, #tpu.memory_space<vmem_shared>> -> memref<10240x128xf32, #tpu.memory_space<vmem_shared>>
    tpu.wait_indirect_dma semaphore(%arg16 : memref<!tpu.dma_semaphore, #tpu.memory_space<semaphore_mem>>) src(%dma_wait3A_866 : memref<10240x128xf32, #tpu.memory_space<vmem_shared>>) dst(%arg13 : memref<80x128xf32, #tpu.memory_space<vmem>>)
    %add3A_867 = arith.constant 400 : i32
    %add3A_868 = arith.addi %mul3A_5, %add3A_867 : i32
    "tpu.region"() ({
      %run_scoped3A_1999 = tpu.sem_alloc : memref<!tpu.dma_semaphore, #tpu.memory_space<semaphore_mem>>
      %dma_start3A_2000 = arith.constant 0 : i32
      %dma_start3A_2001 = tpu.memref_slice %arg5[%arg0, %add3A_868, %dma_start3A_2000] : memref<2x10240x128xf32, #tpu.memory_space<hbm>> -> memref<1x80x128xf32, #tpu.memory_space<hbm>>
      %dma_start3A_2002 = tpu.memref_squeeze %dma_start3A_2001 : memref<1x80x128xf32, #tpu.memory_space<hbm>> -> memref<80x128xf32, #tpu.memory_space<hbm>>
      %dma_start3A_2003 = arith.constant 0 : i32
      %dma_start3A_2004 = tpu.memref_slice %arg5[%arg0, %add3A_868, %dma_start3A_2003] : memref<2x10240x128xf32, #tpu.memory_space<hbm>> -> memref<1x80x128xf32, #tpu.memory_space<hbm>>
      %dma_start3A_2005 = tpu.memref_squeeze %dma_start3A_2004 : memref<1x80x128xf32, #tpu.memory_space<hbm>> -> memref<80x128xf32, #tpu.memory_space<hbm>>
      tpu.enqueue_dma source(%arg13 : memref<80x128xf32, #tpu.memory_space<vmem>>) target(%dma_start3A_2005 : memref<80x128xf32, #tpu.memory_space<hbm>>) target_semaphore(%run_scoped3A_1999 : memref<!tpu.dma_semaphore, #tpu.memory_space<semaphore_mem>>)
      %dma_wait3A_2006 = arith.constant 0 : i32
      %dma_wait3A_2007 = tpu.memref_slice %arg5[%arg0, %add3A_868, %dma_wait3A_2006] : memref<2x10240x128xf32, #tpu.memory_space<hbm>> -> memref<1x80x128xf32, #tpu.memory_space<hbm>>
      %dma_wait3A_2008 = tpu.memref_squeeze %dma_wait3A_2007 : memref<1x80x128xf32, #tpu.memory_space<hbm>> -> memref<80x128xf32, #tpu.memory_space<hbm>>
      %dma_wait3A_2009 = arith.constant 0 : i32
      %dma_wait3A_2010 = tpu.memref_slice %arg5[%arg0, %add3A_868, %dma_wait3A_2009] : memref<2x10240x128xf32, #tpu.memory_space<hbm>> -> memref<1x80x128xf32, #tpu.memory_space<hbm>>
      %dma_wait3A_2011 = tpu.memref_squeeze %dma_wait3A_2010 : memref<1x80x128xf32, #tpu.memory_space<hbm>> -> memref<80x128xf32, #tpu.memory_space<hbm>>
      tpu.wait_dma2 semaphore(%run_scoped3A_1999 : memref<!tpu.dma_semaphore, #tpu.memory_space<semaphore_mem>>) src(%arg13 : memref<80x128xf32, #tpu.memory_space<vmem>>) dst(%dma_wait3A_2011 : memref<80x128xf32, #tpu.memory_space<hbm>>)
      tpu.yield
    }) : () -> ()
    %add3A_869 = arith.constant 480 : i32
    %add3A_870 = arith.addi %mul3A_5, %add3A_869 : i32
    %add3A_871 = arith.constant 0 : i32
    %add3A_872 = arith.addi %add3A_870, %add3A_871 : i32
    %add3A_873 = vector.broadcast %add3A_872 : i32 to vector<16xi32>
    %add3A_874 = arith.addi %add3A_873, %iota3A : vector<16xi32>
    %swap3A_875 = arith.constant 0 : i32
    %swap3A_876 = arith.index_cast %swap3A_875 : i32 to index
    %swap3A_877 = arith.constant 0 : index
    %swap3A_878 = tpu.vector_load %arg12[%swap3A_876, %swap3A_877] {strides = array<i32>} : memref<1x80xi32, #tpu.memory_space<vmem>>, vector<1x16xi32>,
    %swap3A_879 = vector.shape_cast %swap3A_878 : vector<1x16xi32> to vector<16xi32>
    %swap3A_880 = vector.shape_cast %add3A_874 : vector<16xi32> to vector<1x16xi32>
    tpu.vector_store %arg12[%swap3A_876, %swap3A_877], %swap3A_880 {strides = array<i32>} : memref<1x80xi32, #tpu.memory_space<vmem>>, vector<1x16xi32>,
    %add3A_881 = arith.constant 16 : i32
    %add3A_882 = arith.addi %add3A_870, %add3A_881 : i32
    %add3A_883 = vector.broadcast %add3A_882 : i32 to vector<16xi32>
    %add3A_884 = arith.addi %add3A_883, %iota3A : vector<16xi32>
    %swap3A_885 = arith.constant 0 : i32
    %swap3A_886 = arith.index_cast %swap3A_885 : i32 to index
    %swap3A_887 = arith.constant 16 : index
    %swap3A_888 = tpu.vector_load %arg12[%swap3A_886, %swap3A_887] {strides = array<i32>} : memref<1x80xi32, #tpu.memory_space<vmem>>, vector<1x16xi32>,
    %swap3A_889 = vector.shape_cast %swap3A_888 : vector<1x16xi32> to vector<16xi32>
    %swap3A_890 = vector.shape_cast %add3A_884 : vector<16xi32> to vector<1x16xi32>
    tpu.vector_store %arg12[%swap3A_886, %swap3A_887], %swap3A_890 {strides = array<i32>} : memref<1x80xi32, #tpu.memory_space<vmem>>, vector<1x16xi32>,
    %add3A_891 = arith.constant 32 : i32
    %add3A_892 = arith.addi %add3A_870, %add3A_891 : i32
    %add3A_893 = vector.broadcast %add3A_892 : i32 to vector<16xi32>
    %add3A_894 = arith.addi %add3A_893, %iota3A : vector<16xi32>
    %swap3A_895 = arith.constant 0 : i32
    %swap3A_896 = arith.index_cast %swap3A_895 : i32 to index
    %swap3A_897 = arith.constant 32 : index
    %swap3A_898 = tpu.vector_load %arg12[%swap3A_896, %swap3A_897] {strides = array<i32>} : memref<1x80xi32, #tpu.memory_space<vmem>>, vector<1x16xi32>,
    %swap3A_899 = vector.shape_cast %swap3A_898 : vector<1x16xi32> to vector<16xi32>
    %swap3A_900 = vector.shape_cast %add3A_894 : vector<16xi32> to vector<1x16xi32>
    tpu.vector_store %arg12[%swap3A_896, %swap3A_897], %swap3A_900 {strides = array<i32>} : memref<1x80xi32, #tpu.memory_space<vmem>>, vector<1x16xi32>,
    %add3A_901 = arith.constant 48 : i32
    %add3A_902 = arith.addi %add3A_870, %add3A_901 : i32
    %add3A_903 = vector.broadcast %add3A_902 : i32 to vector<16xi32>
    %add3A_904 = arith.addi %add3A_903, %iota3A : vector<16xi32>
    %swap3A_905 = arith.constant 0 : i32
    %swap3A_906 = arith.index_cast %swap3A_905 : i32 to index
    %swap3A_907 = arith.constant 48 : index
    %swap3A_908 = tpu.vector_load %arg12[%swap3A_906, %swap3A_907] {strides = array<i32>} : memref<1x80xi32, #tpu.memory_space<vmem>>, vector<1x16xi32>,
    %swap3A_909 = vector.shape_cast %swap3A_908 : vector<1x16xi32> to vector<16xi32>
    %swap3A_910 = vector.shape_cast %add3A_904 : vector<16xi32> to vector<1x16xi32>
    tpu.vector_store %arg12[%swap3A_906, %swap3A_907], %swap3A_910 {strides = array<i32>} : memref<1x80xi32, #tpu.memory_space<vmem>>, vector<1x16xi32>,
    %add3A_911 = arith.constant 64 : i32
    %add3A_912 = arith.addi %add3A_870, %add3A_911 : i32
    %add3A_913 = vector.broadcast %add3A_912 : i32 to vector<16xi32>
    %add3A_914 = arith.addi %add3A_913, %iota3A : vector<16xi32>
    %swap3A_915 = arith.constant 0 : i32
    %swap3A_916 = arith.index_cast %swap3A_915 : i32 to index
    %swap3A_917 = arith.constant 64 : index
    %swap3A_918 = tpu.vector_load %arg12[%swap3A_916, %swap3A_917] {strides = array<i32>} : memref<1x80xi32, #tpu.memory_space<vmem>>, vector<1x16xi32>,
    %swap3A_919 = vector.shape_cast %swap3A_918 : vector<1x16xi32> to vector<16xi32>
    %swap3A_920 = vector.shape_cast %add3A_914 : vector<16xi32> to vector<1x16xi32>
    tpu.vector_store %arg12[%swap3A_916, %swap3A_917], %swap3A_920 {strides = array<i32>} : memref<1x80xi32, #tpu.memory_space<vmem>>, vector<1x16xi32>,
    %dma_start3A_921 = arith.constant 0 : i32
    %dma_start3A_922 = arith.constant 0 : i32
    %dma_start3A_923 = tpu.memref_slice %arg12[%dma_start3A_921, %dma_start3A_922] : memref<1x80xi32, #tpu.memory_space<vmem>> -> memref<1x80xi32, #tpu.memory_space<vmem>>
    %dma_start3A_924 = tpu.memref_squeeze %dma_start3A_923 : memref<1x80xi32, #tpu.memory_space<vmem>> -> memref<80xi32, #tpu.memory_space<vmem>>
    %dma_start3A_925 = arith.constant 0 : i32
    %dma_start3A_926 = arith.constant 0 : i32
    %dma_start3A_927 = tpu.memref_slice %arg7[%dma_start3A_925, %dma_start3A_926] : memref<10240x128xf32, #tpu.memory_space<vmem_shared>> -> memref<10240x128xf32, #tpu.memory_space<vmem_shared>>
    tpu.enqueue_indirect_dma source(%dma_start3A_927 : memref<10240x128xf32, #tpu.memory_space<vmem_shared>>) target(%arg13 : memref<80x128xf32, #tpu.memory_space<vmem>>) offsets(%dma_start3A_924 : memref<80xi32, #tpu.memory_space<vmem>>) semaphore(%arg16 : memref<!tpu.dma_semaphore, #tpu.memory_space<semaphore_mem>>)
    %dma_wait3A_928 = arith.constant 0 : i32
    %dma_wait3A_929 = arith.constant 0 : i32
    %dma_wait3A_930 = tpu.memref_slice %arg12[%dma_wait3A_928, %dma_wait3A_929] : memref<1x80xi32, #tpu.memory_space<vmem>> -> memref<1x80xi32, #tpu.memory_space<vmem>>
    %dma_wait3A_931 = tpu.memref_squeeze %dma_wait3A_930 : memref<1x80xi32, #tpu.memory_space<vmem>> -> memref<80xi32, #tpu.memory_space<vmem>>
    %dma_wait3A_932 = arith.constant 0 : i32
    %dma_wait3A_933 = arith.constant 0 : i32
    %dma_wait3A_934 = tpu.memref_slice %arg7[%dma_wait3A_932, %dma_wait3A_933] : memref<10240x128xf32, #tpu.memory_space<vmem_shared>> -> memref<10240x128xf32, #tpu.memory_space<vmem_shared>>
    tpu.wait_indirect_dma semaphore(%arg16 : memref<!tpu.dma_semaphore, #tpu.memory_space<semaphore_mem>>) src(%dma_wait3A_934 : memref<10240x128xf32, #tpu.memory_space<vmem_shared>>) dst(%arg13 : memref<80x128xf32, #tpu.memory_space<vmem>>)
    %add3A_935 = arith.constant 480 : i32
    %add3A_936 = arith.addi %mul3A_5, %add3A_935 : i32
    "tpu.region"() ({
      %run_scoped3A_1999 = tpu.sem_alloc : memref<!tpu.dma_semaphore, #tpu.memory_space<semaphore_mem>>
      %dma_start3A_2000 = arith.constant 0 : i32
      %dma_start3A_2001 = tpu.memref_slice %arg5[%arg0, %add3A_936, %dma_start3A_2000] : memref<2x10240x128xf32, #tpu.memory_space<hbm>> -> memref<1x80x128xf32, #tpu.memory_space<hbm>>
      %dma_start3A_2002 = tpu.memref_squeeze %dma_start3A_2001 : memref<1x80x128xf32, #tpu.memory_space<hbm>> -> memref<80x128xf32, #tpu.memory_space<hbm>>
      %dma_start3A_2003 = arith.constant 0 : i32
      %dma_start3A_2004 = tpu.memref_slice %arg5[%arg0, %add3A_936, %dma_start3A_2003] : memref<2x10240x128xf32, #tpu.memory_space<hbm>> -> memref<1x80x128xf32, #tpu.memory_space<hbm>>
      %dma_start3A_2005 = tpu.memref_squeeze %dma_start3A_2004 : memref<1x80x128xf32, #tpu.memory_space<hbm>> -> memref<80x128xf32, #tpu.memory_space<hbm>>
      tpu.enqueue_dma source(%arg13 : memref<80x128xf32, #tpu.memory_space<vmem>>) target(%dma_start3A_2005 : memref<80x128xf32, #tpu.memory_space<hbm>>) target_semaphore(%run_scoped3A_1999 : memref<!tpu.dma_semaphore, #tpu.memory_space<semaphore_mem>>)
      %dma_wait3A_2006 = arith.constant 0 : i32
      %dma_wait3A_2007 = tpu.memref_slice %arg5[%arg0, %add3A_936, %dma_wait3A_2006] : memref<2x10240x128xf32, #tpu.memory_space<hbm>> -> memref<1x80x128xf32, #tpu.memory_space<hbm>>
      %dma_wait3A_2008 = tpu.memref_squeeze %dma_wait3A_2007 : memref<1x80x128xf32, #tpu.memory_space<hbm>> -> memref<80x128xf32, #tpu.memory_space<hbm>>
      %dma_wait3A_2009 = arith.constant 0 : i32
      %dma_wait3A_2010 = tpu.memref_slice %arg5[%arg0, %add3A_936, %dma_wait3A_2009] : memref<2x10240x128xf32, #tpu.memory_space<hbm>> -> memref<1x80x128xf32, #tpu.memory_space<hbm>>
      %dma_wait3A_2011 = tpu.memref_squeeze %dma_wait3A_2010 : memref<1x80x128xf32, #tpu.memory_space<hbm>> -> memref<80x128xf32, #tpu.memory_space<hbm>>
      tpu.wait_dma2 semaphore(%run_scoped3A_1999 : memref<!tpu.dma_semaphore, #tpu.memory_space<semaphore_mem>>) src(%arg13 : memref<80x128xf32, #tpu.memory_space<vmem>>) dst(%dma_wait3A_2011 : memref<80x128xf32, #tpu.memory_space<hbm>>)
      tpu.yield
    }) : () -> ()
    %add3A_937 = arith.constant 560 : i32
    %add3A_938 = arith.addi %mul3A_5, %add3A_937 : i32
    %add3A_939 = arith.constant 0 : i32
    %add3A_940 = arith.addi %add3A_938, %add3A_939 : i32
    %add3A_941 = vector.broadcast %add3A_940 : i32 to vector<16xi32>
    %add3A_942 = arith.addi %add3A_941, %iota3A : vector<16xi32>
    %swap3A_943 = arith.constant 0 : i32
    %swap3A_944 = arith.index_cast %swap3A_943 : i32 to index
    %swap3A_945 = arith.constant 0 : index
    %swap3A_946 = tpu.vector_load %arg12[%swap3A_944, %swap3A_945] {strides = array<i32>} : memref<1x80xi32, #tpu.memory_space<vmem>>, vector<1x16xi32>,
    %swap3A_947 = vector.shape_cast %swap3A_946 : vector<1x16xi32> to vector<16xi32>
    %swap3A_948 = vector.shape_cast %add3A_942 : vector<16xi32> to vector<1x16xi32>
    tpu.vector_store %arg12[%swap3A_944, %swap3A_945], %swap3A_948 {strides = array<i32>} : memref<1x80xi32, #tpu.memory_space<vmem>>, vector<1x16xi32>,
    %add3A_949 = arith.constant 16 : i32
    %add3A_950 = arith.addi %add3A_938, %add3A_949 : i32
    %add3A_951 = vector.broadcast %add3A_950 : i32 to vector<16xi32>
    %add3A_952 = arith.addi %add3A_951, %iota3A : vector<16xi32>
    %swap3A_953 = arith.constant 0 : i32
    %swap3A_954 = arith.index_cast %swap3A_953 : i32 to index
    %swap3A_955 = arith.constant 16 : index
    %swap3A_956 = tpu.vector_load %arg12[%swap3A_954, %swap3A_955] {strides = array<i32>} : memref<1x80xi32, #tpu.memory_space<vmem>>, vector<1x16xi32>,
    %swap3A_957 = vector.shape_cast %swap3A_956 : vector<1x16xi32> to vector<16xi32>
    %swap3A_958 = vector.shape_cast %add3A_952 : vector<16xi32> to vector<1x16xi32>
    tpu.vector_store %arg12[%swap3A_954, %swap3A_955], %swap3A_958 {strides = array<i32>} : memref<1x80xi32, #tpu.memory_space<vmem>>, vector<1x16xi32>,
    %add3A_959 = arith.constant 32 : i32
    %add3A_960 = arith.addi %add3A_938, %add3A_959 : i32
    %add3A_961 = vector.broadcast %add3A_960 : i32 to vector<16xi32>
    %add3A_962 = arith.addi %add3A_961, %iota3A : vector<16xi32>
    %swap3A_963 = arith.constant 0 : i32
    %swap3A_964 = arith.index_cast %swap3A_963 : i32 to index
    %swap3A_965 = arith.constant 32 : index
    %swap3A_966 = tpu.vector_load %arg12[%swap3A_964, %swap3A_965] {strides = array<i32>} : memref<1x80xi32, #tpu.memory_space<vmem>>, vector<1x16xi32>,
    %swap3A_967 = vector.shape_cast %swap3A_966 : vector<1x16xi32> to vector<16xi32>
    %swap3A_968 = vector.shape_cast %add3A_962 : vector<16xi32> to vector<1x16xi32>
    tpu.vector_store %arg12[%swap3A_964, %swap3A_965], %swap3A_968 {strides = array<i32>} : memref<1x80xi32, #tpu.memory_space<vmem>>, vector<1x16xi32>,
    %add3A_969 = arith.constant 48 : i32
    %add3A_970 = arith.addi %add3A_938, %add3A_969 : i32
    %add3A_971 = vector.broadcast %add3A_970 : i32 to vector<16xi32>
    %add3A_972 = arith.addi %add3A_971, %iota3A : vector<16xi32>
    %swap3A_973 = arith.constant 0 : i32
    %swap3A_974 = arith.index_cast %swap3A_973 : i32 to index
    %swap3A_975 = arith.constant 48 : index
    %swap3A_976 = tpu.vector_load %arg12[%swap3A_974, %swap3A_975] {strides = array<i32>} : memref<1x80xi32, #tpu.memory_space<vmem>>, vector<1x16xi32>,
    %swap3A_977 = vector.shape_cast %swap3A_976 : vector<1x16xi32> to vector<16xi32>
    %swap3A_978 = vector.shape_cast %add3A_972 : vector<16xi32> to vector<1x16xi32>
    tpu.vector_store %arg12[%swap3A_974, %swap3A_975], %swap3A_978 {strides = array<i32>} : memref<1x80xi32, #tpu.memory_space<vmem>>, vector<1x16xi32>,
    %add3A_979 = arith.constant 64 : i32
    %add3A_980 = arith.addi %add3A_938, %add3A_979 : i32
    %add3A_981 = vector.broadcast %add3A_980 : i32 to vector<16xi32>
    %add3A_982 = arith.addi %add3A_981, %iota3A : vector<16xi32>
    %swap3A_983 = arith.constant 0 : i32
    %swap3A_984 = arith.index_cast %swap3A_983 : i32 to index
    %swap3A_985 = arith.constant 64 : index
    %swap3A_986 = tpu.vector_load %arg12[%swap3A_984, %swap3A_985] {strides = array<i32>} : memref<1x80xi32, #tpu.memory_space<vmem>>, vector<1x16xi32>,
    %swap3A_987 = vector.shape_cast %swap3A_986 : vector<1x16xi32> to vector<16xi32>
    %swap3A_988 = vector.shape_cast %add3A_982 : vector<16xi32> to vector<1x16xi32>
    tpu.vector_store %arg12[%swap3A_984, %swap3A_985], %swap3A_988 {strides = array<i32>} : memref<1x80xi32, #tpu.memory_space<vmem>>, vector<1x16xi32>,
    %dma_start3A_989 = arith.constant 0 : i32
    %dma_start3A_990 = arith.constant 0 : i32
    %dma_start3A_991 = tpu.memref_slice %arg12[%dma_start3A_989, %dma_start3A_990] : memref<1x80xi32, #tpu.memory_space<vmem>> -> memref<1x80xi32, #tpu.memory_space<vmem>>
    %dma_start3A_992 = tpu.memref_squeeze %dma_start3A_991 : memref<1x80xi32, #tpu.memory_space<vmem>> -> memref<80xi32, #tpu.memory_space<vmem>>
    %dma_start3A_993 = arith.constant 0 : i32
    %dma_start3A_994 = arith.constant 0 : i32
    %dma_start3A_995 = tpu.memref_slice %arg7[%dma_start3A_993, %dma_start3A_994] : memref<10240x128xf32, #tpu.memory_space<vmem_shared>> -> memref<10240x128xf32, #tpu.memory_space<vmem_shared>>
    tpu.enqueue_indirect_dma source(%dma_start3A_995 : memref<10240x128xf32, #tpu.memory_space<vmem_shared>>) target(%arg13 : memref<80x128xf32, #tpu.memory_space<vmem>>) offsets(%dma_start3A_992 : memref<80xi32, #tpu.memory_space<vmem>>) semaphore(%arg16 : memref<!tpu.dma_semaphore, #tpu.memory_space<semaphore_mem>>)
    %dma_wait3A_996 = arith.constant 0 : i32
    %dma_wait3A_997 = arith.constant 0 : i32
    %dma_wait3A_998 = tpu.memref_slice %arg12[%dma_wait3A_996, %dma_wait3A_997] : memref<1x80xi32, #tpu.memory_space<vmem>> -> memref<1x80xi32, #tpu.memory_space<vmem>>
    %dma_wait3A_999 = tpu.memref_squeeze %dma_wait3A_998 : memref<1x80xi32, #tpu.memory_space<vmem>> -> memref<80xi32, #tpu.memory_space<vmem>>
    %dma_wait3A_1000 = arith.constant 0 : i32
    %dma_wait3A_1001 = arith.constant 0 : i32
    %dma_wait3A_1002 = tpu.memref_slice %arg7[%dma_wait3A_1000, %dma_wait3A_1001] : memref<10240x128xf32, #tpu.memory_space<vmem_shared>> -> memref<10240x128xf32, #tpu.memory_space<vmem_shared>>
    tpu.wait_indirect_dma semaphore(%arg16 : memref<!tpu.dma_semaphore, #tpu.memory_space<semaphore_mem>>) src(%dma_wait3A_1002 : memref<10240x128xf32, #tpu.memory_space<vmem_shared>>) dst(%arg13 : memref<80x128xf32, #tpu.memory_space<vmem>>)
    %add3A_1003 = arith.constant 560 : i32
    %add3A_1004 = arith.addi %mul3A_5, %add3A_1003 : i32
    "tpu.region"() ({
      %run_scoped3A_1999 = tpu.sem_alloc : memref<!tpu.dma_semaphore, #tpu.memory_space<semaphore_mem>>
      %dma_start3A_2000 = arith.constant 0 : i32
      %dma_start3A_2001 = tpu.memref_slice %arg5[%arg0, %add3A_1004, %dma_start3A_2000] : memref<2x10240x128xf32, #tpu.memory_space<hbm>> -> memref<1x80x128xf32, #tpu.memory_space<hbm>>
      %dma_start3A_2002 = tpu.memref_squeeze %dma_start3A_2001 : memref<1x80x128xf32, #tpu.memory_space<hbm>> -> memref<80x128xf32, #tpu.memory_space<hbm>>
      %dma_start3A_2003 = arith.constant 0 : i32
      %dma_start3A_2004 = tpu.memref_slice %arg5[%arg0, %add3A_1004, %dma_start3A_2003] : memref<2x10240x128xf32, #tpu.memory_space<hbm>> -> memref<1x80x128xf32, #tpu.memory_space<hbm>>
      %dma_start3A_2005 = tpu.memref_squeeze %dma_start3A_2004 : memref<1x80x128xf32, #tpu.memory_space<hbm>> -> memref<80x128xf32, #tpu.memory_space<hbm>>
      tpu.enqueue_dma source(%arg13 : memref<80x128xf32, #tpu.memory_space<vmem>>) target(%dma_start3A_2005 : memref<80x128xf32, #tpu.memory_space<hbm>>) target_semaphore(%run_scoped3A_1999 : memref<!tpu.dma_semaphore, #tpu.memory_space<semaphore_mem>>)
      %dma_wait3A_2006 = arith.constant 0 : i32
      %dma_wait3A_2007 = tpu.memref_slice %arg5[%arg0, %add3A_1004, %dma_wait3A_2006] : memref<2x10240x128xf32, #tpu.memory_space<hbm>> -> memref<1x80x128xf32, #tpu.memory_space<hbm>>
      %dma_wait3A_2008 = tpu.memref_squeeze %dma_wait3A_2007 : memref<1x80x128xf32, #tpu.memory_space<hbm>> -> memref<80x128xf32, #tpu.memory_space<hbm>>
      %dma_wait3A_2009 = arith.constant 0 : i32
      %dma_wait3A_2010 = tpu.memref_slice %arg5[%arg0, %add3A_1004, %dma_wait3A_2009] : memref<2x10240x128xf32, #tpu.memory_space<hbm>> -> memref<1x80x128xf32, #tpu.memory_space<hbm>>
      %dma_wait3A_2011 = tpu.memref_squeeze %dma_wait3A_2010 : memref<1x80x128xf32, #tpu.memory_space<hbm>> -> memref<80x128xf32, #tpu.memory_space<hbm>>
      tpu.wait_dma2 semaphore(%run_scoped3A_1999 : memref<!tpu.dma_semaphore, #tpu.memory_space<semaphore_mem>>) src(%arg13 : memref<80x128xf32, #tpu.memory_space<vmem>>) dst(%dma_wait3A_2011 : memref<80x128xf32, #tpu.memory_space<hbm>>)
      tpu.yield
    }) : () -> ()
    %barrier3A_1005 = arith.constant 0 : index
    tpu.barrier barrier_id(%barrier3A_1005)
    %scan3A_1006 = arith.constant 0 : i32
    %scan3A_1007 = arith.constant 0 : i32
    %scan3A_1008 = arith.constant 640 : i32
    %scan3A_1009 = arith.addi %scan3A_1007, %scan3A_1008 : i32
    %scan3A_1010 = arith.constant 1 : i32
    %scan3A_1011 = scf.for %scan3A_1999 = %scan3A_1007 to %scan3A_1009 step %scan3A_1010 iter_args(%scan3A_2000 = %scan3A_1006) -> (i32)  : i32 {
      %jit3A = arith.constant 8 : i32
      %div3A = arith.divsi %scan3A_1999, %jit3A : i32
      %sign3A = arith.constant 0 : i32
      %sign3A_2001 = arith.cmpi sgt, %scan3A_1999, %sign3A : i32
      %sign3A_2002 = arith.extui %sign3A_2001 : i1 to i32
      %sign3A_2003 = arith.constant 0 : i32
      %sign3A_2004 = arith.cmpi slt, %scan3A_1999, %sign3A_2003 : i32
      %sign3A_2005 = arith.extui %sign3A_2004 : i1 to i32
      %sign3A_2006 = arith.subi %sign3A_2002, %sign3A_2005 : i32
      %sign3A_2007 = arith.constant 0 : i32
      %sign3A_2008 = arith.cmpi sgt, %jit3A, %sign3A_2007 : i32
      %sign3A_2009 = arith.extui %sign3A_2008 : i1 to i32
      %sign3A_2010 = arith.constant 0 : i32
      %sign3A_2011 = arith.cmpi slt, %jit3A, %sign3A_2010 : i32
      %sign3A_2012 = arith.extui %sign3A_2011 : i1 to i32
      %sign3A_2013 = arith.subi %sign3A_2009, %sign3A_2012 : i32
      %ne3A = arith.cmpi ne, %sign3A_2006, %sign3A_2013 : i32
      %rem3A = arith.remsi %scan3A_1999, %jit3A : i32
      %ne3A_2014 = arith.constant 0 : i32
      %ne3A_2015 = arith.cmpi ne, %rem3A, %ne3A_2014 : i32
      %and3A = arith.andi %ne3A, %ne3A_2015 : i1
      %sub3A = arith.constant 1 : i32
      %sub3A_2016 = arith.subi %div3A, %sub3A : i32
      %select_n3A = arith.select %and3A, %sub3A_2016, %div3A : i32
      %jit3A_2017 = arith.constant 8 : i32
      %eq3A = arith.constant 0 : i32
      %eq3A_2018 = arith.cmpi eq, %jit3A_2017, %eq3A : i32
      %jit3A_2019 = arith.constant 1 : i32
      %select_n3A_2020 = arith.select %eq3A_2018, %jit3A_2019, %jit3A_2017 : i32
      %rem3A_2021 = arith.remsi %scan3A_1999, %select_n3A_2020 : i32
      %ne3A_2022 = arith.constant 0 : i32
      %ne3A_2023 = arith.cmpi ne, %rem3A_2021, %ne3A_2022 : i32
      %lt3A = arith.constant 0 : i32
      %lt3A_2024 = arith.cmpi slt, %rem3A_2021, %lt3A : i32
      %lt3A_2025 = arith.constant 0 : i32
      %lt3A_2026 = arith.cmpi slt, %select_n3A_2020, %lt3A_2025 : i32
      %ne3A_2027 = arith.xori %lt3A_2024, %lt3A_2026 : i1
      %and3A_2028 = arith.andi %ne3A_2027, %ne3A_2023 : i1
      %add3A_2029 = arith.addi %rem3A_2021, %select_n3A_2020 : i32
      %select_n3A_2030 = arith.select %and3A_2028, %add3A_2029, %rem3A_2021 : i32
      %mul3A_2031 = arith.constant 16 : i32
      %mul3A_2032 = arith.muli %select_n3A_2030, %mul3A_2031 : i32
      %swap3A_2033 = arith.index_cast %select_n3A : i32 to index
      %swap3A_2034 = arith.index_cast %mul3A_2032 : i32 to index
      %swap3A_2035 = tpu.vector_load %arg13[%swap3A_2033, %swap3A_2034] {strides = array<i32>} : memref<80x128xf32, #tpu.memory_space<vmem>>, vector<1x16xf32>,
      %swap3A_2036 = vector.shape_cast %swap3A_2035 : vector<1x16xf32> to vector<16xf32>
      %swap3A_2037 = vector.shape_cast %broadcast_in_dim3A_1 : vector<16xf32> to vector<1x16xf32>
      tpu.vector_store %arg13[%swap3A_2033, %swap3A_2034], %swap3A_2037 {strides = array<i32>} : memref<80x128xf32, #tpu.memory_space<vmem>>, vector<1x16xf32>,
      %scan3A_2038 = arith.constant 0 : i32
      scf.yield %scan3A_2038 : i32
    }
    %scan3A_1012 = arith.constant 640 : i32
    %add3A_1013 = arith.constant 0 : i32
    %add3A_1014 = arith.addi %mul3A_5, %add3A_1013 : i32
    %add3A_1015 = arith.constant 0 : i32
    %add3A_1016 = arith.addi %add3A_1014, %add3A_1015 : i32
    %add3A_1017 = vector.broadcast %add3A_1016 : i32 to vector<16xi32>
    %add3A_1018 = arith.addi %add3A_1017, %iota3A : vector<16xi32>
    %swap3A_1019 = arith.constant 0 : i32
    %swap3A_1020 = arith.index_cast %swap3A_1019 : i32 to index
    %swap3A_1021 = arith.constant 0 : index
    %swap3A_1022 = tpu.vector_load %arg12[%swap3A_1020, %swap3A_1021] {strides = array<i32>} : memref<1x80xi32, #tpu.memory_space<vmem>>, vector<1x16xi32>,
    %swap3A_1023 = vector.shape_cast %swap3A_1022 : vector<1x16xi32> to vector<16xi32>
    %swap3A_1024 = vector.shape_cast %add3A_1018 : vector<16xi32> to vector<1x16xi32>
    tpu.vector_store %arg12[%swap3A_1020, %swap3A_1021], %swap3A_1024 {strides = array<i32>} : memref<1x80xi32, #tpu.memory_space<vmem>>, vector<1x16xi32>,
    %add3A_1025 = arith.constant 16 : i32
    %add3A_1026 = arith.addi %add3A_1014, %add3A_1025 : i32
    %add3A_1027 = vector.broadcast %add3A_1026 : i32 to vector<16xi32>
    %add3A_1028 = arith.addi %add3A_1027, %iota3A : vector<16xi32>
    %swap3A_1029 = arith.constant 0 : i32
    %swap3A_1030 = arith.index_cast %swap3A_1029 : i32 to index
    %swap3A_1031 = arith.constant 16 : index
    %swap3A_1032 = tpu.vector_load %arg12[%swap3A_1030, %swap3A_1031] {strides = array<i32>} : memref<1x80xi32, #tpu.memory_space<vmem>>, vector<1x16xi32>,
    %swap3A_1033 = vector.shape_cast %swap3A_1032 : vector<1x16xi32> to vector<16xi32>
    %swap3A_1034 = vector.shape_cast %add3A_1028 : vector<16xi32> to vector<1x16xi32>
    tpu.vector_store %arg12[%swap3A_1030, %swap3A_1031], %swap3A_1034 {strides = array<i32>} : memref<1x80xi32, #tpu.memory_space<vmem>>, vector<1x16xi32>,
    %add3A_1035 = arith.constant 32 : i32
    %add3A_1036 = arith.addi %add3A_1014, %add3A_1035 : i32
    %add3A_1037 = vector.broadcast %add3A_1036 : i32 to vector<16xi32>
    %add3A_1038 = arith.addi %add3A_1037, %iota3A : vector<16xi32>
    %swap3A_1039 = arith.constant 0 : i32
    %swap3A_1040 = arith.index_cast %swap3A_1039 : i32 to index
    %swap3A_1041 = arith.constant 32 : index
    %swap3A_1042 = tpu.vector_load %arg12[%swap3A_1040, %swap3A_1041] {strides = array<i32>} : memref<1x80xi32, #tpu.memory_space<vmem>>, vector<1x16xi32>,
    %swap3A_1043 = vector.shape_cast %swap3A_1042 : vector<1x16xi32> to vector<16xi32>
    %swap3A_1044 = vector.shape_cast %add3A_1038 : vector<16xi32> to vector<1x16xi32>
    tpu.vector_store %arg12[%swap3A_1040, %swap3A_1041], %swap3A_1044 {strides = array<i32>} : memref<1x80xi32, #tpu.memory_space<vmem>>, vector<1x16xi32>,
    %add3A_1045 = arith.constant 48 : i32
    %add3A_1046 = arith.addi %add3A_1014, %add3A_1045 : i32
    %add3A_1047 = vector.broadcast %add3A_1046 : i32 to vector<16xi32>
    %add3A_1048 = arith.addi %add3A_1047, %iota3A : vector<16xi32>
    %swap3A_1049 = arith.constant 0 : i32
    %swap3A_1050 = arith.index_cast %swap3A_1049 : i32 to index
    %swap3A_1051 = arith.constant 48 : index
    %swap3A_1052 = tpu.vector_load %arg12[%swap3A_1050, %swap3A_1051] {strides = array<i32>} : memref<1x80xi32, #tpu.memory_space<vmem>>, vector<1x16xi32>,
    %swap3A_1053 = vector.shape_cast %swap3A_1052 : vector<1x16xi32> to vector<16xi32>
    %swap3A_1054 = vector.shape_cast %add3A_1048 : vector<16xi32> to vector<1x16xi32>
    tpu.vector_store %arg12[%swap3A_1050, %swap3A_1051], %swap3A_1054 {strides = array<i32>} : memref<1x80xi32, #tpu.memory_space<vmem>>, vector<1x16xi32>,
    %add3A_1055 = arith.constant 64 : i32
    %add3A_1056 = arith.addi %add3A_1014, %add3A_1055 : i32
    %add3A_1057 = vector.broadcast %add3A_1056 : i32 to vector<16xi32>
    %add3A_1058 = arith.addi %add3A_1057, %iota3A : vector<16xi32>
    %swap3A_1059 = arith.constant 0 : i32
    %swap3A_1060 = arith.index_cast %swap3A_1059 : i32 to index
    %swap3A_1061 = arith.constant 64 : index
    %swap3A_1062 = tpu.vector_load %arg12[%swap3A_1060, %swap3A_1061] {strides = array<i32>} : memref<1x80xi32, #tpu.memory_space<vmem>>, vector<1x16xi32>,
    %swap3A_1063 = vector.shape_cast %swap3A_1062 : vector<1x16xi32> to vector<16xi32>
    %swap3A_1064 = vector.shape_cast %add3A_1058 : vector<16xi32> to vector<1x16xi32>
    tpu.vector_store %arg12[%swap3A_1060, %swap3A_1061], %swap3A_1064 {strides = array<i32>} : memref<1x80xi32, #tpu.memory_space<vmem>>, vector<1x16xi32>,
    %run_scoped3A_1065 = arith.constant 0 : i32
    "tpu.region"() ({
      %run_scoped3A_1999 = tpu.sem_alloc : memref<!tpu.dma_semaphore, #tpu.memory_space<semaphore_mem>>
      %dma_start3A_2000 = arith.constant 0 : i32
      %dma_start3A_2001 = tpu.memref_slice %arg12[%run_scoped3A_1065, %dma_start3A_2000] : memref<1x80xi32, #tpu.memory_space<vmem>> -> memref<1x80xi32, #tpu.memory_space<vmem>>
      %dma_start3A_2002 = tpu.memref_squeeze %dma_start3A_2001 : memref<1x80xi32, #tpu.memory_space<vmem>> -> memref<80xi32, #tpu.memory_space<vmem>>
      %dma_start3A_2003 = arith.constant 0 : i32
      %dma_start3A_2004 = arith.constant 0 : i32
      %dma_start3A_2005 = tpu.memref_slice %arg7[%dma_start3A_2003, %dma_start3A_2004] : memref<10240x128xf32, #tpu.memory_space<vmem_shared>> -> memref<10240x128xf32, #tpu.memory_space<vmem_shared>>
      tpu.enqueue_indirect_dma source(%arg13 : memref<80x128xf32, #tpu.memory_space<vmem>>) target(%dma_start3A_2005 : memref<10240x128xf32, #tpu.memory_space<vmem_shared>>) offsets(%dma_start3A_2002 : memref<80xi32, #tpu.memory_space<vmem>>) semaphore(%run_scoped3A_1999 : memref<!tpu.dma_semaphore, #tpu.memory_space<semaphore_mem>>)
      %dma_wait3A_2006 = arith.constant 0 : i32
      %dma_wait3A_2007 = tpu.memref_slice %arg12[%run_scoped3A_1065, %dma_wait3A_2006] : memref<1x80xi32, #tpu.memory_space<vmem>> -> memref<1x80xi32, #tpu.memory_space<vmem>>
      %dma_wait3A_2008 = tpu.memref_squeeze %dma_wait3A_2007 : memref<1x80xi32, #tpu.memory_space<vmem>> -> memref<80xi32, #tpu.memory_space<vmem>>
      %dma_wait3A_2009 = arith.constant 0 : i32
      %dma_wait3A_2010 = arith.constant 0 : i32
      %dma_wait3A_2011 = tpu.memref_slice %arg7[%dma_wait3A_2009, %dma_wait3A_2010] : memref<10240x128xf32, #tpu.memory_space<vmem_shared>> -> memref<10240x128xf32, #tpu.memory_space<vmem_shared>>
      tpu.wait_indirect_dma semaphore(%run_scoped3A_1999 : memref<!tpu.dma_semaphore, #tpu.memory_space<semaphore_mem>>) src(%arg13 : memref<80x128xf32, #tpu.memory_space<vmem>>) dst(%dma_wait3A_2011 : memref<10240x128xf32, #tpu.memory_space<vmem_shared>>)
      tpu.yield
    }) : () -> ()
    %add3A_1066 = arith.constant 80 : i32
    %add3A_1067 = arith.addi %mul3A_5, %add3A_1066 : i32
    %add3A_1068 = arith.constant 0 : i32
    %add3A_1069 = arith.addi %add3A_1067, %add3A_1068 : i32
    %add3A_1070 = vector.broadcast %add3A_1069 : i32 to vector<16xi32>
    %add3A_1071 = arith.addi %add3A_1070, %iota3A : vector<16xi32>
    %swap3A_1072 = arith.constant 0 : i32
    %swap3A_1073 = arith.index_cast %swap3A_1072 : i32 to index
    %swap3A_1074 = arith.constant 0 : index
    %swap3A_1075 = tpu.vector_load %arg12[%swap3A_1073, %swap3A_1074] {strides = array<i32>} : memref<1x80xi32, #tpu.memory_space<vmem>>, vector<1x16xi32>,
    %swap3A_1076 = vector.shape_cast %swap3A_1075 : vector<1x16xi32> to vector<16xi32>
    %swap3A_1077 = vector.shape_cast %add3A_1071 : vector<16xi32> to vector<1x16xi32>
    tpu.vector_store %arg12[%swap3A_1073, %swap3A_1074], %swap3A_1077 {strides = array<i32>} : memref<1x80xi32, #tpu.memory_space<vmem>>, vector<1x16xi32>,
    %add3A_1078 = arith.constant 16 : i32
    %add3A_1079 = arith.addi %add3A_1067, %add3A_1078 : i32
    %add3A_1080 = vector.broadcast %add3A_1079 : i32 to vector<16xi32>
    %add3A_1081 = arith.addi %add3A_1080, %iota3A : vector<16xi32>
    %swap3A_1082 = arith.constant 0 : i32
    %swap3A_1083 = arith.index_cast %swap3A_1082 : i32 to index
    %swap3A_1084 = arith.constant 16 : index
    %swap3A_1085 = tpu.vector_load %arg12[%swap3A_1083, %swap3A_1084] {strides = array<i32>} : memref<1x80xi32, #tpu.memory_space<vmem>>, vector<1x16xi32>,
    %swap3A_1086 = vector.shape_cast %swap3A_1085 : vector<1x16xi32> to vector<16xi32>
    %swap3A_1087 = vector.shape_cast %add3A_1081 : vector<16xi32> to vector<1x16xi32>
    tpu.vector_store %arg12[%swap3A_1083, %swap3A_1084], %swap3A_1087 {strides = array<i32>} : memref<1x80xi32, #tpu.memory_space<vmem>>, vector<1x16xi32>,
    %add3A_1088 = arith.constant 32 : i32
    %add3A_1089 = arith.addi %add3A_1067, %add3A_1088 : i32
    %add3A_1090 = vector.broadcast %add3A_1089 : i32 to vector<16xi32>
    %add3A_1091 = arith.addi %add3A_1090, %iota3A : vector<16xi32>
    %swap3A_1092 = arith.constant 0 : i32
    %swap3A_1093 = arith.index_cast %swap3A_1092 : i32 to index
    %swap3A_1094 = arith.constant 32 : index
    %swap3A_1095 = tpu.vector_load %arg12[%swap3A_1093, %swap3A_1094] {strides = array<i32>} : memref<1x80xi32, #tpu.memory_space<vmem>>, vector<1x16xi32>,
    %swap3A_1096 = vector.shape_cast %swap3A_1095 : vector<1x16xi32> to vector<16xi32>
    %swap3A_1097 = vector.shape_cast %add3A_1091 : vector<16xi32> to vector<1x16xi32>
    tpu.vector_store %arg12[%swap3A_1093, %swap3A_1094], %swap3A_1097 {strides = array<i32>} : memref<1x80xi32, #tpu.memory_space<vmem>>, vector<1x16xi32>,
    %add3A_1098 = arith.constant 48 : i32
    %add3A_1099 = arith.addi %add3A_1067, %add3A_1098 : i32
    %add3A_1100 = vector.broadcast %add3A_1099 : i32 to vector<16xi32>
    %add3A_1101 = arith.addi %add3A_1100, %iota3A : vector<16xi32>
    %swap3A_1102 = arith.constant 0 : i32
    %swap3A_1103 = arith.index_cast %swap3A_1102 : i32 to index
    %swap3A_1104 = arith.constant 48 : index
    %swap3A_1105 = tpu.vector_load %arg12[%swap3A_1103, %swap3A_1104] {strides = array<i32>} : memref<1x80xi32, #tpu.memory_space<vmem>>, vector<1x16xi32>,
    %swap3A_1106 = vector.shape_cast %swap3A_1105 : vector<1x16xi32> to vector<16xi32>
    %swap3A_1107 = vector.shape_cast %add3A_1101 : vector<16xi32> to vector<1x16xi32>
    tpu.vector_store %arg12[%swap3A_1103, %swap3A_1104], %swap3A_1107 {strides = array<i32>} : memref<1x80xi32, #tpu.memory_space<vmem>>, vector<1x16xi32>,
    %add3A_1108 = arith.constant 64 : i32
    %add3A_1109 = arith.addi %add3A_1067, %add3A_1108 : i32
    %add3A_1110 = vector.broadcast %add3A_1109 : i32 to vector<16xi32>
    %add3A_1111 = arith.addi %add3A_1110, %iota3A : vector<16xi32>
    %swap3A_1112 = arith.constant 0 : i32
    %swap3A_1113 = arith.index_cast %swap3A_1112 : i32 to index
    %swap3A_1114 = arith.constant 64 : index
    %swap3A_1115 = tpu.vector_load %arg12[%swap3A_1113, %swap3A_1114] {strides = array<i32>} : memref<1x80xi32, #tpu.memory_space<vmem>>, vector<1x16xi32>,
    %swap3A_1116 = vector.shape_cast %swap3A_1115 : vector<1x16xi32> to vector<16xi32>
    %swap3A_1117 = vector.shape_cast %add3A_1111 : vector<16xi32> to vector<1x16xi32>
    tpu.vector_store %arg12[%swap3A_1113, %swap3A_1114], %swap3A_1117 {strides = array<i32>} : memref<1x80xi32, #tpu.memory_space<vmem>>, vector<1x16xi32>,
    %run_scoped3A_1118 = arith.constant 0 : i32
    "tpu.region"() ({
      %run_scoped3A_1999 = tpu.sem_alloc : memref<!tpu.dma_semaphore, #tpu.memory_space<semaphore_mem>>
      %dma_start3A_2000 = arith.constant 0 : i32
      %dma_start3A_2001 = tpu.memref_slice %arg12[%run_scoped3A_1118, %dma_start3A_2000] : memref<1x80xi32, #tpu.memory_space<vmem>> -> memref<1x80xi32, #tpu.memory_space<vmem>>
      %dma_start3A_2002 = tpu.memref_squeeze %dma_start3A_2001 : memref<1x80xi32, #tpu.memory_space<vmem>> -> memref<80xi32, #tpu.memory_space<vmem>>
      %dma_start3A_2003 = arith.constant 0 : i32
      %dma_start3A_2004 = arith.constant 0 : i32
      %dma_start3A_2005 = tpu.memref_slice %arg7[%dma_start3A_2003, %dma_start3A_2004] : memref<10240x128xf32, #tpu.memory_space<vmem_shared>> -> memref<10240x128xf32, #tpu.memory_space<vmem_shared>>
      tpu.enqueue_indirect_dma source(%arg13 : memref<80x128xf32, #tpu.memory_space<vmem>>) target(%dma_start3A_2005 : memref<10240x128xf32, #tpu.memory_space<vmem_shared>>) offsets(%dma_start3A_2002 : memref<80xi32, #tpu.memory_space<vmem>>) semaphore(%run_scoped3A_1999 : memref<!tpu.dma_semaphore, #tpu.memory_space<semaphore_mem>>)
      %dma_wait3A_2006 = arith.constant 0 : i32
      %dma_wait3A_2007 = tpu.memref_slice %arg12[%run_scoped3A_1118, %dma_wait3A_2006] : memref<1x80xi32, #tpu.memory_space<vmem>> -> memref<1x80xi32, #tpu.memory_space<vmem>>
      %dma_wait3A_2008 = tpu.memref_squeeze %dma_wait3A_2007 : memref<1x80xi32, #tpu.memory_space<vmem>> -> memref<80xi32, #tpu.memory_space<vmem>>
      %dma_wait3A_2009 = arith.constant 0 : i32
      %dma_wait3A_2010 = arith.constant 0 : i32
      %dma_wait3A_2011 = tpu.memref_slice %arg7[%dma_wait3A_2009, %dma_wait3A_2010] : memref<10240x128xf32, #tpu.memory_space<vmem_shared>> -> memref<10240x128xf32, #tpu.memory_space<vmem_shared>>
      tpu.wait_indirect_dma semaphore(%run_scoped3A_1999 : memref<!tpu.dma_semaphore, #tpu.memory_space<semaphore_mem>>) src(%arg13 : memref<80x128xf32, #tpu.memory_space<vmem>>) dst(%dma_wait3A_2011 : memref<10240x128xf32, #tpu.memory_space<vmem_shared>>)
      tpu.yield
    }) : () -> ()
    %add3A_1119 = arith.constant 160 : i32
    %add3A_1120 = arith.addi %mul3A_5, %add3A_1119 : i32
    %add3A_1121 = arith.constant 0 : i32
    %add3A_1122 = arith.addi %add3A_1120, %add3A_1121 : i32
    %add3A_1123 = vector.broadcast %add3A_1122 : i32 to vector<16xi32>
    %add3A_1124 = arith.addi %add3A_1123, %iota3A : vector<16xi32>
    %swap3A_1125 = arith.constant 0 : i32
    %swap3A_1126 = arith.index_cast %swap3A_1125 : i32 to index
    %swap3A_1127 = arith.constant 0 : index
    %swap3A_1128 = tpu.vector_load %arg12[%swap3A_1126, %swap3A_1127] {strides = array<i32>} : memref<1x80xi32, #tpu.memory_space<vmem>>, vector<1x16xi32>,
    %swap3A_1129 = vector.shape_cast %swap3A_1128 : vector<1x16xi32> to vector<16xi32>
    %swap3A_1130 = vector.shape_cast %add3A_1124 : vector<16xi32> to vector<1x16xi32>
    tpu.vector_store %arg12[%swap3A_1126, %swap3A_1127], %swap3A_1130 {strides = array<i32>} : memref<1x80xi32, #tpu.memory_space<vmem>>, vector<1x16xi32>,
    %add3A_1131 = arith.constant 16 : i32
    %add3A_1132 = arith.addi %add3A_1120, %add3A_1131 : i32
    %add3A_1133 = vector.broadcast %add3A_1132 : i32 to vector<16xi32>
    %add3A_1134 = arith.addi %add3A_1133, %iota3A : vector<16xi32>
    %swap3A_1135 = arith.constant 0 : i32
    %swap3A_1136 = arith.index_cast %swap3A_1135 : i32 to index
    %swap3A_1137 = arith.constant 16 : index
    %swap3A_1138 = tpu.vector_load %arg12[%swap3A_1136, %swap3A_1137] {strides = array<i32>} : memref<1x80xi32, #tpu.memory_space<vmem>>, vector<1x16xi32>,
    %swap3A_1139 = vector.shape_cast %swap3A_1138 : vector<1x16xi32> to vector<16xi32>
    %swap3A_1140 = vector.shape_cast %add3A_1134 : vector<16xi32> to vector<1x16xi32>
    tpu.vector_store %arg12[%swap3A_1136, %swap3A_1137], %swap3A_1140 {strides = array<i32>} : memref<1x80xi32, #tpu.memory_space<vmem>>, vector<1x16xi32>,
    %add3A_1141 = arith.constant 32 : i32
    %add3A_1142 = arith.addi %add3A_1120, %add3A_1141 : i32
    %add3A_1143 = vector.broadcast %add3A_1142 : i32 to vector<16xi32>
    %add3A_1144 = arith.addi %add3A_1143, %iota3A : vector<16xi32>
    %swap3A_1145 = arith.constant 0 : i32
    %swap3A_1146 = arith.index_cast %swap3A_1145 : i32 to index
    %swap3A_1147 = arith.constant 32 : index
    %swap3A_1148 = tpu.vector_load %arg12[%swap3A_1146, %swap3A_1147] {strides = array<i32>} : memref<1x80xi32, #tpu.memory_space<vmem>>, vector<1x16xi32>,
    %swap3A_1149 = vector.shape_cast %swap3A_1148 : vector<1x16xi32> to vector<16xi32>
    %swap3A_1150 = vector.shape_cast %add3A_1144 : vector<16xi32> to vector<1x16xi32>
    tpu.vector_store %arg12[%swap3A_1146, %swap3A_1147], %swap3A_1150 {strides = array<i32>} : memref<1x80xi32, #tpu.memory_space<vmem>>, vector<1x16xi32>,
    %add3A_1151 = arith.constant 48 : i32
    %add3A_1152 = arith.addi %add3A_1120, %add3A_1151 : i32
    %add3A_1153 = vector.broadcast %add3A_1152 : i32 to vector<16xi32>
    %add3A_1154 = arith.addi %add3A_1153, %iota3A : vector<16xi32>
    %swap3A_1155 = arith.constant 0 : i32
    %swap3A_1156 = arith.index_cast %swap3A_1155 : i32 to index
    %swap3A_1157 = arith.constant 48 : index
    %swap3A_1158 = tpu.vector_load %arg12[%swap3A_1156, %swap3A_1157] {strides = array<i32>} : memref<1x80xi32, #tpu.memory_space<vmem>>, vector<1x16xi32>,
    %swap3A_1159 = vector.shape_cast %swap3A_1158 : vector<1x16xi32> to vector<16xi32>
    %swap3A_1160 = vector.shape_cast %add3A_1154 : vector<16xi32> to vector<1x16xi32>
    tpu.vector_store %arg12[%swap3A_1156, %swap3A_1157], %swap3A_1160 {strides = array<i32>} : memref<1x80xi32, #tpu.memory_space<vmem>>, vector<1x16xi32>,
    %add3A_1161 = arith.constant 64 : i32
    %add3A_1162 = arith.addi %add3A_1120, %add3A_1161 : i32
    %add3A_1163 = vector.broadcast %add3A_1162 : i32 to vector<16xi32>
    %add3A_1164 = arith.addi %add3A_1163, %iota3A : vector<16xi32>
    %swap3A_1165 = arith.constant 0 : i32
    %swap3A_1166 = arith.index_cast %swap3A_1165 : i32 to index
    %swap3A_1167 = arith.constant 64 : index
    %swap3A_1168 = tpu.vector_load %arg12[%swap3A_1166, %swap3A_1167] {strides = array<i32>} : memref<1x80xi32, #tpu.memory_space<vmem>>, vector<1x16xi32>,
    %swap3A_1169 = vector.shape_cast %swap3A_1168 : vector<1x16xi32> to vector<16xi32>
    %swap3A_1170 = vector.shape_cast %add3A_1164 : vector<16xi32> to vector<1x16xi32>
    tpu.vector_store %arg12[%swap3A_1166, %swap3A_1167], %swap3A_1170 {strides = array<i32>} : memref<1x80xi32, #tpu.memory_space<vmem>>, vector<1x16xi32>,
    %run_scoped3A_1171 = arith.constant 0 : i32
    "tpu.region"() ({
      %run_scoped3A_1999 = tpu.sem_alloc : memref<!tpu.dma_semaphore, #tpu.memory_space<semaphore_mem>>
      %dma_start3A_2000 = arith.constant 0 : i32
      %dma_start3A_2001 = tpu.memref_slice %arg12[%run_scoped3A_1171, %dma_start3A_2000] : memref<1x80xi32, #tpu.memory_space<vmem>> -> memref<1x80xi32, #tpu.memory_space<vmem>>
      %dma_start3A_2002 = tpu.memref_squeeze %dma_start3A_2001 : memref<1x80xi32, #tpu.memory_space<vmem>> -> memref<80xi32, #tpu.memory_space<vmem>>
      %dma_start3A_2003 = arith.constant 0 : i32
      %dma_start3A_2004 = arith.constant 0 : i32
      %dma_start3A_2005 = tpu.memref_slice %arg7[%dma_start3A_2003, %dma_start3A_2004] : memref<10240x128xf32, #tpu.memory_space<vmem_shared>> -> memref<10240x128xf32, #tpu.memory_space<vmem_shared>>
      tpu.enqueue_indirect_dma source(%arg13 : memref<80x128xf32, #tpu.memory_space<vmem>>) target(%dma_start3A_2005 : memref<10240x128xf32, #tpu.memory_space<vmem_shared>>) offsets(%dma_start3A_2002 : memref<80xi32, #tpu.memory_space<vmem>>) semaphore(%run_scoped3A_1999 : memref<!tpu.dma_semaphore, #tpu.memory_space<semaphore_mem>>)
      %dma_wait3A_2006 = arith.constant 0 : i32
      %dma_wait3A_2007 = tpu.memref_slice %arg12[%run_scoped3A_1171, %dma_wait3A_2006] : memref<1x80xi32, #tpu.memory_space<vmem>> -> memref<1x80xi32, #tpu.memory_space<vmem>>
      %dma_wait3A_2008 = tpu.memref_squeeze %dma_wait3A_2007 : memref<1x80xi32, #tpu.memory_space<vmem>> -> memref<80xi32, #tpu.memory_space<vmem>>
      %dma_wait3A_2009 = arith.constant 0 : i32
      %dma_wait3A_2010 = arith.constant 0 : i32
      %dma_wait3A_2011 = tpu.memref_slice %arg7[%dma_wait3A_2009, %dma_wait3A_2010] : memref<10240x128xf32, #tpu.memory_space<vmem_shared>> -> memref<10240x128xf32, #tpu.memory_space<vmem_shared>>
      tpu.wait_indirect_dma semaphore(%run_scoped3A_1999 : memref<!tpu.dma_semaphore, #tpu.memory_space<semaphore_mem>>) src(%arg13 : memref<80x128xf32, #tpu.memory_space<vmem>>) dst(%dma_wait3A_2011 : memref<10240x128xf32, #tpu.memory_space<vmem_shared>>)
      tpu.yield
    }) : () -> ()
    %add3A_1172 = arith.constant 240 : i32
    %add3A_1173 = arith.addi %mul3A_5, %add3A_1172 : i32
    %add3A_1174 = arith.constant 0 : i32
    %add3A_1175 = arith.addi %add3A_1173, %add3A_1174 : i32
    %add3A_1176 = vector.broadcast %add3A_1175 : i32 to vector<16xi32>
    %add3A_1177 = arith.addi %add3A_1176, %iota3A : vector<16xi32>
    %swap3A_1178 = arith.constant 0 : i32
    %swap3A_1179 = arith.index_cast %swap3A_1178 : i32 to index
    %swap3A_1180 = arith.constant 0 : index
    %swap3A_1181 = tpu.vector_load %arg12[%swap3A_1179, %swap3A_1180] {strides = array<i32>} : memref<1x80xi32, #tpu.memory_space<vmem>>, vector<1x16xi32>,
    %swap3A_1182 = vector.shape_cast %swap3A_1181 : vector<1x16xi32> to vector<16xi32>
    %swap3A_1183 = vector.shape_cast %add3A_1177 : vector<16xi32> to vector<1x16xi32>
    tpu.vector_store %arg12[%swap3A_1179, %swap3A_1180], %swap3A_1183 {strides = array<i32>} : memref<1x80xi32, #tpu.memory_space<vmem>>, vector<1x16xi32>,
    %add3A_1184 = arith.constant 16 : i32
    %add3A_1185 = arith.addi %add3A_1173, %add3A_1184 : i32
    %add3A_1186 = vector.broadcast %add3A_1185 : i32 to vector<16xi32>
    %add3A_1187 = arith.addi %add3A_1186, %iota3A : vector<16xi32>
    %swap3A_1188 = arith.constant 0 : i32
    %swap3A_1189 = arith.index_cast %swap3A_1188 : i32 to index
    %swap3A_1190 = arith.constant 16 : index
    %swap3A_1191 = tpu.vector_load %arg12[%swap3A_1189, %swap3A_1190] {strides = array<i32>} : memref<1x80xi32, #tpu.memory_space<vmem>>, vector<1x16xi32>,
    %swap3A_1192 = vector.shape_cast %swap3A_1191 : vector<1x16xi32> to vector<16xi32>
    %swap3A_1193 = vector.shape_cast %add3A_1187 : vector<16xi32> to vector<1x16xi32>
    tpu.vector_store %arg12[%swap3A_1189, %swap3A_1190], %swap3A_1193 {strides = array<i32>} : memref<1x80xi32, #tpu.memory_space<vmem>>, vector<1x16xi32>,
    %add3A_1194 = arith.constant 32 : i32
    %add3A_1195 = arith.addi %add3A_1173, %add3A_1194 : i32
    %add3A_1196 = vector.broadcast %add3A_1195 : i32 to vector<16xi32>
    %add3A_1197 = arith.addi %add3A_1196, %iota3A : vector<16xi32>
    %swap3A_1198 = arith.constant 0 : i32
    %swap3A_1199 = arith.index_cast %swap3A_1198 : i32 to index
    %swap3A_1200 = arith.constant 32 : index
    %swap3A_1201 = tpu.vector_load %arg12[%swap3A_1199, %swap3A_1200] {strides = array<i32>} : memref<1x80xi32, #tpu.memory_space<vmem>>, vector<1x16xi32>,
    %swap3A_1202 = vector.shape_cast %swap3A_1201 : vector<1x16xi32> to vector<16xi32>
    %swap3A_1203 = vector.shape_cast %add3A_1197 : vector<16xi32> to vector<1x16xi32>
    tpu.vector_store %arg12[%swap3A_1199, %swap3A_1200], %swap3A_1203 {strides = array<i32>} : memref<1x80xi32, #tpu.memory_space<vmem>>, vector<1x16xi32>,
    %add3A_1204 = arith.constant 48 : i32
    %add3A_1205 = arith.addi %add3A_1173, %add3A_1204 : i32
    %add3A_1206 = vector.broadcast %add3A_1205 : i32 to vector<16xi32>
    %add3A_1207 = arith.addi %add3A_1206, %iota3A : vector<16xi32>
    %swap3A_1208 = arith.constant 0 : i32
    %swap3A_1209 = arith.index_cast %swap3A_1208 : i32 to index
    %swap3A_1210 = arith.constant 48 : index
    %swap3A_1211 = tpu.vector_load %arg12[%swap3A_1209, %swap3A_1210] {strides = array<i32>} : memref<1x80xi32, #tpu.memory_space<vmem>>, vector<1x16xi32>,
    %swap3A_1212 = vector.shape_cast %swap3A_1211 : vector<1x16xi32> to vector<16xi32>
    %swap3A_1213 = vector.shape_cast %add3A_1207 : vector<16xi32> to vector<1x16xi32>
    tpu.vector_store %arg12[%swap3A_1209, %swap3A_1210], %swap3A_1213 {strides = array<i32>} : memref<1x80xi32, #tpu.memory_space<vmem>>, vector<1x16xi32>,
    %add3A_1214 = arith.constant 64 : i32
    %add3A_1215 = arith.addi %add3A_1173, %add3A_1214 : i32
    %add3A_1216 = vector.broadcast %add3A_1215 : i32 to vector<16xi32>
    %add3A_1217 = arith.addi %add3A_1216, %iota3A : vector<16xi32>
    %swap3A_1218 = arith.constant 0 : i32
    %swap3A_1219 = arith.index_cast %swap3A_1218 : i32 to index
    %swap3A_1220 = arith.constant 64 : index
    %swap3A_1221 = tpu.vector_load %arg12[%swap3A_1219, %swap3A_1220] {strides = array<i32>} : memref<1x80xi32, #tpu.memory_space<vmem>>, vector<1x16xi32>,
    %swap3A_1222 = vector.shape_cast %swap3A_1221 : vector<1x16xi32> to vector<16xi32>
    %swap3A_1223 = vector.shape_cast %add3A_1217 : vector<16xi32> to vector<1x16xi32>
    tpu.vector_store %arg12[%swap3A_1219, %swap3A_1220], %swap3A_1223 {strides = array<i32>} : memref<1x80xi32, #tpu.memory_space<vmem>>, vector<1x16xi32>,
    %run_scoped3A_1224 = arith.constant 0 : i32
    "tpu.region"() ({
      %run_scoped3A_1999 = tpu.sem_alloc : memref<!tpu.dma_semaphore, #tpu.memory_space<semaphore_mem>>
      %dma_start3A_2000 = arith.constant 0 : i32
      %dma_start3A_2001 = tpu.memref_slice %arg12[%run_scoped3A_1224, %dma_start3A_2000] : memref<1x80xi32, #tpu.memory_space<vmem>> -> memref<1x80xi32, #tpu.memory_space<vmem>>
      %dma_start3A_2002 = tpu.memref_squeeze %dma_start3A_2001 : memref<1x80xi32, #tpu.memory_space<vmem>> -> memref<80xi32, #tpu.memory_space<vmem>>
      %dma_start3A_2003 = arith.constant 0 : i32
      %dma_start3A_2004 = arith.constant 0 : i32
      %dma_start3A_2005 = tpu.memref_slice %arg7[%dma_start3A_2003, %dma_start3A_2004] : memref<10240x128xf32, #tpu.memory_space<vmem_shared>> -> memref<10240x128xf32, #tpu.memory_space<vmem_shared>>
      tpu.enqueue_indirect_dma source(%arg13 : memref<80x128xf32, #tpu.memory_space<vmem>>) target(%dma_start3A_2005 : memref<10240x128xf32, #tpu.memory_space<vmem_shared>>) offsets(%dma_start3A_2002 : memref<80xi32, #tpu.memory_space<vmem>>) semaphore(%run_scoped3A_1999 : memref<!tpu.dma_semaphore, #tpu.memory_space<semaphore_mem>>)
      %dma_wait3A_2006 = arith.constant 0 : i32
      %dma_wait3A_2007 = tpu.memref_slice %arg12[%run_scoped3A_1224, %dma_wait3A_2006] : memref<1x80xi32, #tpu.memory_space<vmem>> -> memref<1x80xi32, #tpu.memory_space<vmem>>
      %dma_wait3A_2008 = tpu.memref_squeeze %dma_wait3A_2007 : memref<1x80xi32, #tpu.memory_space<vmem>> -> memref<80xi32, #tpu.memory_space<vmem>>
      %dma_wait3A_2009 = arith.constant 0 : i32
      %dma_wait3A_2010 = arith.constant 0 : i32
      %dma_wait3A_2011 = tpu.memref_slice %arg7[%dma_wait3A_2009, %dma_wait3A_2010] : memref<10240x128xf32, #tpu.memory_space<vmem_shared>> -> memref<10240x128xf32, #tpu.memory_space<vmem_shared>>
      tpu.wait_indirect_dma semaphore(%run_scoped3A_1999 : memref<!tpu.dma_semaphore, #tpu.memory_space<semaphore_mem>>) src(%arg13 : memref<80x128xf32, #tpu.memory_space<vmem>>) dst(%dma_wait3A_2011 : memref<10240x128xf32, #tpu.memory_space<vmem_shared>>)
      tpu.yield
    }) : () -> ()
    %add3A_1225 = arith.constant 320 : i32
    %add3A_1226 = arith.addi %mul3A_5, %add3A_1225 : i32
    %add3A_1227 = arith.constant 0 : i32
    %add3A_1228 = arith.addi %add3A_1226, %add3A_1227 : i32
    %add3A_1229 = vector.broadcast %add3A_1228 : i32 to vector<16xi32>
    %add3A_1230 = arith.addi %add3A_1229, %iota3A : vector<16xi32>
    %swap3A_1231 = arith.constant 0 : i32
    %swap3A_1232 = arith.index_cast %swap3A_1231 : i32 to index
    %swap3A_1233 = arith.constant 0 : index
    %swap3A_1234 = tpu.vector_load %arg12[%swap3A_1232, %swap3A_1233] {strides = array<i32>} : memref<1x80xi32, #tpu.memory_space<vmem>>, vector<1x16xi32>,
    %swap3A_1235 = vector.shape_cast %swap3A_1234 : vector<1x16xi32> to vector<16xi32>
    %swap3A_1236 = vector.shape_cast %add3A_1230 : vector<16xi32> to vector<1x16xi32>
    tpu.vector_store %arg12[%swap3A_1232, %swap3A_1233], %swap3A_1236 {strides = array<i32>} : memref<1x80xi32, #tpu.memory_space<vmem>>, vector<1x16xi32>,
    %add3A_1237 = arith.constant 16 : i32
    %add3A_1238 = arith.addi %add3A_1226, %add3A_1237 : i32
    %add3A_1239 = vector.broadcast %add3A_1238 : i32 to vector<16xi32>
    %add3A_1240 = arith.addi %add3A_1239, %iota3A : vector<16xi32>
    %swap3A_1241 = arith.constant 0 : i32
    %swap3A_1242 = arith.index_cast %swap3A_1241 : i32 to index
    %swap3A_1243 = arith.constant 16 : index
    %swap3A_1244 = tpu.vector_load %arg12[%swap3A_1242, %swap3A_1243] {strides = array<i32>} : memref<1x80xi32, #tpu.memory_space<vmem>>, vector<1x16xi32>,
    %swap3A_1245 = vector.shape_cast %swap3A_1244 : vector<1x16xi32> to vector<16xi32>
    %swap3A_1246 = vector.shape_cast %add3A_1240 : vector<16xi32> to vector<1x16xi32>
    tpu.vector_store %arg12[%swap3A_1242, %swap3A_1243], %swap3A_1246 {strides = array<i32>} : memref<1x80xi32, #tpu.memory_space<vmem>>, vector<1x16xi32>,
    %add3A_1247 = arith.constant 32 : i32
    %add3A_1248 = arith.addi %add3A_1226, %add3A_1247 : i32
    %add3A_1249 = vector.broadcast %add3A_1248 : i32 to vector<16xi32>
    %add3A_1250 = arith.addi %add3A_1249, %iota3A : vector<16xi32>
    %swap3A_1251 = arith.constant 0 : i32
    %swap3A_1252 = arith.index_cast %swap3A_1251 : i32 to index
    %swap3A_1253 = arith.constant 32 : index
    %swap3A_1254 = tpu.vector_load %arg12[%swap3A_1252, %swap3A_1253] {strides = array<i32>} : memref<1x80xi32, #tpu.memory_space<vmem>>, vector<1x16xi32>,
    %swap3A_1255 = vector.shape_cast %swap3A_1254 : vector<1x16xi32> to vector<16xi32>
    %swap3A_1256 = vector.shape_cast %add3A_1250 : vector<16xi32> to vector<1x16xi32>
    tpu.vector_store %arg12[%swap3A_1252, %swap3A_1253], %swap3A_1256 {strides = array<i32>} : memref<1x80xi32, #tpu.memory_space<vmem>>, vector<1x16xi32>,
    %add3A_1257 = arith.constant 48 : i32
    %add3A_1258 = arith.addi %add3A_1226, %add3A_1257 : i32
    %add3A_1259 = vector.broadcast %add3A_1258 : i32 to vector<16xi32>
    %add3A_1260 = arith.addi %add3A_1259, %iota3A : vector<16xi32>
    %swap3A_1261 = arith.constant 0 : i32
    %swap3A_1262 = arith.index_cast %swap3A_1261 : i32 to index
    %swap3A_1263 = arith.constant 48 : index
    %swap3A_1264 = tpu.vector_load %arg12[%swap3A_1262, %swap3A_1263] {strides = array<i32>} : memref<1x80xi32, #tpu.memory_space<vmem>>, vector<1x16xi32>,
    %swap3A_1265 = vector.shape_cast %swap3A_1264 : vector<1x16xi32> to vector<16xi32>
    %swap3A_1266 = vector.shape_cast %add3A_1260 : vector<16xi32> to vector<1x16xi32>
    tpu.vector_store %arg12[%swap3A_1262, %swap3A_1263], %swap3A_1266 {strides = array<i32>} : memref<1x80xi32, #tpu.memory_space<vmem>>, vector<1x16xi32>,
    %add3A_1267 = arith.constant 64 : i32
    %add3A_1268 = arith.addi %add3A_1226, %add3A_1267 : i32
    %add3A_1269 = vector.broadcast %add3A_1268 : i32 to vector<16xi32>
    %add3A_1270 = arith.addi %add3A_1269, %iota3A : vector<16xi32>
    %swap3A_1271 = arith.constant 0 : i32
    %swap3A_1272 = arith.index_cast %swap3A_1271 : i32 to index
    %swap3A_1273 = arith.constant 64 : index
    %swap3A_1274 = tpu.vector_load %arg12[%swap3A_1272, %swap3A_1273] {strides = array<i32>} : memref<1x80xi32, #tpu.memory_space<vmem>>, vector<1x16xi32>,
    %swap3A_1275 = vector.shape_cast %swap3A_1274 : vector<1x16xi32> to vector<16xi32>
    %swap3A_1276 = vector.shape_cast %add3A_1270 : vector<16xi32> to vector<1x16xi32>
    tpu.vector_store %arg12[%swap3A_1272, %swap3A_1273], %swap3A_1276 {strides = array<i32>} : memref<1x80xi32, #tpu.memory_space<vmem>>, vector<1x16xi32>,
    %run_scoped3A_1277 = arith.constant 0 : i32
    "tpu.region"() ({
      %run_scoped3A_1999 = tpu.sem_alloc : memref<!tpu.dma_semaphore, #tpu.memory_space<semaphore_mem>>
      %dma_start3A_2000 = arith.constant 0 : i32
      %dma_start3A_2001 = tpu.memref_slice %arg12[%run_scoped3A_1277, %dma_start3A_2000] : memref<1x80xi32, #tpu.memory_space<vmem>> -> memref<1x80xi32, #tpu.memory_space<vmem>>
      %dma_start3A_2002 = tpu.memref_squeeze %dma_start3A_2001 : memref<1x80xi32, #tpu.memory_space<vmem>> -> memref<80xi32, #tpu.memory_space<vmem>>
      %dma_start3A_2003 = arith.constant 0 : i32
      %dma_start3A_2004 = arith.constant 0 : i32
      %dma_start3A_2005 = tpu.memref_slice %arg7[%dma_start3A_2003, %dma_start3A_2004] : memref<10240x128xf32, #tpu.memory_space<vmem_shared>> -> memref<10240x128xf32, #tpu.memory_space<vmem_shared>>
      tpu.enqueue_indirect_dma source(%arg13 : memref<80x128xf32, #tpu.memory_space<vmem>>) target(%dma_start3A_2005 : memref<10240x128xf32, #tpu.memory_space<vmem_shared>>) offsets(%dma_start3A_2002 : memref<80xi32, #tpu.memory_space<vmem>>) semaphore(%run_scoped3A_1999 : memref<!tpu.dma_semaphore, #tpu.memory_space<semaphore_mem>>)
      %dma_wait3A_2006 = arith.constant 0 : i32
      %dma_wait3A_2007 = tpu.memref_slice %arg12[%run_scoped3A_1277, %dma_wait3A_2006] : memref<1x80xi32, #tpu.memory_space<vmem>> -> memref<1x80xi32, #tpu.memory_space<vmem>>
      %dma_wait3A_2008 = tpu.memref_squeeze %dma_wait3A_2007 : memref<1x80xi32, #tpu.memory_space<vmem>> -> memref<80xi32, #tpu.memory_space<vmem>>
      %dma_wait3A_2009 = arith.constant 0 : i32
      %dma_wait3A_2010 = arith.constant 0 : i32
      %dma_wait3A_2011 = tpu.memref_slice %arg7[%dma_wait3A_2009, %dma_wait3A_2010] : memref<10240x128xf32, #tpu.memory_space<vmem_shared>> -> memref<10240x128xf32, #tpu.memory_space<vmem_shared>>
      tpu.wait_indirect_dma semaphore(%run_scoped3A_1999 : memref<!tpu.dma_semaphore, #tpu.memory_space<semaphore_mem>>) src(%arg13 : memref<80x128xf32, #tpu.memory_space<vmem>>) dst(%dma_wait3A_2011 : memref<10240x128xf32, #tpu.memory_space<vmem_shared>>)
      tpu.yield
    }) : () -> ()
    %add3A_1278 = arith.constant 400 : i32
    %add3A_1279 = arith.addi %mul3A_5, %add3A_1278 : i32
    %add3A_1280 = arith.constant 0 : i32
    %add3A_1281 = arith.addi %add3A_1279, %add3A_1280 : i32
    %add3A_1282 = vector.broadcast %add3A_1281 : i32 to vector<16xi32>
    %add3A_1283 = arith.addi %add3A_1282, %iota3A : vector<16xi32>
    %swap3A_1284 = arith.constant 0 : i32
    %swap3A_1285 = arith.index_cast %swap3A_1284 : i32 to index
    %swap3A_1286 = arith.constant 0 : index
    %swap3A_1287 = tpu.vector_load %arg12[%swap3A_1285, %swap3A_1286] {strides = array<i32>} : memref<1x80xi32, #tpu.memory_space<vmem>>, vector<1x16xi32>,
    %swap3A_1288 = vector.shape_cast %swap3A_1287 : vector<1x16xi32> to vector<16xi32>
    %swap3A_1289 = vector.shape_cast %add3A_1283 : vector<16xi32> to vector<1x16xi32>
    tpu.vector_store %arg12[%swap3A_1285, %swap3A_1286], %swap3A_1289 {strides = array<i32>} : memref<1x80xi32, #tpu.memory_space<vmem>>, vector<1x16xi32>,
    %add3A_1290 = arith.constant 16 : i32
    %add3A_1291 = arith.addi %add3A_1279, %add3A_1290 : i32
    %add3A_1292 = vector.broadcast %add3A_1291 : i32 to vector<16xi32>
    %add3A_1293 = arith.addi %add3A_1292, %iota3A : vector<16xi32>
    %swap3A_1294 = arith.constant 0 : i32
    %swap3A_1295 = arith.index_cast %swap3A_1294 : i32 to index
    %swap3A_1296 = arith.constant 16 : index
    %swap3A_1297 = tpu.vector_load %arg12[%swap3A_1295, %swap3A_1296] {strides = array<i32>} : memref<1x80xi32, #tpu.memory_space<vmem>>, vector<1x16xi32>,
    %swap3A_1298 = vector.shape_cast %swap3A_1297 : vector<1x16xi32> to vector<16xi32>
    %swap3A_1299 = vector.shape_cast %add3A_1293 : vector<16xi32> to vector<1x16xi32>
    tpu.vector_store %arg12[%swap3A_1295, %swap3A_1296], %swap3A_1299 {strides = array<i32>} : memref<1x80xi32, #tpu.memory_space<vmem>>, vector<1x16xi32>,
    %add3A_1300 = arith.constant 32 : i32
    %add3A_1301 = arith.addi %add3A_1279, %add3A_1300 : i32
    %add3A_1302 = vector.broadcast %add3A_1301 : i32 to vector<16xi32>
    %add3A_1303 = arith.addi %add3A_1302, %iota3A : vector<16xi32>
    %swap3A_1304 = arith.constant 0 : i32
    %swap3A_1305 = arith.index_cast %swap3A_1304 : i32 to index
    %swap3A_1306 = arith.constant 32 : index
    %swap3A_1307 = tpu.vector_load %arg12[%swap3A_1305, %swap3A_1306] {strides = array<i32>} : memref<1x80xi32, #tpu.memory_space<vmem>>, vector<1x16xi32>,
    %swap3A_1308 = vector.shape_cast %swap3A_1307 : vector<1x16xi32> to vector<16xi32>
    %swap3A_1309 = vector.shape_cast %add3A_1303 : vector<16xi32> to vector<1x16xi32>
    tpu.vector_store %arg12[%swap3A_1305, %swap3A_1306], %swap3A_1309 {strides = array<i32>} : memref<1x80xi32, #tpu.memory_space<vmem>>, vector<1x16xi32>,
    %add3A_1310 = arith.constant 48 : i32
    %add3A_1311 = arith.addi %add3A_1279, %add3A_1310 : i32
    %add3A_1312 = vector.broadcast %add3A_1311 : i32 to vector<16xi32>
    %add3A_1313 = arith.addi %add3A_1312, %iota3A : vector<16xi32>
    %swap3A_1314 = arith.constant 0 : i32
    %swap3A_1315 = arith.index_cast %swap3A_1314 : i32 to index
    %swap3A_1316 = arith.constant 48 : index
    %swap3A_1317 = tpu.vector_load %arg12[%swap3A_1315, %swap3A_1316] {strides = array<i32>} : memref<1x80xi32, #tpu.memory_space<vmem>>, vector<1x16xi32>,
    %swap3A_1318 = vector.shape_cast %swap3A_1317 : vector<1x16xi32> to vector<16xi32>
    %swap3A_1319 = vector.shape_cast %add3A_1313 : vector<16xi32> to vector<1x16xi32>
    tpu.vector_store %arg12[%swap3A_1315, %swap3A_1316], %swap3A_1319 {strides = array<i32>} : memref<1x80xi32, #tpu.memory_space<vmem>>, vector<1x16xi32>,
    %add3A_1320 = arith.constant 64 : i32
    %add3A_1321 = arith.addi %add3A_1279, %add3A_1320 : i32
    %add3A_1322 = vector.broadcast %add3A_1321 : i32 to vector<16xi32>
    %add3A_1323 = arith.addi %add3A_1322, %iota3A : vector<16xi32>
    %swap3A_1324 = arith.constant 0 : i32
    %swap3A_1325 = arith.index_cast %swap3A_1324 : i32 to index
    %swap3A_1326 = arith.constant 64 : index
    %swap3A_1327 = tpu.vector_load %arg12[%swap3A_1325, %swap3A_1326] {strides = array<i32>} : memref<1x80xi32, #tpu.memory_space<vmem>>, vector<1x16xi32>,
    %swap3A_1328 = vector.shape_cast %swap3A_1327 : vector<1x16xi32> to vector<16xi32>
    %swap3A_1329 = vector.shape_cast %add3A_1323 : vector<16xi32> to vector<1x16xi32>
    tpu.vector_store %arg12[%swap3A_1325, %swap3A_1326], %swap3A_1329 {strides = array<i32>} : memref<1x80xi32, #tpu.memory_space<vmem>>, vector<1x16xi32>,
    %run_scoped3A_1330 = arith.constant 0 : i32
    "tpu.region"() ({
      %run_scoped3A_1999 = tpu.sem_alloc : memref<!tpu.dma_semaphore, #tpu.memory_space<semaphore_mem>>
      %dma_start3A_2000 = arith.constant 0 : i32
      %dma_start3A_2001 = tpu.memref_slice %arg12[%run_scoped3A_1330, %dma_start3A_2000] : memref<1x80xi32, #tpu.memory_space<vmem>> -> memref<1x80xi32, #tpu.memory_space<vmem>>
      %dma_start3A_2002 = tpu.memref_squeeze %dma_start3A_2001 : memref<1x80xi32, #tpu.memory_space<vmem>> -> memref<80xi32, #tpu.memory_space<vmem>>
      %dma_start3A_2003 = arith.constant 0 : i32
      %dma_start3A_2004 = arith.constant 0 : i32
      %dma_start3A_2005 = tpu.memref_slice %arg7[%dma_start3A_2003, %dma_start3A_2004] : memref<10240x128xf32, #tpu.memory_space<vmem_shared>> -> memref<10240x128xf32, #tpu.memory_space<vmem_shared>>
      tpu.enqueue_indirect_dma source(%arg13 : memref<80x128xf32, #tpu.memory_space<vmem>>) target(%dma_start3A_2005 : memref<10240x128xf32, #tpu.memory_space<vmem_shared>>) offsets(%dma_start3A_2002 : memref<80xi32, #tpu.memory_space<vmem>>) semaphore(%run_scoped3A_1999 : memref<!tpu.dma_semaphore, #tpu.memory_space<semaphore_mem>>)
      %dma_wait3A_2006 = arith.constant 0 : i32
      %dma_wait3A_2007 = tpu.memref_slice %arg12[%run_scoped3A_1330, %dma_wait3A_2006] : memref<1x80xi32, #tpu.memory_space<vmem>> -> memref<1x80xi32, #tpu.memory_space<vmem>>
      %dma_wait3A_2008 = tpu.memref_squeeze %dma_wait3A_2007 : memref<1x80xi32, #tpu.memory_space<vmem>> -> memref<80xi32, #tpu.memory_space<vmem>>
      %dma_wait3A_2009 = arith.constant 0 : i32
      %dma_wait3A_2010 = arith.constant 0 : i32
      %dma_wait3A_2011 = tpu.memref_slice %arg7[%dma_wait3A_2009, %dma_wait3A_2010] : memref<10240x128xf32, #tpu.memory_space<vmem_shared>> -> memref<10240x128xf32, #tpu.memory_space<vmem_shared>>
      tpu.wait_indirect_dma semaphore(%run_scoped3A_1999 : memref<!tpu.dma_semaphore, #tpu.memory_space<semaphore_mem>>) src(%arg13 : memref<80x128xf32, #tpu.memory_space<vmem>>) dst(%dma_wait3A_2011 : memref<10240x128xf32, #tpu.memory_space<vmem_shared>>)
      tpu.yield
    }) : () -> ()
    %add3A_1331 = arith.constant 480 : i32
    %add3A_1332 = arith.addi %mul3A_5, %add3A_1331 : i32
    %add3A_1333 = arith.constant 0 : i32
    %add3A_1334 = arith.addi %add3A_1332, %add3A_1333 : i32
    %add3A_1335 = vector.broadcast %add3A_1334 : i32 to vector<16xi32>
    %add3A_1336 = arith.addi %add3A_1335, %iota3A : vector<16xi32>
    %swap3A_1337 = arith.constant 0 : i32
    %swap3A_1338 = arith.index_cast %swap3A_1337 : i32 to index
    %swap3A_1339 = arith.constant 0 : index
    %swap3A_1340 = tpu.vector_load %arg12[%swap3A_1338, %swap3A_1339] {strides = array<i32>} : memref<1x80xi32, #tpu.memory_space<vmem>>, vector<1x16xi32>,
    %swap3A_1341 = vector.shape_cast %swap3A_1340 : vector<1x16xi32> to vector<16xi32>
    %swap3A_1342 = vector.shape_cast %add3A_1336 : vector<16xi32> to vector<1x16xi32>
    tpu.vector_store %arg12[%swap3A_1338, %swap3A_1339], %swap3A_1342 {strides = array<i32>} : memref<1x80xi32, #tpu.memory_space<vmem>>, vector<1x16xi32>,
    %add3A_1343 = arith.constant 16 : i32
    %add3A_1344 = arith.addi %add3A_1332, %add3A_1343 : i32
    %add3A_1345 = vector.broadcast %add3A_1344 : i32 to vector<16xi32>
    %add3A_1346 = arith.addi %add3A_1345, %iota3A : vector<16xi32>
    %swap3A_1347 = arith.constant 0 : i32
    %swap3A_1348 = arith.index_cast %swap3A_1347 : i32 to index
    %swap3A_1349 = arith.constant 16 : index
    %swap3A_1350 = tpu.vector_load %arg12[%swap3A_1348, %swap3A_1349] {strides = array<i32>} : memref<1x80xi32, #tpu.memory_space<vmem>>, vector<1x16xi32>,
    %swap3A_1351 = vector.shape_cast %swap3A_1350 : vector<1x16xi32> to vector<16xi32>
    %swap3A_1352 = vector.shape_cast %add3A_1346 : vector<16xi32> to vector<1x16xi32>
    tpu.vector_store %arg12[%swap3A_1348, %swap3A_1349], %swap3A_1352 {strides = array<i32>} : memref<1x80xi32, #tpu.memory_space<vmem>>, vector<1x16xi32>,
    %add3A_1353 = arith.constant 32 : i32
    %add3A_1354 = arith.addi %add3A_1332, %add3A_1353 : i32
    %add3A_1355 = vector.broadcast %add3A_1354 : i32 to vector<16xi32>
    %add3A_1356 = arith.addi %add3A_1355, %iota3A : vector<16xi32>
    %swap3A_1357 = arith.constant 0 : i32
    %swap3A_1358 = arith.index_cast %swap3A_1357 : i32 to index
    %swap3A_1359 = arith.constant 32 : index
    %swap3A_1360 = tpu.vector_load %arg12[%swap3A_1358, %swap3A_1359] {strides = array<i32>} : memref<1x80xi32, #tpu.memory_space<vmem>>, vector<1x16xi32>,
    %swap3A_1361 = vector.shape_cast %swap3A_1360 : vector<1x16xi32> to vector<16xi32>
    %swap3A_1362 = vector.shape_cast %add3A_1356 : vector<16xi32> to vector<1x16xi32>
    tpu.vector_store %arg12[%swap3A_1358, %swap3A_1359], %swap3A_1362 {strides = array<i32>} : memref<1x80xi32, #tpu.memory_space<vmem>>, vector<1x16xi32>,
    %add3A_1363 = arith.constant 48 : i32
    %add3A_1364 = arith.addi %add3A_1332, %add3A_1363 : i32
    %add3A_1365 = vector.broadcast %add3A_1364 : i32 to vector<16xi32>
    %add3A_1366 = arith.addi %add3A_1365, %iota3A : vector<16xi32>
    %swap3A_1367 = arith.constant 0 : i32
    %swap3A_1368 = arith.index_cast %swap3A_1367 : i32 to index
    %swap3A_1369 = arith.constant 48 : index
    %swap3A_1370 = tpu.vector_load %arg12[%swap3A_1368, %swap3A_1369] {strides = array<i32>} : memref<1x80xi32, #tpu.memory_space<vmem>>, vector<1x16xi32>,
    %swap3A_1371 = vector.shape_cast %swap3A_1370 : vector<1x16xi32> to vector<16xi32>
    %swap3A_1372 = vector.shape_cast %add3A_1366 : vector<16xi32> to vector<1x16xi32>
    tpu.vector_store %arg12[%swap3A_1368, %swap3A_1369], %swap3A_1372 {strides = array<i32>} : memref<1x80xi32, #tpu.memory_space<vmem>>, vector<1x16xi32>,
    %add3A_1373 = arith.constant 64 : i32
    %add3A_1374 = arith.addi %add3A_1332, %add3A_1373 : i32
    %add3A_1375 = vector.broadcast %add3A_1374 : i32 to vector<16xi32>
    %add3A_1376 = arith.addi %add3A_1375, %iota3A : vector<16xi32>
    %swap3A_1377 = arith.constant 0 : i32
    %swap3A_1378 = arith.index_cast %swap3A_1377 : i32 to index
    %swap3A_1379 = arith.constant 64 : index
    %swap3A_1380 = tpu.vector_load %arg12[%swap3A_1378, %swap3A_1379] {strides = array<i32>} : memref<1x80xi32, #tpu.memory_space<vmem>>, vector<1x16xi32>,
    %swap3A_1381 = vector.shape_cast %swap3A_1380 : vector<1x16xi32> to vector<16xi32>
    %swap3A_1382 = vector.shape_cast %add3A_1376 : vector<16xi32> to vector<1x16xi32>
    tpu.vector_store %arg12[%swap3A_1378, %swap3A_1379], %swap3A_1382 {strides = array<i32>} : memref<1x80xi32, #tpu.memory_space<vmem>>, vector<1x16xi32>,
    %run_scoped3A_1383 = arith.constant 0 : i32
    "tpu.region"() ({
      %run_scoped3A_1999 = tpu.sem_alloc : memref<!tpu.dma_semaphore, #tpu.memory_space<semaphore_mem>>
      %dma_start3A_2000 = arith.constant 0 : i32
      %dma_start3A_2001 = tpu.memref_slice %arg12[%run_scoped3A_1383, %dma_start3A_2000] : memref<1x80xi32, #tpu.memory_space<vmem>> -> memref<1x80xi32, #tpu.memory_space<vmem>>
      %dma_start3A_2002 = tpu.memref_squeeze %dma_start3A_2001 : memref<1x80xi32, #tpu.memory_space<vmem>> -> memref<80xi32, #tpu.memory_space<vmem>>
      %dma_start3A_2003 = arith.constant 0 : i32
      %dma_start3A_2004 = arith.constant 0 : i32
      %dma_start3A_2005 = tpu.memref_slice %arg7[%dma_start3A_2003, %dma_start3A_2004] : memref<10240x128xf32, #tpu.memory_space<vmem_shared>> -> memref<10240x128xf32, #tpu.memory_space<vmem_shared>>
      tpu.enqueue_indirect_dma source(%arg13 : memref<80x128xf32, #tpu.memory_space<vmem>>) target(%dma_start3A_2005 : memref<10240x128xf32, #tpu.memory_space<vmem_shared>>) offsets(%dma_start3A_2002 : memref<80xi32, #tpu.memory_space<vmem>>) semaphore(%run_scoped3A_1999 : memref<!tpu.dma_semaphore, #tpu.memory_space<semaphore_mem>>)
      %dma_wait3A_2006 = arith.constant 0 : i32
      %dma_wait3A_2007 = tpu.memref_slice %arg12[%run_scoped3A_1383, %dma_wait3A_2006] : memref<1x80xi32, #tpu.memory_space<vmem>> -> memref<1x80xi32, #tpu.memory_space<vmem>>
      %dma_wait3A_2008 = tpu.memref_squeeze %dma_wait3A_2007 : memref<1x80xi32, #tpu.memory_space<vmem>> -> memref<80xi32, #tpu.memory_space<vmem>>
      %dma_wait3A_2009 = arith.constant 0 : i32
      %dma_wait3A_2010 = arith.constant 0 : i32
      %dma_wait3A_2011 = tpu.memref_slice %arg7[%dma_wait3A_2009, %dma_wait3A_2010] : memref<10240x128xf32, #tpu.memory_space<vmem_shared>> -> memref<10240x128xf32, #tpu.memory_space<vmem_shared>>
      tpu.wait_indirect_dma semaphore(%run_scoped3A_1999 : memref<!tpu.dma_semaphore, #tpu.memory_space<semaphore_mem>>) src(%arg13 : memref<80x128xf32, #tpu.memory_space<vmem>>) dst(%dma_wait3A_2011 : memref<10240x128xf32, #tpu.memory_space<vmem_shared>>)
      tpu.yield
    }) : () -> ()
    %add3A_1384 = arith.constant 560 : i32
    %add3A_1385 = arith.addi %mul3A_5, %add3A_1384 : i32
    %add3A_1386 = arith.constant 0 : i32
    %add3A_1387 = arith.addi %add3A_1385, %add3A_1386 : i32
    %add3A_1388 = vector.broadcast %add3A_1387 : i32 to vector<16xi32>
    %add3A_1389 = arith.addi %add3A_1388, %iota3A : vector<16xi32>
    %swap3A_1390 = arith.constant 0 : i32
    %swap3A_1391 = arith.index_cast %swap3A_1390 : i32 to index
    %swap3A_1392 = arith.constant 0 : index
    %swap3A_1393 = tpu.vector_load %arg12[%swap3A_1391, %swap3A_1392] {strides = array<i32>} : memref<1x80xi32, #tpu.memory_space<vmem>>, vector<1x16xi32>,
    %swap3A_1394 = vector.shape_cast %swap3A_1393 : vector<1x16xi32> to vector<16xi32>
    %swap3A_1395 = vector.shape_cast %add3A_1389 : vector<16xi32> to vector<1x16xi32>
    tpu.vector_store %arg12[%swap3A_1391, %swap3A_1392], %swap3A_1395 {strides = array<i32>} : memref<1x80xi32, #tpu.memory_space<vmem>>, vector<1x16xi32>,
    %add3A_1396 = arith.constant 16 : i32
    %add3A_1397 = arith.addi %add3A_1385, %add3A_1396 : i32
    %add3A_1398 = vector.broadcast %add3A_1397 : i32 to vector<16xi32>
    %add3A_1399 = arith.addi %add3A_1398, %iota3A : vector<16xi32>
    %swap3A_1400 = arith.constant 0 : i32
    %swap3A_1401 = arith.index_cast %swap3A_1400 : i32 to index
    %swap3A_1402 = arith.constant 16 : index
    %swap3A_1403 = tpu.vector_load %arg12[%swap3A_1401, %swap3A_1402] {strides = array<i32>} : memref<1x80xi32, #tpu.memory_space<vmem>>, vector<1x16xi32>,
    %swap3A_1404 = vector.shape_cast %swap3A_1403 : vector<1x16xi32> to vector<16xi32>
    %swap3A_1405 = vector.shape_cast %add3A_1399 : vector<16xi32> to vector<1x16xi32>
    tpu.vector_store %arg12[%swap3A_1401, %swap3A_1402], %swap3A_1405 {strides = array<i32>} : memref<1x80xi32, #tpu.memory_space<vmem>>, vector<1x16xi32>,
    %add3A_1406 = arith.constant 32 : i32
    %add3A_1407 = arith.addi %add3A_1385, %add3A_1406 : i32
    %add3A_1408 = vector.broadcast %add3A_1407 : i32 to vector<16xi32>
    %add3A_1409 = arith.addi %add3A_1408, %iota3A : vector<16xi32>
    %swap3A_1410 = arith.constant 0 : i32
    %swap3A_1411 = arith.index_cast %swap3A_1410 : i32 to index
    %swap3A_1412 = arith.constant 32 : index
    %swap3A_1413 = tpu.vector_load %arg12[%swap3A_1411, %swap3A_1412] {strides = array<i32>} : memref<1x80xi32, #tpu.memory_space<vmem>>, vector<1x16xi32>,
    %swap3A_1414 = vector.shape_cast %swap3A_1413 : vector<1x16xi32> to vector<16xi32>
    %swap3A_1415 = vector.shape_cast %add3A_1409 : vector<16xi32> to vector<1x16xi32>
    tpu.vector_store %arg12[%swap3A_1411, %swap3A_1412], %swap3A_1415 {strides = array<i32>} : memref<1x80xi32, #tpu.memory_space<vmem>>, vector<1x16xi32>,
    %add3A_1416 = arith.constant 48 : i32
    %add3A_1417 = arith.addi %add3A_1385, %add3A_1416 : i32
    %add3A_1418 = vector.broadcast %add3A_1417 : i32 to vector<16xi32>
    %add3A_1419 = arith.addi %add3A_1418, %iota3A : vector<16xi32>
    %swap3A_1420 = arith.constant 0 : i32
    %swap3A_1421 = arith.index_cast %swap3A_1420 : i32 to index
    %swap3A_1422 = arith.constant 48 : index
    %swap3A_1423 = tpu.vector_load %arg12[%swap3A_1421, %swap3A_1422] {strides = array<i32>} : memref<1x80xi32, #tpu.memory_space<vmem>>, vector<1x16xi32>,
    %swap3A_1424 = vector.shape_cast %swap3A_1423 : vector<1x16xi32> to vector<16xi32>
    %swap3A_1425 = vector.shape_cast %add3A_1419 : vector<16xi32> to vector<1x16xi32>
    tpu.vector_store %arg12[%swap3A_1421, %swap3A_1422], %swap3A_1425 {strides = array<i32>} : memref<1x80xi32, #tpu.memory_space<vmem>>, vector<1x16xi32>,
    %add3A_1426 = arith.constant 64 : i32
    %add3A_1427 = arith.addi %add3A_1385, %add3A_1426 : i32
    %add3A_1428 = vector.broadcast %add3A_1427 : i32 to vector<16xi32>
    %add3A_1429 = arith.addi %add3A_1428, %iota3A : vector<16xi32>
    %swap3A_1430 = arith.constant 0 : i32
    %swap3A_1431 = arith.index_cast %swap3A_1430 : i32 to index
    %swap3A_1432 = arith.constant 64 : index
    %swap3A_1433 = tpu.vector_load %arg12[%swap3A_1431, %swap3A_1432] {strides = array<i32>} : memref<1x80xi32, #tpu.memory_space<vmem>>, vector<1x16xi32>,
    %swap3A_1434 = vector.shape_cast %swap3A_1433 : vector<1x16xi32> to vector<16xi32>
    %swap3A_1435 = vector.shape_cast %add3A_1429 : vector<16xi32> to vector<1x16xi32>
    tpu.vector_store %arg12[%swap3A_1431, %swap3A_1432], %swap3A_1435 {strides = array<i32>} : memref<1x80xi32, #tpu.memory_space<vmem>>, vector<1x16xi32>,
    %run_scoped3A_1436 = arith.constant 0 : i32
    "tpu.region"() ({
      %run_scoped3A_1999 = tpu.sem_alloc : memref<!tpu.dma_semaphore, #tpu.memory_space<semaphore_mem>>
      %dma_start3A_2000 = arith.constant 0 : i32
      %dma_start3A_2001 = tpu.memref_slice %arg12[%run_scoped3A_1436, %dma_start3A_2000] : memref<1x80xi32, #tpu.memory_space<vmem>> -> memref<1x80xi32, #tpu.memory_space<vmem>>
      %dma_start3A_2002 = tpu.memref_squeeze %dma_start3A_2001 : memref<1x80xi32, #tpu.memory_space<vmem>> -> memref<80xi32, #tpu.memory_space<vmem>>
      %dma_start3A_2003 = arith.constant 0 : i32
      %dma_start3A_2004 = arith.constant 0 : i32
      %dma_start3A_2005 = tpu.memref_slice %arg7[%dma_start3A_2003, %dma_start3A_2004] : memref<10240x128xf32, #tpu.memory_space<vmem_shared>> -> memref<10240x128xf32, #tpu.memory_space<vmem_shared>>
      tpu.enqueue_indirect_dma source(%arg13 : memref<80x128xf32, #tpu.memory_space<vmem>>) target(%dma_start3A_2005 : memref<10240x128xf32, #tpu.memory_space<vmem_shared>>) offsets(%dma_start3A_2002 : memref<80xi32, #tpu.memory_space<vmem>>) semaphore(%run_scoped3A_1999 : memref<!tpu.dma_semaphore, #tpu.memory_space<semaphore_mem>>)
      %dma_wait3A_2006 = arith.constant 0 : i32
      %dma_wait3A_2007 = tpu.memref_slice %arg12[%run_scoped3A_1436, %dma_wait3A_2006] : memref<1x80xi32, #tpu.memory_space<vmem>> -> memref<1x80xi32, #tpu.memory_space<vmem>>
      %dma_wait3A_2008 = tpu.memref_squeeze %dma_wait3A_2007 : memref<1x80xi32, #tpu.memory_space<vmem>> -> memref<80xi32, #tpu.memory_space<vmem>>
      %dma_wait3A_2009 = arith.constant 0 : i32
      %dma_wait3A_2010 = arith.constant 0 : i32
      %dma_wait3A_2011 = tpu.memref_slice %arg7[%dma_wait3A_2009, %dma_wait3A_2010] : memref<10240x128xf32, #tpu.memory_space<vmem_shared>> -> memref<10240x128xf32, #tpu.memory_space<vmem_shared>>
      tpu.wait_indirect_dma semaphore(%run_scoped3A_1999 : memref<!tpu.dma_semaphore, #tpu.memory_space<semaphore_mem>>) src(%arg13 : memref<80x128xf32, #tpu.memory_space<vmem>>) dst(%dma_wait3A_2011 : memref<10240x128xf32, #tpu.memory_space<vmem_shared>>)
      tpu.yield
    }) : () -> ()
    %scan3A_1437 = arith.constant 0 : i32
    %scan3A_1438 = arith.constant 0 : i32
    %scan3A_1439 = arith.constant 640 : i32
    %scan3A_1440 = arith.addi %scan3A_1438, %scan3A_1439 : i32
    %scan3A_1441 = arith.constant 1 : i32
    %scan3A_1442 = scf.for %scan3A_1999 = %scan3A_1438 to %scan3A_1440 step %scan3A_1441 iter_args(%scan3A_2000 = %scan3A_1437) -> (i32)  : i32 {
      %jit3A = arith.constant 8 : i32
      %div3A = arith.divsi %scan3A_1999, %jit3A : i32
      %sign3A = arith.constant 0 : i32
      %sign3A_2001 = arith.cmpi sgt, %scan3A_1999, %sign3A : i32
      %sign3A_2002 = arith.extui %sign3A_2001 : i1 to i32
      %sign3A_2003 = arith.constant 0 : i32
      %sign3A_2004 = arith.cmpi slt, %scan3A_1999, %sign3A_2003 : i32
      %sign3A_2005 = arith.extui %sign3A_2004 : i1 to i32
      %sign3A_2006 = arith.subi %sign3A_2002, %sign3A_2005 : i32
      %sign3A_2007 = arith.constant 0 : i32
      %sign3A_2008 = arith.cmpi sgt, %jit3A, %sign3A_2007 : i32
      %sign3A_2009 = arith.extui %sign3A_2008 : i1 to i32
      %sign3A_2010 = arith.constant 0 : i32
      %sign3A_2011 = arith.cmpi slt, %jit3A, %sign3A_2010 : i32
      %sign3A_2012 = arith.extui %sign3A_2011 : i1 to i32
      %sign3A_2013 = arith.subi %sign3A_2009, %sign3A_2012 : i32
      %ne3A = arith.cmpi ne, %sign3A_2006, %sign3A_2013 : i32
      %rem3A = arith.remsi %scan3A_1999, %jit3A : i32
      %ne3A_2014 = arith.constant 0 : i32
      %ne3A_2015 = arith.cmpi ne, %rem3A, %ne3A_2014 : i32
      %and3A = arith.andi %ne3A, %ne3A_2015 : i1
      %sub3A = arith.constant 1 : i32
      %sub3A_2016 = arith.subi %div3A, %sub3A : i32
      %select_n3A = arith.select %and3A, %sub3A_2016, %div3A : i32
      %jit3A_2017 = arith.constant 8 : i32
      %eq3A = arith.constant 0 : i32
      %eq3A_2018 = arith.cmpi eq, %jit3A_2017, %eq3A : i32
      %jit3A_2019 = arith.constant 1 : i32
      %select_n3A_2020 = arith.select %eq3A_2018, %jit3A_2019, %jit3A_2017 : i32
      %rem3A_2021 = arith.remsi %scan3A_1999, %select_n3A_2020 : i32
      %ne3A_2022 = arith.constant 0 : i32
      %ne3A_2023 = arith.cmpi ne, %rem3A_2021, %ne3A_2022 : i32
      %lt3A = arith.constant 0 : i32
      %lt3A_2024 = arith.cmpi slt, %rem3A_2021, %lt3A : i32
      %lt3A_2025 = arith.constant 0 : i32
      %lt3A_2026 = arith.cmpi slt, %select_n3A_2020, %lt3A_2025 : i32
      %ne3A_2027 = arith.xori %lt3A_2024, %lt3A_2026 : i1
      %and3A_2028 = arith.andi %ne3A_2027, %ne3A_2023 : i1
      %add3A_2029 = arith.addi %rem3A_2021, %select_n3A_2020 : i32
      %select_n3A_2030 = arith.select %and3A_2028, %add3A_2029, %rem3A_2021 : i32
      %mul3A_2031 = arith.constant 16 : i32
      %mul3A_2032 = arith.muli %select_n3A_2030, %mul3A_2031 : i32
      %swap3A_2033 = arith.index_cast %select_n3A : i32 to index
      %swap3A_2034 = arith.index_cast %mul3A_2032 : i32 to index
      %swap3A_2035 = tpu.vector_load %arg15[%swap3A_2033, %swap3A_2034] {strides = array<i32>} : memref<80x128xf32, #tpu.memory_space<vmem>>, vector<1x16xf32>,
      %swap3A_2036 = vector.shape_cast %swap3A_2035 : vector<1x16xf32> to vector<16xf32>
      %swap3A_2037 = vector.shape_cast %broadcast_in_dim3A_3 : vector<16xf32> to vector<1x16xf32>
      tpu.vector_store %arg15[%swap3A_2033, %swap3A_2034], %swap3A_2037 {strides = array<i32>} : memref<80x128xf32, #tpu.memory_space<vmem>>, vector<1x16xf32>,
      %scan3A_2038 = arith.constant 0 : i32
      scf.yield %scan3A_2038 : i32
    }
    %scan3A_1443 = arith.constant 640 : i32
    %barrier3A_1444 = arith.constant 0 : index
    tpu.barrier barrier_id(%barrier3A_1444)
    %scan3A_1445 = arith.constant 0 : i32
    %scan3A_1446 = arith.constant 0 : i32
    %scan3A_1447 = arith.constant 62 : i32
    %scan3A_1448 = arith.addi %scan3A_1446, %scan3A_1447 : i32
    %scan3A_1449 = arith.constant 1 : i32
    %scan3A_1450 = scf.for %scan3A_1999 = %scan3A_1446 to %scan3A_1448 step %scan3A_1449 iter_args(%scan3A_2000 = %scan3A_1445) -> (i32)  : i32 {
      %mul3A_2001 = arith.constant 10000 : i32
      %mul3A_2002 = arith.muli %add3A, %mul3A_2001 : i32
      %mul3A_2003 = arith.constant 160 : i32
      %mul3A_2004 = arith.muli %scan3A_1999, %mul3A_2003 : i32
      %add3A_2005 = arith.addi %mul3A_2002, %mul3A_2004 : i32
      %add3A_2006 = arith.constant 80 : i32
      %add3A_2007 = arith.addi %add3A_2005, %add3A_2006 : i32
      %run_scoped3A_2008 = arith.constant 0 : i32
      "tpu.region"() ({
        %run_scoped3A_2039 = tpu.sem_alloc : memref<!tpu.dma_semaphore, #tpu.memory_space<semaphore_mem>>
        %dma_start3A_2040 = arith.constant 0 : i32
        %dma_start3A_2041 = tpu.memref_slice %arg9[%run_scoped3A_2008, %dma_start3A_2040] : memref<1x80xi32, #tpu.memory_space<vmem>> -> memref<1x80xi32, #tpu.memory_space<vmem>>
        %dma_start3A_2042 = tpu.memref_squeeze %dma_start3A_2041 : memref<1x80xi32, #tpu.memory_space<vmem>> -> memref<80xi32, #tpu.memory_space<vmem>>
        %dma_start3A_2043 = tpu.memref_slice %arg4[%add3A_2005] : memref<320000xi32, #tpu.memory_space<hbm>> -> memref<80xi32, #tpu.memory_space<hbm>>
        %dma_start3A_2044 = arith.constant 0 : i32
        %dma_start3A_2045 = tpu.memref_slice %arg9[%run_scoped3A_2008, %dma_start3A_2044] : memref<1x80xi32, #tpu.memory_space<vmem>> -> memref<1x80xi32, #tpu.memory_space<vmem>>
        %dma_start3A_2046 = tpu.memref_squeeze %dma_start3A_2045 : memref<1x80xi32, #tpu.memory_space<vmem>> -> memref<80xi32, #tpu.memory_space<vmem>>
        %dma_start3A_2047 = tpu.memref_slice %arg4[%add3A_2005] : memref<320000xi32, #tpu.memory_space<hbm>> -> memref<80xi32, #tpu.memory_space<hbm>>
        tpu.enqueue_dma source(%dma_start3A_2047 : memref<80xi32, #tpu.memory_space<hbm>>) target(%dma_start3A_2046 : memref<80xi32, #tpu.memory_space<vmem>>) target_semaphore(%run_scoped3A_2039 : memref<!tpu.dma_semaphore, #tpu.memory_space<semaphore_mem>>)
        %dma_wait3A_2048 = arith.constant 0 : i32
        %dma_wait3A_2049 = tpu.memref_slice %arg9[%run_scoped3A_2008, %dma_wait3A_2048] : memref<1x80xi32, #tpu.memory_space<vmem>> -> memref<1x80xi32, #tpu.memory_space<vmem>>
        %dma_wait3A_2050 = tpu.memref_squeeze %dma_wait3A_2049 : memref<1x80xi32, #tpu.memory_space<vmem>> -> memref<80xi32, #tpu.memory_space<vmem>>
        %dma_wait3A_2051 = tpu.memref_slice %arg4[%add3A_2005] : memref<320000xi32, #tpu.memory_space<hbm>> -> memref<80xi32, #tpu.memory_space<hbm>>
        %dma_wait3A_2052 = arith.constant 0 : i32
        %dma_wait3A_2053 = tpu.memref_slice %arg9[%run_scoped3A_2008, %dma_wait3A_2052] : memref<1x80xi32, #tpu.memory_space<vmem>> -> memref<1x80xi32, #tpu.memory_space<vmem>>
        %dma_wait3A_2054 = tpu.memref_squeeze %dma_wait3A_2053 : memref<1x80xi32, #tpu.memory_space<vmem>> -> memref<80xi32, #tpu.memory_space<vmem>>
        %dma_wait3A_2055 = tpu.memref_slice %arg4[%add3A_2005] : memref<320000xi32, #tpu.memory_space<hbm>> -> memref<80xi32, #tpu.memory_space<hbm>>
        tpu.wait_dma2 semaphore(%run_scoped3A_2039 : memref<!tpu.dma_semaphore, #tpu.memory_space<semaphore_mem>>) src(%dma_wait3A_2055 : memref<80xi32, #tpu.memory_space<hbm>>) dst(%dma_wait3A_2054 : memref<80xi32, #tpu.memory_space<vmem>>)
        tpu.yield
      }) : () -> ()
      %run_scoped3A_2009 = arith.constant 0 : i32
      "tpu.region"() ({
        %run_scoped3A_2039 = tpu.sem_alloc : memref<!tpu.dma_semaphore, #tpu.memory_space<semaphore_mem>>
        %dma_start3A_2040 = arith.constant 0 : i32
        %dma_start3A_2041 = tpu.memref_slice %arg11[%run_scoped3A_2009, %dma_start3A_2040] : memref<1x80xi32, #tpu.memory_space<vmem>> -> memref<1x80xi32, #tpu.memory_space<vmem>>
        %dma_start3A_2042 = tpu.memref_squeeze %dma_start3A_2041 : memref<1x80xi32, #tpu.memory_space<vmem>> -> memref<80xi32, #tpu.memory_space<vmem>>
        %dma_start3A_2043 = tpu.memref_slice %arg4[%add3A_2007] : memref<320000xi32, #tpu.memory_space<hbm>> -> memref<80xi32, #tpu.memory_space<hbm>>
        %dma_start3A_2044 = arith.constant 0 : i32
        %dma_start3A_2045 = tpu.memref_slice %arg11[%run_scoped3A_2009, %dma_start3A_2044] : memref<1x80xi32, #tpu.memory_space<vmem>> -> memref<1x80xi32, #tpu.memory_space<vmem>>
        %dma_start3A_2046 = tpu.memref_squeeze %dma_start3A_2045 : memref<1x80xi32, #tpu.memory_space<vmem>> -> memref<80xi32, #tpu.memory_space<vmem>>
        %dma_start3A_2047 = tpu.memref_slice %arg4[%add3A_2007] : memref<320000xi32, #tpu.memory_space<hbm>> -> memref<80xi32, #tpu.memory_space<hbm>>
        tpu.enqueue_dma source(%dma_start3A_2047 : memref<80xi32, #tpu.memory_space<hbm>>) target(%dma_start3A_2046 : memref<80xi32, #tpu.memory_space<vmem>>) target_semaphore(%run_scoped3A_2039 : memref<!tpu.dma_semaphore, #tpu.memory_space<semaphore_mem>>)
        %dma_wait3A_2048 = arith.constant 0 : i32
        %dma_wait3A_2049 = tpu.memref_slice %arg11[%run_scoped3A_2009, %dma_wait3A_2048] : memref<1x80xi32, #tpu.memory_space<vmem>> -> memref<1x80xi32, #tpu.memory_space<vmem>>
        %dma_wait3A_2050 = tpu.memref_squeeze %dma_wait3A_2049 : memref<1x80xi32, #tpu.memory_space<vmem>> -> memref<80xi32, #tpu.memory_space<vmem>>
        %dma_wait3A_2051 = tpu.memref_slice %arg4[%add3A_2007] : memref<320000xi32, #tpu.memory_space<hbm>> -> memref<80xi32, #tpu.memory_space<hbm>>
        %dma_wait3A_2052 = arith.constant 0 : i32
        %dma_wait3A_2053 = tpu.memref_slice %arg11[%run_scoped3A_2009, %dma_wait3A_2052] : memref<1x80xi32, #tpu.memory_space<vmem>> -> memref<1x80xi32, #tpu.memory_space<vmem>>
        %dma_wait3A_2054 = tpu.memref_squeeze %dma_wait3A_2053 : memref<1x80xi32, #tpu.memory_space<vmem>> -> memref<80xi32, #tpu.memory_space<vmem>>
        %dma_wait3A_2055 = tpu.memref_slice %arg4[%add3A_2007] : memref<320000xi32, #tpu.memory_space<hbm>> -> memref<80xi32, #tpu.memory_space<hbm>>
        tpu.wait_dma2 semaphore(%run_scoped3A_2039 : memref<!tpu.dma_semaphore, #tpu.memory_space<semaphore_mem>>) src(%dma_wait3A_2055 : memref<80xi32, #tpu.memory_space<hbm>>) dst(%dma_wait3A_2054 : memref<80xi32, #tpu.memory_space<vmem>>)
        tpu.yield
      }) : () -> ()
      %dma_start3A_2010 = arith.constant 0 : i32
      %dma_start3A_2011 = arith.constant 0 : i32
      %dma_start3A_2012 = tpu.memref_slice %arg9[%dma_start3A_2010, %dma_start3A_2011] : memref<1x80xi32, #tpu.memory_space<vmem>> -> memref<1x80xi32, #tpu.memory_space<vmem>>
      %dma_start3A_2013 = tpu.memref_squeeze %dma_start3A_2012 : memref<1x80xi32, #tpu.memory_space<vmem>> -> memref<80xi32, #tpu.memory_space<vmem>>
      %dma_start3A_2014 = arith.constant 0 : i32
      %dma_start3A_2015 = arith.constant 0 : i32
      %dma_start3A_2016 = tpu.memref_slice %arg7[%dma_start3A_2014, %dma_start3A_2015] : memref<10240x128xf32, #tpu.memory_space<vmem_shared>> -> memref<10240x128xf32, #tpu.memory_space<vmem_shared>>
      tpu.enqueue_indirect_dma source(%arg15 : memref<80x128xf32, #tpu.memory_space<vmem>>) target(%dma_start3A_2016 : memref<10240x128xf32, #tpu.memory_space<vmem_shared>>) offsets(%dma_start3A_2013 : memref<80xi32, #tpu.memory_space<vmem>>) semaphore(%arg18 : memref<!tpu.dma_semaphore, #tpu.memory_space<semaphore_mem>>) {add = true}
      %dma_start3A_2017 = arith.constant 0 : i32
      %dma_start3A_2018 = arith.constant 0 : i32
      %dma_start3A_2019 = tpu.memref_slice %arg11[%dma_start3A_2017, %dma_start3A_2018] : memref<1x80xi32, #tpu.memory_space<vmem>> -> memref<1x80xi32, #tpu.memory_space<vmem>>
      %dma_start3A_2020 = tpu.memref_squeeze %dma_start3A_2019 : memref<1x80xi32, #tpu.memory_space<vmem>> -> memref<80xi32, #tpu.memory_space<vmem>>
      %dma_start3A_2021 = arith.constant 0 : i32
      %dma_start3A_2022 = arith.constant 0 : i32
      %dma_start3A_2023 = tpu.memref_slice %arg7[%dma_start3A_2021, %dma_start3A_2022] : memref<10240x128xf32, #tpu.memory_space<vmem_shared>> -> memref<10240x128xf32, #tpu.memory_space<vmem_shared>>
      tpu.enqueue_indirect_dma source(%arg15 : memref<80x128xf32, #tpu.memory_space<vmem>>) target(%dma_start3A_2023 : memref<10240x128xf32, #tpu.memory_space<vmem_shared>>) offsets(%dma_start3A_2020 : memref<80xi32, #tpu.memory_space<vmem>>) semaphore(%arg19 : memref<!tpu.dma_semaphore, #tpu.memory_space<semaphore_mem>>) {add = true}
      %dma_wait3A_2024 = arith.constant 0 : i32
      %dma_wait3A_2025 = arith.constant 0 : i32
      %dma_wait3A_2026 = tpu.memref_slice %arg9[%dma_wait3A_2024, %dma_wait3A_2025] : memref<1x80xi32, #tpu.memory_space<vmem>> -> memref<1x80xi32, #tpu.memory_space<vmem>>
      %dma_wait3A_2027 = tpu.memref_squeeze %dma_wait3A_2026 : memref<1x80xi32, #tpu.memory_space<vmem>> -> memref<80xi32, #tpu.memory_space<vmem>>
      %dma_wait3A_2028 = arith.constant 0 : i32
      %dma_wait3A_2029 = arith.constant 0 : i32
      %dma_wait3A_2030 = tpu.memref_slice %arg7[%dma_wait3A_2028, %dma_wait3A_2029] : memref<10240x128xf32, #tpu.memory_space<vmem_shared>> -> memref<10240x128xf32, #tpu.memory_space<vmem_shared>>
      tpu.wait_indirect_dma semaphore(%arg18 : memref<!tpu.dma_semaphore, #tpu.memory_space<semaphore_mem>>) src(%arg15 : memref<80x128xf32, #tpu.memory_space<vmem>>) dst(%dma_wait3A_2030 : memref<10240x128xf32, #tpu.memory_space<vmem_shared>>)
      %dma_wait3A_2031 = arith.constant 0 : i32
      %dma_wait3A_2032 = arith.constant 0 : i32
      %dma_wait3A_2033 = tpu.memref_slice %arg11[%dma_wait3A_2031, %dma_wait3A_2032] : memref<1x80xi32, #tpu.memory_space<vmem>> -> memref<1x80xi32, #tpu.memory_space<vmem>>
      %dma_wait3A_2034 = tpu.memref_squeeze %dma_wait3A_2033 : memref<1x80xi32, #tpu.memory_space<vmem>> -> memref<80xi32, #tpu.memory_space<vmem>>
      %dma_wait3A_2035 = arith.constant 0 : i32
      %dma_wait3A_2036 = arith.constant 0 : i32
      %dma_wait3A_2037 = tpu.memref_slice %arg7[%dma_wait3A_2035, %dma_wait3A_2036] : memref<10240x128xf32, #tpu.memory_space<vmem_shared>> -> memref<10240x128xf32, #tpu.memory_space<vmem_shared>>
      tpu.wait_indirect_dma semaphore(%arg19 : memref<!tpu.dma_semaphore, #tpu.memory_space<semaphore_mem>>) src(%arg15 : memref<80x128xf32, #tpu.memory_space<vmem>>) dst(%dma_wait3A_2037 : memref<10240x128xf32, #tpu.memory_space<vmem_shared>>)
      %scan3A_2038 = arith.constant 0 : i32
      scf.yield %scan3A_2038 : i32
    }
    %scan3A_1451 = arith.constant 62 : i32
    %run_scoped3A_1452 = arith.constant 0 : i32
    "tpu.region"() ({
      %run_scoped3A_1999 = tpu.sem_alloc : memref<!tpu.dma_semaphore, #tpu.memory_space<semaphore_mem>>
      %dma_start3A_2000 = arith.constant 0 : i32
      %dma_start3A_2001 = tpu.memref_slice %arg9[%run_scoped3A_1452, %dma_start3A_2000] : memref<1x80xi32, #tpu.memory_space<vmem>> -> memref<1x80xi32, #tpu.memory_space<vmem>>
      %dma_start3A_2002 = tpu.memref_squeeze %dma_start3A_2001 : memref<1x80xi32, #tpu.memory_space<vmem>> -> memref<80xi32, #tpu.memory_space<vmem>>
      %dma_start3A_2003 = tpu.memref_slice %arg4[%add3A_444] : memref<320000xi32, #tpu.memory_space<hbm>> -> memref<80xi32, #tpu.memory_space<hbm>>
      %dma_start3A_2004 = arith.constant 0 : i32
      %dma_start3A_2005 = tpu.memref_slice %arg9[%run_scoped3A_1452, %dma_start3A_2004] : memref<1x80xi32, #tpu.memory_space<vmem>> -> memref<1x80xi32, #tpu.memory_space<vmem>>
      %dma_start3A_2006 = tpu.memref_squeeze %dma_start3A_2005 : memref<1x80xi32, #tpu.memory_space<vmem>> -> memref<80xi32, #tpu.memory_space<vmem>>
      %dma_start3A_2007 = tpu.memref_slice %arg4[%add3A_444] : memref<320000xi32, #tpu.memory_space<hbm>> -> memref<80xi32, #tpu.memory_space<hbm>>
      tpu.enqueue_dma source(%dma_start3A_2007 : memref<80xi32, #tpu.memory_space<hbm>>) target(%dma_start3A_2006 : memref<80xi32, #tpu.memory_space<vmem>>) target_semaphore(%run_scoped3A_1999 : memref<!tpu.dma_semaphore, #tpu.memory_space<semaphore_mem>>)
      %dma_wait3A_2008 = arith.constant 0 : i32
      %dma_wait3A_2009 = tpu.memref_slice %arg9[%run_scoped3A_1452, %dma_wait3A_2008] : memref<1x80xi32, #tpu.memory_space<vmem>> -> memref<1x80xi32, #tpu.memory_space<vmem>>
      %dma_wait3A_2010 = tpu.memref_squeeze %dma_wait3A_2009 : memref<1x80xi32, #tpu.memory_space<vmem>> -> memref<80xi32, #tpu.memory_space<vmem>>
      %dma_wait3A_2011 = tpu.memref_slice %arg4[%add3A_444] : memref<320000xi32, #tpu.memory_space<hbm>> -> memref<80xi32, #tpu.memory_space<hbm>>
      %dma_wait3A_2012 = arith.constant 0 : i32
      %dma_wait3A_2013 = tpu.memref_slice %arg9[%run_scoped3A_1452, %dma_wait3A_2012] : memref<1x80xi32, #tpu.memory_space<vmem>> -> memref<1x80xi32, #tpu.memory_space<vmem>>
      %dma_wait3A_2014 = tpu.memref_squeeze %dma_wait3A_2013 : memref<1x80xi32, #tpu.memory_space<vmem>> -> memref<80xi32, #tpu.memory_space<vmem>>
      %dma_wait3A_2015 = tpu.memref_slice %arg4[%add3A_444] : memref<320000xi32, #tpu.memory_space<hbm>> -> memref<80xi32, #tpu.memory_space<hbm>>
      tpu.wait_dma2 semaphore(%run_scoped3A_1999 : memref<!tpu.dma_semaphore, #tpu.memory_space<semaphore_mem>>) src(%dma_wait3A_2015 : memref<80xi32, #tpu.memory_space<hbm>>) dst(%dma_wait3A_2014 : memref<80xi32, #tpu.memory_space<vmem>>)
      tpu.yield
    }) : () -> ()
    %run_scoped3A_1453 = arith.constant 0 : i32
    "tpu.region"() ({
      %run_scoped3A_1999 = tpu.sem_alloc : memref<!tpu.dma_semaphore, #tpu.memory_space<semaphore_mem>>
      %dma_start3A_2000 = arith.constant 0 : i32
      %dma_start3A_2001 = tpu.memref_slice %arg9[%run_scoped3A_1453, %dma_start3A_2000] : memref<1x80xi32, #tpu.memory_space<vmem>> -> memref<1x80xi32, #tpu.memory_space<vmem>>
      %dma_start3A_2002 = tpu.memref_squeeze %dma_start3A_2001 : memref<1x80xi32, #tpu.memory_space<vmem>> -> memref<80xi32, #tpu.memory_space<vmem>>
      %dma_start3A_2003 = arith.constant 0 : i32
      %dma_start3A_2004 = arith.constant 0 : i32
      %dma_start3A_2005 = tpu.memref_slice %arg7[%dma_start3A_2003, %dma_start3A_2004] : memref<10240x128xf32, #tpu.memory_space<vmem_shared>> -> memref<10240x128xf32, #tpu.memory_space<vmem_shared>>
      tpu.enqueue_indirect_dma source(%arg15 : memref<80x128xf32, #tpu.memory_space<vmem>>) target(%dma_start3A_2005 : memref<10240x128xf32, #tpu.memory_space<vmem_shared>>) offsets(%dma_start3A_2002 : memref<80xi32, #tpu.memory_space<vmem>>) semaphore(%run_scoped3A_1999 : memref<!tpu.dma_semaphore, #tpu.memory_space<semaphore_mem>>) {add = true}
      %dma_wait3A_2006 = arith.constant 0 : i32
      %dma_wait3A_2007 = tpu.memref_slice %arg9[%run_scoped3A_1453, %dma_wait3A_2006] : memref<1x80xi32, #tpu.memory_space<vmem>> -> memref<1x80xi32, #tpu.memory_space<vmem>>
      %dma_wait3A_2008 = tpu.memref_squeeze %dma_wait3A_2007 : memref<1x80xi32, #tpu.memory_space<vmem>> -> memref<80xi32, #tpu.memory_space<vmem>>
      %dma_wait3A_2009 = arith.constant 0 : i32
      %dma_wait3A_2010 = arith.constant 0 : i32
      %dma_wait3A_2011 = tpu.memref_slice %arg7[%dma_wait3A_2009, %dma_wait3A_2010] : memref<10240x128xf32, #tpu.memory_space<vmem_shared>> -> memref<10240x128xf32, #tpu.memory_space<vmem_shared>>
      tpu.wait_indirect_dma semaphore(%run_scoped3A_1999 : memref<!tpu.dma_semaphore, #tpu.memory_space<semaphore_mem>>) src(%arg15 : memref<80x128xf32, #tpu.memory_space<vmem>>) dst(%dma_wait3A_2011 : memref<10240x128xf32, #tpu.memory_space<vmem_shared>>)
      tpu.yield
    }) : () -> ()
    %barrier3A_1454 = arith.constant 0 : index
    tpu.barrier barrier_id(%barrier3A_1454)
    %add3A_1455 = arith.constant 0 : i32
    %add3A_1456 = arith.addi %mul3A_5, %add3A_1455 : i32
    %add3A_1457 = arith.constant 0 : i32
    %add3A_1458 = arith.addi %add3A_1456, %add3A_1457 : i32
    %add3A_1459 = vector.broadcast %add3A_1458 : i32 to vector<16xi32>
    %add3A_1460 = arith.addi %add3A_1459, %iota3A : vector<16xi32>
    %swap3A_1461 = arith.constant 0 : i32
    %swap3A_1462 = arith.index_cast %swap3A_1461 : i32 to index
    %swap3A_1463 = arith.constant 0 : index
    %swap3A_1464 = tpu.vector_load %arg12[%swap3A_1462, %swap3A_1463] {strides = array<i32>} : memref<1x80xi32, #tpu.memory_space<vmem>>, vector<1x16xi32>,
    %swap3A_1465 = vector.shape_cast %swap3A_1464 : vector<1x16xi32> to vector<16xi32>
    %swap3A_1466 = vector.shape_cast %add3A_1460 : vector<16xi32> to vector<1x16xi32>
    tpu.vector_store %arg12[%swap3A_1462, %swap3A_1463], %swap3A_1466 {strides = array<i32>} : memref<1x80xi32, #tpu.memory_space<vmem>>, vector<1x16xi32>,
    %add3A_1467 = arith.constant 16 : i32
    %add3A_1468 = arith.addi %add3A_1456, %add3A_1467 : i32
    %add3A_1469 = vector.broadcast %add3A_1468 : i32 to vector<16xi32>
    %add3A_1470 = arith.addi %add3A_1469, %iota3A : vector<16xi32>
    %swap3A_1471 = arith.constant 0 : i32
    %swap3A_1472 = arith.index_cast %swap3A_1471 : i32 to index
    %swap3A_1473 = arith.constant 16 : index
    %swap3A_1474 = tpu.vector_load %arg12[%swap3A_1472, %swap3A_1473] {strides = array<i32>} : memref<1x80xi32, #tpu.memory_space<vmem>>, vector<1x16xi32>,
    %swap3A_1475 = vector.shape_cast %swap3A_1474 : vector<1x16xi32> to vector<16xi32>
    %swap3A_1476 = vector.shape_cast %add3A_1470 : vector<16xi32> to vector<1x16xi32>
    tpu.vector_store %arg12[%swap3A_1472, %swap3A_1473], %swap3A_1476 {strides = array<i32>} : memref<1x80xi32, #tpu.memory_space<vmem>>, vector<1x16xi32>,
    %add3A_1477 = arith.constant 32 : i32
    %add3A_1478 = arith.addi %add3A_1456, %add3A_1477 : i32
    %add3A_1479 = vector.broadcast %add3A_1478 : i32 to vector<16xi32>
    %add3A_1480 = arith.addi %add3A_1479, %iota3A : vector<16xi32>
    %swap3A_1481 = arith.constant 0 : i32
    %swap3A_1482 = arith.index_cast %swap3A_1481 : i32 to index
    %swap3A_1483 = arith.constant 32 : index
    %swap3A_1484 = tpu.vector_load %arg12[%swap3A_1482, %swap3A_1483] {strides = array<i32>} : memref<1x80xi32, #tpu.memory_space<vmem>>, vector<1x16xi32>,
    %swap3A_1485 = vector.shape_cast %swap3A_1484 : vector<1x16xi32> to vector<16xi32>
    %swap3A_1486 = vector.shape_cast %add3A_1480 : vector<16xi32> to vector<1x16xi32>
    tpu.vector_store %arg12[%swap3A_1482, %swap3A_1483], %swap3A_1486 {strides = array<i32>} : memref<1x80xi32, #tpu.memory_space<vmem>>, vector<1x16xi32>,
    %add3A_1487 = arith.constant 48 : i32
    %add3A_1488 = arith.addi %add3A_1456, %add3A_1487 : i32
    %add3A_1489 = vector.broadcast %add3A_1488 : i32 to vector<16xi32>
    %add3A_1490 = arith.addi %add3A_1489, %iota3A : vector<16xi32>
    %swap3A_1491 = arith.constant 0 : i32
    %swap3A_1492 = arith.index_cast %swap3A_1491 : i32 to index
    %swap3A_1493 = arith.constant 48 : index
    %swap3A_1494 = tpu.vector_load %arg12[%swap3A_1492, %swap3A_1493] {strides = array<i32>} : memref<1x80xi32, #tpu.memory_space<vmem>>, vector<1x16xi32>,
    %swap3A_1495 = vector.shape_cast %swap3A_1494 : vector<1x16xi32> to vector<16xi32>
    %swap3A_1496 = vector.shape_cast %add3A_1490 : vector<16xi32> to vector<1x16xi32>
    tpu.vector_store %arg12[%swap3A_1492, %swap3A_1493], %swap3A_1496 {strides = array<i32>} : memref<1x80xi32, #tpu.memory_space<vmem>>, vector<1x16xi32>,
    %add3A_1497 = arith.constant 64 : i32
    %add3A_1498 = arith.addi %add3A_1456, %add3A_1497 : i32
    %add3A_1499 = vector.broadcast %add3A_1498 : i32 to vector<16xi32>
    %add3A_1500 = arith.addi %add3A_1499, %iota3A : vector<16xi32>
    %swap3A_1501 = arith.constant 0 : i32
    %swap3A_1502 = arith.index_cast %swap3A_1501 : i32 to index
    %swap3A_1503 = arith.constant 64 : index
    %swap3A_1504 = tpu.vector_load %arg12[%swap3A_1502, %swap3A_1503] {strides = array<i32>} : memref<1x80xi32, #tpu.memory_space<vmem>>, vector<1x16xi32>,
    %swap3A_1505 = vector.shape_cast %swap3A_1504 : vector<1x16xi32> to vector<16xi32>
    %swap3A_1506 = vector.shape_cast %add3A_1500 : vector<16xi32> to vector<1x16xi32>
    tpu.vector_store %arg12[%swap3A_1502, %swap3A_1503], %swap3A_1506 {strides = array<i32>} : memref<1x80xi32, #tpu.memory_space<vmem>>, vector<1x16xi32>,
    %dma_start3A_1507 = arith.constant 0 : i32
    %dma_start3A_1508 = arith.constant 0 : i32
    %dma_start3A_1509 = tpu.memref_slice %arg12[%dma_start3A_1507, %dma_start3A_1508] : memref<1x80xi32, #tpu.memory_space<vmem>> -> memref<1x80xi32, #tpu.memory_space<vmem>>
    %dma_start3A_1510 = tpu.memref_squeeze %dma_start3A_1509 : memref<1x80xi32, #tpu.memory_space<vmem>> -> memref<80xi32, #tpu.memory_space<vmem>>
    %dma_start3A_1511 = arith.constant 0 : i32
    %dma_start3A_1512 = arith.constant 0 : i32
    %dma_start3A_1513 = tpu.memref_slice %arg7[%dma_start3A_1511, %dma_start3A_1512] : memref<10240x128xf32, #tpu.memory_space<vmem_shared>> -> memref<10240x128xf32, #tpu.memory_space<vmem_shared>>
    tpu.enqueue_indirect_dma source(%dma_start3A_1513 : memref<10240x128xf32, #tpu.memory_space<vmem_shared>>) target(%arg13 : memref<80x128xf32, #tpu.memory_space<vmem>>) offsets(%dma_start3A_1510 : memref<80xi32, #tpu.memory_space<vmem>>) semaphore(%arg16 : memref<!tpu.dma_semaphore, #tpu.memory_space<semaphore_mem>>)
    %dma_wait3A_1514 = arith.constant 0 : i32
    %dma_wait3A_1515 = arith.constant 0 : i32
    %dma_wait3A_1516 = tpu.memref_slice %arg12[%dma_wait3A_1514, %dma_wait3A_1515] : memref<1x80xi32, #tpu.memory_space<vmem>> -> memref<1x80xi32, #tpu.memory_space<vmem>>
    %dma_wait3A_1517 = tpu.memref_squeeze %dma_wait3A_1516 : memref<1x80xi32, #tpu.memory_space<vmem>> -> memref<80xi32, #tpu.memory_space<vmem>>
    %dma_wait3A_1518 = arith.constant 0 : i32
    %dma_wait3A_1519 = arith.constant 0 : i32
    %dma_wait3A_1520 = tpu.memref_slice %arg7[%dma_wait3A_1518, %dma_wait3A_1519] : memref<10240x128xf32, #tpu.memory_space<vmem_shared>> -> memref<10240x128xf32, #tpu.memory_space<vmem_shared>>
    tpu.wait_indirect_dma semaphore(%arg16 : memref<!tpu.dma_semaphore, #tpu.memory_space<semaphore_mem>>) src(%dma_wait3A_1520 : memref<10240x128xf32, #tpu.memory_space<vmem_shared>>) dst(%arg13 : memref<80x128xf32, #tpu.memory_space<vmem>>)
    %add3A_1521 = arith.constant 0 : i32
    %add3A_1522 = arith.addi %mul3A_5, %add3A_1521 : i32
    "tpu.region"() ({
      %run_scoped3A_1999 = tpu.sem_alloc : memref<!tpu.dma_semaphore, #tpu.memory_space<semaphore_mem>>
      %dma_start3A_2000 = arith.constant 0 : i32
      %dma_start3A_2001 = tpu.memref_slice %arg6[%arg0, %add3A_1522, %dma_start3A_2000] : memref<2x10240x128xf32, #tpu.memory_space<hbm>> -> memref<1x80x128xf32, #tpu.memory_space<hbm>>
      %dma_start3A_2002 = tpu.memref_squeeze %dma_start3A_2001 : memref<1x80x128xf32, #tpu.memory_space<hbm>> -> memref<80x128xf32, #tpu.memory_space<hbm>>
      %dma_start3A_2003 = arith.constant 0 : i32
      %dma_start3A_2004 = tpu.memref_slice %arg6[%arg0, %add3A_1522, %dma_start3A_2003] : memref<2x10240x128xf32, #tpu.memory_space<hbm>> -> memref<1x80x128xf32, #tpu.memory_space<hbm>>
      %dma_start3A_2005 = tpu.memref_squeeze %dma_start3A_2004 : memref<1x80x128xf32, #tpu.memory_space<hbm>> -> memref<80x128xf32, #tpu.memory_space<hbm>>
      tpu.enqueue_dma source(%arg13 : memref<80x128xf32, #tpu.memory_space<vmem>>) target(%dma_start3A_2005 : memref<80x128xf32, #tpu.memory_space<hbm>>) target_semaphore(%run_scoped3A_1999 : memref<!tpu.dma_semaphore, #tpu.memory_space<semaphore_mem>>)
      %dma_wait3A_2006 = arith.constant 0 : i32
      %dma_wait3A_2007 = tpu.memref_slice %arg6[%arg0, %add3A_1522, %dma_wait3A_2006] : memref<2x10240x128xf32, #tpu.memory_space<hbm>> -> memref<1x80x128xf32, #tpu.memory_space<hbm>>
      %dma_wait3A_2008 = tpu.memref_squeeze %dma_wait3A_2007 : memref<1x80x128xf32, #tpu.memory_space<hbm>> -> memref<80x128xf32, #tpu.memory_space<hbm>>
      %dma_wait3A_2009 = arith.constant 0 : i32
      %dma_wait3A_2010 = tpu.memref_slice %arg6[%arg0, %add3A_1522, %dma_wait3A_2009] : memref<2x10240x128xf32, #tpu.memory_space<hbm>> -> memref<1x80x128xf32, #tpu.memory_space<hbm>>
      %dma_wait3A_2011 = tpu.memref_squeeze %dma_wait3A_2010 : memref<1x80x128xf32, #tpu.memory_space<hbm>> -> memref<80x128xf32, #tpu.memory_space<hbm>>
      tpu.wait_dma2 semaphore(%run_scoped3A_1999 : memref<!tpu.dma_semaphore, #tpu.memory_space<semaphore_mem>>) src(%arg13 : memref<80x128xf32, #tpu.memory_space<vmem>>) dst(%dma_wait3A_2011 : memref<80x128xf32, #tpu.memory_space<hbm>>)
      tpu.yield
    }) : () -> ()
    %add3A_1523 = arith.constant 80 : i32
    %add3A_1524 = arith.addi %mul3A_5, %add3A_1523 : i32
    %add3A_1525 = arith.constant 0 : i32
    %add3A_1526 = arith.addi %add3A_1524, %add3A_1525 : i32
    %add3A_1527 = vector.broadcast %add3A_1526 : i32 to vector<16xi32>
    %add3A_1528 = arith.addi %add3A_1527, %iota3A : vector<16xi32>
    %swap3A_1529 = arith.constant 0 : i32
    %swap3A_1530 = arith.index_cast %swap3A_1529 : i32 to index
    %swap3A_1531 = arith.constant 0 : index
    %swap3A_1532 = tpu.vector_load %arg12[%swap3A_1530, %swap3A_1531] {strides = array<i32>} : memref<1x80xi32, #tpu.memory_space<vmem>>, vector<1x16xi32>,
    %swap3A_1533 = vector.shape_cast %swap3A_1532 : vector<1x16xi32> to vector<16xi32>
    %swap3A_1534 = vector.shape_cast %add3A_1528 : vector<16xi32> to vector<1x16xi32>
    tpu.vector_store %arg12[%swap3A_1530, %swap3A_1531], %swap3A_1534 {strides = array<i32>} : memref<1x80xi32, #tpu.memory_space<vmem>>, vector<1x16xi32>,
    %add3A_1535 = arith.constant 16 : i32
    %add3A_1536 = arith.addi %add3A_1524, %add3A_1535 : i32
    %add3A_1537 = vector.broadcast %add3A_1536 : i32 to vector<16xi32>
    %add3A_1538 = arith.addi %add3A_1537, %iota3A : vector<16xi32>
    %swap3A_1539 = arith.constant 0 : i32
    %swap3A_1540 = arith.index_cast %swap3A_1539 : i32 to index
    %swap3A_1541 = arith.constant 16 : index
    %swap3A_1542 = tpu.vector_load %arg12[%swap3A_1540, %swap3A_1541] {strides = array<i32>} : memref<1x80xi32, #tpu.memory_space<vmem>>, vector<1x16xi32>,
    %swap3A_1543 = vector.shape_cast %swap3A_1542 : vector<1x16xi32> to vector<16xi32>
    %swap3A_1544 = vector.shape_cast %add3A_1538 : vector<16xi32> to vector<1x16xi32>
    tpu.vector_store %arg12[%swap3A_1540, %swap3A_1541], %swap3A_1544 {strides = array<i32>} : memref<1x80xi32, #tpu.memory_space<vmem>>, vector<1x16xi32>,
    %add3A_1545 = arith.constant 32 : i32
    %add3A_1546 = arith.addi %add3A_1524, %add3A_1545 : i32
    %add3A_1547 = vector.broadcast %add3A_1546 : i32 to vector<16xi32>
    %add3A_1548 = arith.addi %add3A_1547, %iota3A : vector<16xi32>
    %swap3A_1549 = arith.constant 0 : i32
    %swap3A_1550 = arith.index_cast %swap3A_1549 : i32 to index
    %swap3A_1551 = arith.constant 32 : index
    %swap3A_1552 = tpu.vector_load %arg12[%swap3A_1550, %swap3A_1551] {strides = array<i32>} : memref<1x80xi32, #tpu.memory_space<vmem>>, vector<1x16xi32>,
    %swap3A_1553 = vector.shape_cast %swap3A_1552 : vector<1x16xi32> to vector<16xi32>
    %swap3A_1554 = vector.shape_cast %add3A_1548 : vector<16xi32> to vector<1x16xi32>
    tpu.vector_store %arg12[%swap3A_1550, %swap3A_1551], %swap3A_1554 {strides = array<i32>} : memref<1x80xi32, #tpu.memory_space<vmem>>, vector<1x16xi32>,
    %add3A_1555 = arith.constant 48 : i32
    %add3A_1556 = arith.addi %add3A_1524, %add3A_1555 : i32
    %add3A_1557 = vector.broadcast %add3A_1556 : i32 to vector<16xi32>
    %add3A_1558 = arith.addi %add3A_1557, %iota3A : vector<16xi32>
    %swap3A_1559 = arith.constant 0 : i32
    %swap3A_1560 = arith.index_cast %swap3A_1559 : i32 to index
    %swap3A_1561 = arith.constant 48 : index
    %swap3A_1562 = tpu.vector_load %arg12[%swap3A_1560, %swap3A_1561] {strides = array<i32>} : memref<1x80xi32, #tpu.memory_space<vmem>>, vector<1x16xi32>,
    %swap3A_1563 = vector.shape_cast %swap3A_1562 : vector<1x16xi32> to vector<16xi32>
    %swap3A_1564 = vector.shape_cast %add3A_1558 : vector<16xi32> to vector<1x16xi32>
    tpu.vector_store %arg12[%swap3A_1560, %swap3A_1561], %swap3A_1564 {strides = array<i32>} : memref<1x80xi32, #tpu.memory_space<vmem>>, vector<1x16xi32>,
    %add3A_1565 = arith.constant 64 : i32
    %add3A_1566 = arith.addi %add3A_1524, %add3A_1565 : i32
    %add3A_1567 = vector.broadcast %add3A_1566 : i32 to vector<16xi32>
    %add3A_1568 = arith.addi %add3A_1567, %iota3A : vector<16xi32>
    %swap3A_1569 = arith.constant 0 : i32
    %swap3A_1570 = arith.index_cast %swap3A_1569 : i32 to index
    %swap3A_1571 = arith.constant 64 : index
    %swap3A_1572 = tpu.vector_load %arg12[%swap3A_1570, %swap3A_1571] {strides = array<i32>} : memref<1x80xi32, #tpu.memory_space<vmem>>, vector<1x16xi32>,
    %swap3A_1573 = vector.shape_cast %swap3A_1572 : vector<1x16xi32> to vector<16xi32>
    %swap3A_1574 = vector.shape_cast %add3A_1568 : vector<16xi32> to vector<1x16xi32>
    tpu.vector_store %arg12[%swap3A_1570, %swap3A_1571], %swap3A_1574 {strides = array<i32>} : memref<1x80xi32, #tpu.memory_space<vmem>>, vector<1x16xi32>,
    %dma_start3A_1575 = arith.constant 0 : i32
    %dma_start3A_1576 = arith.constant 0 : i32
    %dma_start3A_1577 = tpu.memref_slice %arg12[%dma_start3A_1575, %dma_start3A_1576] : memref<1x80xi32, #tpu.memory_space<vmem>> -> memref<1x80xi32, #tpu.memory_space<vmem>>
    %dma_start3A_1578 = tpu.memref_squeeze %dma_start3A_1577 : memref<1x80xi32, #tpu.memory_space<vmem>> -> memref<80xi32, #tpu.memory_space<vmem>>
    %dma_start3A_1579 = arith.constant 0 : i32
    %dma_start3A_1580 = arith.constant 0 : i32
    %dma_start3A_1581 = tpu.memref_slice %arg7[%dma_start3A_1579, %dma_start3A_1580] : memref<10240x128xf32, #tpu.memory_space<vmem_shared>> -> memref<10240x128xf32, #tpu.memory_space<vmem_shared>>
    tpu.enqueue_indirect_dma source(%dma_start3A_1581 : memref<10240x128xf32, #tpu.memory_space<vmem_shared>>) target(%arg13 : memref<80x128xf32, #tpu.memory_space<vmem>>) offsets(%dma_start3A_1578 : memref<80xi32, #tpu.memory_space<vmem>>) semaphore(%arg16 : memref<!tpu.dma_semaphore, #tpu.memory_space<semaphore_mem>>)
    %dma_wait3A_1582 = arith.constant 0 : i32
    %dma_wait3A_1583 = arith.constant 0 : i32
    %dma_wait3A_1584 = tpu.memref_slice %arg12[%dma_wait3A_1582, %dma_wait3A_1583] : memref<1x80xi32, #tpu.memory_space<vmem>> -> memref<1x80xi32, #tpu.memory_space<vmem>>
    %dma_wait3A_1585 = tpu.memref_squeeze %dma_wait3A_1584 : memref<1x80xi32, #tpu.memory_space<vmem>> -> memref<80xi32, #tpu.memory_space<vmem>>
    %dma_wait3A_1586 = arith.constant 0 : i32
    %dma_wait3A_1587 = arith.constant 0 : i32
    %dma_wait3A_1588 = tpu.memref_slice %arg7[%dma_wait3A_1586, %dma_wait3A_1587] : memref<10240x128xf32, #tpu.memory_space<vmem_shared>> -> memref<10240x128xf32, #tpu.memory_space<vmem_shared>>
    tpu.wait_indirect_dma semaphore(%arg16 : memref<!tpu.dma_semaphore, #tpu.memory_space<semaphore_mem>>) src(%dma_wait3A_1588 : memref<10240x128xf32, #tpu.memory_space<vmem_shared>>) dst(%arg13 : memref<80x128xf32, #tpu.memory_space<vmem>>)
    %add3A_1589 = arith.constant 80 : i32
    %add3A_1590 = arith.addi %mul3A_5, %add3A_1589 : i32
    "tpu.region"() ({
      %run_scoped3A_1999 = tpu.sem_alloc : memref<!tpu.dma_semaphore, #tpu.memory_space<semaphore_mem>>
      %dma_start3A_2000 = arith.constant 0 : i32
      %dma_start3A_2001 = tpu.memref_slice %arg6[%arg0, %add3A_1590, %dma_start3A_2000] : memref<2x10240x128xf32, #tpu.memory_space<hbm>> -> memref<1x80x128xf32, #tpu.memory_space<hbm>>
      %dma_start3A_2002 = tpu.memref_squeeze %dma_start3A_2001 : memref<1x80x128xf32, #tpu.memory_space<hbm>> -> memref<80x128xf32, #tpu.memory_space<hbm>>
      %dma_start3A_2003 = arith.constant 0 : i32
      %dma_start3A_2004 = tpu.memref_slice %arg6[%arg0, %add3A_1590, %dma_start3A_2003] : memref<2x10240x128xf32, #tpu.memory_space<hbm>> -> memref<1x80x128xf32, #tpu.memory_space<hbm>>
      %dma_start3A_2005 = tpu.memref_squeeze %dma_start3A_2004 : memref<1x80x128xf32, #tpu.memory_space<hbm>> -> memref<80x128xf32, #tpu.memory_space<hbm>>
      tpu.enqueue_dma source(%arg13 : memref<80x128xf32, #tpu.memory_space<vmem>>) target(%dma_start3A_2005 : memref<80x128xf32, #tpu.memory_space<hbm>>) target_semaphore(%run_scoped3A_1999 : memref<!tpu.dma_semaphore, #tpu.memory_space<semaphore_mem>>)
      %dma_wait3A_2006 = arith.constant 0 : i32
      %dma_wait3A_2007 = tpu.memref_slice %arg6[%arg0, %add3A_1590, %dma_wait3A_2006] : memref<2x10240x128xf32, #tpu.memory_space<hbm>> -> memref<1x80x128xf32, #tpu.memory_space<hbm>>
      %dma_wait3A_2008 = tpu.memref_squeeze %dma_wait3A_2007 : memref<1x80x128xf32, #tpu.memory_space<hbm>> -> memref<80x128xf32, #tpu.memory_space<hbm>>
      %dma_wait3A_2009 = arith.constant 0 : i32
      %dma_wait3A_2010 = tpu.memref_slice %arg6[%arg0, %add3A_1590, %dma_wait3A_2009] : memref<2x10240x128xf32, #tpu.memory_space<hbm>> -> memref<1x80x128xf32, #tpu.memory_space<hbm>>
      %dma_wait3A_2011 = tpu.memref_squeeze %dma_wait3A_2010 : memref<1x80x128xf32, #tpu.memory_space<hbm>> -> memref<80x128xf32, #tpu.memory_space<hbm>>
      tpu.wait_dma2 semaphore(%run_scoped3A_1999 : memref<!tpu.dma_semaphore, #tpu.memory_space<semaphore_mem>>) src(%arg13 : memref<80x128xf32, #tpu.memory_space<vmem>>) dst(%dma_wait3A_2011 : memref<80x128xf32, #tpu.memory_space<hbm>>)
      tpu.yield
    }) : () -> ()
    %add3A_1591 = arith.constant 160 : i32
    %add3A_1592 = arith.addi %mul3A_5, %add3A_1591 : i32
    %add3A_1593 = arith.constant 0 : i32
    %add3A_1594 = arith.addi %add3A_1592, %add3A_1593 : i32
    %add3A_1595 = vector.broadcast %add3A_1594 : i32 to vector<16xi32>
    %add3A_1596 = arith.addi %add3A_1595, %iota3A : vector<16xi32>
    %swap3A_1597 = arith.constant 0 : i32
    %swap3A_1598 = arith.index_cast %swap3A_1597 : i32 to index
    %swap3A_1599 = arith.constant 0 : index
    %swap3A_1600 = tpu.vector_load %arg12[%swap3A_1598, %swap3A_1599] {strides = array<i32>} : memref<1x80xi32, #tpu.memory_space<vmem>>, vector<1x16xi32>,
    %swap3A_1601 = vector.shape_cast %swap3A_1600 : vector<1x16xi32> to vector<16xi32>
    %swap3A_1602 = vector.shape_cast %add3A_1596 : vector<16xi32> to vector<1x16xi32>
    tpu.vector_store %arg12[%swap3A_1598, %swap3A_1599], %swap3A_1602 {strides = array<i32>} : memref<1x80xi32, #tpu.memory_space<vmem>>, vector<1x16xi32>,
    %add3A_1603 = arith.constant 16 : i32
    %add3A_1604 = arith.addi %add3A_1592, %add3A_1603 : i32
    %add3A_1605 = vector.broadcast %add3A_1604 : i32 to vector<16xi32>
    %add3A_1606 = arith.addi %add3A_1605, %iota3A : vector<16xi32>
    %swap3A_1607 = arith.constant 0 : i32
    %swap3A_1608 = arith.index_cast %swap3A_1607 : i32 to index
    %swap3A_1609 = arith.constant 16 : index
    %swap3A_1610 = tpu.vector_load %arg12[%swap3A_1608, %swap3A_1609] {strides = array<i32>} : memref<1x80xi32, #tpu.memory_space<vmem>>, vector<1x16xi32>,
    %swap3A_1611 = vector.shape_cast %swap3A_1610 : vector<1x16xi32> to vector<16xi32>
    %swap3A_1612 = vector.shape_cast %add3A_1606 : vector<16xi32> to vector<1x16xi32>
    tpu.vector_store %arg12[%swap3A_1608, %swap3A_1609], %swap3A_1612 {strides = array<i32>} : memref<1x80xi32, #tpu.memory_space<vmem>>, vector<1x16xi32>,
    %add3A_1613 = arith.constant 32 : i32
    %add3A_1614 = arith.addi %add3A_1592, %add3A_1613 : i32
    %add3A_1615 = vector.broadcast %add3A_1614 : i32 to vector<16xi32>
    %add3A_1616 = arith.addi %add3A_1615, %iota3A : vector<16xi32>
    %swap3A_1617 = arith.constant 0 : i32
    %swap3A_1618 = arith.index_cast %swap3A_1617 : i32 to index
    %swap3A_1619 = arith.constant 32 : index
    %swap3A_1620 = tpu.vector_load %arg12[%swap3A_1618, %swap3A_1619] {strides = array<i32>} : memref<1x80xi32, #tpu.memory_space<vmem>>, vector<1x16xi32>,
    %swap3A_1621 = vector.shape_cast %swap3A_1620 : vector<1x16xi32> to vector<16xi32>
    %swap3A_1622 = vector.shape_cast %add3A_1616 : vector<16xi32> to vector<1x16xi32>
    tpu.vector_store %arg12[%swap3A_1618, %swap3A_1619], %swap3A_1622 {strides = array<i32>} : memref<1x80xi32, #tpu.memory_space<vmem>>, vector<1x16xi32>,
    %add3A_1623 = arith.constant 48 : i32
    %add3A_1624 = arith.addi %add3A_1592, %add3A_1623 : i32
    %add3A_1625 = vector.broadcast %add3A_1624 : i32 to vector<16xi32>
    %add3A_1626 = arith.addi %add3A_1625, %iota3A : vector<16xi32>
    %swap3A_1627 = arith.constant 0 : i32
    %swap3A_1628 = arith.index_cast %swap3A_1627 : i32 to index
    %swap3A_1629 = arith.constant 48 : index
    %swap3A_1630 = tpu.vector_load %arg12[%swap3A_1628, %swap3A_1629] {strides = array<i32>} : memref<1x80xi32, #tpu.memory_space<vmem>>, vector<1x16xi32>,
    %swap3A_1631 = vector.shape_cast %swap3A_1630 : vector<1x16xi32> to vector<16xi32>
    %swap3A_1632 = vector.shape_cast %add3A_1626 : vector<16xi32> to vector<1x16xi32>
    tpu.vector_store %arg12[%swap3A_1628, %swap3A_1629], %swap3A_1632 {strides = array<i32>} : memref<1x80xi32, #tpu.memory_space<vmem>>, vector<1x16xi32>,
    %add3A_1633 = arith.constant 64 : i32
    %add3A_1634 = arith.addi %add3A_1592, %add3A_1633 : i32
    %add3A_1635 = vector.broadcast %add3A_1634 : i32 to vector<16xi32>
    %add3A_1636 = arith.addi %add3A_1635, %iota3A : vector<16xi32>
    %swap3A_1637 = arith.constant 0 : i32
    %swap3A_1638 = arith.index_cast %swap3A_1637 : i32 to index
    %swap3A_1639 = arith.constant 64 : index
    %swap3A_1640 = tpu.vector_load %arg12[%swap3A_1638, %swap3A_1639] {strides = array<i32>} : memref<1x80xi32, #tpu.memory_space<vmem>>, vector<1x16xi32>,
    %swap3A_1641 = vector.shape_cast %swap3A_1640 : vector<1x16xi32> to vector<16xi32>
    %swap3A_1642 = vector.shape_cast %add3A_1636 : vector<16xi32> to vector<1x16xi32>
    tpu.vector_store %arg12[%swap3A_1638, %swap3A_1639], %swap3A_1642 {strides = array<i32>} : memref<1x80xi32, #tpu.memory_space<vmem>>, vector<1x16xi32>,
    %dma_start3A_1643 = arith.constant 0 : i32
    %dma_start3A_1644 = arith.constant 0 : i32
    %dma_start3A_1645 = tpu.memref_slice %arg12[%dma_start3A_1643, %dma_start3A_1644] : memref<1x80xi32, #tpu.memory_space<vmem>> -> memref<1x80xi32, #tpu.memory_space<vmem>>
    %dma_start3A_1646 = tpu.memref_squeeze %dma_start3A_1645 : memref<1x80xi32, #tpu.memory_space<vmem>> -> memref<80xi32, #tpu.memory_space<vmem>>
    %dma_start3A_1647 = arith.constant 0 : i32
    %dma_start3A_1648 = arith.constant 0 : i32
    %dma_start3A_1649 = tpu.memref_slice %arg7[%dma_start3A_1647, %dma_start3A_1648] : memref<10240x128xf32, #tpu.memory_space<vmem_shared>> -> memref<10240x128xf32, #tpu.memory_space<vmem_shared>>
    tpu.enqueue_indirect_dma source(%dma_start3A_1649 : memref<10240x128xf32, #tpu.memory_space<vmem_shared>>) target(%arg13 : memref<80x128xf32, #tpu.memory_space<vmem>>) offsets(%dma_start3A_1646 : memref<80xi32, #tpu.memory_space<vmem>>) semaphore(%arg16 : memref<!tpu.dma_semaphore, #tpu.memory_space<semaphore_mem>>)
    %dma_wait3A_1650 = arith.constant 0 : i32
    %dma_wait3A_1651 = arith.constant 0 : i32
    %dma_wait3A_1652 = tpu.memref_slice %arg12[%dma_wait3A_1650, %dma_wait3A_1651] : memref<1x80xi32, #tpu.memory_space<vmem>> -> memref<1x80xi32, #tpu.memory_space<vmem>>
    %dma_wait3A_1653 = tpu.memref_squeeze %dma_wait3A_1652 : memref<1x80xi32, #tpu.memory_space<vmem>> -> memref<80xi32, #tpu.memory_space<vmem>>
    %dma_wait3A_1654 = arith.constant 0 : i32
    %dma_wait3A_1655 = arith.constant 0 : i32
    %dma_wait3A_1656 = tpu.memref_slice %arg7[%dma_wait3A_1654, %dma_wait3A_1655] : memref<10240x128xf32, #tpu.memory_space<vmem_shared>> -> memref<10240x128xf32, #tpu.memory_space<vmem_shared>>
    tpu.wait_indirect_dma semaphore(%arg16 : memref<!tpu.dma_semaphore, #tpu.memory_space<semaphore_mem>>) src(%dma_wait3A_1656 : memref<10240x128xf32, #tpu.memory_space<vmem_shared>>) dst(%arg13 : memref<80x128xf32, #tpu.memory_space<vmem>>)
    %add3A_1657 = arith.constant 160 : i32
    %add3A_1658 = arith.addi %mul3A_5, %add3A_1657 : i32
    "tpu.region"() ({
      %run_scoped3A_1999 = tpu.sem_alloc : memref<!tpu.dma_semaphore, #tpu.memory_space<semaphore_mem>>
      %dma_start3A_2000 = arith.constant 0 : i32
      %dma_start3A_2001 = tpu.memref_slice %arg6[%arg0, %add3A_1658, %dma_start3A_2000] : memref<2x10240x128xf32, #tpu.memory_space<hbm>> -> memref<1x80x128xf32, #tpu.memory_space<hbm>>
      %dma_start3A_2002 = tpu.memref_squeeze %dma_start3A_2001 : memref<1x80x128xf32, #tpu.memory_space<hbm>> -> memref<80x128xf32, #tpu.memory_space<hbm>>
      %dma_start3A_2003 = arith.constant 0 : i32
      %dma_start3A_2004 = tpu.memref_slice %arg6[%arg0, %add3A_1658, %dma_start3A_2003] : memref<2x10240x128xf32, #tpu.memory_space<hbm>> -> memref<1x80x128xf32, #tpu.memory_space<hbm>>
      %dma_start3A_2005 = tpu.memref_squeeze %dma_start3A_2004 : memref<1x80x128xf32, #tpu.memory_space<hbm>> -> memref<80x128xf32, #tpu.memory_space<hbm>>
      tpu.enqueue_dma source(%arg13 : memref<80x128xf32, #tpu.memory_space<vmem>>) target(%dma_start3A_2005 : memref<80x128xf32, #tpu.memory_space<hbm>>) target_semaphore(%run_scoped3A_1999 : memref<!tpu.dma_semaphore, #tpu.memory_space<semaphore_mem>>)
      %dma_wait3A_2006 = arith.constant 0 : i32
      %dma_wait3A_2007 = tpu.memref_slice %arg6[%arg0, %add3A_1658, %dma_wait3A_2006] : memref<2x10240x128xf32, #tpu.memory_space<hbm>> -> memref<1x80x128xf32, #tpu.memory_space<hbm>>
      %dma_wait3A_2008 = tpu.memref_squeeze %dma_wait3A_2007 : memref<1x80x128xf32, #tpu.memory_space<hbm>> -> memref<80x128xf32, #tpu.memory_space<hbm>>
      %dma_wait3A_2009 = arith.constant 0 : i32
      %dma_wait3A_2010 = tpu.memref_slice %arg6[%arg0, %add3A_1658, %dma_wait3A_2009] : memref<2x10240x128xf32, #tpu.memory_space<hbm>> -> memref<1x80x128xf32, #tpu.memory_space<hbm>>
      %dma_wait3A_2011 = tpu.memref_squeeze %dma_wait3A_2010 : memref<1x80x128xf32, #tpu.memory_space<hbm>> -> memref<80x128xf32, #tpu.memory_space<hbm>>
      tpu.wait_dma2 semaphore(%run_scoped3A_1999 : memref<!tpu.dma_semaphore, #tpu.memory_space<semaphore_mem>>) src(%arg13 : memref<80x128xf32, #tpu.memory_space<vmem>>) dst(%dma_wait3A_2011 : memref<80x128xf32, #tpu.memory_space<hbm>>)
      tpu.yield
    }) : () -> ()
    %add3A_1659 = arith.constant 240 : i32
    %add3A_1660 = arith.addi %mul3A_5, %add3A_1659 : i32
    %add3A_1661 = arith.constant 0 : i32
    %add3A_1662 = arith.addi %add3A_1660, %add3A_1661 : i32
    %add3A_1663 = vector.broadcast %add3A_1662 : i32 to vector<16xi32>
    %add3A_1664 = arith.addi %add3A_1663, %iota3A : vector<16xi32>
    %swap3A_1665 = arith.constant 0 : i32
    %swap3A_1666 = arith.index_cast %swap3A_1665 : i32 to index
    %swap3A_1667 = arith.constant 0 : index
    %swap3A_1668 = tpu.vector_load %arg12[%swap3A_1666, %swap3A_1667] {strides = array<i32>} : memref<1x80xi32, #tpu.memory_space<vmem>>, vector<1x16xi32>,
    %swap3A_1669 = vector.shape_cast %swap3A_1668 : vector<1x16xi32> to vector<16xi32>
    %swap3A_1670 = vector.shape_cast %add3A_1664 : vector<16xi32> to vector<1x16xi32>
    tpu.vector_store %arg12[%swap3A_1666, %swap3A_1667], %swap3A_1670 {strides = array<i32>} : memref<1x80xi32, #tpu.memory_space<vmem>>, vector<1x16xi32>,
    %add3A_1671 = arith.constant 16 : i32
    %add3A_1672 = arith.addi %add3A_1660, %add3A_1671 : i32
    %add3A_1673 = vector.broadcast %add3A_1672 : i32 to vector<16xi32>
    %add3A_1674 = arith.addi %add3A_1673, %iota3A : vector<16xi32>
    %swap3A_1675 = arith.constant 0 : i32
    %swap3A_1676 = arith.index_cast %swap3A_1675 : i32 to index
    %swap3A_1677 = arith.constant 16 : index
    %swap3A_1678 = tpu.vector_load %arg12[%swap3A_1676, %swap3A_1677] {strides = array<i32>} : memref<1x80xi32, #tpu.memory_space<vmem>>, vector<1x16xi32>,
    %swap3A_1679 = vector.shape_cast %swap3A_1678 : vector<1x16xi32> to vector<16xi32>
    %swap3A_1680 = vector.shape_cast %add3A_1674 : vector<16xi32> to vector<1x16xi32>
    tpu.vector_store %arg12[%swap3A_1676, %swap3A_1677], %swap3A_1680 {strides = array<i32>} : memref<1x80xi32, #tpu.memory_space<vmem>>, vector<1x16xi32>,
    %add3A_1681 = arith.constant 32 : i32
    %add3A_1682 = arith.addi %add3A_1660, %add3A_1681 : i32
    %add3A_1683 = vector.broadcast %add3A_1682 : i32 to vector<16xi32>
    %add3A_1684 = arith.addi %add3A_1683, %iota3A : vector<16xi32>
    %swap3A_1685 = arith.constant 0 : i32
    %swap3A_1686 = arith.index_cast %swap3A_1685 : i32 to index
    %swap3A_1687 = arith.constant 32 : index
    %swap3A_1688 = tpu.vector_load %arg12[%swap3A_1686, %swap3A_1687] {strides = array<i32>} : memref<1x80xi32, #tpu.memory_space<vmem>>, vector<1x16xi32>,
    %swap3A_1689 = vector.shape_cast %swap3A_1688 : vector<1x16xi32> to vector<16xi32>
    %swap3A_1690 = vector.shape_cast %add3A_1684 : vector<16xi32> to vector<1x16xi32>
    tpu.vector_store %arg12[%swap3A_1686, %swap3A_1687], %swap3A_1690 {strides = array<i32>} : memref<1x80xi32, #tpu.memory_space<vmem>>, vector<1x16xi32>,
    %add3A_1691 = arith.constant 48 : i32
    %add3A_1692 = arith.addi %add3A_1660, %add3A_1691 : i32
    %add3A_1693 = vector.broadcast %add3A_1692 : i32 to vector<16xi32>
    %add3A_1694 = arith.addi %add3A_1693, %iota3A : vector<16xi32>
    %swap3A_1695 = arith.constant 0 : i32
    %swap3A_1696 = arith.index_cast %swap3A_1695 : i32 to index
    %swap3A_1697 = arith.constant 48 : index
    %swap3A_1698 = tpu.vector_load %arg12[%swap3A_1696, %swap3A_1697] {strides = array<i32>} : memref<1x80xi32, #tpu.memory_space<vmem>>, vector<1x16xi32>,
    %swap3A_1699 = vector.shape_cast %swap3A_1698 : vector<1x16xi32> to vector<16xi32>
    %swap3A_1700 = vector.shape_cast %add3A_1694 : vector<16xi32> to vector<1x16xi32>
    tpu.vector_store %arg12[%swap3A_1696, %swap3A_1697], %swap3A_1700 {strides = array<i32>} : memref<1x80xi32, #tpu.memory_space<vmem>>, vector<1x16xi32>,
    %add3A_1701 = arith.constant 64 : i32
    %add3A_1702 = arith.addi %add3A_1660, %add3A_1701 : i32
    %add3A_1703 = vector.broadcast %add3A_1702 : i32 to vector<16xi32>
    %add3A_1704 = arith.addi %add3A_1703, %iota3A : vector<16xi32>
    %swap3A_1705 = arith.constant 0 : i32
    %swap3A_1706 = arith.index_cast %swap3A_1705 : i32 to index
    %swap3A_1707 = arith.constant 64 : index
    %swap3A_1708 = tpu.vector_load %arg12[%swap3A_1706, %swap3A_1707] {strides = array<i32>} : memref<1x80xi32, #tpu.memory_space<vmem>>, vector<1x16xi32>,
    %swap3A_1709 = vector.shape_cast %swap3A_1708 : vector<1x16xi32> to vector<16xi32>
    %swap3A_1710 = vector.shape_cast %add3A_1704 : vector<16xi32> to vector<1x16xi32>
    tpu.vector_store %arg12[%swap3A_1706, %swap3A_1707], %swap3A_1710 {strides = array<i32>} : memref<1x80xi32, #tpu.memory_space<vmem>>, vector<1x16xi32>,
    %dma_start3A_1711 = arith.constant 0 : i32
    %dma_start3A_1712 = arith.constant 0 : i32
    %dma_start3A_1713 = tpu.memref_slice %arg12[%dma_start3A_1711, %dma_start3A_1712] : memref<1x80xi32, #tpu.memory_space<vmem>> -> memref<1x80xi32, #tpu.memory_space<vmem>>
    %dma_start3A_1714 = tpu.memref_squeeze %dma_start3A_1713 : memref<1x80xi32, #tpu.memory_space<vmem>> -> memref<80xi32, #tpu.memory_space<vmem>>
    %dma_start3A_1715 = arith.constant 0 : i32
    %dma_start3A_1716 = arith.constant 0 : i32
    %dma_start3A_1717 = tpu.memref_slice %arg7[%dma_start3A_1715, %dma_start3A_1716] : memref<10240x128xf32, #tpu.memory_space<vmem_shared>> -> memref<10240x128xf32, #tpu.memory_space<vmem_shared>>
    tpu.enqueue_indirect_dma source(%dma_start3A_1717 : memref<10240x128xf32, #tpu.memory_space<vmem_shared>>) target(%arg13 : memref<80x128xf32, #tpu.memory_space<vmem>>) offsets(%dma_start3A_1714 : memref<80xi32, #tpu.memory_space<vmem>>) semaphore(%arg16 : memref<!tpu.dma_semaphore, #tpu.memory_space<semaphore_mem>>)
    %dma_wait3A_1718 = arith.constant 0 : i32
    %dma_wait3A_1719 = arith.constant 0 : i32
    %dma_wait3A_1720 = tpu.memref_slice %arg12[%dma_wait3A_1718, %dma_wait3A_1719] : memref<1x80xi32, #tpu.memory_space<vmem>> -> memref<1x80xi32, #tpu.memory_space<vmem>>
    %dma_wait3A_1721 = tpu.memref_squeeze %dma_wait3A_1720 : memref<1x80xi32, #tpu.memory_space<vmem>> -> memref<80xi32, #tpu.memory_space<vmem>>
    %dma_wait3A_1722 = arith.constant 0 : i32
    %dma_wait3A_1723 = arith.constant 0 : i32
    %dma_wait3A_1724 = tpu.memref_slice %arg7[%dma_wait3A_1722, %dma_wait3A_1723] : memref<10240x128xf32, #tpu.memory_space<vmem_shared>> -> memref<10240x128xf32, #tpu.memory_space<vmem_shared>>
    tpu.wait_indirect_dma semaphore(%arg16 : memref<!tpu.dma_semaphore, #tpu.memory_space<semaphore_mem>>) src(%dma_wait3A_1724 : memref<10240x128xf32, #tpu.memory_space<vmem_shared>>) dst(%arg13 : memref<80x128xf32, #tpu.memory_space<vmem>>)
    %add3A_1725 = arith.constant 240 : i32
    %add3A_1726 = arith.addi %mul3A_5, %add3A_1725 : i32
    "tpu.region"() ({
      %run_scoped3A_1999 = tpu.sem_alloc : memref<!tpu.dma_semaphore, #tpu.memory_space<semaphore_mem>>
      %dma_start3A_2000 = arith.constant 0 : i32
      %dma_start3A_2001 = tpu.memref_slice %arg6[%arg0, %add3A_1726, %dma_start3A_2000] : memref<2x10240x128xf32, #tpu.memory_space<hbm>> -> memref<1x80x128xf32, #tpu.memory_space<hbm>>
      %dma_start3A_2002 = tpu.memref_squeeze %dma_start3A_2001 : memref<1x80x128xf32, #tpu.memory_space<hbm>> -> memref<80x128xf32, #tpu.memory_space<hbm>>
      %dma_start3A_2003 = arith.constant 0 : i32
      %dma_start3A_2004 = tpu.memref_slice %arg6[%arg0, %add3A_1726, %dma_start3A_2003] : memref<2x10240x128xf32, #tpu.memory_space<hbm>> -> memref<1x80x128xf32, #tpu.memory_space<hbm>>
      %dma_start3A_2005 = tpu.memref_squeeze %dma_start3A_2004 : memref<1x80x128xf32, #tpu.memory_space<hbm>> -> memref<80x128xf32, #tpu.memory_space<hbm>>
      tpu.enqueue_dma source(%arg13 : memref<80x128xf32, #tpu.memory_space<vmem>>) target(%dma_start3A_2005 : memref<80x128xf32, #tpu.memory_space<hbm>>) target_semaphore(%run_scoped3A_1999 : memref<!tpu.dma_semaphore, #tpu.memory_space<semaphore_mem>>)
      %dma_wait3A_2006 = arith.constant 0 : i32
      %dma_wait3A_2007 = tpu.memref_slice %arg6[%arg0, %add3A_1726, %dma_wait3A_2006] : memref<2x10240x128xf32, #tpu.memory_space<hbm>> -> memref<1x80x128xf32, #tpu.memory_space<hbm>>
      %dma_wait3A_2008 = tpu.memref_squeeze %dma_wait3A_2007 : memref<1x80x128xf32, #tpu.memory_space<hbm>> -> memref<80x128xf32, #tpu.memory_space<hbm>>
      %dma_wait3A_2009 = arith.constant 0 : i32
      %dma_wait3A_2010 = tpu.memref_slice %arg6[%arg0, %add3A_1726, %dma_wait3A_2009] : memref<2x10240x128xf32, #tpu.memory_space<hbm>> -> memref<1x80x128xf32, #tpu.memory_space<hbm>>
      %dma_wait3A_2011 = tpu.memref_squeeze %dma_wait3A_2010 : memref<1x80x128xf32, #tpu.memory_space<hbm>> -> memref<80x128xf32, #tpu.memory_space<hbm>>
      tpu.wait_dma2 semaphore(%run_scoped3A_1999 : memref<!tpu.dma_semaphore, #tpu.memory_space<semaphore_mem>>) src(%arg13 : memref<80x128xf32, #tpu.memory_space<vmem>>) dst(%dma_wait3A_2011 : memref<80x128xf32, #tpu.memory_space<hbm>>)
      tpu.yield
    }) : () -> ()
    %add3A_1727 = arith.constant 320 : i32
    %add3A_1728 = arith.addi %mul3A_5, %add3A_1727 : i32
    %add3A_1729 = arith.constant 0 : i32
    %add3A_1730 = arith.addi %add3A_1728, %add3A_1729 : i32
    %add3A_1731 = vector.broadcast %add3A_1730 : i32 to vector<16xi32>
    %add3A_1732 = arith.addi %add3A_1731, %iota3A : vector<16xi32>
    %swap3A_1733 = arith.constant 0 : i32
    %swap3A_1734 = arith.index_cast %swap3A_1733 : i32 to index
    %swap3A_1735 = arith.constant 0 : index
    %swap3A_1736 = tpu.vector_load %arg12[%swap3A_1734, %swap3A_1735] {strides = array<i32>} : memref<1x80xi32, #tpu.memory_space<vmem>>, vector<1x16xi32>,
    %swap3A_1737 = vector.shape_cast %swap3A_1736 : vector<1x16xi32> to vector<16xi32>
    %swap3A_1738 = vector.shape_cast %add3A_1732 : vector<16xi32> to vector<1x16xi32>
    tpu.vector_store %arg12[%swap3A_1734, %swap3A_1735], %swap3A_1738 {strides = array<i32>} : memref<1x80xi32, #tpu.memory_space<vmem>>, vector<1x16xi32>,
    %add3A_1739 = arith.constant 16 : i32
    %add3A_1740 = arith.addi %add3A_1728, %add3A_1739 : i32
    %add3A_1741 = vector.broadcast %add3A_1740 : i32 to vector<16xi32>
    %add3A_1742 = arith.addi %add3A_1741, %iota3A : vector<16xi32>
    %swap3A_1743 = arith.constant 0 : i32
    %swap3A_1744 = arith.index_cast %swap3A_1743 : i32 to index
    %swap3A_1745 = arith.constant 16 : index
    %swap3A_1746 = tpu.vector_load %arg12[%swap3A_1744, %swap3A_1745] {strides = array<i32>} : memref<1x80xi32, #tpu.memory_space<vmem>>, vector<1x16xi32>,
    %swap3A_1747 = vector.shape_cast %swap3A_1746 : vector<1x16xi32> to vector<16xi32>
    %swap3A_1748 = vector.shape_cast %add3A_1742 : vector<16xi32> to vector<1x16xi32>
    tpu.vector_store %arg12[%swap3A_1744, %swap3A_1745], %swap3A_1748 {strides = array<i32>} : memref<1x80xi32, #tpu.memory_space<vmem>>, vector<1x16xi32>,
    %add3A_1749 = arith.constant 32 : i32
    %add3A_1750 = arith.addi %add3A_1728, %add3A_1749 : i32
    %add3A_1751 = vector.broadcast %add3A_1750 : i32 to vector<16xi32>
    %add3A_1752 = arith.addi %add3A_1751, %iota3A : vector<16xi32>
    %swap3A_1753 = arith.constant 0 : i32
    %swap3A_1754 = arith.index_cast %swap3A_1753 : i32 to index
    %swap3A_1755 = arith.constant 32 : index
    %swap3A_1756 = tpu.vector_load %arg12[%swap3A_1754, %swap3A_1755] {strides = array<i32>} : memref<1x80xi32, #tpu.memory_space<vmem>>, vector<1x16xi32>,
    %swap3A_1757 = vector.shape_cast %swap3A_1756 : vector<1x16xi32> to vector<16xi32>
    %swap3A_1758 = vector.shape_cast %add3A_1752 : vector<16xi32> to vector<1x16xi32>
    tpu.vector_store %arg12[%swap3A_1754, %swap3A_1755], %swap3A_1758 {strides = array<i32>} : memref<1x80xi32, #tpu.memory_space<vmem>>, vector<1x16xi32>,
    %add3A_1759 = arith.constant 48 : i32
    %add3A_1760 = arith.addi %add3A_1728, %add3A_1759 : i32
    %add3A_1761 = vector.broadcast %add3A_1760 : i32 to vector<16xi32>
    %add3A_1762 = arith.addi %add3A_1761, %iota3A : vector<16xi32>
    %swap3A_1763 = arith.constant 0 : i32
    %swap3A_1764 = arith.index_cast %swap3A_1763 : i32 to index
    %swap3A_1765 = arith.constant 48 : index
    %swap3A_1766 = tpu.vector_load %arg12[%swap3A_1764, %swap3A_1765] {strides = array<i32>} : memref<1x80xi32, #tpu.memory_space<vmem>>, vector<1x16xi32>,
    %swap3A_1767 = vector.shape_cast %swap3A_1766 : vector<1x16xi32> to vector<16xi32>
    %swap3A_1768 = vector.shape_cast %add3A_1762 : vector<16xi32> to vector<1x16xi32>
    tpu.vector_store %arg12[%swap3A_1764, %swap3A_1765], %swap3A_1768 {strides = array<i32>} : memref<1x80xi32, #tpu.memory_space<vmem>>, vector<1x16xi32>,
    %add3A_1769 = arith.constant 64 : i32
    %add3A_1770 = arith.addi %add3A_1728, %add3A_1769 : i32
    %add3A_1771 = vector.broadcast %add3A_1770 : i32 to vector<16xi32>
    %add3A_1772 = arith.addi %add3A_1771, %iota3A : vector<16xi32>
    %swap3A_1773 = arith.constant 0 : i32
    %swap3A_1774 = arith.index_cast %swap3A_1773 : i32 to index
    %swap3A_1775 = arith.constant 64 : index
    %swap3A_1776 = tpu.vector_load %arg12[%swap3A_1774, %swap3A_1775] {strides = array<i32>} : memref<1x80xi32, #tpu.memory_space<vmem>>, vector<1x16xi32>,
    %swap3A_1777 = vector.shape_cast %swap3A_1776 : vector<1x16xi32> to vector<16xi32>
    %swap3A_1778 = vector.shape_cast %add3A_1772 : vector<16xi32> to vector<1x16xi32>
    tpu.vector_store %arg12[%swap3A_1774, %swap3A_1775], %swap3A_1778 {strides = array<i32>} : memref<1x80xi32, #tpu.memory_space<vmem>>, vector<1x16xi32>,
    %dma_start3A_1779 = arith.constant 0 : i32
    %dma_start3A_1780 = arith.constant 0 : i32
    %dma_start3A_1781 = tpu.memref_slice %arg12[%dma_start3A_1779, %dma_start3A_1780] : memref<1x80xi32, #tpu.memory_space<vmem>> -> memref<1x80xi32, #tpu.memory_space<vmem>>
    %dma_start3A_1782 = tpu.memref_squeeze %dma_start3A_1781 : memref<1x80xi32, #tpu.memory_space<vmem>> -> memref<80xi32, #tpu.memory_space<vmem>>
    %dma_start3A_1783 = arith.constant 0 : i32
    %dma_start3A_1784 = arith.constant 0 : i32
    %dma_start3A_1785 = tpu.memref_slice %arg7[%dma_start3A_1783, %dma_start3A_1784] : memref<10240x128xf32, #tpu.memory_space<vmem_shared>> -> memref<10240x128xf32, #tpu.memory_space<vmem_shared>>
    tpu.enqueue_indirect_dma source(%dma_start3A_1785 : memref<10240x128xf32, #tpu.memory_space<vmem_shared>>) target(%arg13 : memref<80x128xf32, #tpu.memory_space<vmem>>) offsets(%dma_start3A_1782 : memref<80xi32, #tpu.memory_space<vmem>>) semaphore(%arg16 : memref<!tpu.dma_semaphore, #tpu.memory_space<semaphore_mem>>)
    %dma_wait3A_1786 = arith.constant 0 : i32
    %dma_wait3A_1787 = arith.constant 0 : i32
    %dma_wait3A_1788 = tpu.memref_slice %arg12[%dma_wait3A_1786, %dma_wait3A_1787] : memref<1x80xi32, #tpu.memory_space<vmem>> -> memref<1x80xi32, #tpu.memory_space<vmem>>
    %dma_wait3A_1789 = tpu.memref_squeeze %dma_wait3A_1788 : memref<1x80xi32, #tpu.memory_space<vmem>> -> memref<80xi32, #tpu.memory_space<vmem>>
    %dma_wait3A_1790 = arith.constant 0 : i32
    %dma_wait3A_1791 = arith.constant 0 : i32
    %dma_wait3A_1792 = tpu.memref_slice %arg7[%dma_wait3A_1790, %dma_wait3A_1791] : memref<10240x128xf32, #tpu.memory_space<vmem_shared>> -> memref<10240x128xf32, #tpu.memory_space<vmem_shared>>
    tpu.wait_indirect_dma semaphore(%arg16 : memref<!tpu.dma_semaphore, #tpu.memory_space<semaphore_mem>>) src(%dma_wait3A_1792 : memref<10240x128xf32, #tpu.memory_space<vmem_shared>>) dst(%arg13 : memref<80x128xf32, #tpu.memory_space<vmem>>)
    %add3A_1793 = arith.constant 320 : i32
    %add3A_1794 = arith.addi %mul3A_5, %add3A_1793 : i32
    "tpu.region"() ({
      %run_scoped3A_1999 = tpu.sem_alloc : memref<!tpu.dma_semaphore, #tpu.memory_space<semaphore_mem>>
      %dma_start3A_2000 = arith.constant 0 : i32
      %dma_start3A_2001 = tpu.memref_slice %arg6[%arg0, %add3A_1794, %dma_start3A_2000] : memref<2x10240x128xf32, #tpu.memory_space<hbm>> -> memref<1x80x128xf32, #tpu.memory_space<hbm>>
      %dma_start3A_2002 = tpu.memref_squeeze %dma_start3A_2001 : memref<1x80x128xf32, #tpu.memory_space<hbm>> -> memref<80x128xf32, #tpu.memory_space<hbm>>
      %dma_start3A_2003 = arith.constant 0 : i32
      %dma_start3A_2004 = tpu.memref_slice %arg6[%arg0, %add3A_1794, %dma_start3A_2003] : memref<2x10240x128xf32, #tpu.memory_space<hbm>> -> memref<1x80x128xf32, #tpu.memory_space<hbm>>
      %dma_start3A_2005 = tpu.memref_squeeze %dma_start3A_2004 : memref<1x80x128xf32, #tpu.memory_space<hbm>> -> memref<80x128xf32, #tpu.memory_space<hbm>>
      tpu.enqueue_dma source(%arg13 : memref<80x128xf32, #tpu.memory_space<vmem>>) target(%dma_start3A_2005 : memref<80x128xf32, #tpu.memory_space<hbm>>) target_semaphore(%run_scoped3A_1999 : memref<!tpu.dma_semaphore, #tpu.memory_space<semaphore_mem>>)
      %dma_wait3A_2006 = arith.constant 0 : i32
      %dma_wait3A_2007 = tpu.memref_slice %arg6[%arg0, %add3A_1794, %dma_wait3A_2006] : memref<2x10240x128xf32, #tpu.memory_space<hbm>> -> memref<1x80x128xf32, #tpu.memory_space<hbm>>
      %dma_wait3A_2008 = tpu.memref_squeeze %dma_wait3A_2007 : memref<1x80x128xf32, #tpu.memory_space<hbm>> -> memref<80x128xf32, #tpu.memory_space<hbm>>
      %dma_wait3A_2009 = arith.constant 0 : i32
      %dma_wait3A_2010 = tpu.memref_slice %arg6[%arg0, %add3A_1794, %dma_wait3A_2009] : memref<2x10240x128xf32, #tpu.memory_space<hbm>> -> memref<1x80x128xf32, #tpu.memory_space<hbm>>
      %dma_wait3A_2011 = tpu.memref_squeeze %dma_wait3A_2010 : memref<1x80x128xf32, #tpu.memory_space<hbm>> -> memref<80x128xf32, #tpu.memory_space<hbm>>
      tpu.wait_dma2 semaphore(%run_scoped3A_1999 : memref<!tpu.dma_semaphore, #tpu.memory_space<semaphore_mem>>) src(%arg13 : memref<80x128xf32, #tpu.memory_space<vmem>>) dst(%dma_wait3A_2011 : memref<80x128xf32, #tpu.memory_space<hbm>>)
      tpu.yield
    }) : () -> ()
    %add3A_1795 = arith.constant 400 : i32
    %add3A_1796 = arith.addi %mul3A_5, %add3A_1795 : i32
    %add3A_1797 = arith.constant 0 : i32
    %add3A_1798 = arith.addi %add3A_1796, %add3A_1797 : i32
    %add3A_1799 = vector.broadcast %add3A_1798 : i32 to vector<16xi32>
    %add3A_1800 = arith.addi %add3A_1799, %iota3A : vector<16xi32>
    %swap3A_1801 = arith.constant 0 : i32
    %swap3A_1802 = arith.index_cast %swap3A_1801 : i32 to index
    %swap3A_1803 = arith.constant 0 : index
    %swap3A_1804 = tpu.vector_load %arg12[%swap3A_1802, %swap3A_1803] {strides = array<i32>} : memref<1x80xi32, #tpu.memory_space<vmem>>, vector<1x16xi32>,
    %swap3A_1805 = vector.shape_cast %swap3A_1804 : vector<1x16xi32> to vector<16xi32>
    %swap3A_1806 = vector.shape_cast %add3A_1800 : vector<16xi32> to vector<1x16xi32>
    tpu.vector_store %arg12[%swap3A_1802, %swap3A_1803], %swap3A_1806 {strides = array<i32>} : memref<1x80xi32, #tpu.memory_space<vmem>>, vector<1x16xi32>,
    %add3A_1807 = arith.constant 16 : i32
    %add3A_1808 = arith.addi %add3A_1796, %add3A_1807 : i32
    %add3A_1809 = vector.broadcast %add3A_1808 : i32 to vector<16xi32>
    %add3A_1810 = arith.addi %add3A_1809, %iota3A : vector<16xi32>
    %swap3A_1811 = arith.constant 0 : i32
    %swap3A_1812 = arith.index_cast %swap3A_1811 : i32 to index
    %swap3A_1813 = arith.constant 16 : index
    %swap3A_1814 = tpu.vector_load %arg12[%swap3A_1812, %swap3A_1813] {strides = array<i32>} : memref<1x80xi32, #tpu.memory_space<vmem>>, vector<1x16xi32>,
    %swap3A_1815 = vector.shape_cast %swap3A_1814 : vector<1x16xi32> to vector<16xi32>
    %swap3A_1816 = vector.shape_cast %add3A_1810 : vector<16xi32> to vector<1x16xi32>
    tpu.vector_store %arg12[%swap3A_1812, %swap3A_1813], %swap3A_1816 {strides = array<i32>} : memref<1x80xi32, #tpu.memory_space<vmem>>, vector<1x16xi32>,
    %add3A_1817 = arith.constant 32 : i32
    %add3A_1818 = arith.addi %add3A_1796, %add3A_1817 : i32
    %add3A_1819 = vector.broadcast %add3A_1818 : i32 to vector<16xi32>
    %add3A_1820 = arith.addi %add3A_1819, %iota3A : vector<16xi32>
    %swap3A_1821 = arith.constant 0 : i32
    %swap3A_1822 = arith.index_cast %swap3A_1821 : i32 to index
    %swap3A_1823 = arith.constant 32 : index
    %swap3A_1824 = tpu.vector_load %arg12[%swap3A_1822, %swap3A_1823] {strides = array<i32>} : memref<1x80xi32, #tpu.memory_space<vmem>>, vector<1x16xi32>,
    %swap3A_1825 = vector.shape_cast %swap3A_1824 : vector<1x16xi32> to vector<16xi32>
    %swap3A_1826 = vector.shape_cast %add3A_1820 : vector<16xi32> to vector<1x16xi32>
    tpu.vector_store %arg12[%swap3A_1822, %swap3A_1823], %swap3A_1826 {strides = array<i32>} : memref<1x80xi32, #tpu.memory_space<vmem>>, vector<1x16xi32>,
    %add3A_1827 = arith.constant 48 : i32
    %add3A_1828 = arith.addi %add3A_1796, %add3A_1827 : i32
    %add3A_1829 = vector.broadcast %add3A_1828 : i32 to vector<16xi32>
    %add3A_1830 = arith.addi %add3A_1829, %iota3A : vector<16xi32>
    %swap3A_1831 = arith.constant 0 : i32
    %swap3A_1832 = arith.index_cast %swap3A_1831 : i32 to index
    %swap3A_1833 = arith.constant 48 : index
    %swap3A_1834 = tpu.vector_load %arg12[%swap3A_1832, %swap3A_1833] {strides = array<i32>} : memref<1x80xi32, #tpu.memory_space<vmem>>, vector<1x16xi32>,
    %swap3A_1835 = vector.shape_cast %swap3A_1834 : vector<1x16xi32> to vector<16xi32>
    %swap3A_1836 = vector.shape_cast %add3A_1830 : vector<16xi32> to vector<1x16xi32>
    tpu.vector_store %arg12[%swap3A_1832, %swap3A_1833], %swap3A_1836 {strides = array<i32>} : memref<1x80xi32, #tpu.memory_space<vmem>>, vector<1x16xi32>,
    %add3A_1837 = arith.constant 64 : i32
    %add3A_1838 = arith.addi %add3A_1796, %add3A_1837 : i32
    %add3A_1839 = vector.broadcast %add3A_1838 : i32 to vector<16xi32>
    %add3A_1840 = arith.addi %add3A_1839, %iota3A : vector<16xi32>
    %swap3A_1841 = arith.constant 0 : i32
    %swap3A_1842 = arith.index_cast %swap3A_1841 : i32 to index
    %swap3A_1843 = arith.constant 64 : index
    %swap3A_1844 = tpu.vector_load %arg12[%swap3A_1842, %swap3A_1843] {strides = array<i32>} : memref<1x80xi32, #tpu.memory_space<vmem>>, vector<1x16xi32>,
    %swap3A_1845 = vector.shape_cast %swap3A_1844 : vector<1x16xi32> to vector<16xi32>
    %swap3A_1846 = vector.shape_cast %add3A_1840 : vector<16xi32> to vector<1x16xi32>
    tpu.vector_store %arg12[%swap3A_1842, %swap3A_1843], %swap3A_1846 {strides = array<i32>} : memref<1x80xi32, #tpu.memory_space<vmem>>, vector<1x16xi32>,
    %dma_start3A_1847 = arith.constant 0 : i32
    %dma_start3A_1848 = arith.constant 0 : i32
    %dma_start3A_1849 = tpu.memref_slice %arg12[%dma_start3A_1847, %dma_start3A_1848] : memref<1x80xi32, #tpu.memory_space<vmem>> -> memref<1x80xi32, #tpu.memory_space<vmem>>
    %dma_start3A_1850 = tpu.memref_squeeze %dma_start3A_1849 : memref<1x80xi32, #tpu.memory_space<vmem>> -> memref<80xi32, #tpu.memory_space<vmem>>
    %dma_start3A_1851 = arith.constant 0 : i32
    %dma_start3A_1852 = arith.constant 0 : i32
    %dma_start3A_1853 = tpu.memref_slice %arg7[%dma_start3A_1851, %dma_start3A_1852] : memref<10240x128xf32, #tpu.memory_space<vmem_shared>> -> memref<10240x128xf32, #tpu.memory_space<vmem_shared>>
    tpu.enqueue_indirect_dma source(%dma_start3A_1853 : memref<10240x128xf32, #tpu.memory_space<vmem_shared>>) target(%arg13 : memref<80x128xf32, #tpu.memory_space<vmem>>) offsets(%dma_start3A_1850 : memref<80xi32, #tpu.memory_space<vmem>>) semaphore(%arg16 : memref<!tpu.dma_semaphore, #tpu.memory_space<semaphore_mem>>)
    %dma_wait3A_1854 = arith.constant 0 : i32
    %dma_wait3A_1855 = arith.constant 0 : i32
    %dma_wait3A_1856 = tpu.memref_slice %arg12[%dma_wait3A_1854, %dma_wait3A_1855] : memref<1x80xi32, #tpu.memory_space<vmem>> -> memref<1x80xi32, #tpu.memory_space<vmem>>
    %dma_wait3A_1857 = tpu.memref_squeeze %dma_wait3A_1856 : memref<1x80xi32, #tpu.memory_space<vmem>> -> memref<80xi32, #tpu.memory_space<vmem>>
    %dma_wait3A_1858 = arith.constant 0 : i32
    %dma_wait3A_1859 = arith.constant 0 : i32
    %dma_wait3A_1860 = tpu.memref_slice %arg7[%dma_wait3A_1858, %dma_wait3A_1859] : memref<10240x128xf32, #tpu.memory_space<vmem_shared>> -> memref<10240x128xf32, #tpu.memory_space<vmem_shared>>
    tpu.wait_indirect_dma semaphore(%arg16 : memref<!tpu.dma_semaphore, #tpu.memory_space<semaphore_mem>>) src(%dma_wait3A_1860 : memref<10240x128xf32, #tpu.memory_space<vmem_shared>>) dst(%arg13 : memref<80x128xf32, #tpu.memory_space<vmem>>)
    %add3A_1861 = arith.constant 400 : i32
    %add3A_1862 = arith.addi %mul3A_5, %add3A_1861 : i32
    "tpu.region"() ({
      %run_scoped3A_1999 = tpu.sem_alloc : memref<!tpu.dma_semaphore, #tpu.memory_space<semaphore_mem>>
      %dma_start3A_2000 = arith.constant 0 : i32
      %dma_start3A_2001 = tpu.memref_slice %arg6[%arg0, %add3A_1862, %dma_start3A_2000] : memref<2x10240x128xf32, #tpu.memory_space<hbm>> -> memref<1x80x128xf32, #tpu.memory_space<hbm>>
      %dma_start3A_2002 = tpu.memref_squeeze %dma_start3A_2001 : memref<1x80x128xf32, #tpu.memory_space<hbm>> -> memref<80x128xf32, #tpu.memory_space<hbm>>
      %dma_start3A_2003 = arith.constant 0 : i32
      %dma_start3A_2004 = tpu.memref_slice %arg6[%arg0, %add3A_1862, %dma_start3A_2003] : memref<2x10240x128xf32, #tpu.memory_space<hbm>> -> memref<1x80x128xf32, #tpu.memory_space<hbm>>
      %dma_start3A_2005 = tpu.memref_squeeze %dma_start3A_2004 : memref<1x80x128xf32, #tpu.memory_space<hbm>> -> memref<80x128xf32, #tpu.memory_space<hbm>>
      tpu.enqueue_dma source(%arg13 : memref<80x128xf32, #tpu.memory_space<vmem>>) target(%dma_start3A_2005 : memref<80x128xf32, #tpu.memory_space<hbm>>) target_semaphore(%run_scoped3A_1999 : memref<!tpu.dma_semaphore, #tpu.memory_space<semaphore_mem>>)
      %dma_wait3A_2006 = arith.constant 0 : i32
      %dma_wait3A_2007 = tpu.memref_slice %arg6[%arg0, %add3A_1862, %dma_wait3A_2006] : memref<2x10240x128xf32, #tpu.memory_space<hbm>> -> memref<1x80x128xf32, #tpu.memory_space<hbm>>
      %dma_wait3A_2008 = tpu.memref_squeeze %dma_wait3A_2007 : memref<1x80x128xf32, #tpu.memory_space<hbm>> -> memref<80x128xf32, #tpu.memory_space<hbm>>
      %dma_wait3A_2009 = arith.constant 0 : i32
      %dma_wait3A_2010 = tpu.memref_slice %arg6[%arg0, %add3A_1862, %dma_wait3A_2009] : memref<2x10240x128xf32, #tpu.memory_space<hbm>> -> memref<1x80x128xf32, #tpu.memory_space<hbm>>
      %dma_wait3A_2011 = tpu.memref_squeeze %dma_wait3A_2010 : memref<1x80x128xf32, #tpu.memory_space<hbm>> -> memref<80x128xf32, #tpu.memory_space<hbm>>
      tpu.wait_dma2 semaphore(%run_scoped3A_1999 : memref<!tpu.dma_semaphore, #tpu.memory_space<semaphore_mem>>) src(%arg13 : memref<80x128xf32, #tpu.memory_space<vmem>>) dst(%dma_wait3A_2011 : memref<80x128xf32, #tpu.memory_space<hbm>>)
      tpu.yield
    }) : () -> ()
    %add3A_1863 = arith.constant 480 : i32
    %add3A_1864 = arith.addi %mul3A_5, %add3A_1863 : i32
    %add3A_1865 = arith.constant 0 : i32
    %add3A_1866 = arith.addi %add3A_1864, %add3A_1865 : i32
    %add3A_1867 = vector.broadcast %add3A_1866 : i32 to vector<16xi32>
    %add3A_1868 = arith.addi %add3A_1867, %iota3A : vector<16xi32>
    %swap3A_1869 = arith.constant 0 : i32
    %swap3A_1870 = arith.index_cast %swap3A_1869 : i32 to index
    %swap3A_1871 = arith.constant 0 : index
    %swap3A_1872 = tpu.vector_load %arg12[%swap3A_1870, %swap3A_1871] {strides = array<i32>} : memref<1x80xi32, #tpu.memory_space<vmem>>, vector<1x16xi32>,
    %swap3A_1873 = vector.shape_cast %swap3A_1872 : vector<1x16xi32> to vector<16xi32>
    %swap3A_1874 = vector.shape_cast %add3A_1868 : vector<16xi32> to vector<1x16xi32>
    tpu.vector_store %arg12[%swap3A_1870, %swap3A_1871], %swap3A_1874 {strides = array<i32>} : memref<1x80xi32, #tpu.memory_space<vmem>>, vector<1x16xi32>,
    %add3A_1875 = arith.constant 16 : i32
    %add3A_1876 = arith.addi %add3A_1864, %add3A_1875 : i32
    %add3A_1877 = vector.broadcast %add3A_1876 : i32 to vector<16xi32>
    %add3A_1878 = arith.addi %add3A_1877, %iota3A : vector<16xi32>
    %swap3A_1879 = arith.constant 0 : i32
    %swap3A_1880 = arith.index_cast %swap3A_1879 : i32 to index
    %swap3A_1881 = arith.constant 16 : index
    %swap3A_1882 = tpu.vector_load %arg12[%swap3A_1880, %swap3A_1881] {strides = array<i32>} : memref<1x80xi32, #tpu.memory_space<vmem>>, vector<1x16xi32>,
    %swap3A_1883 = vector.shape_cast %swap3A_1882 : vector<1x16xi32> to vector<16xi32>
    %swap3A_1884 = vector.shape_cast %add3A_1878 : vector<16xi32> to vector<1x16xi32>
    tpu.vector_store %arg12[%swap3A_1880, %swap3A_1881], %swap3A_1884 {strides = array<i32>} : memref<1x80xi32, #tpu.memory_space<vmem>>, vector<1x16xi32>,
    %add3A_1885 = arith.constant 32 : i32
    %add3A_1886 = arith.addi %add3A_1864, %add3A_1885 : i32
    %add3A_1887 = vector.broadcast %add3A_1886 : i32 to vector<16xi32>
    %add3A_1888 = arith.addi %add3A_1887, %iota3A : vector<16xi32>
    %swap3A_1889 = arith.constant 0 : i32
    %swap3A_1890 = arith.index_cast %swap3A_1889 : i32 to index
    %swap3A_1891 = arith.constant 32 : index
    %swap3A_1892 = tpu.vector_load %arg12[%swap3A_1890, %swap3A_1891] {strides = array<i32>} : memref<1x80xi32, #tpu.memory_space<vmem>>, vector<1x16xi32>,
    %swap3A_1893 = vector.shape_cast %swap3A_1892 : vector<1x16xi32> to vector<16xi32>
    %swap3A_1894 = vector.shape_cast %add3A_1888 : vector<16xi32> to vector<1x16xi32>
    tpu.vector_store %arg12[%swap3A_1890, %swap3A_1891], %swap3A_1894 {strides = array<i32>} : memref<1x80xi32, #tpu.memory_space<vmem>>, vector<1x16xi32>,
    %add3A_1895 = arith.constant 48 : i32
    %add3A_1896 = arith.addi %add3A_1864, %add3A_1895 : i32
    %add3A_1897 = vector.broadcast %add3A_1896 : i32 to vector<16xi32>
    %add3A_1898 = arith.addi %add3A_1897, %iota3A : vector<16xi32>
    %swap3A_1899 = arith.constant 0 : i32
    %swap3A_1900 = arith.index_cast %swap3A_1899 : i32 to index
    %swap3A_1901 = arith.constant 48 : index
    %swap3A_1902 = tpu.vector_load %arg12[%swap3A_1900, %swap3A_1901] {strides = array<i32>} : memref<1x80xi32, #tpu.memory_space<vmem>>, vector<1x16xi32>,
    %swap3A_1903 = vector.shape_cast %swap3A_1902 : vector<1x16xi32> to vector<16xi32>
    %swap3A_1904 = vector.shape_cast %add3A_1898 : vector<16xi32> to vector<1x16xi32>
    tpu.vector_store %arg12[%swap3A_1900, %swap3A_1901], %swap3A_1904 {strides = array<i32>} : memref<1x80xi32, #tpu.memory_space<vmem>>, vector<1x16xi32>,
    %add3A_1905 = arith.constant 64 : i32
    %add3A_1906 = arith.addi %add3A_1864, %add3A_1905 : i32
    %add3A_1907 = vector.broadcast %add3A_1906 : i32 to vector<16xi32>
    %add3A_1908 = arith.addi %add3A_1907, %iota3A : vector<16xi32>
    %swap3A_1909 = arith.constant 0 : i32
    %swap3A_1910 = arith.index_cast %swap3A_1909 : i32 to index
    %swap3A_1911 = arith.constant 64 : index
    %swap3A_1912 = tpu.vector_load %arg12[%swap3A_1910, %swap3A_1911] {strides = array<i32>} : memref<1x80xi32, #tpu.memory_space<vmem>>, vector<1x16xi32>,
    %swap3A_1913 = vector.shape_cast %swap3A_1912 : vector<1x16xi32> to vector<16xi32>
    %swap3A_1914 = vector.shape_cast %add3A_1908 : vector<16xi32> to vector<1x16xi32>
    tpu.vector_store %arg12[%swap3A_1910, %swap3A_1911], %swap3A_1914 {strides = array<i32>} : memref<1x80xi32, #tpu.memory_space<vmem>>, vector<1x16xi32>,
    %dma_start3A_1915 = arith.constant 0 : i32
    %dma_start3A_1916 = arith.constant 0 : i32
    %dma_start3A_1917 = tpu.memref_slice %arg12[%dma_start3A_1915, %dma_start3A_1916] : memref<1x80xi32, #tpu.memory_space<vmem>> -> memref<1x80xi32, #tpu.memory_space<vmem>>
    %dma_start3A_1918 = tpu.memref_squeeze %dma_start3A_1917 : memref<1x80xi32, #tpu.memory_space<vmem>> -> memref<80xi32, #tpu.memory_space<vmem>>
    %dma_start3A_1919 = arith.constant 0 : i32
    %dma_start3A_1920 = arith.constant 0 : i32
    %dma_start3A_1921 = tpu.memref_slice %arg7[%dma_start3A_1919, %dma_start3A_1920] : memref<10240x128xf32, #tpu.memory_space<vmem_shared>> -> memref<10240x128xf32, #tpu.memory_space<vmem_shared>>
    tpu.enqueue_indirect_dma source(%dma_start3A_1921 : memref<10240x128xf32, #tpu.memory_space<vmem_shared>>) target(%arg13 : memref<80x128xf32, #tpu.memory_space<vmem>>) offsets(%dma_start3A_1918 : memref<80xi32, #tpu.memory_space<vmem>>) semaphore(%arg16 : memref<!tpu.dma_semaphore, #tpu.memory_space<semaphore_mem>>)
    %dma_wait3A_1922 = arith.constant 0 : i32
    %dma_wait3A_1923 = arith.constant 0 : i32
    %dma_wait3A_1924 = tpu.memref_slice %arg12[%dma_wait3A_1922, %dma_wait3A_1923] : memref<1x80xi32, #tpu.memory_space<vmem>> -> memref<1x80xi32, #tpu.memory_space<vmem>>
    %dma_wait3A_1925 = tpu.memref_squeeze %dma_wait3A_1924 : memref<1x80xi32, #tpu.memory_space<vmem>> -> memref<80xi32, #tpu.memory_space<vmem>>
    %dma_wait3A_1926 = arith.constant 0 : i32
    %dma_wait3A_1927 = arith.constant 0 : i32
    %dma_wait3A_1928 = tpu.memref_slice %arg7[%dma_wait3A_1926, %dma_wait3A_1927] : memref<10240x128xf32, #tpu.memory_space<vmem_shared>> -> memref<10240x128xf32, #tpu.memory_space<vmem_shared>>
    tpu.wait_indirect_dma semaphore(%arg16 : memref<!tpu.dma_semaphore, #tpu.memory_space<semaphore_mem>>) src(%dma_wait3A_1928 : memref<10240x128xf32, #tpu.memory_space<vmem_shared>>) dst(%arg13 : memref<80x128xf32, #tpu.memory_space<vmem>>)
    %add3A_1929 = arith.constant 480 : i32
    %add3A_1930 = arith.addi %mul3A_5, %add3A_1929 : i32
    "tpu.region"() ({
      %run_scoped3A_1999 = tpu.sem_alloc : memref<!tpu.dma_semaphore, #tpu.memory_space<semaphore_mem>>
      %dma_start3A_2000 = arith.constant 0 : i32
      %dma_start3A_2001 = tpu.memref_slice %arg6[%arg0, %add3A_1930, %dma_start3A_2000] : memref<2x10240x128xf32, #tpu.memory_space<hbm>> -> memref<1x80x128xf32, #tpu.memory_space<hbm>>
      %dma_start3A_2002 = tpu.memref_squeeze %dma_start3A_2001 : memref<1x80x128xf32, #tpu.memory_space<hbm>> -> memref<80x128xf32, #tpu.memory_space<hbm>>
      %dma_start3A_2003 = arith.constant 0 : i32
      %dma_start3A_2004 = tpu.memref_slice %arg6[%arg0, %add3A_1930, %dma_start3A_2003] : memref<2x10240x128xf32, #tpu.memory_space<hbm>> -> memref<1x80x128xf32, #tpu.memory_space<hbm>>
      %dma_start3A_2005 = tpu.memref_squeeze %dma_start3A_2004 : memref<1x80x128xf32, #tpu.memory_space<hbm>> -> memref<80x128xf32, #tpu.memory_space<hbm>>
      tpu.enqueue_dma source(%arg13 : memref<80x128xf32, #tpu.memory_space<vmem>>) target(%dma_start3A_2005 : memref<80x128xf32, #tpu.memory_space<hbm>>) target_semaphore(%run_scoped3A_1999 : memref<!tpu.dma_semaphore, #tpu.memory_space<semaphore_mem>>)
      %dma_wait3A_2006 = arith.constant 0 : i32
      %dma_wait3A_2007 = tpu.memref_slice %arg6[%arg0, %add3A_1930, %dma_wait3A_2006] : memref<2x10240x128xf32, #tpu.memory_space<hbm>> -> memref<1x80x128xf32, #tpu.memory_space<hbm>>
      %dma_wait3A_2008 = tpu.memref_squeeze %dma_wait3A_2007 : memref<1x80x128xf32, #tpu.memory_space<hbm>> -> memref<80x128xf32, #tpu.memory_space<hbm>>
      %dma_wait3A_2009 = arith.constant 0 : i32
      %dma_wait3A_2010 = tpu.memref_slice %arg6[%arg0, %add3A_1930, %dma_wait3A_2009] : memref<2x10240x128xf32, #tpu.memory_space<hbm>> -> memref<1x80x128xf32, #tpu.memory_space<hbm>>
      %dma_wait3A_2011 = tpu.memref_squeeze %dma_wait3A_2010 : memref<1x80x128xf32, #tpu.memory_space<hbm>> -> memref<80x128xf32, #tpu.memory_space<hbm>>
      tpu.wait_dma2 semaphore(%run_scoped3A_1999 : memref<!tpu.dma_semaphore, #tpu.memory_space<semaphore_mem>>) src(%arg13 : memref<80x128xf32, #tpu.memory_space<vmem>>) dst(%dma_wait3A_2011 : memref<80x128xf32, #tpu.memory_space<hbm>>)
      tpu.yield
    }) : () -> ()
    %add3A_1931 = arith.constant 560 : i32
    %add3A_1932 = arith.addi %mul3A_5, %add3A_1931 : i32
    %add3A_1933 = arith.constant 0 : i32
    %add3A_1934 = arith.addi %add3A_1932, %add3A_1933 : i32
    %add3A_1935 = vector.broadcast %add3A_1934 : i32 to vector<16xi32>
    %add3A_1936 = arith.addi %add3A_1935, %iota3A : vector<16xi32>
    %swap3A_1937 = arith.constant 0 : i32
    %swap3A_1938 = arith.index_cast %swap3A_1937 : i32 to index
    %swap3A_1939 = arith.constant 0 : index
    %swap3A_1940 = tpu.vector_load %arg12[%swap3A_1938, %swap3A_1939] {strides = array<i32>} : memref<1x80xi32, #tpu.memory_space<vmem>>, vector<1x16xi32>,
    %swap3A_1941 = vector.shape_cast %swap3A_1940 : vector<1x16xi32> to vector<16xi32>
    %swap3A_1942 = vector.shape_cast %add3A_1936 : vector<16xi32> to vector<1x16xi32>
    tpu.vector_store %arg12[%swap3A_1938, %swap3A_1939], %swap3A_1942 {strides = array<i32>} : memref<1x80xi32, #tpu.memory_space<vmem>>, vector<1x16xi32>,
    %add3A_1943 = arith.constant 16 : i32
    %add3A_1944 = arith.addi %add3A_1932, %add3A_1943 : i32
    %add3A_1945 = vector.broadcast %add3A_1944 : i32 to vector<16xi32>
    %add3A_1946 = arith.addi %add3A_1945, %iota3A : vector<16xi32>
    %swap3A_1947 = arith.constant 0 : i32
    %swap3A_1948 = arith.index_cast %swap3A_1947 : i32 to index
    %swap3A_1949 = arith.constant 16 : index
    %swap3A_1950 = tpu.vector_load %arg12[%swap3A_1948, %swap3A_1949] {strides = array<i32>} : memref<1x80xi32, #tpu.memory_space<vmem>>, vector<1x16xi32>,
    %swap3A_1951 = vector.shape_cast %swap3A_1950 : vector<1x16xi32> to vector<16xi32>
    %swap3A_1952 = vector.shape_cast %add3A_1946 : vector<16xi32> to vector<1x16xi32>
    tpu.vector_store %arg12[%swap3A_1948, %swap3A_1949], %swap3A_1952 {strides = array<i32>} : memref<1x80xi32, #tpu.memory_space<vmem>>, vector<1x16xi32>,
    %add3A_1953 = arith.constant 32 : i32
    %add3A_1954 = arith.addi %add3A_1932, %add3A_1953 : i32
    %add3A_1955 = vector.broadcast %add3A_1954 : i32 to vector<16xi32>
    %add3A_1956 = arith.addi %add3A_1955, %iota3A : vector<16xi32>
    %swap3A_1957 = arith.constant 0 : i32
    %swap3A_1958 = arith.index_cast %swap3A_1957 : i32 to index
    %swap3A_1959 = arith.constant 32 : index
    %swap3A_1960 = tpu.vector_load %arg12[%swap3A_1958, %swap3A_1959] {strides = array<i32>} : memref<1x80xi32, #tpu.memory_space<vmem>>, vector<1x16xi32>,
    %swap3A_1961 = vector.shape_cast %swap3A_1960 : vector<1x16xi32> to vector<16xi32>
    %swap3A_1962 = vector.shape_cast %add3A_1956 : vector<16xi32> to vector<1x16xi32>
    tpu.vector_store %arg12[%swap3A_1958, %swap3A_1959], %swap3A_1962 {strides = array<i32>} : memref<1x80xi32, #tpu.memory_space<vmem>>, vector<1x16xi32>,
    %add3A_1963 = arith.constant 48 : i32
    %add3A_1964 = arith.addi %add3A_1932, %add3A_1963 : i32
    %add3A_1965 = vector.broadcast %add3A_1964 : i32 to vector<16xi32>
    %add3A_1966 = arith.addi %add3A_1965, %iota3A : vector<16xi32>
    %swap3A_1967 = arith.constant 0 : i32
    %swap3A_1968 = arith.index_cast %swap3A_1967 : i32 to index
    %swap3A_1969 = arith.constant 48 : index
    %swap3A_1970 = tpu.vector_load %arg12[%swap3A_1968, %swap3A_1969] {strides = array<i32>} : memref<1x80xi32, #tpu.memory_space<vmem>>, vector<1x16xi32>,
    %swap3A_1971 = vector.shape_cast %swap3A_1970 : vector<1x16xi32> to vector<16xi32>
    %swap3A_1972 = vector.shape_cast %add3A_1966 : vector<16xi32> to vector<1x16xi32>
    tpu.vector_store %arg12[%swap3A_1968, %swap3A_1969], %swap3A_1972 {strides = array<i32>} : memref<1x80xi32, #tpu.memory_space<vmem>>, vector<1x16xi32>,
    %add3A_1973 = arith.constant 64 : i32
    %add3A_1974 = arith.addi %add3A_1932, %add3A_1973 : i32
    %add3A_1975 = vector.broadcast %add3A_1974 : i32 to vector<16xi32>
    %add3A_1976 = arith.addi %add3A_1975, %iota3A : vector<16xi32>
    %swap3A_1977 = arith.constant 0 : i32
    %swap3A_1978 = arith.index_cast %swap3A_1977 : i32 to index
    %swap3A_1979 = arith.constant 64 : index
    %swap3A_1980 = tpu.vector_load %arg12[%swap3A_1978, %swap3A_1979] {strides = array<i32>} : memref<1x80xi32, #tpu.memory_space<vmem>>, vector<1x16xi32>,
    %swap3A_1981 = vector.shape_cast %swap3A_1980 : vector<1x16xi32> to vector<16xi32>
    %swap3A_1982 = vector.shape_cast %add3A_1976 : vector<16xi32> to vector<1x16xi32>
    tpu.vector_store %arg12[%swap3A_1978, %swap3A_1979], %swap3A_1982 {strides = array<i32>} : memref<1x80xi32, #tpu.memory_space<vmem>>, vector<1x16xi32>,
    %dma_start3A_1983 = arith.constant 0 : i32
    %dma_start3A_1984 = arith.constant 0 : i32
    %dma_start3A_1985 = tpu.memref_slice %arg12[%dma_start3A_1983, %dma_start3A_1984] : memref<1x80xi32, #tpu.memory_space<vmem>> -> memref<1x80xi32, #tpu.memory_space<vmem>>
    %dma_start3A_1986 = tpu.memref_squeeze %dma_start3A_1985 : memref<1x80xi32, #tpu.memory_space<vmem>> -> memref<80xi32, #tpu.memory_space<vmem>>
    %dma_start3A_1987 = arith.constant 0 : i32
    %dma_start3A_1988 = arith.constant 0 : i32
    %dma_start3A_1989 = tpu.memref_slice %arg7[%dma_start3A_1987, %dma_start3A_1988] : memref<10240x128xf32, #tpu.memory_space<vmem_shared>> -> memref<10240x128xf32, #tpu.memory_space<vmem_shared>>
    tpu.enqueue_indirect_dma source(%dma_start3A_1989 : memref<10240x128xf32, #tpu.memory_space<vmem_shared>>) target(%arg13 : memref<80x128xf32, #tpu.memory_space<vmem>>) offsets(%dma_start3A_1986 : memref<80xi32, #tpu.memory_space<vmem>>) semaphore(%arg16 : memref<!tpu.dma_semaphore, #tpu.memory_space<semaphore_mem>>)
    %dma_wait3A_1990 = arith.constant 0 : i32
    %dma_wait3A_1991 = arith.constant 0 : i32
    %dma_wait3A_1992 = tpu.memref_slice %arg12[%dma_wait3A_1990, %dma_wait3A_1991] : memref<1x80xi32, #tpu.memory_space<vmem>> -> memref<1x80xi32, #tpu.memory_space<vmem>>
    %dma_wait3A_1993 = tpu.memref_squeeze %dma_wait3A_1992 : memref<1x80xi32, #tpu.memory_space<vmem>> -> memref<80xi32, #tpu.memory_space<vmem>>
    %dma_wait3A_1994 = arith.constant 0 : i32
    %dma_wait3A_1995 = arith.constant 0 : i32
    %dma_wait3A_1996 = tpu.memref_slice %arg7[%dma_wait3A_1994, %dma_wait3A_1995] : memref<10240x128xf32, #tpu.memory_space<vmem_shared>> -> memref<10240x128xf32, #tpu.memory_space<vmem_shared>>
    tpu.wait_indirect_dma semaphore(%arg16 : memref<!tpu.dma_semaphore, #tpu.memory_space<semaphore_mem>>) src(%dma_wait3A_1996 : memref<10240x128xf32, #tpu.memory_space<vmem_shared>>) dst(%arg13 : memref<80x128xf32, #tpu.memory_space<vmem>>)
    %add3A_1997 = arith.constant 560 : i32
    %add3A_1998 = arith.addi %mul3A_5, %add3A_1997 : i32
    "tpu.region"() ({
      %run_scoped3A_1999 = tpu.sem_alloc : memref<!tpu.dma_semaphore, #tpu.memory_space<semaphore_mem>>
      %dma_start3A_2000 = arith.constant 0 : i32
      %dma_start3A_2001 = tpu.memref_slice %arg6[%arg0, %add3A_1998, %dma_start3A_2000] : memref<2x10240x128xf32, #tpu.memory_space<hbm>> -> memref<1x80x128xf32, #tpu.memory_space<hbm>>
      %dma_start3A_2002 = tpu.memref_squeeze %dma_start3A_2001 : memref<1x80x128xf32, #tpu.memory_space<hbm>> -> memref<80x128xf32, #tpu.memory_space<hbm>>
      %dma_start3A_2003 = arith.constant 0 : i32
      %dma_start3A_2004 = tpu.memref_slice %arg6[%arg0, %add3A_1998, %dma_start3A_2003] : memref<2x10240x128xf32, #tpu.memory_space<hbm>> -> memref<1x80x128xf32, #tpu.memory_space<hbm>>
      %dma_start3A_2005 = tpu.memref_squeeze %dma_start3A_2004 : memref<1x80x128xf32, #tpu.memory_space<hbm>> -> memref<80x128xf32, #tpu.memory_space<hbm>>
      tpu.enqueue_dma source(%arg13 : memref<80x128xf32, #tpu.memory_space<vmem>>) target(%dma_start3A_2005 : memref<80x128xf32, #tpu.memory_space<hbm>>) target_semaphore(%run_scoped3A_1999 : memref<!tpu.dma_semaphore, #tpu.memory_space<semaphore_mem>>)
      %dma_wait3A_2006 = arith.constant 0 : i32
      %dma_wait3A_2007 = tpu.memref_slice %arg6[%arg0, %add3A_1998, %dma_wait3A_2006] : memref<2x10240x128xf32, #tpu.memory_space<hbm>> -> memref<1x80x128xf32, #tpu.memory_space<hbm>>
      %dma_wait3A_2008 = tpu.memref_squeeze %dma_wait3A_2007 : memref<1x80x128xf32, #tpu.memory_space<hbm>> -> memref<80x128xf32, #tpu.memory_space<hbm>>
      %dma_wait3A_2009 = arith.constant 0 : i32
      %dma_wait3A_2010 = tpu.memref_slice %arg6[%arg0, %add3A_1998, %dma_wait3A_2009] : memref<2x10240x128xf32, #tpu.memory_space<hbm>> -> memref<1x80x128xf32, #tpu.memory_space<hbm>>
      %dma_wait3A_2011 = tpu.memref_squeeze %dma_wait3A_2010 : memref<1x80x128xf32, #tpu.memory_space<hbm>> -> memref<80x128xf32, #tpu.memory_space<hbm>>
      tpu.wait_dma2 semaphore(%run_scoped3A_1999 : memref<!tpu.dma_semaphore, #tpu.memory_space<semaphore_mem>>) src(%arg13 : memref<80x128xf32, #tpu.memory_space<vmem>>) dst(%dma_wait3A_2011 : memref<80x128xf32, #tpu.memory_space<hbm>>)
      tpu.yield
    }) : () -> ()
    return
  }
}

module attributes {stable_mosaic.version = 14 : i64} {
  func.func @_tc1_body(%arg0: memref<10000x128xf32, #tpu.memory_space<vmem>>, %arg1: memref<128x128xf32, #tpu.memory_space<vmem>>, %arg2: memref<1x128xf32, #tpu.memory_space<vmem>>, %arg3: memref<10000x128xf32, #tpu.memory_space<vmem>>) attributes {dimension_semantics = [], scalar_prefetch = 0 : i64, scratch_operands = 0 : i64, tpu.core_type = #tpu.core_type<tc>} {
    %get3A = arith.constant 0 : index
    %get3A_0 = arith.constant 0 : index
    %get3A_1 = vector.load %arg0[%get3A, %get3A_0] : memref<10000x128xf32, #tpu.memory_space<vmem>>, vector<10000x128xf32>
    %mul3A = arith.mulf %get3A_1, %get3A_1 : vector<10000x128xf32>
    %reduce_sum3A = arith.constant dense<0.000000e+00> : vector<10000xf32>
    %reduce_sum3A_2 = vector.multi_reduction <add>, %mul3A, %reduce_sum3A [1] : vector<10000x128xf32> to vector<10000xf32>
    %broadcast_in_dim3A = vector.shape_cast %reduce_sum3A_2 : vector<10000xf32> to vector<10000x1xf32>
    %sqrt3A = math.sqrt %broadcast_in_dim3A : vector<10000x1xf32>
    %max3A = arith.constant 1.000000e-07 : f32
    %max3A_3 = vector.broadcast %max3A : f32 to vector<10000x1xf32>
    %max3A_4 = arith.maximumf %sqrt3A, %max3A_3 : vector<10000x1xf32>
    %min3A = arith.constant 0.99999988 : f32
    %min3A_5 = vector.broadcast %min3A : f32 to vector<10000x1xf32>
    %min3A_6 = arith.minimumf %max3A_4, %min3A_5 : vector<10000x1xf32>
    %add3A = arith.constant 1.000000e+00 : f32
    %add3A_7 = vector.broadcast %add3A : f32 to vector<10000x1xf32>
    %add3A_8 = arith.addf %add3A_7, %min3A_6 : vector<10000x1xf32>
    %sub3A = arith.constant 1.000000e+00 : f32
    %sub3A_9 = vector.broadcast %sub3A : f32 to vector<10000x1xf32>
    %sub3A_10 = arith.subf %sub3A_9, %min3A_6 : vector<10000x1xf32>
    %div3A = arith.divf %add3A_8, %sub3A_10 : vector<10000x1xf32>
    %log3A = math.log %div3A : vector<10000x1xf32>
    %mul3A_11 = arith.constant 5.000000e-01 : f32
    %mul3A_12 = vector.broadcast %mul3A_11 : f32 to vector<10000x1xf32>
    %mul3A_13 = arith.mulf %mul3A_12, %log3A : vector<10000x1xf32>
    %div3A_14 = arith.divf %mul3A_13, %max3A_4 : vector<10000x1xf32>
    %mul3A_15 = vector.broadcast %div3A_14 : vector<10000x1xf32> to vector<10000x128xf32>
    %mul3A_16 = arith.mulf %get3A_1, %mul3A_15 : vector<10000x128xf32>
    %get3A_17 = arith.constant 0 : index
    %get3A_18 = arith.constant 0 : index
    %get3A_19 = vector.load %arg1[%get3A_17, %get3A_18] : memref<128x128xf32, #tpu.memory_space<vmem>>, vector<128x128xf32>
    %dot_general3A = arith.constant dense<0.000000e+00> : vector<10000x128xf32>
    %dot_general3A_20 = tpu.matmul %mul3A_16, %get3A_19, %dot_general3A {dimension_numbers = #tpu.dot_dimension_numbers<[1], [1], [0], [0], [0, 0, 1, 0], [], []>, transpose_lhs_hint = false} : vector<10000x128xf32>, vector<128x128xf32>, vector<10000x128xf32> -> vector<10000x128xf32>
    %get3A_21 = arith.constant 0 : index
    %get3A_22 = arith.constant 0 : index
    %get3A_23 = vector.load %arg2[%get3A_21, %get3A_22] : memref<1x128xf32, #tpu.memory_space<vmem>>, vector<1x128xf32>
    %add3A_24 = vector.broadcast %get3A_23 : vector<1x128xf32> to vector<10000x128xf32>
    %add3A_25 = arith.addf %dot_general3A_20, %add3A_24 : vector<10000x128xf32>
    %swap3A = arith.constant 0 : index
    %swap3A_26 = arith.constant 0 : index
    %swap3A_27 = vector.load %arg3[%swap3A, %swap3A_26] : memref<10000x128xf32, #tpu.memory_space<vmem>>, vector<10000x128xf32>
    tpu.vector_store %arg3[%swap3A, %swap3A_26], %add3A_25 {strides = array<i32>} : memref<10000x128xf32, #tpu.memory_space<vmem>>, vector<10000x128xf32>,
    return
  }
}

module attributes {stable_mosaic.version = 14 : i64} {
  func.func @_tc2_body(%arg0: memref<2x10240x128xf32, #tpu.memory_space<vmem>>, %arg1: memref<2x10240x128xf32, #tpu.memory_space<vmem>>, %arg2: memref<128x128xf32, #tpu.memory_space<vmem>>, %arg3: memref<1x128xf32, #tpu.memory_space<vmem>>, %arg4: memref<10000x128xf32, #tpu.memory_space<vmem>>) attributes {dimension_semantics = [], scalar_prefetch = 0 : i64, scratch_operands = 0 : i64, tpu.core_type = #tpu.core_type<tc>} {
    %get3A = arith.constant 0 : index
    %get3A_0 = arith.constant 0 : index
    %get3A_1 = arith.constant 0 : index
    %get3A_2 = vector.load %arg0[%get3A, %get3A_0, %get3A_1] : memref<2x10240x128xf32, #tpu.memory_space<vmem>>, vector<1x10000x128xf32>
    %get3A_3 = vector.shape_cast %get3A_2 : vector<1x10000x128xf32> to vector<10000x128xf32>
    %get3A_4 = arith.constant 1 : index
    %get3A_5 = arith.constant 0 : index
    %get3A_6 = arith.constant 0 : index
    %get3A_7 = vector.load %arg0[%get3A_4, %get3A_5, %get3A_6] : memref<2x10240x128xf32, #tpu.memory_space<vmem>>, vector<1x10000x128xf32>
    %get3A_8 = vector.shape_cast %get3A_7 : vector<1x10000x128xf32> to vector<10000x128xf32>
    %add3A = arith.addf %get3A_3, %get3A_8 : vector<10000x128xf32>
    %get3A_9 = arith.constant 0 : index
    %get3A_10 = arith.constant 0 : index
    %get3A_11 = arith.constant 0 : index
    %get3A_12 = vector.load %arg1[%get3A_9, %get3A_10, %get3A_11] : memref<2x10240x128xf32, #tpu.memory_space<vmem>>, vector<1x10000x128xf32>
    %get3A_13 = vector.shape_cast %get3A_12 : vector<1x10000x128xf32> to vector<10000x128xf32>
    %get3A_14 = arith.constant 1 : index
    %get3A_15 = arith.constant 0 : index
    %get3A_16 = arith.constant 0 : index
    %get3A_17 = vector.load %arg1[%get3A_14, %get3A_15, %get3A_16] : memref<2x10240x128xf32, #tpu.memory_space<vmem>>, vector<1x10000x128xf32>
    %get3A_18 = vector.shape_cast %get3A_17 : vector<1x10000x128xf32> to vector<10000x128xf32>
    %add3A_19 = arith.addf %get3A_13, %get3A_18 : vector<10000x128xf32>
    %max3A = arith.constant 1.000000e+00 : f32
    %max3A_20 = vector.broadcast %max3A : f32 to vector<10000x128xf32>
    %max3A_21 = arith.maximumf %add3A_19, %max3A_20 : vector<10000x128xf32>
    %div3A = arith.divf %add3A, %max3A_21 : vector<10000x128xf32>
    %get3A_22 = arith.constant 0 : index
    %get3A_23 = arith.constant 0 : index
    %get3A_24 = vector.load %arg2[%get3A_22, %get3A_23] : memref<128x128xf32, #tpu.memory_space<vmem>>, vector<128x128xf32>
    %dot_general3A = arith.constant dense<0.000000e+00> : vector<10000x128xf32>
    %dot_general3A_25 = tpu.matmul %div3A, %get3A_24, %dot_general3A {dimension_numbers = #tpu.dot_dimension_numbers<[1], [1], [0], [0], [0, 0, 1, 0], [], []>, transpose_lhs_hint = false} : vector<10000x128xf32>, vector<128x128xf32>, vector<10000x128xf32> -> vector<10000x128xf32>
    %get3A_26 = arith.constant 0 : index
    %get3A_27 = arith.constant 0 : index
    %get3A_28 = vector.load %arg3[%get3A_26, %get3A_27] : memref<1x128xf32, #tpu.memory_space<vmem>>, vector<1x128xf32>
    %add3A_29 = vector.broadcast %get3A_28 : vector<1x128xf32> to vector<10000x128xf32>
    %add3A_30 = arith.addf %dot_general3A_25, %add3A_29 : vector<10000x128xf32>
    %mul3A = arith.mulf %add3A_30, %add3A_30 : vector<10000x128xf32>
    %reduce_sum3A = arith.constant dense<0.000000e+00> : vector<10000xf32>
    %reduce_sum3A_31 = vector.multi_reduction <add>, %mul3A, %reduce_sum3A [1] : vector<10000x128xf32> to vector<10000xf32>
    %broadcast_in_dim3A = vector.shape_cast %reduce_sum3A_31 : vector<10000xf32> to vector<10000x1xf32>
    %sqrt3A = math.sqrt %broadcast_in_dim3A : vector<10000x1xf32>
    %max3A_32 = arith.constant 1.000000e-07 : f32
    %max3A_33 = vector.broadcast %max3A_32 : f32 to vector<10000x1xf32>
    %max3A_34 = arith.maximumf %sqrt3A, %max3A_33 : vector<10000x1xf32>
    %tanh3A = math.tanh %max3A_34 : vector<10000x1xf32>
    %div3A_35 = arith.divf %tanh3A, %max3A_34 : vector<10000x1xf32>
    %mul3A_36 = vector.broadcast %div3A_35 : vector<10000x1xf32> to vector<10000x128xf32>
    %mul3A_37 = arith.mulf %add3A_30, %mul3A_36 : vector<10000x128xf32>
    %max3A_38 = arith.constant 0.000000e+00 : f32
    %max3A_39 = vector.broadcast %max3A_38 : f32 to vector<10000x128xf32>
    %max3A_40 = arith.maximumf %mul3A_37, %max3A_39 : vector<10000x128xf32>
    %swap3A = arith.constant 0 : index
    %swap3A_41 = arith.constant 0 : index
    %swap3A_42 = vector.load %arg4[%swap3A, %swap3A_41] : memref<10000x128xf32, #tpu.memory_space<vmem>>, vector<10000x128xf32>
    tpu.vector_store %arg4[%swap3A, %swap3A_41], %max3A_40 {strides = array<i32>} : memref<10000x128xf32, #tpu.memory_space<vmem>>, vector<10000x128xf32>,
    return
  }
}

</mosaic_0001>

<sc_bundles>
// kernel: kernel.5.cloned.1.call-start
scs
__scs_entry_jumppad:
0x0: {  	(pc) =	sbr.rel $0x88, $3  }
0x1: {  	(tag) =	ssettag $0x0;
	lr =	simm.s32 $0x1  }
0x2: {  	[smem:$0x3F9B] =	sst lr;
	_ =	strace $0xD0000000  }
0x3: {  	_ = 	snop  }
0x4: {  	_ = 	snop  }
0x5: {  	_ = 	snop  }
0x6: {  	_ = 	snop  }
0x7: {  	_ = 	snop  }
__scs_overlays_trampoline_lowered:
0x8: {  	[smem:$0x3FAA] =	sst s0  }
0x9: {  	[smem:$0x3FAB] =	sst s1  }
0xa: {  	[smem:$0x3FAC] =	sst s2  }
0xb: {  	[smem:$0x3FAD] =	sst s3  }
0xc: {  	[smem:$0x3FAE] =	sst s4  }
0xd: {  	[smem:$0x3FAF] =	sst s5  }
0xe: {  	[smem:$0x3FB0] =	sst s6  }
0xf: {  	[smem:$0x3FB1] =	sst s7  }
0x10: {  	[smem:$0x3FB2] =	sst s8  }
0x11: {  	[smem:$0x3FB3] =	sst s9;
	s0 =	simm.s32 @!p0 $0x0  }
0x12: {  	s1 =	sld [smem:$0x3F99];
	s0 =	simm.s32 @p0 $0x1  }
0x13: {  	[smem:$0x3FB4] =	sst s0;
	s0 =	simm.s32 @!p1 $0x0  }
0x14: {  	s2 =	sld [smem:$0x3F98];
	s0 =	simm.s32 @p1 $0x1  }
0x15: {  	[smem:$0x3FB5] =	sst s0;
	s0 =	simm.s32 @!p2 $0x0  }
0x16: {  	s3 =	sld [smem:$0x3FDB];
	s0 =	simm.s32 @p2 $0x1  }
0x17: {  	s4 =	simm.s32 $0x1BF5;
	[smem:$0x3FB7] =	sst s0  }
0x18: {  	s0 =	sld [smem:$0x3F9A];
	_ =	swait.ge [sflag:s4], $0x0  }
0x19: {  	s7 =	sld [smem:$0x3F9B]  }
0x1a: {  	s8 =	sadd.s32 $0xFFFFE003, lr  }
0x1b: {  	s9 =	sadd.s32 $0xFFFFFEF7, lr;
	s5 =	simm.s32 $0xFFFFFFFF;
	p2 =	slt.u32 s8, $0xFFFFF086  }
0x1c: {  	p1 =	slt.u32 s9, $0xF7A;
	s5 =	simm.s32 @!p2 $0x0  }
0x1d: {  	s5 =	simm.s32 @p1 $0x1;
	p0 =	seq.s32 s7, s2  }
0x1e: {  	s7 =	smul.u32 @!p0 $0xF7A, s2;
	p2 =	seq.s32 @!p0 s5, $0x0  }
0x1f: {  	s9 =	smul.u32 $0xF7A, s1;
	s8 =	simm.s32 @!p0 $0x1BF5;
	p2 =	por !p2, p0  }
0x20: {  	[sflag:s8] =	ssyncset.s32 @!p0 $0xFFFFF086;
	s6 =	sadd.s32 @!p0 s3, s7;
	s7 =	simm.s32 @!p0 $0x108  }
0x21: {  	s3 =	sadd.s32 s3, s9;
	s6 =	sadd.s32 @!p0 $0x88, s6;
	s7 =	simm.s32 @p2 $0x1082  }
0x22: {  	[simem:s7], [sflag:s8] =	dma.local @!p0 [hbm:s6], $0xF7A  }
0x23: {  	s9 =	sor.u32 $0xD0000000, s2;
	s6 =	simm.s32 $0x108;
	_ =	swait.ge @!p0 [sflag:s8], $0x0  }
0x24: {  	s3 =	sadd.s32 $0x88, s3;
	s6 =	simm.s32 @!p1 $0x1082;
	[sflag:s4] =	ssyncset.s32 $0xFFFFF086  }
0x25: {  	[simem:s6], [sflag:s4] =	dma.local [hbm:s3], $0xF7A  }
0x26: {  	[smem:$0x3F9B] =	sst s1;
	(tag) =	ssettag s2;
	_ =	strace s9  }
0x27: {  	s1 =	sld [smem:$0x3FAB]  }
0x28: {  	s2 =	sld [smem:$0x3FAC]  }
0x29: {  	s4 =	sld [smem:$0x3FAE]  }
0x2a: {  	p0 =	seq.s32 s5, $0x0;
	s5 =	sld [smem:$0x3FAF]  }
0x2b: {  	s6 =	sld [smem:$0x3FB0]  }
0x2c: {  	s7 =	sld [smem:$0x3FB1]  }
0x2d: {  	s3 =	simm.s32 $0x108;
	s8 =	sld [smem:$0x3FB2]  }
0x2e: {  	s3 =	simm.s32 @!p0 $0x1082;
	s9 =	sld [smem:$0x3FB3]  }
0x2f: {  	lr =	sadd.s32 s0, s3;
	s0 =	sld [smem:$0x3FAA]  }
0x30: {  	s3 =	sld [smem:$0x3FAD]  }
0x31: {  	[smem:$0x3FB6] =	sst s10  }
0x32: {  	s10 =	sld [smem:$0x3FB4];
	_ =	sdelay $0x3  }
0x33: {  	p0 =	seq.s32 s10, $0x1;
	s10 =	sld [smem:$0x3FB6];
	_ =	sdelay $0x3  }
0x34: {  	[smem:$0x3FB6] =	sst s10  }
0x35: {  	s10 =	sld [smem:$0x3FB5];
	_ =	sdelay $0x3  }
0x36: {  	p1 =	seq.s32 s10, $0x1;
	s10 =	sld [smem:$0x3FB6];
	_ =	sdelay $0x3  }
0x37: {  	[smem:$0x3FB6] =	sst s10  }
0x38: {  	s10 =	sld [smem:$0x3FB7]  }
0x39: {  	_ = 	snop;
	(pc) =	sbr.ind lr, $3  }
0x3a: {  	_ = 	snop  }
0x3b: {  	_ = 	snop  }
0x3c: {  	p2 =	seq.s32 s10, $0x1;
	s10 =	sld [smem:$0x3FB6]  }
0x3d: {  	_ =	shalt  }
0x3e: {  	_ =	shalt  }
0x3f: {  	_ =	shalt  }
0x40: {  	_ =	shalt  }
0x41: {  	_ =	shalt  }
0x42: {  	_ =	shalt  }
0x43: {  	_ =	shalt  }
0x44: {  	_ =	shalt  }
0x45: {  	_ =	shalt  }
0x46: {  	_ =	shalt  }
0x47: {  	_ =	shalt  }
0x48: {  	_ =	shalt  }
0x49: {  	_ =	shalt  }
0x4a: {  	_ =	shalt  }
0x4b: {  	_ =	shalt  }
0x4c: {  	_ =	shalt  }
0x4d: {  	_ =	shalt  }
0x4e: {  	_ =	shalt  }
0x4f: {  	_ =	shalt  }
0x50: {  	_ =	shalt  }
0x51: {  	_ =	shalt  }
0x52: {  	_ =	shalt  }
0x53: {  	_ =	shalt  }
0x54: {  	_ =	shalt  }
0x55: {  	_ =	shalt  }
0x56: {  	_ =	shalt  }
0x57: {  	_ =	shalt  }
0x58: {  	_ =	shalt  }
0x59: {  	_ =	shalt  }
0x5a: {  	_ =	shalt  }
0x5b: {  	_ =	shalt  }
0x5c: {  	_ =	shalt  }
0x5d: {  	_ =	shalt  }
0x5e: {  	_ =	shalt  }
0x5f: {  	_ =	shalt  }
0x60: {  	_ =	shalt  }
0x61: {  	_ =	shalt  }
0x62: {  	_ =	shalt  }
0x63: {  	_ =	shalt  }
0x64: {  	_ =	shalt  }
0x65: {  	_ =	shalt  }
0x66: {  	_ =	shalt  }
0x67: {  	_ =	shalt  }
0x68: {  	_ =	shalt  }
0x69: {  	_ =	shalt  }
0x6a: {  	_ =	shalt  }
0x6b: {  	_ =	shalt  }
0x6c: {  	_ =	shalt  }
0x6d: {  	_ =	shalt  }
0x6e: {  	_ =	shalt  }
0x6f: {  	_ =	shalt  }
0x70: {  	_ =	shalt  }
0x71: {  	_ =	shalt  }
0x72: {  	_ =	shalt  }
0x73: {  	_ =	shalt  }
0x74: {  	_ =	shalt  }
0x75: {  	_ =	shalt  }
0x76: {  	_ =	shalt  }
0x77: {  	_ =	shalt  }
0x78: {  	_ =	shalt  }
0x79: {  	_ =	shalt  }
0x7a: {  	_ =	shalt  }
0x7b: {  	_ =	shalt  }
0x7c: {  	_ =	shalt  }
0x7d: {  	_ =	shalt  }
0x7e: {  	_ =	shalt  }
0x7f: {  	_ =	shalt  }
0x80: {  	_ =	shalt  }
0x81: {  	_ =	shalt  }
0x82: {  	_ =	shalt  }
0x83: {  	_ =	shalt  }
0x84: {  	_ =	shalt  }
0x85: {  	_ =	shalt  }
0x86: {  	_ =	shalt  }
0x87: {  	_ =	shalt  }
.Lfunc_end0:
.L_simem_size_0:
called_computation_lowered:
.L_overlay_start_0:
0x88: {  	s2 =	sld [smem:$0x3FD9]  }
0x89: {  	s3 =	sld [smem:$0x3FFE];
	_ =	sdelay $0x1  }
0x8a: {  	s1 =	srdreg.scid  }
0x8b: {  	s0 =	sand.u32 $0x1, s1  }
0x8c: {  	s17 =	sshll.u32 s0, $0xA;
	s2 =	sadd.s32 s3, s2  }
0x8d: {  	s2 =	sadd.s32 s2, s17  }
0x8e: {  	[smem:$0x3FC2] =	sst s2  }
0x8f: {  	_ = 	snop  }
0x90: {  	s2 =	sld [smem:$0x3FD0];
	(tm) =	ssettm $0x1  }
0x91: {  	s18 =	sld [smem:$0x3FFB];
	_ =	sdelay $0x3  }
0x92: {  	_ =	strace s18  }
0x93: {  	s3 =	sld [smem:$0x3FFC];
	_ =	sdelay $0x3  }
0x94: {  	_ =	strace s3  }
0x95: {  	s3 =	sld [smem:$0x3FFD];
	_ =	sdelay $0x3  }
0x96: {  	_ =	strace s3  }
0x97: {  	_ =	strace $0x8FFFFFFF  }
0x98: {  	s19 =	sld [smem:$0x3FDB];
	_ =	sdelay $0x1  }
0x99: {  	s4 =	simm.s32 $_scs_section_size  }
0x9a: {  	s5 =	simm.s32 $_size__tile_overlayer_lowered;
	s6 =	simm.s32 $_tile_overlayer_lowered  }
0x9b: {  	s22 =	simm.s32 $0x1BFF;
	s21 =	sshll.u32 s6, $0x1;
	s3 =	sadd.s32 s4, s19  }
0x9c: {  	s7 =	simm.s32 $0x0;
	s20 =	sshll.u32 s5, $0x1;
	s5 =	sadd.s32 s21, s3  }
0x9d: {  	[timem:s7], [sflag:s22] =	dma.local [hbm:s5], s20  }
0x9e: {  	_ =	swait.ge [sflag:s22], s20  }
0x9f: {  	s4 =	ssub.s32 $0x0, s20;
	[sflag:s22] =	ssyncset.done $0x0  }
0xa0: {  	[sflag:s22] =	ssyncadd.s32 s4;
	_ =	sdelay $0x1  }
0xa1: {  	s23 =	simm.s32 $0x1B8B  }
0xa2: {  	_ =	swait.ge [sflag:s23], $0x1  }
0xa3: {  	[sflag:s23] =	ssyncset.done $0x0  }
0xa4: {  	s25 =	simm.s32 $0x1B8E;
	s24 =	sld [smem:$0x3FFE];
	[sflag:s23] =	ssyncadd.s32 $0xFFFFFFFF  }
0xa5: {  	s26 =	simm.s32 $execute0_lowered;
	[smem:$0x3FD2] =	sst s25  }
0xa6: {  	s5 =	sshll.u32 s26, $0x1;
	_ =	strace $0x80000046;
	[dreg:$0x1] =	wrdreg $0xFFFFFFFF  }
0xa7: {  	s28 =	simm.s32 $_size_execute0_lowered;
	s3 =	sadd.s32 s3, s5;
	[dreg:$0x0] =	wrdreg $0x0  }
0xa8: {  	s5 =	sshll.u32 s28, $0x1;
	[dreg:$0x2] =	wrdreg s3  }
0xa9: {  	[dreg:$0x3] =	wrdreg s5  }
0xaa: {  	[dreg:$0x4] =	wrdreg $0xC0  }
0xab: {  	_ =	task [dreg:s7], $0x5FFFF  }
0xac: {  	[dreg:$0x1] =	wrdreg $0xFFFFFFFF  }
0xad: {  	[dreg:$0x0] =	wrdreg $0x60  }
0xae: {  	[dreg:$0x2] =	wrdreg s2  }
0xaf: {  	[dreg:$0x3] =	wrdreg s24  }
0xb0: {  	[dreg:$0x4] =	wrdreg $0x0  }
0xb1: {  	[dreg:$0x5] =	wrdreg $0x9  }
0xb2: {  	_ =	task.clear_ibuf [dreg:s7], $0x6FFFF;
	_ =	strace $0x90000046  }
0xb3: {  	s29 =	simm.s32 $0x9;
	_ =	strace $0x80000048  }
0xb4: {  	_ =	swait.ge [sflag:s29], $0x1  }
0xb5: {  	[sflag:s29] =	ssyncadd.s32 $0xFFFFFFFF  }
0xb6: {  	_ =	strace $0x90000048  }
0xb7: {  	_ =	sfence  }
0xb8: {  	s30 =	sld [smem:$0x0];
	_ =	sdelay $0x2  }
0xb9: {  	s31 =	sshll.u32 s1, $0xD;
	s1 =	sshrl.u32 s1, $0x2  }
0xba: {  	s3 =	sand.u32 $0x4000, s31;
	s1 =	sadd.s32 s1, s30  }
0xbb: {  	s0 =	sor.u32 s3, s0;
	s1 =	sshll.u32 s1, $0x11  }
0xbc: {  	s0 =	sor.u32 s1, s0  }
0xbd: {  	s0 =	sadd.s32 $0x8F2B, s0  }
0xbe: {  	[sflag:s0] =	ssyncadd.remote.s32 $0x1  }
0xbf: {  	_ =	sfence.sel $0xFFFF  }
0xc0: {  	[dreg:$0x0] =	wrdreg $0xFFFFFFFF;
	(pc) =	sbr.abs _section_cstart, $3  }
0xc1: {  	[dreg:$0x1] =	wrdreg $0xFFFFFFFF  }
0xc2: {  	_ =	task.clear_ibuf [dreg:s7], $0x2FFFF;
	_ =	strace $0x9FFFFFFF  }
0xc3: {  	(tm) =	ssettm $0x7FFFFFFF  }
tec
execute0_lowered:
.L_overlay_start_1:
0x0: {  	(tag) =	ssettag $0x1  }
0x1: {  	s0 =	srdreg.scid  }
0x2: {  	s9 =	rddreg [dreg:$0x1];
	s22 =	stileid.u32;
	s29 =	simm.s32 $0x50  }
0x3: {  	s30 =	simm.s32 $0x14200;
	s10 =	sand.u32 $0x1, s0;
	s0 =	smul.u32 $0x280, s22  }
0x4: {  	s31 =	simm.s32 $0x14280;
	s3 =	sshll.u32 s22, $0x1;
	s14 =	smul.u32 $0x14000, s22  }
0x5: {  	s11 =	sadd.s32 $0x14C00, s9;
	s1 =	ssub.s32 $0x2, s10;
	s13 =	smul.u32 $0x140000, s10  }
0x6: {  	s12 =	sor.u32 s10, s3;
	s10 =	smul.u32 $0x2710, s10;
	s2 =	sshrl.u32 s1, $0x1  }
0x7: {  	s8 =	sor.u32 $0x50, s0;
	s7 =	sadd.s32 $0xA0, s0;
	s6 =	sadd.s32 $0xF0, s0  }
0x8: {  	s5 =	sadd.s32 $0x140, s0;
	s4 =	sadd.s32 $0x190, s0;
	s3 =	sadd.s32 $0x1E0, s0  }
0x9: {  	s12 =	smul.u32 $0x2710, s12;
	s1 =	ssub.s32 s1, s2;
	s2 =	sadd.s32 $0x230, s0  }
0xa: {  	v39 =	vlaneseq.u32;
	s14 =	sadd.s32 s14, s13;
	s15 =	sshll.u32 s8, $0x7;
	s16 =	sshll.u32 s7, $0x7  }
0xb: {  	s20 =	sshll.u32 s6, $0x7;
	s21 =	sshll.u32 s5, $0x7;
	v9 =	vor.u32 s7, v39;
	s7 =	sadd.s32 $0x130, s0  }
0xc: {  	v4 =	vor.u32 s8, v39;
	s8 =	sadd.s32 $0x150, s0;
	v14 =	vor.u32 s6, v39;
	v19 =	vor.u32 s5, v39;
	s5 =	sadd.s32 $0x1F0, s0;
	s6 =	sadd.s32 $0x220, s0  }
0xd: {  	s14 =	sshrl.u32 s14, $0x3;
	s15 =	sadd.s32 s13, s15;
	s16 =	sadd.s32 s13, s16  }
0xe: {  	v18 =	vor.u32 s7, v39;
	v20 =	vor.u32 s8, v39;
	s7 =	sadd.s32 $0x200, s0;
	s8 =	sadd.s32 $0x210, s0;
	s28 =	smax.u32 s1, $0x1  }
0xf: {  	s1 =	simm.s32 $0x14080;
	s17 =	sadd.s32 s11, s14;
	s15 =	sshrl.u32 s15, $0x3  }
0x10: {  	s16 =	sshrl.u32 s16, $0x3;
	[dreg:$0x4] =	wrdreg s17;
	s19 =	sadd.s32 s11, s15  }
0x11: {  	s18 =	sadd.s32 s11, s16;
	s17 =	sadd.s32 s13, s20;
	[dreg:$0x5] =	wrdreg s19  }
0x12: {  	s20 =	sshll.u32 s3, $0x7;
	[dreg:$0x6] =	wrdreg s18;
	s17 =	sshrl.u32 s17, $0x3  }
0x13: {  	s18 =	sadd.s32 s13, s21;
	s19 =	sshll.u32 s4, $0x7;
	s21 =	sshll.u32 s2, $0x7  }
0x14: {  	s20 =	sadd.s32 s13, s20;
	s19 =	sadd.s32 s13, s19;
	s13 =	sadd.s32 s13, s21  }
0x15: {  	s23 =	sadd.s32 s11, s17;
	s18 =	sshrl.u32 s18, $0x3;
	s20 =	sshrl.u32 s20, $0x3  }
0x16: {  	[dreg:$0x7] =	wrdreg s23;
	s19 =	sshrl.u32 s19, $0x3;
	s24 =	sadd.s32 s11, s18  }
0x17: {  	s13 =	sshrl.u32 s13, $0x3;
	s26 =	sadd.s32 s11, s20;
	[dreg:$0x8] =	wrdreg s24  }
0x18: {  	s23 =	sadd.s32 $0x64C00, s9;
	s25 =	sadd.s32 s11, s19;
	[dreg:$0xa] =	wrdreg s26  }
0x19: {  	s24 =	sadd.s32 s23, s15;
	s15 =	smul.u32 $0x4E20, s22;
	s22 =	rddreg [dreg:$0x2]  }
0x1a: {  	v31 =	vor.u32 s5, v39;
	s5 =	simm.s32 $0x1;
	s11 =	sadd.s32 s11, s13;
	[dreg:$0x9] =	wrdreg s25  }
0x1b: {  	v34 =	vor.u32 s6, v39;
	s6 =	simm.s32 $0x2;
	s14 =	sadd.s32 s23, s14;
	[dreg:$0xb] =	wrdreg s11  }
0x1c: {  	v32 =	vor.u32 s7, v39;
	v33 =	vor.u32 s8, v39;
	s7 =	simm.s32 $0x3;
	s8 =	simm.s32 $0x4;
	[dreg:$0xc] =	wrdreg s14  }
0x1d: {  	v30 =	vor.u32 s3, v39;
	s3 =	simm.s32 $0x14180;
	s26 =	sadd.s32 s23, s17;
	[dreg:$0xd] =	wrdreg s24  }
0x1e: {  	v35 =	vor.u32 s2, v39;
	s2 =	simm.s32 $0x14100;
	s17 =	simm.s32 $0x0;
	[dreg:$0xf] =	wrdreg s26  }
0x1f: {  	v24 =	vor.u32 s4, v39;
	s4 =	simm.s32 $0x16A80;
	s25 =	sadd.s32 s23, s16;
	[smem:$0x7FF] =	sst s17  }
0x20: {  	s21 =	sadd.s32 $0xAE00, s9;
	s16 =	sadd.s32 s23, s18;
	[dreg:$0xe] =	wrdreg s25  }
0x21: {  	s9 =	sadd.s32 $0x1000, s9;
	s18 =	sadd.s32 s23, s19;
	[dreg:$0x10] =	wrdreg s16  }
0x22: {  	s19 =	sadd.s32 s23, s20;
	s20 =	sshrl.u32 s12, $0x3;
	[dreg:$0x11] =	wrdreg s18  }
0x23: {  	s12 =	sor.u32 $0x20, s0;
	s14 =	sor.u32 $0x40, s0;
	[dreg:$0x12] =	wrdreg s19  }
0x24: {  	s16 =	sadd.s32 s23, s13;
	s10 =	sadd.s32 s10, s15;
	s11 =	sadd.s32 $0x4D8, s20  }
0x25: {  	s20 =	rddreg [dreg:$0x0];
	s13 =	sor.u32 $0x30, s0;
	s15 =	sor.u32 $0x60, s0  }
0x26: {  	v1 =	vor.u32 s12, v39;
	v3 =	vor.u32 s14, v39;
	s14 =	sadd.s32 $0xD0, s0;
	s12 =	sadd.s32 $0x250, s0;
	s18 =	sadd.s32 s21, s11  }
0x27: {  	s19 =	sadd.s32 s9, s11;
	s26 =	sshrl.u32 s10, $0x3;
	s10 =	sadd.s32 $0x50, s10  }
0x28: {  	_ =	strace $0x80000047;
	s11 =	sor.u32 $0x10, s0;
	v2 =	vor.u32 s13, v39;
	s13 =	sadd.s32 $0xC0, s0  }
0x29: {  	v5 =	vor.u32 s15, v39;
	s15 =	sadd.s32 $0xE0, s0;
	v12 =	vor.u32 s14, v39;
	s14 =	sadd.s32 $0x180, s0;
	s23 =	sadd.s32 s26, s9  }
0x2a: {  	v40 =	vimm.f32 $0.0e+00;
	v41 =	vimm.f32 $1.000000000e+00;
	s24 =	sadd.s32 s26, s21;
	s10 =	sshrl.u32 s10, $0x3;
	v0 =	vor.u32 s11, v39;
	s11 =	sadd.s32 $0xB0, s0  }
0x2b: {  	v11 =	vor.u32 s13, v39;
	v13 =	vor.u32 s15, v39;
	s13 =	sadd.s32 $0x170, s0;
	s15 =	sadd.s32 $0x1A0, s0;
	v23 =	vor.u32 s14, v39;
	s14 =	sadd.s32 $0x260, s0  }
0x2c: {  	v26 =	vor.u32 s0, v39;
	v37 =	vor.u32 s12, v39;
	s25 =	sadd.s32 s10, s9;
	s26 =	sadd.s32 s10, s21;
	s21 =	sor.u32 $0x70, s0;
	v10 =	vor.u32 s11, v39  }
0x2d: {  	s9 =	sadd.s32 $0x80, s0;
	s10 =	sadd.s32 $0x90, s0;
	s11 =	sadd.s32 $0x160, s0;
	v22 =	vor.u32 s13, v39;
	v25 =	vor.u32 s15, v39;
	v38 =	vor.u32 s14, v39  }
0x2e: {  	s15 =	sadd.s32 $0x270, s0;
	v6 =	vor.u32 s21, v39;
	v7 =	vor.u32 s9, v39;
	v8 =	vor.u32 s10, v39;
	s9 =	sadd.s32 $0x100, s0;
	s10 =	sadd.s32 $0x110, s0  }
0x2f: {  	s21 =	sadd.s32 $0x120, s0;
	v21 =	vor.u32 s11, v39;
	s11 =	sadd.s32 $0x240, s0;
	v15 =	vor.u32 s9, v39;
	v16 =	vor.u32 s10, v39;
	s9 =	sadd.s32 $0x1B0, s0  }
0x30: {  	v17 =	vor.u32 s21, v39;
	s10 =	sadd.s32 $0x1C0, s0;
	s21 =	sadd.s32 $0x1D0, s0;
	s0 =	simm.s32 $0x14000;
	v36 =	vor.u32 s11, v39;
	v27 =	vor.u32 s9, v39  }
0x31: {  	v28 =	vor.u32 s10, v39;
	v29 =	vor.u32 s21, v39;
	s21 =	simm.s32 $0x5;
	v39 =	vor.u32 s15, v39;
	s9 =	simm.s32 $0x19280;
	s10 =	simm.s32 $0x0  }
.LBB2_1:
0x32: {  	s11 =	sand.u32 $0xFE00, s17  }
0x33: {  	s12 =	sand.u32 $0x70, s17;
	s13 =	sshrl.u32 s11, $0x2  }
0x34: {  	s11 =	simm.s32 $0x40;
	s13 =	sor.u32 s12, s13;
	s12 =	simm.s32 $0x0  }
.LBB2_2:
0x35: {  	p0 =	sne.s32 s11, $0x9FC0  }
0x36: {  	[tilespmem:s13+$0x14280] =	vst v40;
	s12 =	sadd.s32 $0x10, s12;
	s13 =	smov.u32 s11;
	s11 =	sadd.s32 $0x40, s11  }
.Ltmp0:
0x37: {  	(pc) =	sbr.rel @p0 .LBB2_2-.Ltmp0, $4  }
0x38: {  	_ = 	snop  }
0x39: {  	s13 =	sand.u32 $0xFE00, s13  }
0x3a: {  	s14 =	sand.u32 $0x70, s12;
	s13 =	sshrl.u32 s13, $0x2  }
0x3b: {  	s13 =	sor.u32 s14, s13  }
0x3c: {  	[tilespmem:s13+$0x14280] =	vst v40  }
0x3d: {  	[tilespmem:$0x14200] =	vst v26  }
0x3e: {  	[tilespmem:$0x14210] =	vst v0  }
0x3f: {  	[tilespmem:$0x14220] =	vst v1  }
0x40: {  	[tilespmem:$0x14230] =	vst v2  }
0x41: {  	[tilespmem:$0x14240] =	vst v3  }
0x42: {  	[spmem:s22] =	stream.indirect.scatter [tilespmem:s31], [sflag:$0x5], $0x80, s30, s29, $0xb8;
	[tilespmem:$0x1BA80] =	vst v63  }
0x43: {  	_ =	swait.ge [sflag:s21], $0x2800  }
0x44: {  	[sflag:s21] =	ssyncset.done $0x0  }
0x45: {  	[sflag:s21] =	ssyncadd.s32 $0xFFFFD800  }
0x46: {  	[tilespmem:$0x14200] =	vst v4  }
0x47: {  	[tilespmem:$0x14210] =	vst v5  }
0x48: {  	[tilespmem:$0x14220] =	vst v6  }
0x49: {  	[tilespmem:$0x14230] =	vst v7  }
0x4a: {  	[tilespmem:$0x14240] =	vst v8  }
0x4b: {  	[spmem:s22] =	stream.indirect.scatter [tilespmem:s31], [sflag:$0x5], $0x80, s30, s29, $0xb8;
	[tilespmem:$0x1BA80] =	vst v63  }
0x4c: {  	_ =	swait.ge [sflag:s21], $0x2800  }
0x4d: {  	[sflag:s21] =	ssyncset.done $0x0  }
0x4e: {  	[sflag:s21] =	ssyncadd.s32 $0xFFFFD800  }
0x4f: {  	[tilespmem:$0x14200] =	vst v9  }
0x50: {  	[tilespmem:$0x14210] =	vst v10  }
0x51: {  	[tilespmem:$0x14220] =	vst v11  }
0x52: {  	[tilespmem:$0x14230] =	vst v12  }
0x53: {  	[tilespmem:$0x14240] =	vst v13  }
0x54: {  	[spmem:s22] =	stream.indirect.scatter [tilespmem:s31], [sflag:$0x5], $0x80, s30, s29, $0xb8;
	[tilespmem:$0x1BA80] =	vst v63  }
0x55: {  	_ =	swait.ge [sflag:s21], $0x2800  }
0x56: {  	[sflag:s21] =	ssyncset.done $0x0  }
0x57: {  	[sflag:s21] =	ssyncadd.s32 $0xFFFFD800  }
0x58: {  	[tilespmem:$0x14200] =	vst v14  }
0x59: {  	[tilespmem:$0x14210] =	vst v15  }
0x5a: {  	[tilespmem:$0x14220] =	vst v16  }
0x5b: {  	[tilespmem:$0x14230] =	vst v17  }
0x5c: {  	[tilespmem:$0x14240] =	vst v18  }
0x5d: {  	[spmem:s22] =	stream.indirect.scatter [tilespmem:s31], [sflag:$0x5], $0x80, s30, s29, $0xb8;
	[tilespmem:$0x1BA80] =	vst v63  }
0x5e: {  	_ =	swait.ge [sflag:s21], $0x2800  }
0x5f: {  	[sflag:s21] =	ssyncset.done $0x0  }
0x60: {  	[sflag:s21] =	ssyncadd.s32 $0xFFFFD800  }
0x61: {  	[tilespmem:$0x14200] =	vst v19  }
0x62: {  	[tilespmem:$0x14210] =	vst v20  }
0x63: {  	[tilespmem:$0x14220] =	vst v21  }
0x64: {  	[tilespmem:$0x14230] =	vst v22  }
0x65: {  	[tilespmem:$0x14240] =	vst v23  }
0x66: {  	[spmem:s22] =	stream.indirect.scatter [tilespmem:s31], [sflag:$0x5], $0x80, s30, s29, $0xb8;
	[tilespmem:$0x1BA80] =	vst v63  }
0x67: {  	_ =	swait.ge [sflag:s21], $0x2800  }
0x68: {  	[sflag:s21] =	ssyncset.done $0x0  }
0x69: {  	[sflag:s21] =	ssyncadd.s32 $0xFFFFD800  }
0x6a: {  	[tilespmem:$0x14200] =	vst v24  }
0x6b: {  	[tilespmem:$0x14210] =	vst v25  }
0x6c: {  	[tilespmem:$0x14220] =	vst v27  }
0x6d: {  	[tilespmem:$0x14230] =	vst v28  }
0x6e: {  	[tilespmem:$0x14240] =	vst v29  }
0x6f: {  	[spmem:s22] =	stream.indirect.scatter [tilespmem:s31], [sflag:$0x5], $0x80, s30, s29, $0xb8;
	[tilespmem:$0x1BA80] =	vst v63  }
0x70: {  	_ =	swait.ge [sflag:s21], $0x2800  }
0x71: {  	[sflag:s21] =	ssyncset.done $0x0  }
0x72: {  	[sflag:s21] =	ssyncadd.s32 $0xFFFFD800  }
0x73: {  	[tilespmem:$0x14200] =	vst v30  }
0x74: {  	[tilespmem:$0x14210] =	vst v31  }
0x75: {  	[tilespmem:$0x14220] =	vst v32  }
0x76: {  	[tilespmem:$0x14230] =	vst v33  }
0x77: {  	[tilespmem:$0x14240] =	vst v34  }
0x78: {  	[spmem:s22] =	stream.indirect.scatter [tilespmem:s31], [sflag:$0x5], $0x80, s30, s29, $0xb8;
	[tilespmem:$0x1BA80] =	vst v63  }
0x79: {  	_ =	swait.ge [sflag:s21], $0x2800  }
0x7a: {  	[sflag:s21] =	ssyncset.done $0x0  }
0x7b: {  	[sflag:s21] =	ssyncadd.s32 $0xFFFFD800  }
0x7c: {  	[tilespmem:$0x14200] =	vst v35  }
0x7d: {  	[tilespmem:$0x14210] =	vst v36  }
0x7e: {  	[tilespmem:$0x14220] =	vst v37  }
0x7f: {  	[tilespmem:$0x14230] =	vst v38  }
0x80: {  	[tilespmem:$0x14240] =	vst v39  }
0x81: {  	[spmem:s22] =	stream.indirect.scatter [tilespmem:s31], [sflag:$0x5], $0x80, s30, s29, $0xb8;
	[tilespmem:$0x1BA80] =	vst v63  }
0x82: {  	_ =	swait.ge [sflag:s21], $0x2800  }
0x83: {  	[sflag:s21] =	ssyncset.done $0x0  }
0x84: {  	[sflag:s21] =	ssyncadd.s32 $0xFFFFD800  }
0x85: {  	s11 =	sadd.s32 $0x0, s24;
	[bflag:$0x0] =	sbarrier.arrive $0xFFFF  }
0x86: {  	[tilespmem:s0], [sflag:$0x5] =	stream.linear.gather [hbm4b:s11+s17], $0x50, $0x38;
	[tilespmem:$0x1BA80] =	vst v63  }
0x87: {  	_ =	swait.ge [sflag:s21], $0x50  }
0x88: {  	[sflag:s21] =	ssyncset.done $0x0  }
0x89: {  	s13 =	sadd.s32 $0x0, s23;
	[sflag:s21] =	ssyncadd.s32 $0xFFFFFFB0  }
0x8a: {  	[tilespmem:s1], [sflag:$0x5] =	stream.linear.gather [hbm4b:s13+s17], $0x50, $0x38;
	[tilespmem:$0x1BA80] =	vst v63  }
0x8b: {  	_ =	swait.ge [sflag:s21], $0x50  }
0x8c: {  	[sflag:s21] =	ssyncset.done $0x0  }
0x8d: {  	s14 =	sadd.s32 $0x0, s26;
	[sflag:s21] =	ssyncadd.s32 $0xFFFFFFB0  }
0x8e: {  	[tilespmem:s2], [sflag:$0x5] =	stream.linear.gather [hbm4b:s14+s17], $0x50, $0x38;
	[tilespmem:$0x1BA80] =	vst v63  }
0x8f: {  	_ =	swait.ge [sflag:s21], $0x50  }
0x90: {  	[sflag:s21] =	ssyncset.done $0x0  }
0x91: {  	s15 =	sadd.s32 $0x0, s25;
	[sflag:s21] =	ssyncadd.s32 $0xFFFFFFB0  }
0x92: {  	[tilespmem:s3], [sflag:$0x5] =	stream.linear.gather [hbm4b:s15+s17], $0x50, $0x38;
	[tilespmem:$0x1BA80] =	vst v63  }
0x93: {  	_ =	swait.ge [sflag:s21], $0x50  }
0x94: {  	[sflag:s21] =	ssyncset.done $0x0  }
0x95: {  	[sflag:s21] =	ssyncadd.s32 $0xFFFFFFB0  }
0x96: {  	[tilespmem:s31], [sflag:$0x1] =	stream.indirect.gather [hbm4b:s20+s29], $0x80, s0, s29, $0xb8;
	[tilespmem:$0x1BA80] =	vst v63  }
0x97: {  	_ = 	snop  }
0x98: {  	[tilespmem:s4], [sflag:$0x2] =	stream.indirect.gather [hbm4b:s20+s29], $0x80, s2, s29, $0xb8;
	[tilespmem:$0x1BA80] =	vst v63  }
0x99: {  	_ =	swait.ge [sflag:s5], $0x2800  }
0x9a: {  	[sflag:s5] =	ssyncset.done $0x0  }
0x9b: {  	[sflag:s5] =	ssyncadd.s32 $0xFFFFD800  }
0x9c: {  	[spmem:s22] =	stream.indirect.scatter.add.f32 [tilespmem:s31], [sflag:$0x3], $0x80, s1, s29, $0xb8;
	[tilespmem:$0x1BA80] =	vst v63  }
0x9d: {  	_ =	swait.ge [sflag:s6], $0x2800  }
0x9e: {  	[sflag:s6] =	ssyncset.done $0x0  }
0x9f: {  	[sflag:s6] =	ssyncadd.s32 $0xFFFFD800  }
0xa0: {  	[spmem:s22] =	stream.indirect.scatter.add.f32 [tilespmem:s4], [sflag:$0x4], $0x80, s3, s29, $0xb8;
	[tilespmem:$0x1BA80] =	vst v63  }
0xa1: {  	_ =	swait.ge [sflag:s7], $0x2800  }
0xa2: {  	[sflag:s7] =	ssyncset.done $0x0  }
0xa3: {  	[sflag:s7] =	ssyncadd.s32 $0xFFFFD800  }
0xa4: {  	_ =	swait.ge [sflag:s8], $0x2800  }
0xa5: {  	s12 =	simm.s32 $0x28;
	s11 =	simm.s32 $0x14;
	[sflag:s8] =	ssyncset.done $0x0  }
.LBB2_4:
0xa6: {  	s14 =	sadd.s32 s11, s24  }
0xa7: {  	[sflag:s8] =	ssyncadd.s32 $0xFFFFD800;
	s15 =	smov.u32 s12;
	s13 =	sadd.s32 $0x14, s12  }
0xa8: {  	[tilespmem:s0], [sflag:$0x5] =	stream.linear.gather [hbm4b:s14+s17], $0x50, $0x38;
	[tilespmem:$0x1BA80] =	vst v63  }
0xa9: {  	p0 =	sne.s32 s12, $0x4C4;
	_ =	swait.ge [sflag:s21], $0x50  }
0xaa: {  	[sflag:s21] =	ssyncset.done $0x0  }
0xab: {  	s12 =	sadd.s32 s11, s23;
	[sflag:s21] =	ssyncadd.s32 $0xFFFFFFB0  }
0xac: {  	[tilespmem:s1], [sflag:$0x5] =	stream.linear.gather [hbm4b:s12+s17], $0x50, $0x38;
	[tilespmem:$0x1BA80] =	vst v63  }
0xad: {  	_ =	swait.ge [sflag:s21], $0x50  }
0xae: {  	[sflag:s21] =	ssyncset.done $0x0  }
0xaf: {  	s12 =	sadd.s32 s11, s26;
	[sflag:s21] =	ssyncadd.s32 $0xFFFFFFB0  }
0xb0: {  	[tilespmem:s2], [sflag:$0x5] =	stream.linear.gather [hbm4b:s12+s17], $0x50, $0x38;
	[tilespmem:$0x1BA80] =	vst v63  }
0xb1: {  	_ =	swait.ge [sflag:s21], $0x50  }
0xb2: {  	[sflag:s21] =	ssyncset.done $0x0  }
0xb3: {  	s12 =	sadd.s32 s11, s25;
	s11 =	smov.u32 s15;
	[sflag:s21] =	ssyncadd.s32 $0xFFFFFFB0  }
0xb4: {  	[tilespmem:s3], [sflag:$0x5] =	stream.linear.gather [hbm4b:s12+s17], $0x50, $0x38;
	[tilespmem:$0x1BA80] =	vst v63  }
0xb5: {  	_ =	swait.ge [sflag:s21], $0x50  }
0xb6: {  	[sflag:s21] =	ssyncset.done $0x0  }
0xb7: {  	[sflag:s21] =	ssyncadd.s32 $0xFFFFFFB0  }
0xb8: {  	[tilespmem:s31], [sflag:$0x1] =	stream.indirect.gather [hbm4b:s20+s29], $0x80, s0, s29, $0xb8;
	[tilespmem:$0x1BA80] =	vst v63  }
0xb9: {  	_ = 	snop  }
0xba: {  	[tilespmem:s4], [sflag:$0x2] =	stream.indirect.gather [hbm4b:s20+s29], $0x80, s2, s29, $0xb8;
	[tilespmem:$0x1BA80] =	vst v63  }
0xbb: {  	_ =	swait.ge [sflag:s5], $0x2800  }
0xbc: {  	[sflag:s5] =	ssyncset.done $0x0  }
0xbd: {  	[sflag:s5] =	ssyncadd.s32 $0xFFFFD800  }
0xbe: {  	[spmem:s22] =	stream.indirect.scatter.add.f32 [tilespmem:s31], [sflag:$0x3], $0x80, s1, s29, $0xb8;
	[tilespmem:$0x1BA80] =	vst v63  }
0xbf: {  	_ =	swait.ge [sflag:s6], $0x2800  }
0xc0: {  	[sflag:s6] =	ssyncset.done $0x0  }
0xc1: {  	[sflag:s6] =	ssyncadd.s32 $0xFFFFD800  }
0xc2: {  	[spmem:s22] =	stream.indirect.scatter.add.f32 [tilespmem:s4], [sflag:$0x4], $0x80, s3, s29, $0xb8;
	[tilespmem:$0x1BA80] =	vst v63  }
.Ltmp1:
0xc3: {  	_ =	swait.ge [sflag:s7], $0x2800;
	(pc) =	sbr.rel @p0 .LBB2_4-.Ltmp1, $4  }
0xc4: {  	[sflag:s7] =	ssyncset.done $0x0  }
0xc5: {  	[sflag:s7] =	ssyncadd.s32 $0xFFFFD800  }
0xc6: {  	_ =	swait.ge [sflag:s8], $0x2800  }
0xc7: {  	s12 =	smov.u32 s13;
	[sflag:s8] =	ssyncset.done $0x0  }
0xc8: {  	s12 =	sadd.s32 s11, s24;
	[sflag:s8] =	ssyncadd.s32 $0xFFFFD800  }
0xc9: {  	[tilespmem:s0], [sflag:$0x5] =	stream.linear.gather [hbm4b:s12+s17], $0x50, $0x38;
	[tilespmem:$0x1BA80] =	vst v63  }
0xca: {  	_ =	swait.ge [sflag:s21], $0x50  }
0xcb: {  	[sflag:s21] =	ssyncset.done $0x0  }
0xcc: {  	s14 =	sadd.s32 s11, s23;
	[sflag:s21] =	ssyncadd.s32 $0xFFFFFFB0  }
0xcd: {  	[tilespmem:s1], [sflag:$0x5] =	stream.linear.gather [hbm4b:s14+s17], $0x50, $0x38;
	[tilespmem:$0x1BA80] =	vst v63  }
0xce: {  	_ =	swait.ge [sflag:s21], $0x50  }
0xcf: {  	[sflag:s21] =	ssyncset.done $0x0  }
0xd0: {  	s15 =	sadd.s32 s11, s26;
	[sflag:s21] =	ssyncadd.s32 $0xFFFFFFB0  }
0xd1: {  	[tilespmem:s2], [sflag:$0x5] =	stream.linear.gather [hbm4b:s15+s17], $0x50, $0x38;
	[tilespmem:$0x1BA80] =	vst v63  }
0xd2: {  	_ =	swait.ge [sflag:s21], $0x50  }
0xd3: {  	[sflag:s21] =	ssyncset.done $0x0  }
0xd4: {  	s12 =	sadd.s32 s11, s25;
	[sflag:s21] =	ssyncadd.s32 $0xFFFFFFB0  }
0xd5: {  	[tilespmem:s3], [sflag:$0x5] =	stream.linear.gather [hbm4b:s12+s17], $0x50, $0x38;
	[tilespmem:$0x1BA80] =	vst v63  }
0xd6: {  	_ =	swait.ge [sflag:s21], $0x50  }
0xd7: {  	[sflag:s21] =	ssyncset.done $0x0  }
0xd8: {  	[sflag:s21] =	ssyncadd.s32 $0xFFFFFFB0  }
0xd9: {  	[tilespmem:s31], [sflag:$0x1] =	stream.indirect.gather [hbm4b:s20+s29], $0x80, s0, s29, $0xb8;
	[tilespmem:$0x1BA80] =	vst v63  }
0xda: {  	_ = 	snop  }
0xdb: {  	[tilespmem:s4], [sflag:$0x2] =	stream.indirect.gather [hbm4b:s20+s29], $0x80, s2, s29, $0xb8;
	[tilespmem:$0x1BA80] =	vst v63  }
0xdc: {  	_ =	swait.ge [sflag:s5], $0x2800  }
0xdd: {  	[sflag:s5] =	ssyncset.done $0x0  }
0xde: {  	[sflag:s5] =	ssyncadd.s32 $0xFFFFD800  }
0xdf: {  	[spmem:s22] =	stream.indirect.scatter.add.f32 [tilespmem:s31], [sflag:$0x3], $0x80, s1, s29, $0xb8;
	[tilespmem:$0x1BA80] =	vst v63  }
0xe0: {  	_ =	swait.ge [sflag:s6], $0x2800  }
0xe1: {  	[sflag:s6] =	ssyncset.done $0x0  }
0xe2: {  	[sflag:s6] =	ssyncadd.s32 $0xFFFFD800  }
0xe3: {  	[spmem:s22] =	stream.indirect.scatter.add.f32 [tilespmem:s4], [sflag:$0x4], $0x80, s3, s29, $0xb8;
	[tilespmem:$0x1BA80] =	vst v63  }
0xe4: {  	_ =	swait.ge [sflag:s7], $0x2800  }
0xe5: {  	[sflag:s7] =	ssyncset.done $0x0  }
0xe6: {  	[sflag:s7] =	ssyncadd.s32 $0xFFFFD800  }
0xe7: {  	_ =	swait.ge [sflag:s8], $0x2800  }
0xe8: {  	[sflag:s8] =	ssyncset.done $0x0  }
0xe9: {  	s11 =	simm.s32 $0x0;
	[sflag:s8] =	ssyncadd.s32 $0xFFFFD800  }
0xea: {  	[tilespmem:s0], [sflag:$0x5] =	stream.linear.gather [hbm4b:s18+s11], $0x50, $0x38;
	[tilespmem:$0x1BA80] =	vst v63  }
0xeb: {  	_ =	swait.ge [sflag:s21], $0x50  }
0xec: {  	[sflag:s21] =	ssyncset.done $0x0  }
0xed: {  	[sflag:s21] =	ssyncadd.s32 $0xFFFFFFB0  }
0xee: {  	[tilespmem:s1], [sflag:$0x5] =	stream.linear.gather [hbm4b:s19+s11], $0x50, $0x38;
	[tilespmem:$0x1BA80] =	vst v63  }
0xef: {  	_ =	swait.ge [sflag:s21], $0x50  }
0xf0: {  	[sflag:s21] =	ssyncset.done $0x0  }
0xf1: {  	[sflag:s21] =	ssyncadd.s32 $0xFFFFFFB0  }
0xf2: {  	[tilespmem:s31], [sflag:$0x1] =	stream.indirect.gather [hbm4b:s20+s29], $0x80, s0, s29, $0xb8;
	[tilespmem:$0x1BA80] =	vst v63  }
0xf3: {  	_ =	swait.ge [sflag:s5], $0x2800  }
0xf4: {  	[sflag:s5] =	ssyncset.done $0x0  }
0xf5: {  	[sflag:s5] =	ssyncadd.s32 $0xFFFFD800  }
0xf6: {  	[spmem:s22] =	stream.indirect.scatter.add.f32 [tilespmem:s31], [sflag:$0x5], $0x80, s1, s29, $0xb8;
	[tilespmem:$0x1BA80] =	vst v63  }
0xf7: {  	_ =	swait.ge [sflag:s21], $0x2800  }
0xf8: {  	[sflag:s21] =	ssyncset.done $0x0  }
0xf9: {  	[sflag:s21] =	ssyncadd.s32 $0xFFFFD800  }
0xfa: {  	[bflag:$0x0] =	sbarrier.arrive $0xFFFF  }
0xfb: {  	[tilespmem:$0x14200] =	vst v26  }
0xfc: {  	[tilespmem:$0x14210] =	vst v0  }
0xfd: {  	[tilespmem:$0x14220] =	vst v1  }
0xfe: {  	[tilespmem:$0x14230] =	vst v2  }
0xff: {  	[tilespmem:$0x14240] =	vst v3  }
0x100: {  	[tilespmem:s31], [sflag:$0x1] =	stream.indirect.gather [spmem:s22], $0x80, s30, s29, $0xb8;
	[tilespmem:$0x1BA80] =	vst v63  }
0x101: {  	_ =	swait.ge [sflag:s5], $0x2800  }
0x102: {  	[sflag:s5] =	ssyncset.done $0x0  }
0x103: {  	s13 =	rddreg [dreg:$0x4];
	[sflag:s5] =	ssyncadd.s32 $0xFFFFD800  }
0x104: {  	[hbm4b:s13+s11] =	stream.linear.scatter [tilespmem:s31], [sflag:$0x5], $0x2800, $0x38;
	[tilespmem:$0x1BA80] =	vst v63  }
0x105: {  	_ =	swait.ge [sflag:s21], $0x2800  }
0x106: {  	[sflag:s21] =	ssyncset.done $0x0  }
0x107: {  	[sflag:s21] =	ssyncadd.s32 $0xFFFFD800  }
0x108: {  	[tilespmem:$0x14200] =	vst v4  }
0x109: {  	[tilespmem:$0x14210] =	vst v5  }
0x10a: {  	[tilespmem:$0x14220] =	vst v6  }
0x10b: {  	[tilespmem:$0x14230] =	vst v7  }
0x10c: {  	[tilespmem:$0x14240] =	vst v8  }
0x10d: {  	[tilespmem:s31], [sflag:$0x1] =	stream.indirect.gather [spmem:s22], $0x80, s30, s29, $0xb8;
	[tilespmem:$0x1BA80] =	vst v63  }
0x10e: {  	_ =	swait.ge [sflag:s5], $0x2800  }
0x10f: {  	[sflag:s5] =	ssyncset.done $0x0  }
0x110: {  	s14 =	rddreg [dreg:$0x5];
	[sflag:s5] =	ssyncadd.s32 $0xFFFFD800  }
0x111: {  	[hbm4b:s14+s11] =	stream.linear.scatter [tilespmem:s31], [sflag:$0x5], $0x2800, $0x38;
	[tilespmem:$0x1BA80] =	vst v63  }
0x112: {  	_ =	swait.ge [sflag:s21], $0x2800  }
0x113: {  	[sflag:s21] =	ssyncset.done $0x0  }
0x114: {  	[sflag:s21] =	ssyncadd.s32 $0xFFFFD800  }
0x115: {  	[tilespmem:$0x14200] =	vst v9  }
0x116: {  	[tilespmem:$0x14210] =	vst v10  }
0x117: {  	[tilespmem:$0x14220] =	vst v11  }
0x118: {  	[tilespmem:$0x14230] =	vst v12  }
0x119: {  	[tilespmem:$0x14240] =	vst v13  }
0x11a: {  	[tilespmem:s31], [sflag:$0x1] =	stream.indirect.gather [spmem:s22], $0x80, s30, s29, $0xb8;
	[tilespmem:$0x1BA80] =	vst v63  }
0x11b: {  	_ =	swait.ge [sflag:s5], $0x2800  }
0x11c: {  	[sflag:s5] =	ssyncset.done $0x0  }
0x11d: {  	s15 =	rddreg [dreg:$0x6];
	[sflag:s5] =	ssyncadd.s32 $0xFFFFD800  }
0x11e: {  	[hbm4b:s15+s11] =	stream.linear.scatter [tilespmem:s31], [sflag:$0x5], $0x2800, $0x38;
	[tilespmem:$0x1BA80] =	vst v63  }
0x11f: {  	_ =	swait.ge [sflag:s21], $0x2800  }
0x120: {  	[sflag:s21] =	ssyncset.done $0x0  }
0x121: {  	[sflag:s21] =	ssyncadd.s32 $0xFFFFD800  }
0x122: {  	[tilespmem:$0x14200] =	vst v14  }
0x123: {  	[tilespmem:$0x14210] =	vst v15  }
0x124: {  	[tilespmem:$0x14220] =	vst v16  }
0x125: {  	[tilespmem:$0x14230] =	vst v17  }
0x126: {  	[tilespmem:$0x14240] =	vst v18  }
0x127: {  	[tilespmem:s31], [sflag:$0x1] =	stream.indirect.gather [spmem:s22], $0x80, s30, s29, $0xb8;
	[tilespmem:$0x1BA80] =	vst v63  }
0x128: {  	_ =	swait.ge [sflag:s5], $0x2800  }
0x129: {  	[sflag:s5] =	ssyncset.done $0x0  }
0x12a: {  	s13 =	rddreg [dreg:$0x7];
	[sflag:s5] =	ssyncadd.s32 $0xFFFFD800  }
0x12b: {  	[hbm4b:s13+s11] =	stream.linear.scatter [tilespmem:s31], [sflag:$0x5], $0x2800, $0x38;
	[tilespmem:$0x1BA80] =	vst v63  }
0x12c: {  	_ =	swait.ge [sflag:s21], $0x2800  }
0x12d: {  	[sflag:s21] =	ssyncset.done $0x0  }
0x12e: {  	[sflag:s21] =	ssyncadd.s32 $0xFFFFD800  }
0x12f: {  	[tilespmem:$0x14200] =	vst v19  }
0x130: {  	[tilespmem:$0x14210] =	vst v20  }
0x131: {  	[tilespmem:$0x14220] =	vst v21  }
0x132: {  	[tilespmem:$0x14230] =	vst v22  }
0x133: {  	[tilespmem:$0x14240] =	vst v23  }
0x134: {  	[tilespmem:s31], [sflag:$0x1] =	stream.indirect.gather [spmem:s22], $0x80, s30, s29, $0xb8;
	[tilespmem:$0x1BA80] =	vst v63  }
0x135: {  	_ =	swait.ge [sflag:s5], $0x2800  }
0x136: {  	[sflag:s5] =	ssyncset.done $0x0  }
0x137: {  	s14 =	rddreg [dreg:$0x8];
	[sflag:s5] =	ssyncadd.s32 $0xFFFFD800  }
0x138: {  	[hbm4b:s14+s11] =	stream.linear.scatter [tilespmem:s31], [sflag:$0x5], $0x2800, $0x38;
	[tilespmem:$0x1BA80] =	vst v63  }
0x139: {  	_ =	swait.ge [sflag:s21], $0x2800  }
0x13a: {  	[sflag:s21] =	ssyncset.done $0x0  }
0x13b: {  	[sflag:s21] =	ssyncadd.s32 $0xFFFFD800  }
0x13c: {  	[tilespmem:$0x14200] =	vst v24  }
0x13d: {  	[tilespmem:$0x14210] =	vst v25  }
0x13e: {  	[tilespmem:$0x14220] =	vst v27  }
0x13f: {  	[tilespmem:$0x14230] =	vst v28  }
0x140: {  	[tilespmem:$0x14240] =	vst v29  }
0x141: {  	[tilespmem:s31], [sflag:$0x1] =	stream.indirect.gather [spmem:s22], $0x80, s30, s29, $0xb8;
	[tilespmem:$0x1BA80] =	vst v63  }
0x142: {  	_ =	swait.ge [sflag:s5], $0x2800  }
0x143: {  	[sflag:s5] =	ssyncset.done $0x0  }
0x144: {  	s15 =	rddreg [dreg:$0x9];
	[sflag:s5] =	ssyncadd.s32 $0xFFFFD800  }
0x145: {  	[hbm4b:s15+s11] =	stream.linear.scatter [tilespmem:s31], [sflag:$0x5], $0x2800, $0x38;
	[tilespmem:$0x1BA80] =	vst v63  }
0x146: {  	_ =	swait.ge [sflag:s21], $0x2800  }
0x147: {  	[sflag:s21] =	ssyncset.done $0x0  }
0x148: {  	[sflag:s21] =	ssyncadd.s32 $0xFFFFD800  }
0x149: {  	[tilespmem:$0x14200] =	vst v30  }
0x14a: {  	[tilespmem:$0x14210] =	vst v31  }
0x14b: {  	[tilespmem:$0x14220] =	vst v32  }
0x14c: {  	[tilespmem:$0x14230] =	vst v33  }
0x14d: {  	[tilespmem:$0x14240] =	vst v34  }
0x14e: {  	[tilespmem:s31], [sflag:$0x1] =	stream.indirect.gather [spmem:s22], $0x80, s30, s29, $0xb8;
	[tilespmem:$0x1BA80] =	vst v63  }
0x14f: {  	_ =	swait.ge [sflag:s5], $0x2800  }
0x150: {  	[sflag:s5] =	ssyncset.done $0x0  }
0x151: {  	s13 =	rddreg [dreg:$0xa];
	[sflag:s5] =	ssyncadd.s32 $0xFFFFD800  }
0x152: {  	[hbm4b:s13+s11] =	stream.linear.scatter [tilespmem:s31], [sflag:$0x5], $0x2800, $0x38;
	[tilespmem:$0x1BA80] =	vst v63  }
0x153: {  	_ =	swait.ge [sflag:s21], $0x2800  }
0x154: {  	[sflag:s21] =	ssyncset.done $0x0  }
0x155: {  	[sflag:s21] =	ssyncadd.s32 $0xFFFFD800  }
0x156: {  	[tilespmem:$0x14200] =	vst v35  }
0x157: {  	[tilespmem:$0x14210] =	vst v36  }
0x158: {  	[tilespmem:$0x14220] =	vst v37  }
0x159: {  	[tilespmem:$0x14230] =	vst v38  }
0x15a: {  	[tilespmem:$0x14240] =	vst v39  }
0x15b: {  	[tilespmem:s31], [sflag:$0x1] =	stream.indirect.gather [spmem:s22], $0x80, s30, s29, $0xb8;
	[tilespmem:$0x1BA80] =	vst v63  }
0x15c: {  	_ =	swait.ge [sflag:s5], $0x2800  }
0x15d: {  	[sflag:s5] =	ssyncset.done $0x0  }
0x15e: {  	s14 =	rddreg [dreg:$0xb];
	[sflag:s5] =	ssyncadd.s32 $0xFFFFD800  }
0x15f: {  	[hbm4b:s14+s11] =	stream.linear.scatter [tilespmem:s31], [sflag:$0x5], $0x2800, $0x38;
	[tilespmem:$0x1BA80] =	vst v63  }
0x160: {  	_ =	swait.ge [sflag:s21], $0x2800  }
0x161: {  	s15 =	sand.u32 $0xFE00, s11;
	[sflag:s21] =	ssyncset.done $0x0  }
0x162: {  	s12 =	sshrl.u32 s15, $0x2;
	s13 =	sand.u32 $0x70, s11;
	[sflag:s21] =	ssyncadd.s32 $0xFFFFD800  }
0x163: {  	s13 =	sor.u32 s13, s12;
	s12 =	simm.s32 $0x40;
	[bflag:$0x0] =	sbarrier.arrive $0xFFFF  }
.LBB2_6:
0x164: {  	p0 =	sne.s32 s12, $0x9FC0  }
0x165: {  	[tilespmem:s13+$0x14280] =	vst v40;
	s11 =	sadd.s32 $0x10, s11;
	s13 =	smov.u32 s12;
	s12 =	sadd.s32 $0x40, s12  }
.Ltmp2:
0x166: {  	(pc) =	sbr.rel @p0 .LBB2_6-.Ltmp2, $4  }
0x167: {  	_ = 	snop  }
0x168: {  	s13 =	sand.u32 $0xFE00, s13  }
0x169: {  	s14 =	sand.u32 $0x70, s11;
	s13 =	sshrl.u32 s13, $0x2  }
0x16a: {  	s13 =	sor.u32 s14, s13  }
0x16b: {  	[tilespmem:s13+$0x14280] =	vst v40  }
0x16c: {  	[tilespmem:$0x14200] =	vst v26  }
0x16d: {  	[tilespmem:$0x14210] =	vst v0  }
0x16e: {  	[tilespmem:$0x14220] =	vst v1  }
0x16f: {  	[tilespmem:$0x14230] =	vst v2  }
0x170: {  	[tilespmem:$0x14240] =	vst v3  }
0x171: {  	[spmem:s22] =	stream.indirect.scatter [tilespmem:s31], [sflag:$0x5], $0x80, s30, s29, $0xb8;
	[tilespmem:$0x1BA80] =	vst v63  }
0x172: {  	_ =	swait.ge [sflag:s21], $0x2800  }
0x173: {  	[sflag:s21] =	ssyncset.done $0x0  }
0x174: {  	[sflag:s21] =	ssyncadd.s32 $0xFFFFD800  }
0x175: {  	[tilespmem:$0x14200] =	vst v4  }
0x176: {  	[tilespmem:$0x14210] =	vst v5  }
0x177: {  	[tilespmem:$0x14220] =	vst v6  }
0x178: {  	[tilespmem:$0x14230] =	vst v7  }
0x179: {  	[tilespmem:$0x14240] =	vst v8  }
0x17a: {  	[spmem:s22] =	stream.indirect.scatter [tilespmem:s31], [sflag:$0x5], $0x80, s30, s29, $0xb8;
	[tilespmem:$0x1BA80] =	vst v63  }
0x17b: {  	_ =	swait.ge [sflag:s21], $0x2800  }
0x17c: {  	[sflag:s21] =	ssyncset.done $0x0  }
0x17d: {  	[sflag:s21] =	ssyncadd.s32 $0xFFFFD800  }
0x17e: {  	[tilespmem:$0x14200] =	vst v9  }
0x17f: {  	[tilespmem:$0x14210] =	vst v10  }
0x180: {  	[tilespmem:$0x14220] =	vst v11  }
0x181: {  	[tilespmem:$0x14230] =	vst v12  }
0x182: {  	[tilespmem:$0x14240] =	vst v13  }
0x183: {  	[spmem:s22] =	stream.indirect.scatter [tilespmem:s31], [sflag:$0x5], $0x80, s30, s29, $0xb8;
	[tilespmem:$0x1BA80] =	vst v63  }
0x184: {  	_ =	swait.ge [sflag:s21], $0x2800  }
0x185: {  	[sflag:s21] =	ssyncset.done $0x0  }
0x186: {  	[sflag:s21] =	ssyncadd.s32 $0xFFFFD800  }
0x187: {  	[tilespmem:$0x14200] =	vst v14  }
0x188: {  	[tilespmem:$0x14210] =	vst v15  }
0x189: {  	[tilespmem:$0x14220] =	vst v16  }
0x18a: {  	[tilespmem:$0x14230] =	vst v17  }
0x18b: {  	[tilespmem:$0x14240] =	vst v18  }
0x18c: {  	[spmem:s22] =	stream.indirect.scatter [tilespmem:s31], [sflag:$0x5], $0x80, s30, s29, $0xb8;
	[tilespmem:$0x1BA80] =	vst v63  }
0x18d: {  	_ =	swait.ge [sflag:s21], $0x2800  }
0x18e: {  	[sflag:s21] =	ssyncset.done $0x0  }
0x18f: {  	[sflag:s21] =	ssyncadd.s32 $0xFFFFD800  }
0x190: {  	[tilespmem:$0x14200] =	vst v19  }
0x191: {  	[tilespmem:$0x14210] =	vst v20  }
0x192: {  	[tilespmem:$0x14220] =	vst v21  }
0x193: {  	[tilespmem:$0x14230] =	vst v22  }
0x194: {  	[tilespmem:$0x14240] =	vst v23  }
0x195: {  	[spmem:s22] =	stream.indirect.scatter [tilespmem:s31], [sflag:$0x5], $0x80, s30, s29, $0xb8;
	[tilespmem:$0x1BA80] =	vst v63  }
0x196: {  	_ =	swait.ge [sflag:s21], $0x2800  }
0x197: {  	[sflag:s21] =	ssyncset.done $0x0  }
0x198: {  	[sflag:s21] =	ssyncadd.s32 $0xFFFFD800  }
0x199: {  	[tilespmem:$0x14200] =	vst v24  }
0x19a: {  	[tilespmem:$0x14210] =	vst v25  }
0x19b: {  	[tilespmem:$0x14220] =	vst v27  }
0x19c: {  	[tilespmem:$0x14230] =	vst v28  }
0x19d: {  	[tilespmem:$0x14240] =	vst v29  }
0x19e: {  	[spmem:s22] =	stream.indirect.scatter [tilespmem:s31], [sflag:$0x5], $0x80, s30, s29, $0xb8;
	[tilespmem:$0x1BA80] =	vst v63  }
0x19f: {  	_ =	swait.ge [sflag:s21], $0x2800  }
0x1a0: {  	[sflag:s21] =	ssyncset.done $0x0  }
0x1a1: {  	[sflag:s21] =	ssyncadd.s32 $0xFFFFD800  }
0x1a2: {  	[tilespmem:$0x14200] =	vst v30  }
0x1a3: {  	[tilespmem:$0x14210] =	vst v31  }
0x1a4: {  	[tilespmem:$0x14220] =	vst v32  }
0x1a5: {  	[tilespmem:$0x14230] =	vst v33  }
0x1a6: {  	[tilespmem:$0x14240] =	vst v34  }
0x1a7: {  	[spmem:s22] =	stream.indirect.scatter [tilespmem:s31], [sflag:$0x5], $0x80, s30, s29, $0xb8;
	[tilespmem:$0x1BA80] =	vst v63  }
0x1a8: {  	_ =	swait.ge [sflag:s21], $0x2800  }
0x1a9: {  	[sflag:s21] =	ssyncset.done $0x0  }
0x1aa: {  	[sflag:s21] =	ssyncadd.s32 $0xFFFFD800  }
0x1ab: {  	[tilespmem:$0x14200] =	vst v35  }
0x1ac: {  	[tilespmem:$0x14210] =	vst v36  }
0x1ad: {  	[tilespmem:$0x14220] =	vst v37  }
0x1ae: {  	[tilespmem:$0x14230] =	vst v38  }
0x1af: {  	s11 =	simm.s32 $0x0;
	[tilespmem:$0x14240] =	vst v39  }
0x1b0: {  	[spmem:s22] =	stream.indirect.scatter [tilespmem:s31], [sflag:$0x5], $0x80, s30, s29, $0xb8;
	[tilespmem:$0x1BA80] =	vst v63  }
0x1b1: {  	s12 =	sand.u32 $0xFE00, s11;
	_ =	swait.ge [sflag:s21], $0x2800  }
0x1b2: {  	s15 =	sand.u32 $0x70, s11;
	s14 =	sshrl.u32 s12, $0x2;
	[sflag:s21] =	ssyncset.done $0x0  }
0x1b3: {  	s12 =	simm.s32 $0x40;
	s13 =	sor.u32 s15, s14;
	[sflag:s21] =	ssyncadd.s32 $0xFFFFD800  }
.LBB2_8:
0x1b4: {  	p0 =	sne.s32 s12, $0x9FC0  }
0x1b5: {  	[tilespmem:s13+$0x19280] =	vst v41;
	s11 =	sadd.s32 $0x10, s11;
	s13 =	smov.u32 s12;
	s12 =	sadd.s32 $0x40, s12  }
.Ltmp3:
0x1b6: {  	(pc) =	sbr.rel @p0 .LBB2_8-.Ltmp3, $4  }
0x1b7: {  	_ = 	snop  }
0x1b8: {  	s13 =	sand.u32 $0xFE00, s13  }
0x1b9: {  	s14 =	sand.u32 $0x70, s11;
	s13 =	sshrl.u32 s13, $0x2  }
0x1ba: {  	s13 =	sor.u32 s14, s13  }
0x1bb: {  	[tilespmem:s13+$0x19280] =	vst v41  }
0x1bc: {  	s11 =	sadd.s32 $0x0, s23;
	[bflag:$0x0] =	sbarrier.arrive $0xFFFF  }
0x1bd: {  	[tilespmem:s1], [sflag:$0x5] =	stream.linear.gather [hbm4b:s11+s17], $0x50, $0x38;
	[tilespmem:$0x1BA80] =	vst v63  }
0x1be: {  	_ =	swait.ge [sflag:s21], $0x50  }
0x1bf: {  	[sflag:s21] =	ssyncset.done $0x0  }
0x1c0: {  	s15 =	sadd.s32 $0x0, s25;
	[sflag:s21] =	ssyncadd.s32 $0xFFFFFFB0  }
0x1c1: {  	[tilespmem:s3], [sflag:$0x5] =	stream.linear.gather [hbm4b:s15+s17], $0x50, $0x38;
	[tilespmem:$0x1BA80] =	vst v63  }
0x1c2: {  	_ =	swait.ge [sflag:s21], $0x50  }
0x1c3: {  	[sflag:s21] =	ssyncset.done $0x0  }
0x1c4: {  	[sflag:s21] =	ssyncadd.s32 $0xFFFFFFB0  }
0x1c5: {  	[spmem:s22] =	stream.indirect.scatter.add.f32 [tilespmem:s9], [sflag:$0x3], $0x80, s1, s29, $0xb8;
	[tilespmem:$0x1BA80] =	vst v63  }
0x1c6: {  	_ = 	snop  }
0x1c7: {  	[spmem:s22] =	stream.indirect.scatter.add.f32 [tilespmem:s9], [sflag:$0x4], $0x80, s3, s29, $0xb8;
	[tilespmem:$0x1BA80] =	vst v63  }
0x1c8: {  	_ =	swait.ge [sflag:s7], $0x2800  }
0x1c9: {  	[sflag:s7] =	ssyncset.done $0x0  }
0x1ca: {  	[sflag:s7] =	ssyncadd.s32 $0xFFFFD800  }
0x1cb: {  	_ =	swait.ge [sflag:s8], $0x2800  }
0x1cc: {  	s12 =	simm.s32 $0x28;
	s11 =	simm.s32 $0x14;
	[sflag:s8] =	ssyncset.done $0x0  }
.LBB2_10:
0x1cd: {  	s13 =	sadd.s32 s11, s23  }
0x1ce: {  	[sflag:s8] =	ssyncadd.s32 $0xFFFFD800;
	s14 =	smov.u32 s12;
	s15 =	sadd.s32 $0x14, s12  }
0x1cf: {  	[tilespmem:s1], [sflag:$0x5] =	stream.linear.gather [hbm4b:s13+s17], $0x50, $0x38;
	[tilespmem:$0x1BA80] =	vst v63  }
0x1d0: {  	p0 =	sne.s32 s12, $0x4C4;
	_ =	swait.ge [sflag:s21], $0x50  }
0x1d1: {  	[sflag:s21] =	ssyncset.done $0x0  }
0x1d2: {  	s12 =	sadd.s32 s11, s25;
	s11 =	smov.u32 s14;
	[sflag:s21] =	ssyncadd.s32 $0xFFFFFFB0  }
0x1d3: {  	[tilespmem:s3], [sflag:$0x5] =	stream.linear.gather [hbm4b:s12+s17], $0x50, $0x38;
	[tilespmem:$0x1BA80] =	vst v63  }
0x1d4: {  	_ =	swait.ge [sflag:s21], $0x50  }
0x1d5: {  	[sflag:s21] =	ssyncset.done $0x0  }
0x1d6: {  	[sflag:s21] =	ssyncadd.s32 $0xFFFFFFB0  }
0x1d7: {  	[spmem:s22] =	stream.indirect.scatter.add.f32 [tilespmem:s9], [sflag:$0x3], $0x80, s1, s29, $0xb8;
	[tilespmem:$0x1BA80] =	vst v63  }
0x1d8: {  	_ = 	snop  }
0x1d9: {  	[spmem:s22] =	stream.indirect.scatter.add.f32 [tilespmem:s9], [sflag:$0x4], $0x80, s3, s29, $0xb8;
	[tilespmem:$0x1BA80] =	vst v63  }
.Ltmp4:
0x1da: {  	_ =	swait.ge [sflag:s7], $0x2800;
	(pc) =	sbr.rel @p0 .LBB2_10-.Ltmp4, $4  }
0x1db: {  	[sflag:s7] =	ssyncset.done $0x0  }
0x1dc: {  	[sflag:s7] =	ssyncadd.s32 $0xFFFFD800  }
0x1dd: {  	_ =	swait.ge [sflag:s8], $0x2800  }
0x1de: {  	s12 =	smov.u32 s15;
	[sflag:s8] =	ssyncset.done $0x0  }
0x1df: {  	s12 =	sadd.s32 s11, s23;
	[sflag:s8] =	ssyncadd.s32 $0xFFFFD800  }
0x1e0: {  	[tilespmem:s1], [sflag:$0x5] =	stream.linear.gather [hbm4b:s12+s17], $0x50, $0x38;
	[tilespmem:$0x1BA80] =	vst v63  }
0x1e1: {  	_ =	swait.ge [sflag:s21], $0x50  }
0x1e2: {  	[sflag:s21] =	ssyncset.done $0x0  }
0x1e3: {  	s12 =	sadd.s32 s11, s25;
	[sflag:s21] =	ssyncadd.s32 $0xFFFFFFB0  }
0x1e4: {  	[tilespmem:s3], [sflag:$0x5] =	stream.linear.gather [hbm4b:s12+s17], $0x50, $0x38;
	[tilespmem:$0x1BA80] =	vst v63  }
0x1e5: {  	_ =	swait.ge [sflag:s21], $0x50  }
0x1e6: {  	[sflag:s21] =	ssyncset.done $0x0  }
0x1e7: {  	[sflag:s21] =	ssyncadd.s32 $0xFFFFFFB0  }
0x1e8: {  	[spmem:s22] =	stream.indirect.scatter.add.f32 [tilespmem:s9], [sflag:$0x3], $0x80, s1, s29, $0xb8;
	[tilespmem:$0x1BA80] =	vst v63  }
0x1e9: {  	_ = 	snop  }
0x1ea: {  	[spmem:s22] =	stream.indirect.scatter.add.f32 [tilespmem:s9], [sflag:$0x4], $0x80, s3, s29, $0xb8;
	[tilespmem:$0x1BA80] =	vst v63  }
0x1eb: {  	_ =	swait.ge [sflag:s7], $0x2800  }
0x1ec: {  	[sflag:s7] =	ssyncset.done $0x0  }
0x1ed: {  	[sflag:s7] =	ssyncadd.s32 $0xFFFFD800  }
0x1ee: {  	_ =	swait.ge [sflag:s8], $0x2800  }
0x1ef: {  	[sflag:s8] =	ssyncset.done $0x0  }
0x1f0: {  	[sflag:s8] =	ssyncadd.s32 $0xFFFFD800  }
0x1f1: {  	[tilespmem:s1], [sflag:$0x5] =	stream.linear.gather [hbm4b:s19+s17], $0x50, $0x38;
	[tilespmem:$0x1BA80] =	vst v63  }
0x1f2: {  	_ =	swait.ge [sflag:s21], $0x50  }
0x1f3: {  	[sflag:s21] =	ssyncset.done $0x0  }
0x1f4: {  	[sflag:s21] =	ssyncadd.s32 $0xFFFFFFB0  }
0x1f5: {  	[spmem:s22] =	stream.indirect.scatter.add.f32 [tilespmem:s9], [sflag:$0x5], $0x80, s1, s29, $0xb8;
	[tilespmem:$0x1BA80] =	vst v63  }
0x1f6: {  	_ =	swait.ge [sflag:s21], $0x2800  }
0x1f7: {  	[sflag:s21] =	ssyncset.done $0x0  }
0x1f8: {  	[sflag:s21] =	ssyncadd.s32 $0xFFFFD800  }
0x1f9: {  	[bflag:$0x0] =	sbarrier.arrive $0xFFFF  }
0x1fa: {  	[tilespmem:$0x14200] =	vst v26  }
0x1fb: {  	[tilespmem:$0x14210] =	vst v0  }
0x1fc: {  	[tilespmem:$0x14220] =	vst v1  }
0x1fd: {  	[tilespmem:$0x14230] =	vst v2  }
0x1fe: {  	[tilespmem:$0x14240] =	vst v3  }
0x1ff: {  	[tilespmem:s31], [sflag:$0x1] =	stream.indirect.gather [spmem:s22], $0x80, s30, s29, $0xb8;
	[tilespmem:$0x1BA80] =	vst v63  }
0x200: {  	_ =	swait.ge [sflag:s5], $0x2800  }
0x201: {  	[sflag:s5] =	ssyncset.done $0x0  }
0x202: {  	s13 =	rddreg [dreg:$0xc];
	[sflag:s5] =	ssyncadd.s32 $0xFFFFD800  }
0x203: {  	[hbm4b:s13+s17] =	stream.linear.scatter [tilespmem:s31], [sflag:$0x5], $0x2800, $0x38;
	[tilespmem:$0x1BA80] =	vst v63  }
0x204: {  	_ =	swait.ge [sflag:s21], $0x2800  }
0x205: {  	[sflag:s21] =	ssyncset.done $0x0  }
0x206: {  	[sflag:s21] =	ssyncadd.s32 $0xFFFFD800  }
0x207: {  	[tilespmem:$0x14200] =	vst v4  }
0x208: {  	[tilespmem:$0x14210] =	vst v5  }
0x209: {  	[tilespmem:$0x14220] =	vst v6  }
0x20a: {  	[tilespmem:$0x14230] =	vst v7  }
0x20b: {  	[tilespmem:$0x14240] =	vst v8  }
0x20c: {  	[tilespmem:s31], [sflag:$0x1] =	stream.indirect.gather [spmem:s22], $0x80, s30, s29, $0xb8;
	[tilespmem:$0x1BA80] =	vst v63  }
0x20d: {  	_ =	swait.ge [sflag:s5], $0x2800  }
0x20e: {  	[sflag:s5] =	ssyncset.done $0x0  }
0x20f: {  	s14 =	rddreg [dreg:$0xd];
	[sflag:s5] =	ssyncadd.s32 $0xFFFFD800  }
0x210: {  	[hbm4b:s14+s17] =	stream.linear.scatter [tilespmem:s31], [sflag:$0x5], $0x2800, $0x38;
	[tilespmem:$0x1BA80] =	vst v63  }
0x211: {  	_ =	swait.ge [sflag:s21], $0x2800  }
0x212: {  	[sflag:s21] =	ssyncset.done $0x0  }
0x213: {  	[sflag:s21] =	ssyncadd.s32 $0xFFFFD800  }
0x214: {  	[tilespmem:$0x14200] =	vst v9  }
0x215: {  	[tilespmem:$0x14210] =	vst v10  }
0x216: {  	[tilespmem:$0x14220] =	vst v11  }
0x217: {  	[tilespmem:$0x14230] =	vst v12  }
0x218: {  	[tilespmem:$0x14240] =	vst v13  }
0x219: {  	[tilespmem:s31], [sflag:$0x1] =	stream.indirect.gather [spmem:s22], $0x80, s30, s29, $0xb8;
	[tilespmem:$0x1BA80] =	vst v63  }
0x21a: {  	_ =	swait.ge [sflag:s5], $0x2800  }
0x21b: {  	[sflag:s5] =	ssyncset.done $0x0  }
0x21c: {  	s15 =	rddreg [dreg:$0xe];
	[sflag:s5] =	ssyncadd.s32 $0xFFFFD800  }
0x21d: {  	[hbm4b:s15+s17] =	stream.linear.scatter [tilespmem:s31], [sflag:$0x5], $0x2800, $0x38;
	[tilespmem:$0x1BA80] =	vst v63  }
0x21e: {  	_ =	swait.ge [sflag:s21], $0x2800  }
0x21f: {  	[sflag:s21] =	ssyncset.done $0x0  }
0x220: {  	[sflag:s21] =	ssyncadd.s32 $0xFFFFD800  }
0x221: {  	[tilespmem:$0x14200] =	vst v14  }
0x222: {  	[tilespmem:$0x14210] =	vst v15  }
0x223: {  	[tilespmem:$0x14220] =	vst v16  }
0x224: {  	[tilespmem:$0x14230] =	vst v17  }
0x225: {  	[tilespmem:$0x14240] =	vst v18  }
0x226: {  	[tilespmem:s31], [sflag:$0x1] =	stream.indirect.gather [spmem:s22], $0x80, s30, s29, $0xb8;
	[tilespmem:$0x1BA80] =	vst v63  }
0x227: {  	_ =	swait.ge [sflag:s5], $0x2800  }
0x228: {  	[sflag:s5] =	ssyncset.done $0x0  }
0x229: {  	s12 =	rddreg [dreg:$0xf];
	[sflag:s5] =	ssyncadd.s32 $0xFFFFD800  }
0x22a: {  	[hbm4b:s12+s17] =	stream.linear.scatter [tilespmem:s31], [sflag:$0x5], $0x2800, $0x38;
	[tilespmem:$0x1BA80] =	vst v63  }
0x22b: {  	_ =	swait.ge [sflag:s21], $0x2800  }
0x22c: {  	[sflag:s21] =	ssyncset.done $0x0  }
0x22d: {  	[sflag:s21] =	ssyncadd.s32 $0xFFFFD800  }
0x22e: {  	[tilespmem:$0x14200] =	vst v19  }
0x22f: {  	[tilespmem:$0x14210] =	vst v20  }
0x230: {  	[tilespmem:$0x14220] =	vst v21  }
0x231: {  	[tilespmem:$0x14230] =	vst v22  }
0x232: {  	[tilespmem:$0x14240] =	vst v23  }
0x233: {  	[tilespmem:s31], [sflag:$0x1] =	stream.indirect.gather [spmem:s22], $0x80, s30, s29, $0xb8;
	[tilespmem:$0x1BA80] =	vst v63  }
0x234: {  	_ =	swait.ge [sflag:s5], $0x2800  }
0x235: {  	[sflag:s5] =	ssyncset.done $0x0  }
0x236: {  	s13 =	rddreg [dreg:$0x10];
	[sflag:s5] =	ssyncadd.s32 $0xFFFFD800  }
0x237: {  	[hbm4b:s13+s17] =	stream.linear.scatter [tilespmem:s31], [sflag:$0x5], $0x2800, $0x38;
	[tilespmem:$0x1BA80] =	vst v63  }
0x238: {  	_ =	swait.ge [sflag:s21], $0x2800  }
0x239: {  	[sflag:s21] =	ssyncset.done $0x0  }
0x23a: {  	[sflag:s21] =	ssyncadd.s32 $0xFFFFD800  }
0x23b: {  	[tilespmem:$0x14200] =	vst v24  }
0x23c: {  	[tilespmem:$0x14210] =	vst v25  }
0x23d: {  	[tilespmem:$0x14220] =	vst v27  }
0x23e: {  	[tilespmem:$0x14230] =	vst v28  }
0x23f: {  	[tilespmem:$0x14240] =	vst v29  }
0x240: {  	[tilespmem:s31], [sflag:$0x1] =	stream.indirect.gather [spmem:s22], $0x80, s30, s29, $0xb8;
	[tilespmem:$0x1BA80] =	vst v63  }
0x241: {  	_ =	swait.ge [sflag:s5], $0x2800  }
0x242: {  	[sflag:s5] =	ssyncset.done $0x0  }
0x243: {  	s14 =	rddreg [dreg:$0x11];
	[sflag:s5] =	ssyncadd.s32 $0xFFFFD800  }
0x244: {  	[hbm4b:s14+s17] =	stream.linear.scatter [tilespmem:s31], [sflag:$0x5], $0x2800, $0x38;
	[tilespmem:$0x1BA80] =	vst v63  }
0x245: {  	_ =	swait.ge [sflag:s21], $0x2800  }
0x246: {  	[sflag:s21] =	ssyncset.done $0x0  }
0x247: {  	[sflag:s21] =	ssyncadd.s32 $0xFFFFD800  }
0x248: {  	[tilespmem:$0x14200] =	vst v30  }
0x249: {  	[tilespmem:$0x14210] =	vst v31  }
0x24a: {  	[tilespmem:$0x14220] =	vst v32  }
0x24b: {  	[tilespmem:$0x14230] =	vst v33  }
0x24c: {  	[tilespmem:$0x14240] =	vst v34  }
0x24d: {  	[tilespmem:s31], [sflag:$0x1] =	stream.indirect.gather [spmem:s22], $0x80, s30, s29, $0xb8;
	[tilespmem:$0x1BA80] =	vst v63  }
0x24e: {  	_ =	swait.ge [sflag:s5], $0x2800  }
0x24f: {  	[sflag:s5] =	ssyncset.done $0x0  }
0x250: {  	s15 =	rddreg [dreg:$0x12];
	[sflag:s5] =	ssyncadd.s32 $0xFFFFD800  }
0x251: {  	[hbm4b:s15+s17] =	stream.linear.scatter [tilespmem:s31], [sflag:$0x5], $0x2800, $0x38;
	[tilespmem:$0x1BA80] =	vst v63  }
0x252: {  	_ =	swait.ge [sflag:s21], $0x2800  }
0x253: {  	[sflag:s21] =	ssyncset.done $0x0  }
0x254: {  	[sflag:s21] =	ssyncadd.s32 $0xFFFFD800  }
0x255: {  	[tilespmem:$0x14200] =	vst v35  }
0x256: {  	[tilespmem:$0x14210] =	vst v36  }
0x257: {  	[tilespmem:$0x14220] =	vst v37  }
0x258: {  	[tilespmem:$0x14230] =	vst v38  }
0x259: {  	[tilespmem:$0x14240] =	vst v39  }
0x25a: {  	[tilespmem:s31], [sflag:$0x1] =	stream.indirect.gather [spmem:s22], $0x80, s30, s29, $0xb8;
	[tilespmem:$0x1BA80] =	vst v63  }
0x25b: {  	s10 =	sadd.s32 $0x1, s10;
	_ =	swait.ge [sflag:s5], $0x2800  }
0x25c: {  	p0 =	sne.s32 s10, s28;
	[sflag:s5] =	ssyncset.done $0x0  }
.Ltmp5:
0x25d: {  	[sflag:s5] =	ssyncadd.s32 $0xFFFFD800;
	(pc) =	sbr.rel @p0 .LBB2_1-.Ltmp5, $4  }
0x25e: {  	[hbm4b:s16+s17] =	stream.linear.scatter [tilespmem:s31], [sflag:$0x5], $0x2800, $0x38;
	[tilespmem:$0x1BA80] =	vst v63  }
0x25f: {  	_ =	swait.ge [sflag:s21], $0x2800  }
0x260: {  	[sflag:s21] =	ssyncset.done $0x0  }
0x261: {  	[sflag:s21] =	ssyncadd.s32 $0xFFFFD800  }
0x262: {  	_ =	sfence.sel $0x180000  }
0x263: {  	[bflag:$0x0] =	sbarrier.arrive $0xFFFF  }
0x264: {  	_ =	strace $0x90000047  }
0x265: {  	s0 =	stileid.u32;
	[bflag:$0x2] =	sbarrier.arrive $0xFFFF  }
0x266: {  	p0 =	sne.s32 s0, $0x0;
	s0 =	rddreg [dreg:$0x3]  }
0x267: {  	s0 =	sadd.s32 @!p0 $0x100000, s0  }
0x268: {  	[sflag:s0] =	ssyncadd.tile.s32 @!p0 $0x1;
	_ =	shalt  }
.Lfunc_end2:
_tile_overlayer_lowered:
.L_overlay_start_2:
0x269: {  	(tag) =	ssettag $0x2  }
0x26a: {  	s0 =	rddreg [dreg:$0x0];
	s2 =	stileid.u32  }
0x26b: {  	s1 =	rddreg [dreg:$0x1];
	p0 =	sne.s32 s2, $0x0  }
0x26c: {  	s3 =	rddreg [dreg:$0x2];
	[bflag:$0x3] =	sbarrier.arrive $0xFFFF;
	s2 =	simm.s32 @!p0 $0x1C05  }
0x26d: {  	[timem:s3], [sflag:s2] =	dma.local @!p0 [hbm:s0], s1  }
0x26e: {  	s0 =	simm.s32 @!p0 $0x5  }
0x26f: {  	_ =	swait.ge @!p0 [sflag:s0], s1  }
0x270: {  	s1 =	ssub.s32 @!p0 $0x0, s1;
	[sflag:s0] =	ssyncset.done @!p0 $0x0  }
0x271: {  	[sflag:s0] =	ssyncadd.s32 @!p0 s1  }
0x272: {  	[bflag:$0x3] =	sbarrier.arrive $0xFFFF  }
0x273: {  	_ =	shalt  }

</sc_bundles>
